<compile_context>
chip_gen: v7x
topology: tpu7x:2x2x1
jax: 0.10.2.dev20260603
libtpu: 0.0.44.dev20260713+nightly
codegen_flags: <defaults>
</compile_context>

<pallas_src>
import jax
import jax.numpy as jnp
from jax import lax
from jax.experimental import pallas as pl
from jax.experimental.pallas import tpu as pltpu
from jax.experimental.pallas import tpu_sc as plsc

VSTART = 0
VEND = 250000
D = 64
NC = 2
NS = 16
NW = NC * NS
NB = 16
L = 50
C = NB * L
SUB = 128
NSUB = (C + SUB - 1) // SUB

_DNUMS = lax.GatherDimensionNumbers(
    offset_dims=(), collapsed_slice_dims=(0,), start_index_map=(0,)
)


def _splat0(vec):
    lane0 = jnp.reshape(lax.iota(jnp.int32, 16) * 0, (16, 1))
    return lax.gather(
        vec, lane0, _DNUMS, (1,), mode=lax.GatherScatterMode.PROMISE_IN_BOUNDS
    )


def _body(idx_hbm, w_hbm, out_hbm, idxv, cidxv, clocv, cgat, stag,
          semg, semo):
    wid = lax.axis_index("s") * NC + lax.axis_index("c")
    n_b = out_hbm.shape[1]
    b_per_w = n_b // NW
    n_chunks = b_per_w // NB
    base_b = wid * b_per_w

    def zs(g, carry):
        for q in range(4):
            r = g * 4 + q
            for c4 in range(4):
                stag[r, pl.ds(c4 * 16, 16)] = jnp.zeros((16,), jnp.float32)
        return carry

    lax.fori_loop(0, C // 4, zs, 0)

    def chunk(k, prev_pad):
        b0 = base_b + k * NB
        row0 = b0 * L
        def rez(g, c2):
            lvec = clocv[pl.ds(g * 16, 16)]
            for rr in range(16):
                loc = lvec[rr]
                for c4 in range(4):
                    stag[loc, pl.ds(c4 * 16, 16)] = jnp.zeros(
                        (16,), jnp.float32)
            return c2

        lax.fori_loop(0, prev_pad // 16, rez, 0)
        pltpu.sync_copy(idx_hbm.at[pl.ds(row0, C)], idxv)

        def cpass(i, c):
            v = idxv[pl.ds(i * 16, 16)]
            f = lax.iota(jnp.int32, 16) + i * 16
            db = f // L
            loc = (f - db * L) * NB + db
            m = (v >= VSTART) & (v < VEND)
            plsc.store_compressed(cidxv.at[pl.ds(c, 16)], v - VSTART, mask=m)
            plsc.store_compressed(clocv.at[pl.ds(c, 16)], loc, mask=m)
            return c + jnp.max(plsc.all_reduce_population_count(m))

        nc = lax.fori_loop(0, C // 16, cpass, 0)
        nc_pad = ((nc + SUB - 1) // SUB) * SUB

        spl_i = _splat0(cidxv[pl.ds(0, 16)])
        spl_p = _splat0(clocv[pl.ds(0, 16)])

        def fill(i, carry2):
            @pl.when(nc + i * 16 < nc_pad)
            def _():
                cidxv[pl.ds(nc + i * 16, 16)] = spl_i
                clocv[pl.ds(nc + i * 16, 16)] = spl_p

            return carry2

        lax.fori_loop(0, SUB // 16, fill, 0)

        for j in range(NSUB):
            @pl.when(nc > j * SUB)
            def _(j=j):
                pltpu.async_copy(
                    w_hbm.at[cidxv.at[pl.ds(j * SUB, SUB)]],
                    cgat.at[pl.ds(j * SUB, SUB)],
                    semg,
                )
        for j in range(NSUB):
            @pl.when(nc > j * SUB)
            def _(j=j):
                pltpu.make_async_copy(
                    w_hbm.at[cidxv.at[pl.ds(j * SUB, SUB)]],
                    cgat.at[pl.ds(j * SUB, SUB)],
                    semg,
                ).wait()
        def expand(g, carry2):
            lvec = clocv[pl.ds(g * 16, 16)]
            for rr in range(16):
                loc = lvec[rr]
                for c4 in range(4):
                    sl = pl.ds(c4 * 16, 16)
                    stag[loc, sl] = cgat[g * 16 + rr, sl]
            return carry2

        lax.fori_loop(0, nc_pad // 16, expand, 0)

        for s in range(L):
            pltpu.async_copy(
                stag.at[pl.ds(s * NB, NB)], out_hbm.at[s, pl.ds(b0, NB)], semo
            )
        for s in range(L):
            pltpu.make_async_copy(
                stag.at[pl.ds(s * NB, NB)], out_hbm.at[s, pl.ds(b0, NB)], semo
            ).wait()

        return nc_pad

    lax.fori_loop(0, n_chunks, chunk, 0)


def kernel(input, weight):
    b, l = input.shape
    nflat = b * l
    idx = input.reshape(nflat).astype(jnp.int32)
    mesh = plsc.VectorSubcoreMesh(core_axis_name="c", subcore_axis_name="s")
    out = pl.kernel(
        _body,
        out_type=jax.ShapeDtypeStruct((l, b, D), jnp.float32),
        mesh=mesh,
        compiler_params=pltpu.CompilerParams(
            use_tc_tiling_on_sc=False, needs_layout_passes=False
        ),
        scratch_types=[
            pltpu.VMEM((C,), jnp.int32),
            pltpu.VMEM((NSUB * SUB + 16,), jnp.int32),
            pltpu.VMEM((NSUB * SUB + 16,), jnp.int32),
            pltpu.VMEM((NSUB * SUB, D), jnp.float32),
            pltpu.VMEM((C, D), jnp.float32),
            pltpu.SemaphoreType.DMA,
            pltpu.SemaphoreType.DMA,
        ],
    )(idx, weight)
    return jnp.transpose(out, (1, 0, 2))

# --- scband reference (transcript-rebuilt; emitter-appended) ---
"""Pipeline reference for scband-my-embedding-61933428414742 (READ-ONLY COPY).

The authoritative reference and input builder live on the scoring server;
editing this copy changes nothing except your own understanding.
"""

import jax, jax.numpy as jnp
import numpy as np

VOCAB_START = 0
VOCAB_END = 250000
NUM_EMBEDDINGS = 1000000
EMBED_DIM = 64
B, L = 16384, 50


def setup_inputs(seed: int = 0) -> dict:
    key = jax.random.key(seed)
    k_idx, k_w = jax.random.split(key)
    # indices drawn over the FULL vocab; some fall outside this shard's range
    input = jax.random.randint(k_idx, (B, L), 0, NUM_EMBEDDINGS)
    shard_size = VOCAB_END - VOCAB_START
    weight = jax.random.normal(k_w, (shard_size, EMBED_DIM), dtype=jnp.float32)
    return {"input": input, "weight": weight}


def reference(input, weight):
    # mask indices outside this shard's vocab range
    input_mask = (input < VOCAB_START) | (input >= VOCAB_END)
    input_local = jnp.where(input_mask, 0, input - VOCAB_START)
    embedded = jnp.take(weight, input_local, axis=0)
    embedded = jnp.where(input_mask[..., None], 0.0, embedded)
    return embedded

if __name__ == "__main__":
    import jax
    _d = setup_inputs()
    print(jax.jit(kernel)(*tuple(_d.values())))

</pallas_src>

<mosaic_0001>
#map = affine_map<(d0, d1) -> (0)>
#map1 = affine_map<(d0, d1) -> (0, 0)>
#map2 = affine_map<(d0, d1) -> (0, 0, 0)>
module attributes {stable_mosaic.version = 14 : i64} {
  func.func @_body(%arg0: i32, %arg1: i32, %arg2: memref<819200xi32, #tpu.memory_space<hbm>>, %arg3: memref<250000x64xf32, #tpu.memory_space<hbm>>, %arg4: memref<50x16384x64xf32, #tpu.memory_space<hbm>>, %arg5: memref<800xi32, #tpu.memory_space<vmem>>, %arg6: memref<912xi32, #tpu.memory_space<vmem>>, %arg7: memref<912xi32, #tpu.memory_space<vmem>>, %arg8: memref<896x64xf32, #tpu.memory_space<vmem>>, %arg9: memref<800x64xf32, #tpu.memory_space<vmem>>, %arg10: memref<!tpu.dma_semaphore, #tpu.memory_space<semaphore_mem>>, %arg11: memref<!tpu.dma_semaphore, #tpu.memory_space<semaphore_mem>>) attributes {dimension_semantics = [#tpu.dimension_semantics<core_parallel>, #tpu.dimension_semantics<subcore_parallel>], iteration_bounds = array<i64: 2, 16>, scalar_prefetch = 0 : i64, scratch_operands = 7 : i64, tpu.core_type = #tpu.core_type<sc_vector_subcore>, window_params = [{transform_indices = #map}, {transform_indices = #map1}, {transform_indices = #map2}]} {
    %mul3A = arith.constant 2 : i32
    %mul3A_0 = arith.muli %arg1, %mul3A : i32
    %add3A = arith.addi %mul3A_0, %arg0 : i32
    %mul3A_1 = arith.constant 512 : i32
    %mul3A_2 = arith.muli %add3A, %mul3A_1 : i32
    %scan3A = arith.constant 0 : i32
    %scan3A_3 = arith.constant 0 : i32
    %scan3A_4 = arith.constant 200 : i32
    %scan3A_5 = arith.addi %scan3A_3, %scan3A_4 : i32
    %scan3A_6 = arith.constant 1 : i32
    scf.for %scan3A_15 = %scan3A_3 to %scan3A_5 step %scan3A_6  : i32 {
      %mul3A_16 = arith.constant 4 : i32
      %mul3A_17 = arith.muli %scan3A_15, %mul3A_16 : i32
      %add3A_18 = arith.constant 0 : i32
      %add3A_19 = arith.addi %mul3A_17, %add3A_18 : i32
      %broadcast_in_dim3A = arith.constant 0.000000e+00 : f32
      %broadcast_in_dim3A_20 = vector.broadcast %broadcast_in_dim3A : f32 to vector<16xf32>
      %swap3A = arith.index_cast %add3A_19 : i32 to index
      %swap3A_21 = arith.constant 0 : index
      %swap3A_22 = tpu.vector_load %arg9[%swap3A, %swap3A_21] {strides = array<i32>} : memref<800x64xf32, #tpu.memory_space<vmem>>, vector<16xf32>,
      tpu.vector_store %arg9[%swap3A, %swap3A_21], %broadcast_in_dim3A_20 {strides = array<i32>} : memref<800x64xf32, #tpu.memory_space<vmem>>, vector<16xf32>,
      %broadcast_in_dim3A_23 = arith.constant 0.000000e+00 : f32
      %broadcast_in_dim3A_24 = vector.broadcast %broadcast_in_dim3A_23 : f32 to vector<16xf32>
      %swap3A_25 = arith.index_cast %add3A_19 : i32 to index
      %swap3A_26 = arith.constant 16 : index
      %swap3A_27 = tpu.vector_load %arg9[%swap3A_25, %swap3A_26] {strides = array<i32>} : memref<800x64xf32, #tpu.memory_space<vmem>>, vector<16xf32>,
      tpu.vector_store %arg9[%swap3A_25, %swap3A_26], %broadcast_in_dim3A_24 {strides = array<i32>} : memref<800x64xf32, #tpu.memory_space<vmem>>, vector<16xf32>,
      %broadcast_in_dim3A_28 = arith.constant 0.000000e+00 : f32
      %broadcast_in_dim3A_29 = vector.broadcast %broadcast_in_dim3A_28 : f32 to vector<16xf32>
      %swap3A_30 = arith.index_cast %add3A_19 : i32 to index
      %swap3A_31 = arith.constant 32 : index
      %swap3A_32 = tpu.vector_load %arg9[%swap3A_30, %swap3A_31] {strides = array<i32>} : memref<800x64xf32, #tpu.memory_space<vmem>>, vector<16xf32>,
      tpu.vector_store %arg9[%swap3A_30, %swap3A_31], %broadcast_in_dim3A_29 {strides = array<i32>} : memref<800x64xf32, #tpu.memory_space<vmem>>, vector<16xf32>,
      %broadcast_in_dim3A_33 = arith.constant 0.000000e+00 : f32
      %broadcast_in_dim3A_34 = vector.broadcast %broadcast_in_dim3A_33 : f32 to vector<16xf32>
      %swap3A_35 = arith.index_cast %add3A_19 : i32 to index
      %swap3A_36 = arith.constant 48 : index
      %swap3A_37 = tpu.vector_load %arg9[%swap3A_35, %swap3A_36] {strides = array<i32>} : memref<800x64xf32, #tpu.memory_space<vmem>>, vector<16xf32>,
      tpu.vector_store %arg9[%swap3A_35, %swap3A_36], %broadcast_in_dim3A_34 {strides = array<i32>} : memref<800x64xf32, #tpu.memory_space<vmem>>, vector<16xf32>,
      %mul3A_38 = arith.constant 4 : i32
      %mul3A_39 = arith.muli %scan3A_15, %mul3A_38 : i32
      %add3A_40 = arith.constant 1 : i32
      %add3A_41 = arith.addi %mul3A_39, %add3A_40 : i32
      %broadcast_in_dim3A_42 = arith.constant 0.000000e+00 : f32
      %broadcast_in_dim3A_43 = vector.broadcast %broadcast_in_dim3A_42 : f32 to vector<16xf32>
      %swap3A_44 = arith.index_cast %add3A_41 : i32 to index
      %swap3A_45 = arith.constant 0 : index
      %swap3A_46 = tpu.vector_load %arg9[%swap3A_44, %swap3A_45] {strides = array<i32>} : memref<800x64xf32, #tpu.memory_space<vmem>>, vector<16xf32>,
      tpu.vector_store %arg9[%swap3A_44, %swap3A_45], %broadcast_in_dim3A_43 {strides = array<i32>} : memref<800x64xf32, #tpu.memory_space<vmem>>, vector<16xf32>,
      %broadcast_in_dim3A_47 = arith.constant 0.000000e+00 : f32
      %broadcast_in_dim3A_48 = vector.broadcast %broadcast_in_dim3A_47 : f32 to vector<16xf32>
      %swap3A_49 = arith.index_cast %add3A_41 : i32 to index
      %swap3A_50 = arith.constant 16 : index
      %swap3A_51 = tpu.vector_load %arg9[%swap3A_49, %swap3A_50] {strides = array<i32>} : memref<800x64xf32, #tpu.memory_space<vmem>>, vector<16xf32>,
      tpu.vector_store %arg9[%swap3A_49, %swap3A_50], %broadcast_in_dim3A_48 {strides = array<i32>} : memref<800x64xf32, #tpu.memory_space<vmem>>, vector<16xf32>,
      %broadcast_in_dim3A_52 = arith.constant 0.000000e+00 : f32
      %broadcast_in_dim3A_53 = vector.broadcast %broadcast_in_dim3A_52 : f32 to vector<16xf32>
      %swap3A_54 = arith.index_cast %add3A_41 : i32 to index
      %swap3A_55 = arith.constant 32 : index
      %swap3A_56 = tpu.vector_load %arg9[%swap3A_54, %swap3A_55] {strides = array<i32>} : memref<800x64xf32, #tpu.memory_space<vmem>>, vector<16xf32>,
      tpu.vector_store %arg9[%swap3A_54, %swap3A_55], %broadcast_in_dim3A_53 {strides = array<i32>} : memref<800x64xf32, #tpu.memory_space<vmem>>, vector<16xf32>,
      %broadcast_in_dim3A_57 = arith.constant 0.000000e+00 : f32
      %broadcast_in_dim3A_58 = vector.broadcast %broadcast_in_dim3A_57 : f32 to vector<16xf32>
      %swap3A_59 = arith.index_cast %add3A_41 : i32 to index
      %swap3A_60 = arith.constant 48 : index
      %swap3A_61 = tpu.vector_load %arg9[%swap3A_59, %swap3A_60] {strides = array<i32>} : memref<800x64xf32, #tpu.memory_space<vmem>>, vector<16xf32>,
      tpu.vector_store %arg9[%swap3A_59, %swap3A_60], %broadcast_in_dim3A_58 {strides = array<i32>} : memref<800x64xf32, #tpu.memory_space<vmem>>, vector<16xf32>,
      %mul3A_62 = arith.constant 4 : i32
      %mul3A_63 = arith.muli %scan3A_15, %mul3A_62 : i32
      %add3A_64 = arith.constant 2 : i32
      %add3A_65 = arith.addi %mul3A_63, %add3A_64 : i32
      %broadcast_in_dim3A_66 = arith.constant 0.000000e+00 : f32
      %broadcast_in_dim3A_67 = vector.broadcast %broadcast_in_dim3A_66 : f32 to vector<16xf32>
      %swap3A_68 = arith.index_cast %add3A_65 : i32 to index
      %swap3A_69 = arith.constant 0 : index
      %swap3A_70 = tpu.vector_load %arg9[%swap3A_68, %swap3A_69] {strides = array<i32>} : memref<800x64xf32, #tpu.memory_space<vmem>>, vector<16xf32>,
      tpu.vector_store %arg9[%swap3A_68, %swap3A_69], %broadcast_in_dim3A_67 {strides = array<i32>} : memref<800x64xf32, #tpu.memory_space<vmem>>, vector<16xf32>,
      %broadcast_in_dim3A_71 = arith.constant 0.000000e+00 : f32
      %broadcast_in_dim3A_72 = vector.broadcast %broadcast_in_dim3A_71 : f32 to vector<16xf32>
      %swap3A_73 = arith.index_cast %add3A_65 : i32 to index
      %swap3A_74 = arith.constant 16 : index
      %swap3A_75 = tpu.vector_load %arg9[%swap3A_73, %swap3A_74] {strides = array<i32>} : memref<800x64xf32, #tpu.memory_space<vmem>>, vector<16xf32>,
      tpu.vector_store %arg9[%swap3A_73, %swap3A_74], %broadcast_in_dim3A_72 {strides = array<i32>} : memref<800x64xf32, #tpu.memory_space<vmem>>, vector<16xf32>,
      %broadcast_in_dim3A_76 = arith.constant 0.000000e+00 : f32
      %broadcast_in_dim3A_77 = vector.broadcast %broadcast_in_dim3A_76 : f32 to vector<16xf32>
      %swap3A_78 = arith.index_cast %add3A_65 : i32 to index
      %swap3A_79 = arith.constant 32 : index
      %swap3A_80 = tpu.vector_load %arg9[%swap3A_78, %swap3A_79] {strides = array<i32>} : memref<800x64xf32, #tpu.memory_space<vmem>>, vector<16xf32>,
      tpu.vector_store %arg9[%swap3A_78, %swap3A_79], %broadcast_in_dim3A_77 {strides = array<i32>} : memref<800x64xf32, #tpu.memory_space<vmem>>, vector<16xf32>,
      %broadcast_in_dim3A_81 = arith.constant 0.000000e+00 : f32
      %broadcast_in_dim3A_82 = vector.broadcast %broadcast_in_dim3A_81 : f32 to vector<16xf32>
      %swap3A_83 = arith.index_cast %add3A_65 : i32 to index
      %swap3A_84 = arith.constant 48 : index
      %swap3A_85 = tpu.vector_load %arg9[%swap3A_83, %swap3A_84] {strides = array<i32>} : memref<800x64xf32, #tpu.memory_space<vmem>>, vector<16xf32>,
      tpu.vector_store %arg9[%swap3A_83, %swap3A_84], %broadcast_in_dim3A_82 {strides = array<i32>} : memref<800x64xf32, #tpu.memory_space<vmem>>, vector<16xf32>,
      %mul3A_86 = arith.constant 4 : i32
      %mul3A_87 = arith.muli %scan3A_15, %mul3A_86 : i32
      %add3A_88 = arith.constant 3 : i32
      %add3A_89 = arith.addi %mul3A_87, %add3A_88 : i32
      %broadcast_in_dim3A_90 = arith.constant 0.000000e+00 : f32
      %broadcast_in_dim3A_91 = vector.broadcast %broadcast_in_dim3A_90 : f32 to vector<16xf32>
      %swap3A_92 = arith.index_cast %add3A_89 : i32 to index
      %swap3A_93 = arith.constant 0 : index
      %swap3A_94 = tpu.vector_load %arg9[%swap3A_92, %swap3A_93] {strides = array<i32>} : memref<800x64xf32, #tpu.memory_space<vmem>>, vector<16xf32>,
      tpu.vector_store %arg9[%swap3A_92, %swap3A_93], %broadcast_in_dim3A_91 {strides = array<i32>} : memref<800x64xf32, #tpu.memory_space<vmem>>, vector<16xf32>,
      %broadcast_in_dim3A_95 = arith.constant 0.000000e+00 : f32
      %broadcast_in_dim3A_96 = vector.broadcast %broadcast_in_dim3A_95 : f32 to vector<16xf32>
      %swap3A_97 = arith.index_cast %add3A_89 : i32 to index
      %swap3A_98 = arith.constant 16 : index
      %swap3A_99 = tpu.vector_load %arg9[%swap3A_97, %swap3A_98] {strides = array<i32>} : memref<800x64xf32, #tpu.memory_space<vmem>>, vector<16xf32>,
      tpu.vector_store %arg9[%swap3A_97, %swap3A_98], %broadcast_in_dim3A_96 {strides = array<i32>} : memref<800x64xf32, #tpu.memory_space<vmem>>, vector<16xf32>,
      %broadcast_in_dim3A_100 = arith.constant 0.000000e+00 : f32
      %broadcast_in_dim3A_101 = vector.broadcast %broadcast_in_dim3A_100 : f32 to vector<16xf32>
      %swap3A_102 = arith.index_cast %add3A_89 : i32 to index
      %swap3A_103 = arith.constant 32 : index
      %swap3A_104 = tpu.vector_load %arg9[%swap3A_102, %swap3A_103] {strides = array<i32>} : memref<800x64xf32, #tpu.memory_space<vmem>>, vector<16xf32>,
      tpu.vector_store %arg9[%swap3A_102, %swap3A_103], %broadcast_in_dim3A_101 {strides = array<i32>} : memref<800x64xf32, #tpu.memory_space<vmem>>, vector<16xf32>,
      %broadcast_in_dim3A_105 = arith.constant 0.000000e+00 : f32
      %broadcast_in_dim3A_106 = vector.broadcast %broadcast_in_dim3A_105 : f32 to vector<16xf32>
      %swap3A_107 = arith.index_cast %add3A_89 : i32 to index
      %swap3A_108 = arith.constant 48 : index
      %swap3A_109 = tpu.vector_load %arg9[%swap3A_107, %swap3A_108] {strides = array<i32>} : memref<800x64xf32, #tpu.memory_space<vmem>>, vector<16xf32>,
      tpu.vector_store %arg9[%swap3A_107, %swap3A_108], %broadcast_in_dim3A_106 {strides = array<i32>} : memref<800x64xf32, #tpu.memory_space<vmem>>, vector<16xf32>,
    }
    %scan3A_7 = arith.constant 200 : i32
    %scan3A_8 = arith.constant 0 : i32
    %scan3A_9 = arith.constant 0 : i32
    %scan3A_10 = arith.constant 32 : i32
    %scan3A_11 = arith.addi %scan3A_9, %scan3A_10 : i32
    %scan3A_12 = arith.constant 1 : i32
    %scan3A_13 = scf.for %scan3A_15 = %scan3A_9 to %scan3A_11 step %scan3A_12 iter_args(%scan3A_16 = %scan3A_8) -> (i32)  : i32 {
      %mul3A_17 = arith.constant 16 : i32
      %mul3A_18 = arith.muli %scan3A_15, %mul3A_17 : i32
      %add3A_19 = arith.addi %mul3A_2, %mul3A_18 : i32
      %mul3A_20 = arith.constant 50 : i32
      %mul3A_21 = arith.muli %add3A_19, %mul3A_20 : i32
      %jit3A = arith.constant 16 : i32
      %div3A = arith.divsi %scan3A_16, %jit3A : i32
      %sign3A = arith.constant 0 : i32
      %sign3A_22 = arith.cmpi sgt, %scan3A_16, %sign3A : i32
      %sign3A_23 = arith.extui %sign3A_22 : i1 to i32
      %sign3A_24 = arith.constant 0 : i32
      %sign3A_25 = arith.cmpi slt, %scan3A_16, %sign3A_24 : i32
      %sign3A_26 = arith.extui %sign3A_25 : i1 to i32
      %sign3A_27 = arith.subi %sign3A_23, %sign3A_26 : i32
      %sign3A_28 = arith.constant 0 : i32
      %sign3A_29 = arith.cmpi sgt, %jit3A, %sign3A_28 : i32
      %sign3A_30 = arith.extui %sign3A_29 : i1 to i32
      %sign3A_31 = arith.constant 0 : i32
      %sign3A_32 = arith.cmpi slt, %jit3A, %sign3A_31 : i32
      %sign3A_33 = arith.extui %sign3A_32 : i1 to i32
      %sign3A_34 = arith.subi %sign3A_30, %sign3A_33 : i32
      %ne3A = arith.cmpi ne, %sign3A_27, %sign3A_34 : i32
      %rem3A = arith.remsi %scan3A_16, %jit3A : i32
      %ne3A_35 = arith.constant 0 : i32
      %ne3A_36 = arith.cmpi ne, %rem3A, %ne3A_35 : i32
      %and3A = arith.andi %ne3A, %ne3A_36 : i1
      %sub3A = arith.constant 1 : i32
      %sub3A_37 = arith.subi %div3A, %sub3A : i32
      %select_n3A = arith.select %and3A, %sub3A_37, %div3A : i32
      %while3A = arith.constant 0 : i32
      %while3A_38 = arith.constant 0 : i32
      %while3A_39 = arith.subi %select_n3A, %while3A_38 : i32
      %while3A_40 = arith.addi %while3A_38, %while3A_39 : i32
      %while3A_41 = arith.constant 1 : i32
      %while3A_42 = arith.divsi %while3A_39, %while3A_41 : i32
      %while3A_43 = arith.muli %while3A_42, %while3A_41 : i32
      %while3A_44 = arith.addi %while3A_38, %while3A_43 : i32
      %while3A_45 = arith.constant 1 : i32
      scf.for %while3A_1503 = %while3A_38 to %while3A_44 step %while3A_45  : i32 {
        %mul3A_1504 = arith.constant 16 : i32
        %mul3A_1505 = arith.muli %while3A_1503, %mul3A_1504 : i32
        %get3A_1506 = arith.index_cast %mul3A_1505 : i32 to index
        %get3A_1507 = tpu.vector_load %arg7[%get3A_1506] {strides = array<i32>} : memref<912xi32, #tpu.memory_space<vmem>>, vector<16xi32>,
        %slice3A = vector.extract_strided_slice %get3A_1507 {offsets = [0], sizes = [1], strides = [1]} : vector<16xi32> to vector<1xi32>
        %squeeze3A = vector.extract %slice3A[0] : i32 from vector<1xi32>
        %broadcast_in_dim3A = arith.constant 0.000000e+00 : f32
        %broadcast_in_dim3A_1508 = vector.broadcast %broadcast_in_dim3A : f32 to vector<16xf32>
        %swap3A = arith.index_cast %squeeze3A : i32 to index
        %swap3A_1509 = arith.constant 0 : index
        %swap3A_1510 = tpu.vector_load %arg9[%swap3A, %swap3A_1509] {strides = array<i32>} : memref<800x64xf32, #tpu.memory_space<vmem>>, vector<16xf32>,
        tpu.vector_store %arg9[%swap3A, %swap3A_1509], %broadcast_in_dim3A_1508 {strides = array<i32>} : memref<800x64xf32, #tpu.memory_space<vmem>>, vector<16xf32>,
        %broadcast_in_dim3A_1511 = arith.constant 0.000000e+00 : f32
        %broadcast_in_dim3A_1512 = vector.broadcast %broadcast_in_dim3A_1511 : f32 to vector<16xf32>
        %swap3A_1513 = arith.index_cast %squeeze3A : i32 to index
        %swap3A_1514 = arith.constant 16 : index
        %swap3A_1515 = tpu.vector_load %arg9[%swap3A_1513, %swap3A_1514] {strides = array<i32>} : memref<800x64xf32, #tpu.memory_space<vmem>>, vector<16xf32>,
        tpu.vector_store %arg9[%swap3A_1513, %swap3A_1514], %broadcast_in_dim3A_1512 {strides = array<i32>} : memref<800x64xf32, #tpu.memory_space<vmem>>, vector<16xf32>,
        %broadcast_in_dim3A_1516 = arith.constant 0.000000e+00 : f32
        %broadcast_in_dim3A_1517 = vector.broadcast %broadcast_in_dim3A_1516 : f32 to vector<16xf32>
        %swap3A_1518 = arith.index_cast %squeeze3A : i32 to index
        %swap3A_1519 = arith.constant 32 : index
        %swap3A_1520 = tpu.vector_load %arg9[%swap3A_1518, %swap3A_1519] {strides = array<i32>} : memref<800x64xf32, #tpu.memory_space<vmem>>, vector<16xf32>,
        tpu.vector_store %arg9[%swap3A_1518, %swap3A_1519], %broadcast_in_dim3A_1517 {strides = array<i32>} : memref<800x64xf32, #tpu.memory_space<vmem>>, vector<16xf32>,
        %broadcast_in_dim3A_1521 = arith.constant 0.000000e+00 : f32
        %broadcast_in_dim3A_1522 = vector.broadcast %broadcast_in_dim3A_1521 : f32 to vector<16xf32>
        %swap3A_1523 = arith.index_cast %squeeze3A : i32 to index
        %swap3A_1524 = arith.constant 48 : index
        %swap3A_1525 = tpu.vector_load %arg9[%swap3A_1523, %swap3A_1524] {strides = array<i32>} : memref<800x64xf32, #tpu.memory_space<vmem>>, vector<16xf32>,
        tpu.vector_store %arg9[%swap3A_1523, %swap3A_1524], %broadcast_in_dim3A_1522 {strides = array<i32>} : memref<800x64xf32, #tpu.memory_space<vmem>>, vector<16xf32>,
        %slice3A_1526 = vector.extract_strided_slice %get3A_1507 {offsets = [1], sizes = [1], strides = [1]} : vector<16xi32> to vector<1xi32>
        %squeeze3A_1527 = vector.extract %slice3A_1526[0] : i32 from vector<1xi32>
        %broadcast_in_dim3A_1528 = arith.constant 0.000000e+00 : f32
        %broadcast_in_dim3A_1529 = vector.broadcast %broadcast_in_dim3A_1528 : f32 to vector<16xf32>
        %swap3A_1530 = arith.index_cast %squeeze3A_1527 : i32 to index
        %swap3A_1531 = arith.constant 0 : index
        %swap3A_1532 = tpu.vector_load %arg9[%swap3A_1530, %swap3A_1531] {strides = array<i32>} : memref<800x64xf32, #tpu.memory_space<vmem>>, vector<16xf32>,
        tpu.vector_store %arg9[%swap3A_1530, %swap3A_1531], %broadcast_in_dim3A_1529 {strides = array<i32>} : memref<800x64xf32, #tpu.memory_space<vmem>>, vector<16xf32>,
        %broadcast_in_dim3A_1533 = arith.constant 0.000000e+00 : f32
        %broadcast_in_dim3A_1534 = vector.broadcast %broadcast_in_dim3A_1533 : f32 to vector<16xf32>
        %swap3A_1535 = arith.index_cast %squeeze3A_1527 : i32 to index
        %swap3A_1536 = arith.constant 16 : index
        %swap3A_1537 = tpu.vector_load %arg9[%swap3A_1535, %swap3A_1536] {strides = array<i32>} : memref<800x64xf32, #tpu.memory_space<vmem>>, vector<16xf32>,
        tpu.vector_store %arg9[%swap3A_1535, %swap3A_1536], %broadcast_in_dim3A_1534 {strides = array<i32>} : memref<800x64xf32, #tpu.memory_space<vmem>>, vector<16xf32>,
        %broadcast_in_dim3A_1538 = arith.constant 0.000000e+00 : f32
        %broadcast_in_dim3A_1539 = vector.broadcast %broadcast_in_dim3A_1538 : f32 to vector<16xf32>
        %swap3A_1540 = arith.index_cast %squeeze3A_1527 : i32 to index
        %swap3A_1541 = arith.constant 32 : index
        %swap3A_1542 = tpu.vector_load %arg9[%swap3A_1540, %swap3A_1541] {strides = array<i32>} : memref<800x64xf32, #tpu.memory_space<vmem>>, vector<16xf32>,
        tpu.vector_store %arg9[%swap3A_1540, %swap3A_1541], %broadcast_in_dim3A_1539 {strides = array<i32>} : memref<800x64xf32, #tpu.memory_space<vmem>>, vector<16xf32>,
        %broadcast_in_dim3A_1543 = arith.constant 0.000000e+00 : f32
        %broadcast_in_dim3A_1544 = vector.broadcast %broadcast_in_dim3A_1543 : f32 to vector<16xf32>
        %swap3A_1545 = arith.index_cast %squeeze3A_1527 : i32 to index
        %swap3A_1546 = arith.constant 48 : index
        %swap3A_1547 = tpu.vector_load %arg9[%swap3A_1545, %swap3A_1546] {strides = array<i32>} : memref<800x64xf32, #tpu.memory_space<vmem>>, vector<16xf32>,
        tpu.vector_store %arg9[%swap3A_1545, %swap3A_1546], %broadcast_in_dim3A_1544 {strides = array<i32>} : memref<800x64xf32, #tpu.memory_space<vmem>>, vector<16xf32>,
        %slice3A_1548 = vector.extract_strided_slice %get3A_1507 {offsets = [2], sizes = [1], strides = [1]} : vector<16xi32> to vector<1xi32>
        %squeeze3A_1549 = vector.extract %slice3A_1548[0] : i32 from vector<1xi32>
        %broadcast_in_dim3A_1550 = arith.constant 0.000000e+00 : f32
        %broadcast_in_dim3A_1551 = vector.broadcast %broadcast_in_dim3A_1550 : f32 to vector<16xf32>
        %swap3A_1552 = arith.index_cast %squeeze3A_1549 : i32 to index
        %swap3A_1553 = arith.constant 0 : index
        %swap3A_1554 = tpu.vector_load %arg9[%swap3A_1552, %swap3A_1553] {strides = array<i32>} : memref<800x64xf32, #tpu.memory_space<vmem>>, vector<16xf32>,
        tpu.vector_store %arg9[%swap3A_1552, %swap3A_1553], %broadcast_in_dim3A_1551 {strides = array<i32>} : memref<800x64xf32, #tpu.memory_space<vmem>>, vector<16xf32>,
        %broadcast_in_dim3A_1555 = arith.constant 0.000000e+00 : f32
        %broadcast_in_dim3A_1556 = vector.broadcast %broadcast_in_dim3A_1555 : f32 to vector<16xf32>
        %swap3A_1557 = arith.index_cast %squeeze3A_1549 : i32 to index
        %swap3A_1558 = arith.constant 16 : index
        %swap3A_1559 = tpu.vector_load %arg9[%swap3A_1557, %swap3A_1558] {strides = array<i32>} : memref<800x64xf32, #tpu.memory_space<vmem>>, vector<16xf32>,
        tpu.vector_store %arg9[%swap3A_1557, %swap3A_1558], %broadcast_in_dim3A_1556 {strides = array<i32>} : memref<800x64xf32, #tpu.memory_space<vmem>>, vector<16xf32>,
        %broadcast_in_dim3A_1560 = arith.constant 0.000000e+00 : f32
        %broadcast_in_dim3A_1561 = vector.broadcast %broadcast_in_dim3A_1560 : f32 to vector<16xf32>
        %swap3A_1562 = arith.index_cast %squeeze3A_1549 : i32 to index
        %swap3A_1563 = arith.constant 32 : index
        %swap3A_1564 = tpu.vector_load %arg9[%swap3A_1562, %swap3A_1563] {strides = array<i32>} : memref<800x64xf32, #tpu.memory_space<vmem>>, vector<16xf32>,
        tpu.vector_store %arg9[%swap3A_1562, %swap3A_1563], %broadcast_in_dim3A_1561 {strides = array<i32>} : memref<800x64xf32, #tpu.memory_space<vmem>>, vector<16xf32>,
        %broadcast_in_dim3A_1565 = arith.constant 0.000000e+00 : f32
        %broadcast_in_dim3A_1566 = vector.broadcast %broadcast_in_dim3A_1565 : f32 to vector<16xf32>
        %swap3A_1567 = arith.index_cast %squeeze3A_1549 : i32 to index
        %swap3A_1568 = arith.constant 48 : index
        %swap3A_1569 = tpu.vector_load %arg9[%swap3A_1567, %swap3A_1568] {strides = array<i32>} : memref<800x64xf32, #tpu.memory_space<vmem>>, vector<16xf32>,
        tpu.vector_store %arg9[%swap3A_1567, %swap3A_1568], %broadcast_in_dim3A_1566 {strides = array<i32>} : memref<800x64xf32, #tpu.memory_space<vmem>>, vector<16xf32>,
        %slice3A_1570 = vector.extract_strided_slice %get3A_1507 {offsets = [3], sizes = [1], strides = [1]} : vector<16xi32> to vector<1xi32>
        %squeeze3A_1571 = vector.extract %slice3A_1570[0] : i32 from vector<1xi32>
        %broadcast_in_dim3A_1572 = arith.constant 0.000000e+00 : f32
        %broadcast_in_dim3A_1573 = vector.broadcast %broadcast_in_dim3A_1572 : f32 to vector<16xf32>
        %swap3A_1574 = arith.index_cast %squeeze3A_1571 : i32 to index
        %swap3A_1575 = arith.constant 0 : index
        %swap3A_1576 = tpu.vector_load %arg9[%swap3A_1574, %swap3A_1575] {strides = array<i32>} : memref<800x64xf32, #tpu.memory_space<vmem>>, vector<16xf32>,
        tpu.vector_store %arg9[%swap3A_1574, %swap3A_1575], %broadcast_in_dim3A_1573 {strides = array<i32>} : memref<800x64xf32, #tpu.memory_space<vmem>>, vector<16xf32>,
        %broadcast_in_dim3A_1577 = arith.constant 0.000000e+00 : f32
        %broadcast_in_dim3A_1578 = vector.broadcast %broadcast_in_dim3A_1577 : f32 to vector<16xf32>
        %swap3A_1579 = arith.index_cast %squeeze3A_1571 : i32 to index
        %swap3A_1580 = arith.constant 16 : index
        %swap3A_1581 = tpu.vector_load %arg9[%swap3A_1579, %swap3A_1580] {strides = array<i32>} : memref<800x64xf32, #tpu.memory_space<vmem>>, vector<16xf32>,
        tpu.vector_store %arg9[%swap3A_1579, %swap3A_1580], %broadcast_in_dim3A_1578 {strides = array<i32>} : memref<800x64xf32, #tpu.memory_space<vmem>>, vector<16xf32>,
        %broadcast_in_dim3A_1582 = arith.constant 0.000000e+00 : f32
        %broadcast_in_dim3A_1583 = vector.broadcast %broadcast_in_dim3A_1582 : f32 to vector<16xf32>
        %swap3A_1584 = arith.index_cast %squeeze3A_1571 : i32 to index
        %swap3A_1585 = arith.constant 32 : index
        %swap3A_1586 = tpu.vector_load %arg9[%swap3A_1584, %swap3A_1585] {strides = array<i32>} : memref<800x64xf32, #tpu.memory_space<vmem>>, vector<16xf32>,
        tpu.vector_store %arg9[%swap3A_1584, %swap3A_1585], %broadcast_in_dim3A_1583 {strides = array<i32>} : memref<800x64xf32, #tpu.memory_space<vmem>>, vector<16xf32>,
        %broadcast_in_dim3A_1587 = arith.constant 0.000000e+00 : f32
        %broadcast_in_dim3A_1588 = vector.broadcast %broadcast_in_dim3A_1587 : f32 to vector<16xf32>
        %swap3A_1589 = arith.index_cast %squeeze3A_1571 : i32 to index
        %swap3A_1590 = arith.constant 48 : index
        %swap3A_1591 = tpu.vector_load %arg9[%swap3A_1589, %swap3A_1590] {strides = array<i32>} : memref<800x64xf32, #tpu.memory_space<vmem>>, vector<16xf32>,
        tpu.vector_store %arg9[%swap3A_1589, %swap3A_1590], %broadcast_in_dim3A_1588 {strides = array<i32>} : memref<800x64xf32, #tpu.memory_space<vmem>>, vector<16xf32>,
        %slice3A_1592 = vector.extract_strided_slice %get3A_1507 {offsets = [4], sizes = [1], strides = [1]} : vector<16xi32> to vector<1xi32>
        %squeeze3A_1593 = vector.extract %slice3A_1592[0] : i32 from vector<1xi32>
        %broadcast_in_dim3A_1594 = arith.constant 0.000000e+00 : f32
        %broadcast_in_dim3A_1595 = vector.broadcast %broadcast_in_dim3A_1594 : f32 to vector<16xf32>
        %swap3A_1596 = arith.index_cast %squeeze3A_1593 : i32 to index
        %swap3A_1597 = arith.constant 0 : index
        %swap3A_1598 = tpu.vector_load %arg9[%swap3A_1596, %swap3A_1597] {strides = array<i32>} : memref<800x64xf32, #tpu.memory_space<vmem>>, vector<16xf32>,
        tpu.vector_store %arg9[%swap3A_1596, %swap3A_1597], %broadcast_in_dim3A_1595 {strides = array<i32>} : memref<800x64xf32, #tpu.memory_space<vmem>>, vector<16xf32>,
        %broadcast_in_dim3A_1599 = arith.constant 0.000000e+00 : f32
        %broadcast_in_dim3A_1600 = vector.broadcast %broadcast_in_dim3A_1599 : f32 to vector<16xf32>
        %swap3A_1601 = arith.index_cast %squeeze3A_1593 : i32 to index
        %swap3A_1602 = arith.constant 16 : index
        %swap3A_1603 = tpu.vector_load %arg9[%swap3A_1601, %swap3A_1602] {strides = array<i32>} : memref<800x64xf32, #tpu.memory_space<vmem>>, vector<16xf32>,
        tpu.vector_store %arg9[%swap3A_1601, %swap3A_1602], %broadcast_in_dim3A_1600 {strides = array<i32>} : memref<800x64xf32, #tpu.memory_space<vmem>>, vector<16xf32>,
        %broadcast_in_dim3A_1604 = arith.constant 0.000000e+00 : f32
        %broadcast_in_dim3A_1605 = vector.broadcast %broadcast_in_dim3A_1604 : f32 to vector<16xf32>
        %swap3A_1606 = arith.index_cast %squeeze3A_1593 : i32 to index
        %swap3A_1607 = arith.constant 32 : index
        %swap3A_1608 = tpu.vector_load %arg9[%swap3A_1606, %swap3A_1607] {strides = array<i32>} : memref<800x64xf32, #tpu.memory_space<vmem>>, vector<16xf32>,
        tpu.vector_store %arg9[%swap3A_1606, %swap3A_1607], %broadcast_in_dim3A_1605 {strides = array<i32>} : memref<800x64xf32, #tpu.memory_space<vmem>>, vector<16xf32>,
        %broadcast_in_dim3A_1609 = arith.constant 0.000000e+00 : f32
        %broadcast_in_dim3A_1610 = vector.broadcast %broadcast_in_dim3A_1609 : f32 to vector<16xf32>
        %swap3A_1611 = arith.index_cast %squeeze3A_1593 : i32 to index
        %swap3A_1612 = arith.constant 48 : index
        %swap3A_1613 = tpu.vector_load %arg9[%swap3A_1611, %swap3A_1612] {strides = array<i32>} : memref<800x64xf32, #tpu.memory_space<vmem>>, vector<16xf32>,
        tpu.vector_store %arg9[%swap3A_1611, %swap3A_1612], %broadcast_in_dim3A_1610 {strides = array<i32>} : memref<800x64xf32, #tpu.memory_space<vmem>>, vector<16xf32>,
        %slice3A_1614 = vector.extract_strided_slice %get3A_1507 {offsets = [5], sizes = [1], strides = [1]} : vector<16xi32> to vector<1xi32>
        %squeeze3A_1615 = vector.extract %slice3A_1614[0] : i32 from vector<1xi32>
        %broadcast_in_dim3A_1616 = arith.constant 0.000000e+00 : f32
        %broadcast_in_dim3A_1617 = vector.broadcast %broadcast_in_dim3A_1616 : f32 to vector<16xf32>
        %swap3A_1618 = arith.index_cast %squeeze3A_1615 : i32 to index
        %swap3A_1619 = arith.constant 0 : index
        %swap3A_1620 = tpu.vector_load %arg9[%swap3A_1618, %swap3A_1619] {strides = array<i32>} : memref<800x64xf32, #tpu.memory_space<vmem>>, vector<16xf32>,
        tpu.vector_store %arg9[%swap3A_1618, %swap3A_1619], %broadcast_in_dim3A_1617 {strides = array<i32>} : memref<800x64xf32, #tpu.memory_space<vmem>>, vector<16xf32>,
        %broadcast_in_dim3A_1621 = arith.constant 0.000000e+00 : f32
        %broadcast_in_dim3A_1622 = vector.broadcast %broadcast_in_dim3A_1621 : f32 to vector<16xf32>
        %swap3A_1623 = arith.index_cast %squeeze3A_1615 : i32 to index
        %swap3A_1624 = arith.constant 16 : index
        %swap3A_1625 = tpu.vector_load %arg9[%swap3A_1623, %swap3A_1624] {strides = array<i32>} : memref<800x64xf32, #tpu.memory_space<vmem>>, vector<16xf32>,
        tpu.vector_store %arg9[%swap3A_1623, %swap3A_1624], %broadcast_in_dim3A_1622 {strides = array<i32>} : memref<800x64xf32, #tpu.memory_space<vmem>>, vector<16xf32>,
        %broadcast_in_dim3A_1626 = arith.constant 0.000000e+00 : f32
        %broadcast_in_dim3A_1627 = vector.broadcast %broadcast_in_dim3A_1626 : f32 to vector<16xf32>
        %swap3A_1628 = arith.index_cast %squeeze3A_1615 : i32 to index
        %swap3A_1629 = arith.constant 32 : index
        %swap3A_1630 = tpu.vector_load %arg9[%swap3A_1628, %swap3A_1629] {strides = array<i32>} : memref<800x64xf32, #tpu.memory_space<vmem>>, vector<16xf32>,
        tpu.vector_store %arg9[%swap3A_1628, %swap3A_1629], %broadcast_in_dim3A_1627 {strides = array<i32>} : memref<800x64xf32, #tpu.memory_space<vmem>>, vector<16xf32>,
        %broadcast_in_dim3A_1631 = arith.constant 0.000000e+00 : f32
        %broadcast_in_dim3A_1632 = vector.broadcast %broadcast_in_dim3A_1631 : f32 to vector<16xf32>
        %swap3A_1633 = arith.index_cast %squeeze3A_1615 : i32 to index
        %swap3A_1634 = arith.constant 48 : index
        %swap3A_1635 = tpu.vector_load %arg9[%swap3A_1633, %swap3A_1634] {strides = array<i32>} : memref<800x64xf32, #tpu.memory_space<vmem>>, vector<16xf32>,
        tpu.vector_store %arg9[%swap3A_1633, %swap3A_1634], %broadcast_in_dim3A_1632 {strides = array<i32>} : memref<800x64xf32, #tpu.memory_space<vmem>>, vector<16xf32>,
        %slice3A_1636 = vector.extract_strided_slice %get3A_1507 {offsets = [6], sizes = [1], strides = [1]} : vector<16xi32> to vector<1xi32>
        %squeeze3A_1637 = vector.extract %slice3A_1636[0] : i32 from vector<1xi32>
        %broadcast_in_dim3A_1638 = arith.constant 0.000000e+00 : f32
        %broadcast_in_dim3A_1639 = vector.broadcast %broadcast_in_dim3A_1638 : f32 to vector<16xf32>
        %swap3A_1640 = arith.index_cast %squeeze3A_1637 : i32 to index
        %swap3A_1641 = arith.constant 0 : index
        %swap3A_1642 = tpu.vector_load %arg9[%swap3A_1640, %swap3A_1641] {strides = array<i32>} : memref<800x64xf32, #tpu.memory_space<vmem>>, vector<16xf32>,
        tpu.vector_store %arg9[%swap3A_1640, %swap3A_1641], %broadcast_in_dim3A_1639 {strides = array<i32>} : memref<800x64xf32, #tpu.memory_space<vmem>>, vector<16xf32>,
        %broadcast_in_dim3A_1643 = arith.constant 0.000000e+00 : f32
        %broadcast_in_dim3A_1644 = vector.broadcast %broadcast_in_dim3A_1643 : f32 to vector<16xf32>
        %swap3A_1645 = arith.index_cast %squeeze3A_1637 : i32 to index
        %swap3A_1646 = arith.constant 16 : index
        %swap3A_1647 = tpu.vector_load %arg9[%swap3A_1645, %swap3A_1646] {strides = array<i32>} : memref<800x64xf32, #tpu.memory_space<vmem>>, vector<16xf32>,
        tpu.vector_store %arg9[%swap3A_1645, %swap3A_1646], %broadcast_in_dim3A_1644 {strides = array<i32>} : memref<800x64xf32, #tpu.memory_space<vmem>>, vector<16xf32>,
        %broadcast_in_dim3A_1648 = arith.constant 0.000000e+00 : f32
        %broadcast_in_dim3A_1649 = vector.broadcast %broadcast_in_dim3A_1648 : f32 to vector<16xf32>
        %swap3A_1650 = arith.index_cast %squeeze3A_1637 : i32 to index
        %swap3A_1651 = arith.constant 32 : index
        %swap3A_1652 = tpu.vector_load %arg9[%swap3A_1650, %swap3A_1651] {strides = array<i32>} : memref<800x64xf32, #tpu.memory_space<vmem>>, vector<16xf32>,
        tpu.vector_store %arg9[%swap3A_1650, %swap3A_1651], %broadcast_in_dim3A_1649 {strides = array<i32>} : memref<800x64xf32, #tpu.memory_space<vmem>>, vector<16xf32>,
        %broadcast_in_dim3A_1653 = arith.constant 0.000000e+00 : f32
        %broadcast_in_dim3A_1654 = vector.broadcast %broadcast_in_dim3A_1653 : f32 to vector<16xf32>
        %swap3A_1655 = arith.index_cast %squeeze3A_1637 : i32 to index
        %swap3A_1656 = arith.constant 48 : index
        %swap3A_1657 = tpu.vector_load %arg9[%swap3A_1655, %swap3A_1656] {strides = array<i32>} : memref<800x64xf32, #tpu.memory_space<vmem>>, vector<16xf32>,
        tpu.vector_store %arg9[%swap3A_1655, %swap3A_1656], %broadcast_in_dim3A_1654 {strides = array<i32>} : memref<800x64xf32, #tpu.memory_space<vmem>>, vector<16xf32>,
        %slice3A_1658 = vector.extract_strided_slice %get3A_1507 {offsets = [7], sizes = [1], strides = [1]} : vector<16xi32> to vector<1xi32>
        %squeeze3A_1659 = vector.extract %slice3A_1658[0] : i32 from vector<1xi32>
        %broadcast_in_dim3A_1660 = arith.constant 0.000000e+00 : f32
        %broadcast_in_dim3A_1661 = vector.broadcast %broadcast_in_dim3A_1660 : f32 to vector<16xf32>
        %swap3A_1662 = arith.index_cast %squeeze3A_1659 : i32 to index
        %swap3A_1663 = arith.constant 0 : index
        %swap3A_1664 = tpu.vector_load %arg9[%swap3A_1662, %swap3A_1663] {strides = array<i32>} : memref<800x64xf32, #tpu.memory_space<vmem>>, vector<16xf32>,
        tpu.vector_store %arg9[%swap3A_1662, %swap3A_1663], %broadcast_in_dim3A_1661 {strides = array<i32>} : memref<800x64xf32, #tpu.memory_space<vmem>>, vector<16xf32>,
        %broadcast_in_dim3A_1665 = arith.constant 0.000000e+00 : f32
        %broadcast_in_dim3A_1666 = vector.broadcast %broadcast_in_dim3A_1665 : f32 to vector<16xf32>
        %swap3A_1667 = arith.index_cast %squeeze3A_1659 : i32 to index
        %swap3A_1668 = arith.constant 16 : index
        %swap3A_1669 = tpu.vector_load %arg9[%swap3A_1667, %swap3A_1668] {strides = array<i32>} : memref<800x64xf32, #tpu.memory_space<vmem>>, vector<16xf32>,
        tpu.vector_store %arg9[%swap3A_1667, %swap3A_1668], %broadcast_in_dim3A_1666 {strides = array<i32>} : memref<800x64xf32, #tpu.memory_space<vmem>>, vector<16xf32>,
        %broadcast_in_dim3A_1670 = arith.constant 0.000000e+00 : f32
        %broadcast_in_dim3A_1671 = vector.broadcast %broadcast_in_dim3A_1670 : f32 to vector<16xf32>
        %swap3A_1672 = arith.index_cast %squeeze3A_1659 : i32 to index
        %swap3A_1673 = arith.constant 32 : index
        %swap3A_1674 = tpu.vector_load %arg9[%swap3A_1672, %swap3A_1673] {strides = array<i32>} : memref<800x64xf32, #tpu.memory_space<vmem>>, vector<16xf32>,
        tpu.vector_store %arg9[%swap3A_1672, %swap3A_1673], %broadcast_in_dim3A_1671 {strides = array<i32>} : memref<800x64xf32, #tpu.memory_space<vmem>>, vector<16xf32>,
        %broadcast_in_dim3A_1675 = arith.constant 0.000000e+00 : f32
        %broadcast_in_dim3A_1676 = vector.broadcast %broadcast_in_dim3A_1675 : f32 to vector<16xf32>
        %swap3A_1677 = arith.index_cast %squeeze3A_1659 : i32 to index
        %swap3A_1678 = arith.constant 48 : index
        %swap3A_1679 = tpu.vector_load %arg9[%swap3A_1677, %swap3A_1678] {strides = array<i32>} : memref<800x64xf32, #tpu.memory_space<vmem>>, vector<16xf32>,
        tpu.vector_store %arg9[%swap3A_1677, %swap3A_1678], %broadcast_in_dim3A_1676 {strides = array<i32>} : memref<800x64xf32, #tpu.memory_space<vmem>>, vector<16xf32>,
        %slice3A_1680 = vector.extract_strided_slice %get3A_1507 {offsets = [8], sizes = [1], strides = [1]} : vector<16xi32> to vector<1xi32>
        %squeeze3A_1681 = vector.extract %slice3A_1680[0] : i32 from vector<1xi32>
        %broadcast_in_dim3A_1682 = arith.constant 0.000000e+00 : f32
        %broadcast_in_dim3A_1683 = vector.broadcast %broadcast_in_dim3A_1682 : f32 to vector<16xf32>
        %swap3A_1684 = arith.index_cast %squeeze3A_1681 : i32 to index
        %swap3A_1685 = arith.constant 0 : index
        %swap3A_1686 = tpu.vector_load %arg9[%swap3A_1684, %swap3A_1685] {strides = array<i32>} : memref<800x64xf32, #tpu.memory_space<vmem>>, vector<16xf32>,
        tpu.vector_store %arg9[%swap3A_1684, %swap3A_1685], %broadcast_in_dim3A_1683 {strides = array<i32>} : memref<800x64xf32, #tpu.memory_space<vmem>>, vector<16xf32>,
        %broadcast_in_dim3A_1687 = arith.constant 0.000000e+00 : f32
        %broadcast_in_dim3A_1688 = vector.broadcast %broadcast_in_dim3A_1687 : f32 to vector<16xf32>
        %swap3A_1689 = arith.index_cast %squeeze3A_1681 : i32 to index
        %swap3A_1690 = arith.constant 16 : index
        %swap3A_1691 = tpu.vector_load %arg9[%swap3A_1689, %swap3A_1690] {strides = array<i32>} : memref<800x64xf32, #tpu.memory_space<vmem>>, vector<16xf32>,
        tpu.vector_store %arg9[%swap3A_1689, %swap3A_1690], %broadcast_in_dim3A_1688 {strides = array<i32>} : memref<800x64xf32, #tpu.memory_space<vmem>>, vector<16xf32>,
        %broadcast_in_dim3A_1692 = arith.constant 0.000000e+00 : f32
        %broadcast_in_dim3A_1693 = vector.broadcast %broadcast_in_dim3A_1692 : f32 to vector<16xf32>
        %swap3A_1694 = arith.index_cast %squeeze3A_1681 : i32 to index
        %swap3A_1695 = arith.constant 32 : index
        %swap3A_1696 = tpu.vector_load %arg9[%swap3A_1694, %swap3A_1695] {strides = array<i32>} : memref<800x64xf32, #tpu.memory_space<vmem>>, vector<16xf32>,
        tpu.vector_store %arg9[%swap3A_1694, %swap3A_1695], %broadcast_in_dim3A_1693 {strides = array<i32>} : memref<800x64xf32, #tpu.memory_space<vmem>>, vector<16xf32>,
        %broadcast_in_dim3A_1697 = arith.constant 0.000000e+00 : f32
        %broadcast_in_dim3A_1698 = vector.broadcast %broadcast_in_dim3A_1697 : f32 to vector<16xf32>
        %swap3A_1699 = arith.index_cast %squeeze3A_1681 : i32 to index
        %swap3A_1700 = arith.constant 48 : index
        %swap3A_1701 = tpu.vector_load %arg9[%swap3A_1699, %swap3A_1700] {strides = array<i32>} : memref<800x64xf32, #tpu.memory_space<vmem>>, vector<16xf32>,
        tpu.vector_store %arg9[%swap3A_1699, %swap3A_1700], %broadcast_in_dim3A_1698 {strides = array<i32>} : memref<800x64xf32, #tpu.memory_space<vmem>>, vector<16xf32>,
        %slice3A_1702 = vector.extract_strided_slice %get3A_1507 {offsets = [9], sizes = [1], strides = [1]} : vector<16xi32> to vector<1xi32>
        %squeeze3A_1703 = vector.extract %slice3A_1702[0] : i32 from vector<1xi32>
        %broadcast_in_dim3A_1704 = arith.constant 0.000000e+00 : f32
        %broadcast_in_dim3A_1705 = vector.broadcast %broadcast_in_dim3A_1704 : f32 to vector<16xf32>
        %swap3A_1706 = arith.index_cast %squeeze3A_1703 : i32 to index
        %swap3A_1707 = arith.constant 0 : index
        %swap3A_1708 = tpu.vector_load %arg9[%swap3A_1706, %swap3A_1707] {strides = array<i32>} : memref<800x64xf32, #tpu.memory_space<vmem>>, vector<16xf32>,
        tpu.vector_store %arg9[%swap3A_1706, %swap3A_1707], %broadcast_in_dim3A_1705 {strides = array<i32>} : memref<800x64xf32, #tpu.memory_space<vmem>>, vector<16xf32>,
        %broadcast_in_dim3A_1709 = arith.constant 0.000000e+00 : f32
        %broadcast_in_dim3A_1710 = vector.broadcast %broadcast_in_dim3A_1709 : f32 to vector<16xf32>
        %swap3A_1711 = arith.index_cast %squeeze3A_1703 : i32 to index
        %swap3A_1712 = arith.constant 16 : index
        %swap3A_1713 = tpu.vector_load %arg9[%swap3A_1711, %swap3A_1712] {strides = array<i32>} : memref<800x64xf32, #tpu.memory_space<vmem>>, vector<16xf32>,
        tpu.vector_store %arg9[%swap3A_1711, %swap3A_1712], %broadcast_in_dim3A_1710 {strides = array<i32>} : memref<800x64xf32, #tpu.memory_space<vmem>>, vector<16xf32>,
        %broadcast_in_dim3A_1714 = arith.constant 0.000000e+00 : f32
        %broadcast_in_dim3A_1715 = vector.broadcast %broadcast_in_dim3A_1714 : f32 to vector<16xf32>
        %swap3A_1716 = arith.index_cast %squeeze3A_1703 : i32 to index
        %swap3A_1717 = arith.constant 32 : index
        %swap3A_1718 = tpu.vector_load %arg9[%swap3A_1716, %swap3A_1717] {strides = array<i32>} : memref<800x64xf32, #tpu.memory_space<vmem>>, vector<16xf32>,
        tpu.vector_store %arg9[%swap3A_1716, %swap3A_1717], %broadcast_in_dim3A_1715 {strides = array<i32>} : memref<800x64xf32, #tpu.memory_space<vmem>>, vector<16xf32>,
        %broadcast_in_dim3A_1719 = arith.constant 0.000000e+00 : f32
        %broadcast_in_dim3A_1720 = vector.broadcast %broadcast_in_dim3A_1719 : f32 to vector<16xf32>
        %swap3A_1721 = arith.index_cast %squeeze3A_1703 : i32 to index
        %swap3A_1722 = arith.constant 48 : index
        %swap3A_1723 = tpu.vector_load %arg9[%swap3A_1721, %swap3A_1722] {strides = array<i32>} : memref<800x64xf32, #tpu.memory_space<vmem>>, vector<16xf32>,
        tpu.vector_store %arg9[%swap3A_1721, %swap3A_1722], %broadcast_in_dim3A_1720 {strides = array<i32>} : memref<800x64xf32, #tpu.memory_space<vmem>>, vector<16xf32>,
        %slice3A_1724 = vector.extract_strided_slice %get3A_1507 {offsets = [10], sizes = [1], strides = [1]} : vector<16xi32> to vector<1xi32>
        %squeeze3A_1725 = vector.extract %slice3A_1724[0] : i32 from vector<1xi32>
        %broadcast_in_dim3A_1726 = arith.constant 0.000000e+00 : f32
        %broadcast_in_dim3A_1727 = vector.broadcast %broadcast_in_dim3A_1726 : f32 to vector<16xf32>
        %swap3A_1728 = arith.index_cast %squeeze3A_1725 : i32 to index
        %swap3A_1729 = arith.constant 0 : index
        %swap3A_1730 = tpu.vector_load %arg9[%swap3A_1728, %swap3A_1729] {strides = array<i32>} : memref<800x64xf32, #tpu.memory_space<vmem>>, vector<16xf32>,
        tpu.vector_store %arg9[%swap3A_1728, %swap3A_1729], %broadcast_in_dim3A_1727 {strides = array<i32>} : memref<800x64xf32, #tpu.memory_space<vmem>>, vector<16xf32>,
        %broadcast_in_dim3A_1731 = arith.constant 0.000000e+00 : f32
        %broadcast_in_dim3A_1732 = vector.broadcast %broadcast_in_dim3A_1731 : f32 to vector<16xf32>
        %swap3A_1733 = arith.index_cast %squeeze3A_1725 : i32 to index
        %swap3A_1734 = arith.constant 16 : index
        %swap3A_1735 = tpu.vector_load %arg9[%swap3A_1733, %swap3A_1734] {strides = array<i32>} : memref<800x64xf32, #tpu.memory_space<vmem>>, vector<16xf32>,
        tpu.vector_store %arg9[%swap3A_1733, %swap3A_1734], %broadcast_in_dim3A_1732 {strides = array<i32>} : memref<800x64xf32, #tpu.memory_space<vmem>>, vector<16xf32>,
        %broadcast_in_dim3A_1736 = arith.constant 0.000000e+00 : f32
        %broadcast_in_dim3A_1737 = vector.broadcast %broadcast_in_dim3A_1736 : f32 to vector<16xf32>
        %swap3A_1738 = arith.index_cast %squeeze3A_1725 : i32 to index
        %swap3A_1739 = arith.constant 32 : index
        %swap3A_1740 = tpu.vector_load %arg9[%swap3A_1738, %swap3A_1739] {strides = array<i32>} : memref<800x64xf32, #tpu.memory_space<vmem>>, vector<16xf32>,
        tpu.vector_store %arg9[%swap3A_1738, %swap3A_1739], %broadcast_in_dim3A_1737 {strides = array<i32>} : memref<800x64xf32, #tpu.memory_space<vmem>>, vector<16xf32>,
        %broadcast_in_dim3A_1741 = arith.constant 0.000000e+00 : f32
        %broadcast_in_dim3A_1742 = vector.broadcast %broadcast_in_dim3A_1741 : f32 to vector<16xf32>
        %swap3A_1743 = arith.index_cast %squeeze3A_1725 : i32 to index
        %swap3A_1744 = arith.constant 48 : index
        %swap3A_1745 = tpu.vector_load %arg9[%swap3A_1743, %swap3A_1744] {strides = array<i32>} : memref<800x64xf32, #tpu.memory_space<vmem>>, vector<16xf32>,
        tpu.vector_store %arg9[%swap3A_1743, %swap3A_1744], %broadcast_in_dim3A_1742 {strides = array<i32>} : memref<800x64xf32, #tpu.memory_space<vmem>>, vector<16xf32>,
        %slice3A_1746 = vector.extract_strided_slice %get3A_1507 {offsets = [11], sizes = [1], strides = [1]} : vector<16xi32> to vector<1xi32>
        %squeeze3A_1747 = vector.extract %slice3A_1746[0] : i32 from vector<1xi32>
        %broadcast_in_dim3A_1748 = arith.constant 0.000000e+00 : f32
        %broadcast_in_dim3A_1749 = vector.broadcast %broadcast_in_dim3A_1748 : f32 to vector<16xf32>
        %swap3A_1750 = arith.index_cast %squeeze3A_1747 : i32 to index
        %swap3A_1751 = arith.constant 0 : index
        %swap3A_1752 = tpu.vector_load %arg9[%swap3A_1750, %swap3A_1751] {strides = array<i32>} : memref<800x64xf32, #tpu.memory_space<vmem>>, vector<16xf32>,
        tpu.vector_store %arg9[%swap3A_1750, %swap3A_1751], %broadcast_in_dim3A_1749 {strides = array<i32>} : memref<800x64xf32, #tpu.memory_space<vmem>>, vector<16xf32>,
        %broadcast_in_dim3A_1753 = arith.constant 0.000000e+00 : f32
        %broadcast_in_dim3A_1754 = vector.broadcast %broadcast_in_dim3A_1753 : f32 to vector<16xf32>
        %swap3A_1755 = arith.index_cast %squeeze3A_1747 : i32 to index
        %swap3A_1756 = arith.constant 16 : index
        %swap3A_1757 = tpu.vector_load %arg9[%swap3A_1755, %swap3A_1756] {strides = array<i32>} : memref<800x64xf32, #tpu.memory_space<vmem>>, vector<16xf32>,
        tpu.vector_store %arg9[%swap3A_1755, %swap3A_1756], %broadcast_in_dim3A_1754 {strides = array<i32>} : memref<800x64xf32, #tpu.memory_space<vmem>>, vector<16xf32>,
        %broadcast_in_dim3A_1758 = arith.constant 0.000000e+00 : f32
        %broadcast_in_dim3A_1759 = vector.broadcast %broadcast_in_dim3A_1758 : f32 to vector<16xf32>
        %swap3A_1760 = arith.index_cast %squeeze3A_1747 : i32 to index
        %swap3A_1761 = arith.constant 32 : index
        %swap3A_1762 = tpu.vector_load %arg9[%swap3A_1760, %swap3A_1761] {strides = array<i32>} : memref<800x64xf32, #tpu.memory_space<vmem>>, vector<16xf32>,
        tpu.vector_store %arg9[%swap3A_1760, %swap3A_1761], %broadcast_in_dim3A_1759 {strides = array<i32>} : memref<800x64xf32, #tpu.memory_space<vmem>>, vector<16xf32>,
        %broadcast_in_dim3A_1763 = arith.constant 0.000000e+00 : f32
        %broadcast_in_dim3A_1764 = vector.broadcast %broadcast_in_dim3A_1763 : f32 to vector<16xf32>
        %swap3A_1765 = arith.index_cast %squeeze3A_1747 : i32 to index
        %swap3A_1766 = arith.constant 48 : index
        %swap3A_1767 = tpu.vector_load %arg9[%swap3A_1765, %swap3A_1766] {strides = array<i32>} : memref<800x64xf32, #tpu.memory_space<vmem>>, vector<16xf32>,
        tpu.vector_store %arg9[%swap3A_1765, %swap3A_1766], %broadcast_in_dim3A_1764 {strides = array<i32>} : memref<800x64xf32, #tpu.memory_space<vmem>>, vector<16xf32>,
        %slice3A_1768 = vector.extract_strided_slice %get3A_1507 {offsets = [12], sizes = [1], strides = [1]} : vector<16xi32> to vector<1xi32>
        %squeeze3A_1769 = vector.extract %slice3A_1768[0] : i32 from vector<1xi32>
        %broadcast_in_dim3A_1770 = arith.constant 0.000000e+00 : f32
        %broadcast_in_dim3A_1771 = vector.broadcast %broadcast_in_dim3A_1770 : f32 to vector<16xf32>
        %swap3A_1772 = arith.index_cast %squeeze3A_1769 : i32 to index
        %swap3A_1773 = arith.constant 0 : index
        %swap3A_1774 = tpu.vector_load %arg9[%swap3A_1772, %swap3A_1773] {strides = array<i32>} : memref<800x64xf32, #tpu.memory_space<vmem>>, vector<16xf32>,
        tpu.vector_store %arg9[%swap3A_1772, %swap3A_1773], %broadcast_in_dim3A_1771 {strides = array<i32>} : memref<800x64xf32, #tpu.memory_space<vmem>>, vector<16xf32>,
        %broadcast_in_dim3A_1775 = arith.constant 0.000000e+00 : f32
        %broadcast_in_dim3A_1776 = vector.broadcast %broadcast_in_dim3A_1775 : f32 to vector<16xf32>
        %swap3A_1777 = arith.index_cast %squeeze3A_1769 : i32 to index
        %swap3A_1778 = arith.constant 16 : index
        %swap3A_1779 = tpu.vector_load %arg9[%swap3A_1777, %swap3A_1778] {strides = array<i32>} : memref<800x64xf32, #tpu.memory_space<vmem>>, vector<16xf32>,
        tpu.vector_store %arg9[%swap3A_1777, %swap3A_1778], %broadcast_in_dim3A_1776 {strides = array<i32>} : memref<800x64xf32, #tpu.memory_space<vmem>>, vector<16xf32>,
        %broadcast_in_dim3A_1780 = arith.constant 0.000000e+00 : f32
        %broadcast_in_dim3A_1781 = vector.broadcast %broadcast_in_dim3A_1780 : f32 to vector<16xf32>
        %swap3A_1782 = arith.index_cast %squeeze3A_1769 : i32 to index
        %swap3A_1783 = arith.constant 32 : index
        %swap3A_1784 = tpu.vector_load %arg9[%swap3A_1782, %swap3A_1783] {strides = array<i32>} : memref<800x64xf32, #tpu.memory_space<vmem>>, vector<16xf32>,
        tpu.vector_store %arg9[%swap3A_1782, %swap3A_1783], %broadcast_in_dim3A_1781 {strides = array<i32>} : memref<800x64xf32, #tpu.memory_space<vmem>>, vector<16xf32>,
        %broadcast_in_dim3A_1785 = arith.constant 0.000000e+00 : f32
        %broadcast_in_dim3A_1786 = vector.broadcast %broadcast_in_dim3A_1785 : f32 to vector<16xf32>
        %swap3A_1787 = arith.index_cast %squeeze3A_1769 : i32 to index
        %swap3A_1788 = arith.constant 48 : index
        %swap3A_1789 = tpu.vector_load %arg9[%swap3A_1787, %swap3A_1788] {strides = array<i32>} : memref<800x64xf32, #tpu.memory_space<vmem>>, vector<16xf32>,
        tpu.vector_store %arg9[%swap3A_1787, %swap3A_1788], %broadcast_in_dim3A_1786 {strides = array<i32>} : memref<800x64xf32, #tpu.memory_space<vmem>>, vector<16xf32>,
        %slice3A_1790 = vector.extract_strided_slice %get3A_1507 {offsets = [13], sizes = [1], strides = [1]} : vector<16xi32> to vector<1xi32>
        %squeeze3A_1791 = vector.extract %slice3A_1790[0] : i32 from vector<1xi32>
        %broadcast_in_dim3A_1792 = arith.constant 0.000000e+00 : f32
        %broadcast_in_dim3A_1793 = vector.broadcast %broadcast_in_dim3A_1792 : f32 to vector<16xf32>
        %swap3A_1794 = arith.index_cast %squeeze3A_1791 : i32 to index
        %swap3A_1795 = arith.constant 0 : index
        %swap3A_1796 = tpu.vector_load %arg9[%swap3A_1794, %swap3A_1795] {strides = array<i32>} : memref<800x64xf32, #tpu.memory_space<vmem>>, vector<16xf32>,
        tpu.vector_store %arg9[%swap3A_1794, %swap3A_1795], %broadcast_in_dim3A_1793 {strides = array<i32>} : memref<800x64xf32, #tpu.memory_space<vmem>>, vector<16xf32>,
        %broadcast_in_dim3A_1797 = arith.constant 0.000000e+00 : f32
        %broadcast_in_dim3A_1798 = vector.broadcast %broadcast_in_dim3A_1797 : f32 to vector<16xf32>
        %swap3A_1799 = arith.index_cast %squeeze3A_1791 : i32 to index
        %swap3A_1800 = arith.constant 16 : index
        %swap3A_1801 = tpu.vector_load %arg9[%swap3A_1799, %swap3A_1800] {strides = array<i32>} : memref<800x64xf32, #tpu.memory_space<vmem>>, vector<16xf32>,
        tpu.vector_store %arg9[%swap3A_1799, %swap3A_1800], %broadcast_in_dim3A_1798 {strides = array<i32>} : memref<800x64xf32, #tpu.memory_space<vmem>>, vector<16xf32>,
        %broadcast_in_dim3A_1802 = arith.constant 0.000000e+00 : f32
        %broadcast_in_dim3A_1803 = vector.broadcast %broadcast_in_dim3A_1802 : f32 to vector<16xf32>
        %swap3A_1804 = arith.index_cast %squeeze3A_1791 : i32 to index
        %swap3A_1805 = arith.constant 32 : index
        %swap3A_1806 = tpu.vector_load %arg9[%swap3A_1804, %swap3A_1805] {strides = array<i32>} : memref<800x64xf32, #tpu.memory_space<vmem>>, vector<16xf32>,
        tpu.vector_store %arg9[%swap3A_1804, %swap3A_1805], %broadcast_in_dim3A_1803 {strides = array<i32>} : memref<800x64xf32, #tpu.memory_space<vmem>>, vector<16xf32>,
        %broadcast_in_dim3A_1807 = arith.constant 0.000000e+00 : f32
        %broadcast_in_dim3A_1808 = vector.broadcast %broadcast_in_dim3A_1807 : f32 to vector<16xf32>
        %swap3A_1809 = arith.index_cast %squeeze3A_1791 : i32 to index
        %swap3A_1810 = arith.constant 48 : index
        %swap3A_1811 = tpu.vector_load %arg9[%swap3A_1809, %swap3A_1810] {strides = array<i32>} : memref<800x64xf32, #tpu.memory_space<vmem>>, vector<16xf32>,
        tpu.vector_store %arg9[%swap3A_1809, %swap3A_1810], %broadcast_in_dim3A_1808 {strides = array<i32>} : memref<800x64xf32, #tpu.memory_space<vmem>>, vector<16xf32>,
        %slice3A_1812 = vector.extract_strided_slice %get3A_1507 {offsets = [14], sizes = [1], strides = [1]} : vector<16xi32> to vector<1xi32>
        %squeeze3A_1813 = vector.extract %slice3A_1812[0] : i32 from vector<1xi32>
        %broadcast_in_dim3A_1814 = arith.constant 0.000000e+00 : f32
        %broadcast_in_dim3A_1815 = vector.broadcast %broadcast_in_dim3A_1814 : f32 to vector<16xf32>
        %swap3A_1816 = arith.index_cast %squeeze3A_1813 : i32 to index
        %swap3A_1817 = arith.constant 0 : index
        %swap3A_1818 = tpu.vector_load %arg9[%swap3A_1816, %swap3A_1817] {strides = array<i32>} : memref<800x64xf32, #tpu.memory_space<vmem>>, vector<16xf32>,
        tpu.vector_store %arg9[%swap3A_1816, %swap3A_1817], %broadcast_in_dim3A_1815 {strides = array<i32>} : memref<800x64xf32, #tpu.memory_space<vmem>>, vector<16xf32>,
        %broadcast_in_dim3A_1819 = arith.constant 0.000000e+00 : f32
        %broadcast_in_dim3A_1820 = vector.broadcast %broadcast_in_dim3A_1819 : f32 to vector<16xf32>
        %swap3A_1821 = arith.index_cast %squeeze3A_1813 : i32 to index
        %swap3A_1822 = arith.constant 16 : index
        %swap3A_1823 = tpu.vector_load %arg9[%swap3A_1821, %swap3A_1822] {strides = array<i32>} : memref<800x64xf32, #tpu.memory_space<vmem>>, vector<16xf32>,
        tpu.vector_store %arg9[%swap3A_1821, %swap3A_1822], %broadcast_in_dim3A_1820 {strides = array<i32>} : memref<800x64xf32, #tpu.memory_space<vmem>>, vector<16xf32>,
        %broadcast_in_dim3A_1824 = arith.constant 0.000000e+00 : f32
        %broadcast_in_dim3A_1825 = vector.broadcast %broadcast_in_dim3A_1824 : f32 to vector<16xf32>
        %swap3A_1826 = arith.index_cast %squeeze3A_1813 : i32 to index
        %swap3A_1827 = arith.constant 32 : index
        %swap3A_1828 = tpu.vector_load %arg9[%swap3A_1826, %swap3A_1827] {strides = array<i32>} : memref<800x64xf32, #tpu.memory_space<vmem>>, vector<16xf32>,
        tpu.vector_store %arg9[%swap3A_1826, %swap3A_1827], %broadcast_in_dim3A_1825 {strides = array<i32>} : memref<800x64xf32, #tpu.memory_space<vmem>>, vector<16xf32>,
        %broadcast_in_dim3A_1829 = arith.constant 0.000000e+00 : f32
        %broadcast_in_dim3A_1830 = vector.broadcast %broadcast_in_dim3A_1829 : f32 to vector<16xf32>
        %swap3A_1831 = arith.index_cast %squeeze3A_1813 : i32 to index
        %swap3A_1832 = arith.constant 48 : index
        %swap3A_1833 = tpu.vector_load %arg9[%swap3A_1831, %swap3A_1832] {strides = array<i32>} : memref<800x64xf32, #tpu.memory_space<vmem>>, vector<16xf32>,
        tpu.vector_store %arg9[%swap3A_1831, %swap3A_1832], %broadcast_in_dim3A_1830 {strides = array<i32>} : memref<800x64xf32, #tpu.memory_space<vmem>>, vector<16xf32>,
        %slice3A_1834 = vector.extract_strided_slice %get3A_1507 {offsets = [15], sizes = [1], strides = [1]} : vector<16xi32> to vector<1xi32>
        %squeeze3A_1835 = vector.extract %slice3A_1834[0] : i32 from vector<1xi32>
        %broadcast_in_dim3A_1836 = arith.constant 0.000000e+00 : f32
        %broadcast_in_dim3A_1837 = vector.broadcast %broadcast_in_dim3A_1836 : f32 to vector<16xf32>
        %swap3A_1838 = arith.index_cast %squeeze3A_1835 : i32 to index
        %swap3A_1839 = arith.constant 0 : index
        %swap3A_1840 = tpu.vector_load %arg9[%swap3A_1838, %swap3A_1839] {strides = array<i32>} : memref<800x64xf32, #tpu.memory_space<vmem>>, vector<16xf32>,
        tpu.vector_store %arg9[%swap3A_1838, %swap3A_1839], %broadcast_in_dim3A_1837 {strides = array<i32>} : memref<800x64xf32, #tpu.memory_space<vmem>>, vector<16xf32>,
        %broadcast_in_dim3A_1841 = arith.constant 0.000000e+00 : f32
        %broadcast_in_dim3A_1842 = vector.broadcast %broadcast_in_dim3A_1841 : f32 to vector<16xf32>
        %swap3A_1843 = arith.index_cast %squeeze3A_1835 : i32 to index
        %swap3A_1844 = arith.constant 16 : index
        %swap3A_1845 = tpu.vector_load %arg9[%swap3A_1843, %swap3A_1844] {strides = array<i32>} : memref<800x64xf32, #tpu.memory_space<vmem>>, vector<16xf32>,
        tpu.vector_store %arg9[%swap3A_1843, %swap3A_1844], %broadcast_in_dim3A_1842 {strides = array<i32>} : memref<800x64xf32, #tpu.memory_space<vmem>>, vector<16xf32>,
        %broadcast_in_dim3A_1846 = arith.constant 0.000000e+00 : f32
        %broadcast_in_dim3A_1847 = vector.broadcast %broadcast_in_dim3A_1846 : f32 to vector<16xf32>
        %swap3A_1848 = arith.index_cast %squeeze3A_1835 : i32 to index
        %swap3A_1849 = arith.constant 32 : index
        %swap3A_1850 = tpu.vector_load %arg9[%swap3A_1848, %swap3A_1849] {strides = array<i32>} : memref<800x64xf32, #tpu.memory_space<vmem>>, vector<16xf32>,
        tpu.vector_store %arg9[%swap3A_1848, %swap3A_1849], %broadcast_in_dim3A_1847 {strides = array<i32>} : memref<800x64xf32, #tpu.memory_space<vmem>>, vector<16xf32>,
        %broadcast_in_dim3A_1851 = arith.constant 0.000000e+00 : f32
        %broadcast_in_dim3A_1852 = vector.broadcast %broadcast_in_dim3A_1851 : f32 to vector<16xf32>
        %swap3A_1853 = arith.index_cast %squeeze3A_1835 : i32 to index
        %swap3A_1854 = arith.constant 48 : index
        %swap3A_1855 = tpu.vector_load %arg9[%swap3A_1853, %swap3A_1854] {strides = array<i32>} : memref<800x64xf32, #tpu.memory_space<vmem>>, vector<16xf32>,
        tpu.vector_store %arg9[%swap3A_1853, %swap3A_1854], %broadcast_in_dim3A_1852 {strides = array<i32>} : memref<800x64xf32, #tpu.memory_space<vmem>>, vector<16xf32>,
      }
      %while3A_46 = arith.constant 1 : i32
      scf.for %while3A_1503 = %while3A_44 to %while3A_40 step %while3A_46  : i32 {
        %mul3A_1504 = arith.constant 16 : i32
        %mul3A_1505 = arith.muli %while3A_1503, %mul3A_1504 : i32
        %get3A_1506 = arith.index_cast %mul3A_1505 : i32 to index
        %get3A_1507 = tpu.vector_load %arg7[%get3A_1506] {strides = array<i32>} : memref<912xi32, #tpu.memory_space<vmem>>, vector<16xi32>,
        %slice3A = vector.extract_strided_slice %get3A_1507 {offsets = [0], sizes = [1], strides = [1]} : vector<16xi32> to vector<1xi32>
        %squeeze3A = vector.extract %slice3A[0] : i32 from vector<1xi32>
        %broadcast_in_dim3A = arith.constant 0.000000e+00 : f32
        %broadcast_in_dim3A_1508 = vector.broadcast %broadcast_in_dim3A : f32 to vector<16xf32>
        %swap3A = arith.index_cast %squeeze3A : i32 to index
        %swap3A_1509 = arith.constant 0 : index
        %swap3A_1510 = tpu.vector_load %arg9[%swap3A, %swap3A_1509] {strides = array<i32>} : memref<800x64xf32, #tpu.memory_space<vmem>>, vector<16xf32>,
        tpu.vector_store %arg9[%swap3A, %swap3A_1509], %broadcast_in_dim3A_1508 {strides = array<i32>} : memref<800x64xf32, #tpu.memory_space<vmem>>, vector<16xf32>,
        %broadcast_in_dim3A_1511 = arith.constant 0.000000e+00 : f32
        %broadcast_in_dim3A_1512 = vector.broadcast %broadcast_in_dim3A_1511 : f32 to vector<16xf32>
        %swap3A_1513 = arith.index_cast %squeeze3A : i32 to index
        %swap3A_1514 = arith.constant 16 : index
        %swap3A_1515 = tpu.vector_load %arg9[%swap3A_1513, %swap3A_1514] {strides = array<i32>} : memref<800x64xf32, #tpu.memory_space<vmem>>, vector<16xf32>,
        tpu.vector_store %arg9[%swap3A_1513, %swap3A_1514], %broadcast_in_dim3A_1512 {strides = array<i32>} : memref<800x64xf32, #tpu.memory_space<vmem>>, vector<16xf32>,
        %broadcast_in_dim3A_1516 = arith.constant 0.000000e+00 : f32
        %broadcast_in_dim3A_1517 = vector.broadcast %broadcast_in_dim3A_1516 : f32 to vector<16xf32>
        %swap3A_1518 = arith.index_cast %squeeze3A : i32 to index
        %swap3A_1519 = arith.constant 32 : index
        %swap3A_1520 = tpu.vector_load %arg9[%swap3A_1518, %swap3A_1519] {strides = array<i32>} : memref<800x64xf32, #tpu.memory_space<vmem>>, vector<16xf32>,
        tpu.vector_store %arg9[%swap3A_1518, %swap3A_1519], %broadcast_in_dim3A_1517 {strides = array<i32>} : memref<800x64xf32, #tpu.memory_space<vmem>>, vector<16xf32>,
        %broadcast_in_dim3A_1521 = arith.constant 0.000000e+00 : f32
        %broadcast_in_dim3A_1522 = vector.broadcast %broadcast_in_dim3A_1521 : f32 to vector<16xf32>
        %swap3A_1523 = arith.index_cast %squeeze3A : i32 to index
        %swap3A_1524 = arith.constant 48 : index
        %swap3A_1525 = tpu.vector_load %arg9[%swap3A_1523, %swap3A_1524] {strides = array<i32>} : memref<800x64xf32, #tpu.memory_space<vmem>>, vector<16xf32>,
        tpu.vector_store %arg9[%swap3A_1523, %swap3A_1524], %broadcast_in_dim3A_1522 {strides = array<i32>} : memref<800x64xf32, #tpu.memory_space<vmem>>, vector<16xf32>,
        %slice3A_1526 = vector.extract_strided_slice %get3A_1507 {offsets = [1], sizes = [1], strides = [1]} : vector<16xi32> to vector<1xi32>
        %squeeze3A_1527 = vector.extract %slice3A_1526[0] : i32 from vector<1xi32>
        %broadcast_in_dim3A_1528 = arith.constant 0.000000e+00 : f32
        %broadcast_in_dim3A_1529 = vector.broadcast %broadcast_in_dim3A_1528 : f32 to vector<16xf32>
        %swap3A_1530 = arith.index_cast %squeeze3A_1527 : i32 to index
        %swap3A_1531 = arith.constant 0 : index
        %swap3A_1532 = tpu.vector_load %arg9[%swap3A_1530, %swap3A_1531] {strides = array<i32>} : memref<800x64xf32, #tpu.memory_space<vmem>>, vector<16xf32>,
        tpu.vector_store %arg9[%swap3A_1530, %swap3A_1531], %broadcast_in_dim3A_1529 {strides = array<i32>} : memref<800x64xf32, #tpu.memory_space<vmem>>, vector<16xf32>,
        %broadcast_in_dim3A_1533 = arith.constant 0.000000e+00 : f32
        %broadcast_in_dim3A_1534 = vector.broadcast %broadcast_in_dim3A_1533 : f32 to vector<16xf32>
        %swap3A_1535 = arith.index_cast %squeeze3A_1527 : i32 to index
        %swap3A_1536 = arith.constant 16 : index
        %swap3A_1537 = tpu.vector_load %arg9[%swap3A_1535, %swap3A_1536] {strides = array<i32>} : memref<800x64xf32, #tpu.memory_space<vmem>>, vector<16xf32>,
        tpu.vector_store %arg9[%swap3A_1535, %swap3A_1536], %broadcast_in_dim3A_1534 {strides = array<i32>} : memref<800x64xf32, #tpu.memory_space<vmem>>, vector<16xf32>,
        %broadcast_in_dim3A_1538 = arith.constant 0.000000e+00 : f32
        %broadcast_in_dim3A_1539 = vector.broadcast %broadcast_in_dim3A_1538 : f32 to vector<16xf32>
        %swap3A_1540 = arith.index_cast %squeeze3A_1527 : i32 to index
        %swap3A_1541 = arith.constant 32 : index
        %swap3A_1542 = tpu.vector_load %arg9[%swap3A_1540, %swap3A_1541] {strides = array<i32>} : memref<800x64xf32, #tpu.memory_space<vmem>>, vector<16xf32>,
        tpu.vector_store %arg9[%swap3A_1540, %swap3A_1541], %broadcast_in_dim3A_1539 {strides = array<i32>} : memref<800x64xf32, #tpu.memory_space<vmem>>, vector<16xf32>,
        %broadcast_in_dim3A_1543 = arith.constant 0.000000e+00 : f32
        %broadcast_in_dim3A_1544 = vector.broadcast %broadcast_in_dim3A_1543 : f32 to vector<16xf32>
        %swap3A_1545 = arith.index_cast %squeeze3A_1527 : i32 to index
        %swap3A_1546 = arith.constant 48 : index
        %swap3A_1547 = tpu.vector_load %arg9[%swap3A_1545, %swap3A_1546] {strides = array<i32>} : memref<800x64xf32, #tpu.memory_space<vmem>>, vector<16xf32>,
        tpu.vector_store %arg9[%swap3A_1545, %swap3A_1546], %broadcast_in_dim3A_1544 {strides = array<i32>} : memref<800x64xf32, #tpu.memory_space<vmem>>, vector<16xf32>,
        %slice3A_1548 = vector.extract_strided_slice %get3A_1507 {offsets = [2], sizes = [1], strides = [1]} : vector<16xi32> to vector<1xi32>
        %squeeze3A_1549 = vector.extract %slice3A_1548[0] : i32 from vector<1xi32>
        %broadcast_in_dim3A_1550 = arith.constant 0.000000e+00 : f32
        %broadcast_in_dim3A_1551 = vector.broadcast %broadcast_in_dim3A_1550 : f32 to vector<16xf32>
        %swap3A_1552 = arith.index_cast %squeeze3A_1549 : i32 to index
        %swap3A_1553 = arith.constant 0 : index
        %swap3A_1554 = tpu.vector_load %arg9[%swap3A_1552, %swap3A_1553] {strides = array<i32>} : memref<800x64xf32, #tpu.memory_space<vmem>>, vector<16xf32>,
        tpu.vector_store %arg9[%swap3A_1552, %swap3A_1553], %broadcast_in_dim3A_1551 {strides = array<i32>} : memref<800x64xf32, #tpu.memory_space<vmem>>, vector<16xf32>,
        %broadcast_in_dim3A_1555 = arith.constant 0.000000e+00 : f32
        %broadcast_in_dim3A_1556 = vector.broadcast %broadcast_in_dim3A_1555 : f32 to vector<16xf32>
        %swap3A_1557 = arith.index_cast %squeeze3A_1549 : i32 to index
        %swap3A_1558 = arith.constant 16 : index
        %swap3A_1559 = tpu.vector_load %arg9[%swap3A_1557, %swap3A_1558] {strides = array<i32>} : memref<800x64xf32, #tpu.memory_space<vmem>>, vector<16xf32>,
        tpu.vector_store %arg9[%swap3A_1557, %swap3A_1558], %broadcast_in_dim3A_1556 {strides = array<i32>} : memref<800x64xf32, #tpu.memory_space<vmem>>, vector<16xf32>,
        %broadcast_in_dim3A_1560 = arith.constant 0.000000e+00 : f32
        %broadcast_in_dim3A_1561 = vector.broadcast %broadcast_in_dim3A_1560 : f32 to vector<16xf32>
        %swap3A_1562 = arith.index_cast %squeeze3A_1549 : i32 to index
        %swap3A_1563 = arith.constant 32 : index
        %swap3A_1564 = tpu.vector_load %arg9[%swap3A_1562, %swap3A_1563] {strides = array<i32>} : memref<800x64xf32, #tpu.memory_space<vmem>>, vector<16xf32>,
        tpu.vector_store %arg9[%swap3A_1562, %swap3A_1563], %broadcast_in_dim3A_1561 {strides = array<i32>} : memref<800x64xf32, #tpu.memory_space<vmem>>, vector<16xf32>,
        %broadcast_in_dim3A_1565 = arith.constant 0.000000e+00 : f32
        %broadcast_in_dim3A_1566 = vector.broadcast %broadcast_in_dim3A_1565 : f32 to vector<16xf32>
        %swap3A_1567 = arith.index_cast %squeeze3A_1549 : i32 to index
        %swap3A_1568 = arith.constant 48 : index
        %swap3A_1569 = tpu.vector_load %arg9[%swap3A_1567, %swap3A_1568] {strides = array<i32>} : memref<800x64xf32, #tpu.memory_space<vmem>>, vector<16xf32>,
        tpu.vector_store %arg9[%swap3A_1567, %swap3A_1568], %broadcast_in_dim3A_1566 {strides = array<i32>} : memref<800x64xf32, #tpu.memory_space<vmem>>, vector<16xf32>,
        %slice3A_1570 = vector.extract_strided_slice %get3A_1507 {offsets = [3], sizes = [1], strides = [1]} : vector<16xi32> to vector<1xi32>
        %squeeze3A_1571 = vector.extract %slice3A_1570[0] : i32 from vector<1xi32>
        %broadcast_in_dim3A_1572 = arith.constant 0.000000e+00 : f32
        %broadcast_in_dim3A_1573 = vector.broadcast %broadcast_in_dim3A_1572 : f32 to vector<16xf32>
        %swap3A_1574 = arith.index_cast %squeeze3A_1571 : i32 to index
        %swap3A_1575 = arith.constant 0 : index
        %swap3A_1576 = tpu.vector_load %arg9[%swap3A_1574, %swap3A_1575] {strides = array<i32>} : memref<800x64xf32, #tpu.memory_space<vmem>>, vector<16xf32>,
        tpu.vector_store %arg9[%swap3A_1574, %swap3A_1575], %broadcast_in_dim3A_1573 {strides = array<i32>} : memref<800x64xf32, #tpu.memory_space<vmem>>, vector<16xf32>,
        %broadcast_in_dim3A_1577 = arith.constant 0.000000e+00 : f32
        %broadcast_in_dim3A_1578 = vector.broadcast %broadcast_in_dim3A_1577 : f32 to vector<16xf32>
        %swap3A_1579 = arith.index_cast %squeeze3A_1571 : i32 to index
        %swap3A_1580 = arith.constant 16 : index
        %swap3A_1581 = tpu.vector_load %arg9[%swap3A_1579, %swap3A_1580] {strides = array<i32>} : memref<800x64xf32, #tpu.memory_space<vmem>>, vector<16xf32>,
        tpu.vector_store %arg9[%swap3A_1579, %swap3A_1580], %broadcast_in_dim3A_1578 {strides = array<i32>} : memref<800x64xf32, #tpu.memory_space<vmem>>, vector<16xf32>,
        %broadcast_in_dim3A_1582 = arith.constant 0.000000e+00 : f32
        %broadcast_in_dim3A_1583 = vector.broadcast %broadcast_in_dim3A_1582 : f32 to vector<16xf32>
        %swap3A_1584 = arith.index_cast %squeeze3A_1571 : i32 to index
        %swap3A_1585 = arith.constant 32 : index
        %swap3A_1586 = tpu.vector_load %arg9[%swap3A_1584, %swap3A_1585] {strides = array<i32>} : memref<800x64xf32, #tpu.memory_space<vmem>>, vector<16xf32>,
        tpu.vector_store %arg9[%swap3A_1584, %swap3A_1585], %broadcast_in_dim3A_1583 {strides = array<i32>} : memref<800x64xf32, #tpu.memory_space<vmem>>, vector<16xf32>,
        %broadcast_in_dim3A_1587 = arith.constant 0.000000e+00 : f32
        %broadcast_in_dim3A_1588 = vector.broadcast %broadcast_in_dim3A_1587 : f32 to vector<16xf32>
        %swap3A_1589 = arith.index_cast %squeeze3A_1571 : i32 to index
        %swap3A_1590 = arith.constant 48 : index
        %swap3A_1591 = tpu.vector_load %arg9[%swap3A_1589, %swap3A_1590] {strides = array<i32>} : memref<800x64xf32, #tpu.memory_space<vmem>>, vector<16xf32>,
        tpu.vector_store %arg9[%swap3A_1589, %swap3A_1590], %broadcast_in_dim3A_1588 {strides = array<i32>} : memref<800x64xf32, #tpu.memory_space<vmem>>, vector<16xf32>,
        %slice3A_1592 = vector.extract_strided_slice %get3A_1507 {offsets = [4], sizes = [1], strides = [1]} : vector<16xi32> to vector<1xi32>
        %squeeze3A_1593 = vector.extract %slice3A_1592[0] : i32 from vector<1xi32>
        %broadcast_in_dim3A_1594 = arith.constant 0.000000e+00 : f32
        %broadcast_in_dim3A_1595 = vector.broadcast %broadcast_in_dim3A_1594 : f32 to vector<16xf32>
        %swap3A_1596 = arith.index_cast %squeeze3A_1593 : i32 to index
        %swap3A_1597 = arith.constant 0 : index
        %swap3A_1598 = tpu.vector_load %arg9[%swap3A_1596, %swap3A_1597] {strides = array<i32>} : memref<800x64xf32, #tpu.memory_space<vmem>>, vector<16xf32>,
        tpu.vector_store %arg9[%swap3A_1596, %swap3A_1597], %broadcast_in_dim3A_1595 {strides = array<i32>} : memref<800x64xf32, #tpu.memory_space<vmem>>, vector<16xf32>,
        %broadcast_in_dim3A_1599 = arith.constant 0.000000e+00 : f32
        %broadcast_in_dim3A_1600 = vector.broadcast %broadcast_in_dim3A_1599 : f32 to vector<16xf32>
        %swap3A_1601 = arith.index_cast %squeeze3A_1593 : i32 to index
        %swap3A_1602 = arith.constant 16 : index
        %swap3A_1603 = tpu.vector_load %arg9[%swap3A_1601, %swap3A_1602] {strides = array<i32>} : memref<800x64xf32, #tpu.memory_space<vmem>>, vector<16xf32>,
        tpu.vector_store %arg9[%swap3A_1601, %swap3A_1602], %broadcast_in_dim3A_1600 {strides = array<i32>} : memref<800x64xf32, #tpu.memory_space<vmem>>, vector<16xf32>,
        %broadcast_in_dim3A_1604 = arith.constant 0.000000e+00 : f32
        %broadcast_in_dim3A_1605 = vector.broadcast %broadcast_in_dim3A_1604 : f32 to vector<16xf32>
        %swap3A_1606 = arith.index_cast %squeeze3A_1593 : i32 to index
        %swap3A_1607 = arith.constant 32 : index
        %swap3A_1608 = tpu.vector_load %arg9[%swap3A_1606, %swap3A_1607] {strides = array<i32>} : memref<800x64xf32, #tpu.memory_space<vmem>>, vector<16xf32>,
        tpu.vector_store %arg9[%swap3A_1606, %swap3A_1607], %broadcast_in_dim3A_1605 {strides = array<i32>} : memref<800x64xf32, #tpu.memory_space<vmem>>, vector<16xf32>,
        %broadcast_in_dim3A_1609 = arith.constant 0.000000e+00 : f32
        %broadcast_in_dim3A_1610 = vector.broadcast %broadcast_in_dim3A_1609 : f32 to vector<16xf32>
        %swap3A_1611 = arith.index_cast %squeeze3A_1593 : i32 to index
        %swap3A_1612 = arith.constant 48 : index
        %swap3A_1613 = tpu.vector_load %arg9[%swap3A_1611, %swap3A_1612] {strides = array<i32>} : memref<800x64xf32, #tpu.memory_space<vmem>>, vector<16xf32>,
        tpu.vector_store %arg9[%swap3A_1611, %swap3A_1612], %broadcast_in_dim3A_1610 {strides = array<i32>} : memref<800x64xf32, #tpu.memory_space<vmem>>, vector<16xf32>,
        %slice3A_1614 = vector.extract_strided_slice %get3A_1507 {offsets = [5], sizes = [1], strides = [1]} : vector<16xi32> to vector<1xi32>
        %squeeze3A_1615 = vector.extract %slice3A_1614[0] : i32 from vector<1xi32>
        %broadcast_in_dim3A_1616 = arith.constant 0.000000e+00 : f32
        %broadcast_in_dim3A_1617 = vector.broadcast %broadcast_in_dim3A_1616 : f32 to vector<16xf32>
        %swap3A_1618 = arith.index_cast %squeeze3A_1615 : i32 to index
        %swap3A_1619 = arith.constant 0 : index
        %swap3A_1620 = tpu.vector_load %arg9[%swap3A_1618, %swap3A_1619] {strides = array<i32>} : memref<800x64xf32, #tpu.memory_space<vmem>>, vector<16xf32>,
        tpu.vector_store %arg9[%swap3A_1618, %swap3A_1619], %broadcast_in_dim3A_1617 {strides = array<i32>} : memref<800x64xf32, #tpu.memory_space<vmem>>, vector<16xf32>,
        %broadcast_in_dim3A_1621 = arith.constant 0.000000e+00 : f32
        %broadcast_in_dim3A_1622 = vector.broadcast %broadcast_in_dim3A_1621 : f32 to vector<16xf32>
        %swap3A_1623 = arith.index_cast %squeeze3A_1615 : i32 to index
        %swap3A_1624 = arith.constant 16 : index
        %swap3A_1625 = tpu.vector_load %arg9[%swap3A_1623, %swap3A_1624] {strides = array<i32>} : memref<800x64xf32, #tpu.memory_space<vmem>>, vector<16xf32>,
        tpu.vector_store %arg9[%swap3A_1623, %swap3A_1624], %broadcast_in_dim3A_1622 {strides = array<i32>} : memref<800x64xf32, #tpu.memory_space<vmem>>, vector<16xf32>,
        %broadcast_in_dim3A_1626 = arith.constant 0.000000e+00 : f32
        %broadcast_in_dim3A_1627 = vector.broadcast %broadcast_in_dim3A_1626 : f32 to vector<16xf32>
        %swap3A_1628 = arith.index_cast %squeeze3A_1615 : i32 to index
        %swap3A_1629 = arith.constant 32 : index
        %swap3A_1630 = tpu.vector_load %arg9[%swap3A_1628, %swap3A_1629] {strides = array<i32>} : memref<800x64xf32, #tpu.memory_space<vmem>>, vector<16xf32>,
        tpu.vector_store %arg9[%swap3A_1628, %swap3A_1629], %broadcast_in_dim3A_1627 {strides = array<i32>} : memref<800x64xf32, #tpu.memory_space<vmem>>, vector<16xf32>,
        %broadcast_in_dim3A_1631 = arith.constant 0.000000e+00 : f32
        %broadcast_in_dim3A_1632 = vector.broadcast %broadcast_in_dim3A_1631 : f32 to vector<16xf32>
        %swap3A_1633 = arith.index_cast %squeeze3A_1615 : i32 to index
        %swap3A_1634 = arith.constant 48 : index
        %swap3A_1635 = tpu.vector_load %arg9[%swap3A_1633, %swap3A_1634] {strides = array<i32>} : memref<800x64xf32, #tpu.memory_space<vmem>>, vector<16xf32>,
        tpu.vector_store %arg9[%swap3A_1633, %swap3A_1634], %broadcast_in_dim3A_1632 {strides = array<i32>} : memref<800x64xf32, #tpu.memory_space<vmem>>, vector<16xf32>,
        %slice3A_1636 = vector.extract_strided_slice %get3A_1507 {offsets = [6], sizes = [1], strides = [1]} : vector<16xi32> to vector<1xi32>
        %squeeze3A_1637 = vector.extract %slice3A_1636[0] : i32 from vector<1xi32>
        %broadcast_in_dim3A_1638 = arith.constant 0.000000e+00 : f32
        %broadcast_in_dim3A_1639 = vector.broadcast %broadcast_in_dim3A_1638 : f32 to vector<16xf32>
        %swap3A_1640 = arith.index_cast %squeeze3A_1637 : i32 to index
        %swap3A_1641 = arith.constant 0 : index
        %swap3A_1642 = tpu.vector_load %arg9[%swap3A_1640, %swap3A_1641] {strides = array<i32>} : memref<800x64xf32, #tpu.memory_space<vmem>>, vector<16xf32>,
        tpu.vector_store %arg9[%swap3A_1640, %swap3A_1641], %broadcast_in_dim3A_1639 {strides = array<i32>} : memref<800x64xf32, #tpu.memory_space<vmem>>, vector<16xf32>,
        %broadcast_in_dim3A_1643 = arith.constant 0.000000e+00 : f32
        %broadcast_in_dim3A_1644 = vector.broadcast %broadcast_in_dim3A_1643 : f32 to vector<16xf32>
        %swap3A_1645 = arith.index_cast %squeeze3A_1637 : i32 to index
        %swap3A_1646 = arith.constant 16 : index
        %swap3A_1647 = tpu.vector_load %arg9[%swap3A_1645, %swap3A_1646] {strides = array<i32>} : memref<800x64xf32, #tpu.memory_space<vmem>>, vector<16xf32>,
        tpu.vector_store %arg9[%swap3A_1645, %swap3A_1646], %broadcast_in_dim3A_1644 {strides = array<i32>} : memref<800x64xf32, #tpu.memory_space<vmem>>, vector<16xf32>,
        %broadcast_in_dim3A_1648 = arith.constant 0.000000e+00 : f32
        %broadcast_in_dim3A_1649 = vector.broadcast %broadcast_in_dim3A_1648 : f32 to vector<16xf32>
        %swap3A_1650 = arith.index_cast %squeeze3A_1637 : i32 to index
        %swap3A_1651 = arith.constant 32 : index
        %swap3A_1652 = tpu.vector_load %arg9[%swap3A_1650, %swap3A_1651] {strides = array<i32>} : memref<800x64xf32, #tpu.memory_space<vmem>>, vector<16xf32>,
        tpu.vector_store %arg9[%swap3A_1650, %swap3A_1651], %broadcast_in_dim3A_1649 {strides = array<i32>} : memref<800x64xf32, #tpu.memory_space<vmem>>, vector<16xf32>,
        %broadcast_in_dim3A_1653 = arith.constant 0.000000e+00 : f32
        %broadcast_in_dim3A_1654 = vector.broadcast %broadcast_in_dim3A_1653 : f32 to vector<16xf32>
        %swap3A_1655 = arith.index_cast %squeeze3A_1637 : i32 to index
        %swap3A_1656 = arith.constant 48 : index
        %swap3A_1657 = tpu.vector_load %arg9[%swap3A_1655, %swap3A_1656] {strides = array<i32>} : memref<800x64xf32, #tpu.memory_space<vmem>>, vector<16xf32>,
        tpu.vector_store %arg9[%swap3A_1655, %swap3A_1656], %broadcast_in_dim3A_1654 {strides = array<i32>} : memref<800x64xf32, #tpu.memory_space<vmem>>, vector<16xf32>,
        %slice3A_1658 = vector.extract_strided_slice %get3A_1507 {offsets = [7], sizes = [1], strides = [1]} : vector<16xi32> to vector<1xi32>
        %squeeze3A_1659 = vector.extract %slice3A_1658[0] : i32 from vector<1xi32>
        %broadcast_in_dim3A_1660 = arith.constant 0.000000e+00 : f32
        %broadcast_in_dim3A_1661 = vector.broadcast %broadcast_in_dim3A_1660 : f32 to vector<16xf32>
        %swap3A_1662 = arith.index_cast %squeeze3A_1659 : i32 to index
        %swap3A_1663 = arith.constant 0 : index
        %swap3A_1664 = tpu.vector_load %arg9[%swap3A_1662, %swap3A_1663] {strides = array<i32>} : memref<800x64xf32, #tpu.memory_space<vmem>>, vector<16xf32>,
        tpu.vector_store %arg9[%swap3A_1662, %swap3A_1663], %broadcast_in_dim3A_1661 {strides = array<i32>} : memref<800x64xf32, #tpu.memory_space<vmem>>, vector<16xf32>,
        %broadcast_in_dim3A_1665 = arith.constant 0.000000e+00 : f32
        %broadcast_in_dim3A_1666 = vector.broadcast %broadcast_in_dim3A_1665 : f32 to vector<16xf32>
        %swap3A_1667 = arith.index_cast %squeeze3A_1659 : i32 to index
        %swap3A_1668 = arith.constant 16 : index
        %swap3A_1669 = tpu.vector_load %arg9[%swap3A_1667, %swap3A_1668] {strides = array<i32>} : memref<800x64xf32, #tpu.memory_space<vmem>>, vector<16xf32>,
        tpu.vector_store %arg9[%swap3A_1667, %swap3A_1668], %broadcast_in_dim3A_1666 {strides = array<i32>} : memref<800x64xf32, #tpu.memory_space<vmem>>, vector<16xf32>,
        %broadcast_in_dim3A_1670 = arith.constant 0.000000e+00 : f32
        %broadcast_in_dim3A_1671 = vector.broadcast %broadcast_in_dim3A_1670 : f32 to vector<16xf32>
        %swap3A_1672 = arith.index_cast %squeeze3A_1659 : i32 to index
        %swap3A_1673 = arith.constant 32 : index
        %swap3A_1674 = tpu.vector_load %arg9[%swap3A_1672, %swap3A_1673] {strides = array<i32>} : memref<800x64xf32, #tpu.memory_space<vmem>>, vector<16xf32>,
        tpu.vector_store %arg9[%swap3A_1672, %swap3A_1673], %broadcast_in_dim3A_1671 {strides = array<i32>} : memref<800x64xf32, #tpu.memory_space<vmem>>, vector<16xf32>,
        %broadcast_in_dim3A_1675 = arith.constant 0.000000e+00 : f32
        %broadcast_in_dim3A_1676 = vector.broadcast %broadcast_in_dim3A_1675 : f32 to vector<16xf32>
        %swap3A_1677 = arith.index_cast %squeeze3A_1659 : i32 to index
        %swap3A_1678 = arith.constant 48 : index
        %swap3A_1679 = tpu.vector_load %arg9[%swap3A_1677, %swap3A_1678] {strides = array<i32>} : memref<800x64xf32, #tpu.memory_space<vmem>>, vector<16xf32>,
        tpu.vector_store %arg9[%swap3A_1677, %swap3A_1678], %broadcast_in_dim3A_1676 {strides = array<i32>} : memref<800x64xf32, #tpu.memory_space<vmem>>, vector<16xf32>,
        %slice3A_1680 = vector.extract_strided_slice %get3A_1507 {offsets = [8], sizes = [1], strides = [1]} : vector<16xi32> to vector<1xi32>
        %squeeze3A_1681 = vector.extract %slice3A_1680[0] : i32 from vector<1xi32>
        %broadcast_in_dim3A_1682 = arith.constant 0.000000e+00 : f32
        %broadcast_in_dim3A_1683 = vector.broadcast %broadcast_in_dim3A_1682 : f32 to vector<16xf32>
        %swap3A_1684 = arith.index_cast %squeeze3A_1681 : i32 to index
        %swap3A_1685 = arith.constant 0 : index
        %swap3A_1686 = tpu.vector_load %arg9[%swap3A_1684, %swap3A_1685] {strides = array<i32>} : memref<800x64xf32, #tpu.memory_space<vmem>>, vector<16xf32>,
        tpu.vector_store %arg9[%swap3A_1684, %swap3A_1685], %broadcast_in_dim3A_1683 {strides = array<i32>} : memref<800x64xf32, #tpu.memory_space<vmem>>, vector<16xf32>,
        %broadcast_in_dim3A_1687 = arith.constant 0.000000e+00 : f32
        %broadcast_in_dim3A_1688 = vector.broadcast %broadcast_in_dim3A_1687 : f32 to vector<16xf32>
        %swap3A_1689 = arith.index_cast %squeeze3A_1681 : i32 to index
        %swap3A_1690 = arith.constant 16 : index
        %swap3A_1691 = tpu.vector_load %arg9[%swap3A_1689, %swap3A_1690] {strides = array<i32>} : memref<800x64xf32, #tpu.memory_space<vmem>>, vector<16xf32>,
        tpu.vector_store %arg9[%swap3A_1689, %swap3A_1690], %broadcast_in_dim3A_1688 {strides = array<i32>} : memref<800x64xf32, #tpu.memory_space<vmem>>, vector<16xf32>,
        %broadcast_in_dim3A_1692 = arith.constant 0.000000e+00 : f32
        %broadcast_in_dim3A_1693 = vector.broadcast %broadcast_in_dim3A_1692 : f32 to vector<16xf32>
        %swap3A_1694 = arith.index_cast %squeeze3A_1681 : i32 to index
        %swap3A_1695 = arith.constant 32 : index
        %swap3A_1696 = tpu.vector_load %arg9[%swap3A_1694, %swap3A_1695] {strides = array<i32>} : memref<800x64xf32, #tpu.memory_space<vmem>>, vector<16xf32>,
        tpu.vector_store %arg9[%swap3A_1694, %swap3A_1695], %broadcast_in_dim3A_1693 {strides = array<i32>} : memref<800x64xf32, #tpu.memory_space<vmem>>, vector<16xf32>,
        %broadcast_in_dim3A_1697 = arith.constant 0.000000e+00 : f32
        %broadcast_in_dim3A_1698 = vector.broadcast %broadcast_in_dim3A_1697 : f32 to vector<16xf32>
        %swap3A_1699 = arith.index_cast %squeeze3A_1681 : i32 to index
        %swap3A_1700 = arith.constant 48 : index
        %swap3A_1701 = tpu.vector_load %arg9[%swap3A_1699, %swap3A_1700] {strides = array<i32>} : memref<800x64xf32, #tpu.memory_space<vmem>>, vector<16xf32>,
        tpu.vector_store %arg9[%swap3A_1699, %swap3A_1700], %broadcast_in_dim3A_1698 {strides = array<i32>} : memref<800x64xf32, #tpu.memory_space<vmem>>, vector<16xf32>,
        %slice3A_1702 = vector.extract_strided_slice %get3A_1507 {offsets = [9], sizes = [1], strides = [1]} : vector<16xi32> to vector<1xi32>
        %squeeze3A_1703 = vector.extract %slice3A_1702[0] : i32 from vector<1xi32>
        %broadcast_in_dim3A_1704 = arith.constant 0.000000e+00 : f32
        %broadcast_in_dim3A_1705 = vector.broadcast %broadcast_in_dim3A_1704 : f32 to vector<16xf32>
        %swap3A_1706 = arith.index_cast %squeeze3A_1703 : i32 to index
        %swap3A_1707 = arith.constant 0 : index
        %swap3A_1708 = tpu.vector_load %arg9[%swap3A_1706, %swap3A_1707] {strides = array<i32>} : memref<800x64xf32, #tpu.memory_space<vmem>>, vector<16xf32>,
        tpu.vector_store %arg9[%swap3A_1706, %swap3A_1707], %broadcast_in_dim3A_1705 {strides = array<i32>} : memref<800x64xf32, #tpu.memory_space<vmem>>, vector<16xf32>,
        %broadcast_in_dim3A_1709 = arith.constant 0.000000e+00 : f32
        %broadcast_in_dim3A_1710 = vector.broadcast %broadcast_in_dim3A_1709 : f32 to vector<16xf32>
        %swap3A_1711 = arith.index_cast %squeeze3A_1703 : i32 to index
        %swap3A_1712 = arith.constant 16 : index
        %swap3A_1713 = tpu.vector_load %arg9[%swap3A_1711, %swap3A_1712] {strides = array<i32>} : memref<800x64xf32, #tpu.memory_space<vmem>>, vector<16xf32>,
        tpu.vector_store %arg9[%swap3A_1711, %swap3A_1712], %broadcast_in_dim3A_1710 {strides = array<i32>} : memref<800x64xf32, #tpu.memory_space<vmem>>, vector<16xf32>,
        %broadcast_in_dim3A_1714 = arith.constant 0.000000e+00 : f32
        %broadcast_in_dim3A_1715 = vector.broadcast %broadcast_in_dim3A_1714 : f32 to vector<16xf32>
        %swap3A_1716 = arith.index_cast %squeeze3A_1703 : i32 to index
        %swap3A_1717 = arith.constant 32 : index
        %swap3A_1718 = tpu.vector_load %arg9[%swap3A_1716, %swap3A_1717] {strides = array<i32>} : memref<800x64xf32, #tpu.memory_space<vmem>>, vector<16xf32>,
        tpu.vector_store %arg9[%swap3A_1716, %swap3A_1717], %broadcast_in_dim3A_1715 {strides = array<i32>} : memref<800x64xf32, #tpu.memory_space<vmem>>, vector<16xf32>,
        %broadcast_in_dim3A_1719 = arith.constant 0.000000e+00 : f32
        %broadcast_in_dim3A_1720 = vector.broadcast %broadcast_in_dim3A_1719 : f32 to vector<16xf32>
        %swap3A_1721 = arith.index_cast %squeeze3A_1703 : i32 to index
        %swap3A_1722 = arith.constant 48 : index
        %swap3A_1723 = tpu.vector_load %arg9[%swap3A_1721, %swap3A_1722] {strides = array<i32>} : memref<800x64xf32, #tpu.memory_space<vmem>>, vector<16xf32>,
        tpu.vector_store %arg9[%swap3A_1721, %swap3A_1722], %broadcast_in_dim3A_1720 {strides = array<i32>} : memref<800x64xf32, #tpu.memory_space<vmem>>, vector<16xf32>,
        %slice3A_1724 = vector.extract_strided_slice %get3A_1507 {offsets = [10], sizes = [1], strides = [1]} : vector<16xi32> to vector<1xi32>
        %squeeze3A_1725 = vector.extract %slice3A_1724[0] : i32 from vector<1xi32>
        %broadcast_in_dim3A_1726 = arith.constant 0.000000e+00 : f32
        %broadcast_in_dim3A_1727 = vector.broadcast %broadcast_in_dim3A_1726 : f32 to vector<16xf32>
        %swap3A_1728 = arith.index_cast %squeeze3A_1725 : i32 to index
        %swap3A_1729 = arith.constant 0 : index
        %swap3A_1730 = tpu.vector_load %arg9[%swap3A_1728, %swap3A_1729] {strides = array<i32>} : memref<800x64xf32, #tpu.memory_space<vmem>>, vector<16xf32>,
        tpu.vector_store %arg9[%swap3A_1728, %swap3A_1729], %broadcast_in_dim3A_1727 {strides = array<i32>} : memref<800x64xf32, #tpu.memory_space<vmem>>, vector<16xf32>,
        %broadcast_in_dim3A_1731 = arith.constant 0.000000e+00 : f32
        %broadcast_in_dim3A_1732 = vector.broadcast %broadcast_in_dim3A_1731 : f32 to vector<16xf32>
        %swap3A_1733 = arith.index_cast %squeeze3A_1725 : i32 to index
        %swap3A_1734 = arith.constant 16 : index
        %swap3A_1735 = tpu.vector_load %arg9[%swap3A_1733, %swap3A_1734] {strides = array<i32>} : memref<800x64xf32, #tpu.memory_space<vmem>>, vector<16xf32>,
        tpu.vector_store %arg9[%swap3A_1733, %swap3A_1734], %broadcast_in_dim3A_1732 {strides = array<i32>} : memref<800x64xf32, #tpu.memory_space<vmem>>, vector<16xf32>,
        %broadcast_in_dim3A_1736 = arith.constant 0.000000e+00 : f32
        %broadcast_in_dim3A_1737 = vector.broadcast %broadcast_in_dim3A_1736 : f32 to vector<16xf32>
        %swap3A_1738 = arith.index_cast %squeeze3A_1725 : i32 to index
        %swap3A_1739 = arith.constant 32 : index
        %swap3A_1740 = tpu.vector_load %arg9[%swap3A_1738, %swap3A_1739] {strides = array<i32>} : memref<800x64xf32, #tpu.memory_space<vmem>>, vector<16xf32>,
        tpu.vector_store %arg9[%swap3A_1738, %swap3A_1739], %broadcast_in_dim3A_1737 {strides = array<i32>} : memref<800x64xf32, #tpu.memory_space<vmem>>, vector<16xf32>,
        %broadcast_in_dim3A_1741 = arith.constant 0.000000e+00 : f32
        %broadcast_in_dim3A_1742 = vector.broadcast %broadcast_in_dim3A_1741 : f32 to vector<16xf32>
        %swap3A_1743 = arith.index_cast %squeeze3A_1725 : i32 to index
        %swap3A_1744 = arith.constant 48 : index
        %swap3A_1745 = tpu.vector_load %arg9[%swap3A_1743, %swap3A_1744] {strides = array<i32>} : memref<800x64xf32, #tpu.memory_space<vmem>>, vector<16xf32>,
        tpu.vector_store %arg9[%swap3A_1743, %swap3A_1744], %broadcast_in_dim3A_1742 {strides = array<i32>} : memref<800x64xf32, #tpu.memory_space<vmem>>, vector<16xf32>,
        %slice3A_1746 = vector.extract_strided_slice %get3A_1507 {offsets = [11], sizes = [1], strides = [1]} : vector<16xi32> to vector<1xi32>
        %squeeze3A_1747 = vector.extract %slice3A_1746[0] : i32 from vector<1xi32>
        %broadcast_in_dim3A_1748 = arith.constant 0.000000e+00 : f32
        %broadcast_in_dim3A_1749 = vector.broadcast %broadcast_in_dim3A_1748 : f32 to vector<16xf32>
        %swap3A_1750 = arith.index_cast %squeeze3A_1747 : i32 to index
        %swap3A_1751 = arith.constant 0 : index
        %swap3A_1752 = tpu.vector_load %arg9[%swap3A_1750, %swap3A_1751] {strides = array<i32>} : memref<800x64xf32, #tpu.memory_space<vmem>>, vector<16xf32>,
        tpu.vector_store %arg9[%swap3A_1750, %swap3A_1751], %broadcast_in_dim3A_1749 {strides = array<i32>} : memref<800x64xf32, #tpu.memory_space<vmem>>, vector<16xf32>,
        %broadcast_in_dim3A_1753 = arith.constant 0.000000e+00 : f32
        %broadcast_in_dim3A_1754 = vector.broadcast %broadcast_in_dim3A_1753 : f32 to vector<16xf32>
        %swap3A_1755 = arith.index_cast %squeeze3A_1747 : i32 to index
        %swap3A_1756 = arith.constant 16 : index
        %swap3A_1757 = tpu.vector_load %arg9[%swap3A_1755, %swap3A_1756] {strides = array<i32>} : memref<800x64xf32, #tpu.memory_space<vmem>>, vector<16xf32>,
        tpu.vector_store %arg9[%swap3A_1755, %swap3A_1756], %broadcast_in_dim3A_1754 {strides = array<i32>} : memref<800x64xf32, #tpu.memory_space<vmem>>, vector<16xf32>,
        %broadcast_in_dim3A_1758 = arith.constant 0.000000e+00 : f32
        %broadcast_in_dim3A_1759 = vector.broadcast %broadcast_in_dim3A_1758 : f32 to vector<16xf32>
        %swap3A_1760 = arith.index_cast %squeeze3A_1747 : i32 to index
        %swap3A_1761 = arith.constant 32 : index
        %swap3A_1762 = tpu.vector_load %arg9[%swap3A_1760, %swap3A_1761] {strides = array<i32>} : memref<800x64xf32, #tpu.memory_space<vmem>>, vector<16xf32>,
        tpu.vector_store %arg9[%swap3A_1760, %swap3A_1761], %broadcast_in_dim3A_1759 {strides = array<i32>} : memref<800x64xf32, #tpu.memory_space<vmem>>, vector<16xf32>,
        %broadcast_in_dim3A_1763 = arith.constant 0.000000e+00 : f32
        %broadcast_in_dim3A_1764 = vector.broadcast %broadcast_in_dim3A_1763 : f32 to vector<16xf32>
        %swap3A_1765 = arith.index_cast %squeeze3A_1747 : i32 to index
        %swap3A_1766 = arith.constant 48 : index
        %swap3A_1767 = tpu.vector_load %arg9[%swap3A_1765, %swap3A_1766] {strides = array<i32>} : memref<800x64xf32, #tpu.memory_space<vmem>>, vector<16xf32>,
        tpu.vector_store %arg9[%swap3A_1765, %swap3A_1766], %broadcast_in_dim3A_1764 {strides = array<i32>} : memref<800x64xf32, #tpu.memory_space<vmem>>, vector<16xf32>,
        %slice3A_1768 = vector.extract_strided_slice %get3A_1507 {offsets = [12], sizes = [1], strides = [1]} : vector<16xi32> to vector<1xi32>
        %squeeze3A_1769 = vector.extract %slice3A_1768[0] : i32 from vector<1xi32>
        %broadcast_in_dim3A_1770 = arith.constant 0.000000e+00 : f32
        %broadcast_in_dim3A_1771 = vector.broadcast %broadcast_in_dim3A_1770 : f32 to vector<16xf32>
        %swap3A_1772 = arith.index_cast %squeeze3A_1769 : i32 to index
        %swap3A_1773 = arith.constant 0 : index
        %swap3A_1774 = tpu.vector_load %arg9[%swap3A_1772, %swap3A_1773] {strides = array<i32>} : memref<800x64xf32, #tpu.memory_space<vmem>>, vector<16xf32>,
        tpu.vector_store %arg9[%swap3A_1772, %swap3A_1773], %broadcast_in_dim3A_1771 {strides = array<i32>} : memref<800x64xf32, #tpu.memory_space<vmem>>, vector<16xf32>,
        %broadcast_in_dim3A_1775 = arith.constant 0.000000e+00 : f32
        %broadcast_in_dim3A_1776 = vector.broadcast %broadcast_in_dim3A_1775 : f32 to vector<16xf32>
        %swap3A_1777 = arith.index_cast %squeeze3A_1769 : i32 to index
        %swap3A_1778 = arith.constant 16 : index
        %swap3A_1779 = tpu.vector_load %arg9[%swap3A_1777, %swap3A_1778] {strides = array<i32>} : memref<800x64xf32, #tpu.memory_space<vmem>>, vector<16xf32>,
        tpu.vector_store %arg9[%swap3A_1777, %swap3A_1778], %broadcast_in_dim3A_1776 {strides = array<i32>} : memref<800x64xf32, #tpu.memory_space<vmem>>, vector<16xf32>,
        %broadcast_in_dim3A_1780 = arith.constant 0.000000e+00 : f32
        %broadcast_in_dim3A_1781 = vector.broadcast %broadcast_in_dim3A_1780 : f32 to vector<16xf32>
        %swap3A_1782 = arith.index_cast %squeeze3A_1769 : i32 to index
        %swap3A_1783 = arith.constant 32 : index
        %swap3A_1784 = tpu.vector_load %arg9[%swap3A_1782, %swap3A_1783] {strides = array<i32>} : memref<800x64xf32, #tpu.memory_space<vmem>>, vector<16xf32>,
        tpu.vector_store %arg9[%swap3A_1782, %swap3A_1783], %broadcast_in_dim3A_1781 {strides = array<i32>} : memref<800x64xf32, #tpu.memory_space<vmem>>, vector<16xf32>,
        %broadcast_in_dim3A_1785 = arith.constant 0.000000e+00 : f32
        %broadcast_in_dim3A_1786 = vector.broadcast %broadcast_in_dim3A_1785 : f32 to vector<16xf32>
        %swap3A_1787 = arith.index_cast %squeeze3A_1769 : i32 to index
        %swap3A_1788 = arith.constant 48 : index
        %swap3A_1789 = tpu.vector_load %arg9[%swap3A_1787, %swap3A_1788] {strides = array<i32>} : memref<800x64xf32, #tpu.memory_space<vmem>>, vector<16xf32>,
        tpu.vector_store %arg9[%swap3A_1787, %swap3A_1788], %broadcast_in_dim3A_1786 {strides = array<i32>} : memref<800x64xf32, #tpu.memory_space<vmem>>, vector<16xf32>,
        %slice3A_1790 = vector.extract_strided_slice %get3A_1507 {offsets = [13], sizes = [1], strides = [1]} : vector<16xi32> to vector<1xi32>
        %squeeze3A_1791 = vector.extract %slice3A_1790[0] : i32 from vector<1xi32>
        %broadcast_in_dim3A_1792 = arith.constant 0.000000e+00 : f32
        %broadcast_in_dim3A_1793 = vector.broadcast %broadcast_in_dim3A_1792 : f32 to vector<16xf32>
        %swap3A_1794 = arith.index_cast %squeeze3A_1791 : i32 to index
        %swap3A_1795 = arith.constant 0 : index
        %swap3A_1796 = tpu.vector_load %arg9[%swap3A_1794, %swap3A_1795] {strides = array<i32>} : memref<800x64xf32, #tpu.memory_space<vmem>>, vector<16xf32>,
        tpu.vector_store %arg9[%swap3A_1794, %swap3A_1795], %broadcast_in_dim3A_1793 {strides = array<i32>} : memref<800x64xf32, #tpu.memory_space<vmem>>, vector<16xf32>,
        %broadcast_in_dim3A_1797 = arith.constant 0.000000e+00 : f32
        %broadcast_in_dim3A_1798 = vector.broadcast %broadcast_in_dim3A_1797 : f32 to vector<16xf32>
        %swap3A_1799 = arith.index_cast %squeeze3A_1791 : i32 to index
        %swap3A_1800 = arith.constant 16 : index
        %swap3A_1801 = tpu.vector_load %arg9[%swap3A_1799, %swap3A_1800] {strides = array<i32>} : memref<800x64xf32, #tpu.memory_space<vmem>>, vector<16xf32>,
        tpu.vector_store %arg9[%swap3A_1799, %swap3A_1800], %broadcast_in_dim3A_1798 {strides = array<i32>} : memref<800x64xf32, #tpu.memory_space<vmem>>, vector<16xf32>,
        %broadcast_in_dim3A_1802 = arith.constant 0.000000e+00 : f32
        %broadcast_in_dim3A_1803 = vector.broadcast %broadcast_in_dim3A_1802 : f32 to vector<16xf32>
        %swap3A_1804 = arith.index_cast %squeeze3A_1791 : i32 to index
        %swap3A_1805 = arith.constant 32 : index
        %swap3A_1806 = tpu.vector_load %arg9[%swap3A_1804, %swap3A_1805] {strides = array<i32>} : memref<800x64xf32, #tpu.memory_space<vmem>>, vector<16xf32>,
        tpu.vector_store %arg9[%swap3A_1804, %swap3A_1805], %broadcast_in_dim3A_1803 {strides = array<i32>} : memref<800x64xf32, #tpu.memory_space<vmem>>, vector<16xf32>,
        %broadcast_in_dim3A_1807 = arith.constant 0.000000e+00 : f32
        %broadcast_in_dim3A_1808 = vector.broadcast %broadcast_in_dim3A_1807 : f32 to vector<16xf32>
        %swap3A_1809 = arith.index_cast %squeeze3A_1791 : i32 to index
        %swap3A_1810 = arith.constant 48 : index
        %swap3A_1811 = tpu.vector_load %arg9[%swap3A_1809, %swap3A_1810] {strides = array<i32>} : memref<800x64xf32, #tpu.memory_space<vmem>>, vector<16xf32>,
        tpu.vector_store %arg9[%swap3A_1809, %swap3A_1810], %broadcast_in_dim3A_1808 {strides = array<i32>} : memref<800x64xf32, #tpu.memory_space<vmem>>, vector<16xf32>,
        %slice3A_1812 = vector.extract_strided_slice %get3A_1507 {offsets = [14], sizes = [1], strides = [1]} : vector<16xi32> to vector<1xi32>
        %squeeze3A_1813 = vector.extract %slice3A_1812[0] : i32 from vector<1xi32>
        %broadcast_in_dim3A_1814 = arith.constant 0.000000e+00 : f32
        %broadcast_in_dim3A_1815 = vector.broadcast %broadcast_in_dim3A_1814 : f32 to vector<16xf32>
        %swap3A_1816 = arith.index_cast %squeeze3A_1813 : i32 to index
        %swap3A_1817 = arith.constant 0 : index
        %swap3A_1818 = tpu.vector_load %arg9[%swap3A_1816, %swap3A_1817] {strides = array<i32>} : memref<800x64xf32, #tpu.memory_space<vmem>>, vector<16xf32>,
        tpu.vector_store %arg9[%swap3A_1816, %swap3A_1817], %broadcast_in_dim3A_1815 {strides = array<i32>} : memref<800x64xf32, #tpu.memory_space<vmem>>, vector<16xf32>,
        %broadcast_in_dim3A_1819 = arith.constant 0.000000e+00 : f32
        %broadcast_in_dim3A_1820 = vector.broadcast %broadcast_in_dim3A_1819 : f32 to vector<16xf32>
        %swap3A_1821 = arith.index_cast %squeeze3A_1813 : i32 to index
        %swap3A_1822 = arith.constant 16 : index
        %swap3A_1823 = tpu.vector_load %arg9[%swap3A_1821, %swap3A_1822] {strides = array<i32>} : memref<800x64xf32, #tpu.memory_space<vmem>>, vector<16xf32>,
        tpu.vector_store %arg9[%swap3A_1821, %swap3A_1822], %broadcast_in_dim3A_1820 {strides = array<i32>} : memref<800x64xf32, #tpu.memory_space<vmem>>, vector<16xf32>,
        %broadcast_in_dim3A_1824 = arith.constant 0.000000e+00 : f32
        %broadcast_in_dim3A_1825 = vector.broadcast %broadcast_in_dim3A_1824 : f32 to vector<16xf32>
        %swap3A_1826 = arith.index_cast %squeeze3A_1813 : i32 to index
        %swap3A_1827 = arith.constant 32 : index
        %swap3A_1828 = tpu.vector_load %arg9[%swap3A_1826, %swap3A_1827] {strides = array<i32>} : memref<800x64xf32, #tpu.memory_space<vmem>>, vector<16xf32>,
        tpu.vector_store %arg9[%swap3A_1826, %swap3A_1827], %broadcast_in_dim3A_1825 {strides = array<i32>} : memref<800x64xf32, #tpu.memory_space<vmem>>, vector<16xf32>,
        %broadcast_in_dim3A_1829 = arith.constant 0.000000e+00 : f32
        %broadcast_in_dim3A_1830 = vector.broadcast %broadcast_in_dim3A_1829 : f32 to vector<16xf32>
        %swap3A_1831 = arith.index_cast %squeeze3A_1813 : i32 to index
        %swap3A_1832 = arith.constant 48 : index
        %swap3A_1833 = tpu.vector_load %arg9[%swap3A_1831, %swap3A_1832] {strides = array<i32>} : memref<800x64xf32, #tpu.memory_space<vmem>>, vector<16xf32>,
        tpu.vector_store %arg9[%swap3A_1831, %swap3A_1832], %broadcast_in_dim3A_1830 {strides = array<i32>} : memref<800x64xf32, #tpu.memory_space<vmem>>, vector<16xf32>,
        %slice3A_1834 = vector.extract_strided_slice %get3A_1507 {offsets = [15], sizes = [1], strides = [1]} : vector<16xi32> to vector<1xi32>
        %squeeze3A_1835 = vector.extract %slice3A_1834[0] : i32 from vector<1xi32>
        %broadcast_in_dim3A_1836 = arith.constant 0.000000e+00 : f32
        %broadcast_in_dim3A_1837 = vector.broadcast %broadcast_in_dim3A_1836 : f32 to vector<16xf32>
        %swap3A_1838 = arith.index_cast %squeeze3A_1835 : i32 to index
        %swap3A_1839 = arith.constant 0 : index
        %swap3A_1840 = tpu.vector_load %arg9[%swap3A_1838, %swap3A_1839] {strides = array<i32>} : memref<800x64xf32, #tpu.memory_space<vmem>>, vector<16xf32>,
        tpu.vector_store %arg9[%swap3A_1838, %swap3A_1839], %broadcast_in_dim3A_1837 {strides = array<i32>} : memref<800x64xf32, #tpu.memory_space<vmem>>, vector<16xf32>,
        %broadcast_in_dim3A_1841 = arith.constant 0.000000e+00 : f32
        %broadcast_in_dim3A_1842 = vector.broadcast %broadcast_in_dim3A_1841 : f32 to vector<16xf32>
        %swap3A_1843 = arith.index_cast %squeeze3A_1835 : i32 to index
        %swap3A_1844 = arith.constant 16 : index
        %swap3A_1845 = tpu.vector_load %arg9[%swap3A_1843, %swap3A_1844] {strides = array<i32>} : memref<800x64xf32, #tpu.memory_space<vmem>>, vector<16xf32>,
        tpu.vector_store %arg9[%swap3A_1843, %swap3A_1844], %broadcast_in_dim3A_1842 {strides = array<i32>} : memref<800x64xf32, #tpu.memory_space<vmem>>, vector<16xf32>,
        %broadcast_in_dim3A_1846 = arith.constant 0.000000e+00 : f32
        %broadcast_in_dim3A_1847 = vector.broadcast %broadcast_in_dim3A_1846 : f32 to vector<16xf32>
        %swap3A_1848 = arith.index_cast %squeeze3A_1835 : i32 to index
        %swap3A_1849 = arith.constant 32 : index
        %swap3A_1850 = tpu.vector_load %arg9[%swap3A_1848, %swap3A_1849] {strides = array<i32>} : memref<800x64xf32, #tpu.memory_space<vmem>>, vector<16xf32>,
        tpu.vector_store %arg9[%swap3A_1848, %swap3A_1849], %broadcast_in_dim3A_1847 {strides = array<i32>} : memref<800x64xf32, #tpu.memory_space<vmem>>, vector<16xf32>,
        %broadcast_in_dim3A_1851 = arith.constant 0.000000e+00 : f32
        %broadcast_in_dim3A_1852 = vector.broadcast %broadcast_in_dim3A_1851 : f32 to vector<16xf32>
        %swap3A_1853 = arith.index_cast %squeeze3A_1835 : i32 to index
        %swap3A_1854 = arith.constant 48 : index
        %swap3A_1855 = tpu.vector_load %arg9[%swap3A_1853, %swap3A_1854] {strides = array<i32>} : memref<800x64xf32, #tpu.memory_space<vmem>>, vector<16xf32>,
        tpu.vector_store %arg9[%swap3A_1853, %swap3A_1854], %broadcast_in_dim3A_1852 {strides = array<i32>} : memref<800x64xf32, #tpu.memory_space<vmem>>, vector<16xf32>,
      }
      "tpu.region"() ({
        %run_scoped3A = tpu.sem_alloc : memref<!tpu.dma_semaphore, #tpu.memory_space<semaphore_mem>>
        %dma_start3A_1503 = tpu.memref_slice %arg2[%mul3A_21] : memref<819200xi32, #tpu.memory_space<hbm>> -> memref<800xi32, #tpu.memory_space<hbm>>
        %dma_start3A_1504 = tpu.memref_slice %arg2[%mul3A_21] : memref<819200xi32, #tpu.memory_space<hbm>> -> memref<800xi32, #tpu.memory_space<hbm>>
        tpu.enqueue_dma source(%dma_start3A_1504 : memref<800xi32, #tpu.memory_space<hbm>>) target(%arg5 : memref<800xi32, #tpu.memory_space<vmem>>) target_semaphore(%run_scoped3A : memref<!tpu.dma_semaphore, #tpu.memory_space<semaphore_mem>>)
        %dma_wait3A_1505 = tpu.memref_slice %arg2[%mul3A_21] : memref<819200xi32, #tpu.memory_space<hbm>> -> memref<800xi32, #tpu.memory_space<hbm>>
        %dma_wait3A_1506 = tpu.memref_slice %arg2[%mul3A_21] : memref<819200xi32, #tpu.memory_space<hbm>> -> memref<800xi32, #tpu.memory_space<hbm>>
        tpu.wait_dma2 semaphore(%run_scoped3A : memref<!tpu.dma_semaphore, #tpu.memory_space<semaphore_mem>>) src(%dma_wait3A_1506 : memref<800xi32, #tpu.memory_space<hbm>>) dst(%arg5 : memref<800xi32, #tpu.memory_space<vmem>>)
        tpu.yield
      }) : () -> ()
      %scan3A_47 = arith.constant 0 : i32
      %scan3A_48 = arith.constant 0 : i32
      %scan3A_49 = arith.constant 50 : i32
      %scan3A_50 = arith.addi %scan3A_48, %scan3A_49 : i32
      %scan3A_51 = arith.constant 1 : i32
      %scan3A_52 = scf.for %scan3A_1503 = %scan3A_48 to %scan3A_50 step %scan3A_51 iter_args(%scan3A_1504 = %scan3A_47) -> (i32)  : i32 {
        %mul3A_1505 = arith.constant 16 : i32
        %mul3A_1506 = arith.muli %scan3A_1503, %mul3A_1505 : i32
        %get3A_1507 = arith.index_cast %mul3A_1506 : i32 to index
        %get3A_1508 = tpu.vector_load %arg5[%get3A_1507] {strides = array<i32>} : memref<800xi32, #tpu.memory_space<vmem>>, vector<16xi32>,
        %iota3A_1509 = tpu.iota {dimensions = array<i32: 0>} : vector<16xi32>
        %mul3A_1510 = arith.constant 16 : i32
        %mul3A_1511 = arith.muli %scan3A_1503, %mul3A_1510 : i32
        %add3A_1512 = vector.broadcast %mul3A_1511 : i32 to vector<16xi32>
        %add3A_1513 = arith.addi %iota3A_1509, %add3A_1512 : vector<16xi32>
        %jit3A_1514 = arith.constant 50 : i32
        %div3A_1515 = vector.broadcast %jit3A_1514 : i32 to vector<16xi32>
        %div3A_1516 = arith.divsi %add3A_1513, %div3A_1515 : vector<16xi32>
        %sign3A_1517 = arith.constant 0 : i32
        %sign3A_1518 = vector.broadcast %sign3A_1517 : i32 to vector<16xi32>
        %sign3A_1519 = arith.cmpi sgt, %add3A_1513, %sign3A_1518 : vector<16xi32>
        %sign3A_1520 = arith.extui %sign3A_1519 : vector<16xi1> to vector<16xi32>
        %sign3A_1521 = arith.constant 0 : i32
        %sign3A_1522 = vector.broadcast %sign3A_1521 : i32 to vector<16xi32>
        %sign3A_1523 = arith.cmpi slt, %add3A_1513, %sign3A_1522 : vector<16xi32>
        %sign3A_1524 = arith.extui %sign3A_1523 : vector<16xi1> to vector<16xi32>
        %sign3A_1525 = arith.subi %sign3A_1520, %sign3A_1524 : vector<16xi32>
        %sign3A_1526 = arith.constant 0 : i32
        %sign3A_1527 = arith.cmpi sgt, %jit3A_1514, %sign3A_1526 : i32
        %sign3A_1528 = arith.extui %sign3A_1527 : i1 to i32
        %sign3A_1529 = arith.constant 0 : i32
        %sign3A_1530 = arith.cmpi slt, %jit3A_1514, %sign3A_1529 : i32
        %sign3A_1531 = arith.extui %sign3A_1530 : i1 to i32
        %sign3A_1532 = arith.subi %sign3A_1528, %sign3A_1531 : i32
        %ne3A_1533 = vector.broadcast %sign3A_1532 : i32 to vector<16xi32>
        %ne3A_1534 = arith.cmpi ne, %sign3A_1525, %ne3A_1533 : vector<16xi32>
        %rem3A_1535 = vector.broadcast %jit3A_1514 : i32 to vector<16xi32>
        %rem3A_1536 = arith.remsi %add3A_1513, %rem3A_1535 : vector<16xi32>
        %ne3A_1537 = arith.constant 0 : i32
        %ne3A_1538 = vector.broadcast %ne3A_1537 : i32 to vector<16xi32>
        %ne3A_1539 = arith.cmpi ne, %rem3A_1536, %ne3A_1538 : vector<16xi32>
        %and3A_1540 = arith.andi %ne3A_1534, %ne3A_1539 : vector<16xi1>
        %sub3A_1541 = arith.constant 1 : i32
        %sub3A_1542 = vector.broadcast %sub3A_1541 : i32 to vector<16xi32>
        %sub3A_1543 = arith.subi %div3A_1516, %sub3A_1542 : vector<16xi32>
        %select_n3A_1544 = arith.select %and3A_1540, %sub3A_1543, %div3A_1516 : vector<16xi1>, vector<16xi32>
        %mul3A_1545 = arith.constant 50 : i32
        %mul3A_1546 = vector.broadcast %mul3A_1545 : i32 to vector<16xi32>
        %mul3A_1547 = arith.muli %select_n3A_1544, %mul3A_1546 : vector<16xi32>
        %sub3A_1548 = arith.subi %add3A_1513, %mul3A_1547 : vector<16xi32>
        %mul3A_1549 = arith.constant 16 : i32
        %mul3A_1550 = vector.broadcast %mul3A_1549 : i32 to vector<16xi32>
        %mul3A_1551 = arith.muli %sub3A_1548, %mul3A_1550 : vector<16xi32>
        %add3A_1552 = arith.addi %mul3A_1551, %select_n3A_1544 : vector<16xi32>
        %ge3A = arith.constant 0 : i32
        %ge3A_1553 = vector.broadcast %ge3A : i32 to vector<16xi32>
        %ge3A_1554 = arith.cmpi sge, %get3A_1508, %ge3A_1553 : vector<16xi32>
        %lt3A = arith.constant 250000 : i32
        %lt3A_1555 = vector.broadcast %lt3A : i32 to vector<16xi32>
        %lt3A_1556 = arith.cmpi slt, %get3A_1508, %lt3A_1555 : vector<16xi32>
        %and3A_1557 = arith.andi %ge3A_1554, %lt3A_1556 : vector<16xi1>
        %sub3A_1558 = arith.constant 0 : i32
        %sub3A_1559 = vector.broadcast %sub3A_1558 : i32 to vector<16xi32>
        %sub3A_1560 = arith.subi %get3A_1508, %sub3A_1559 : vector<16xi32>
        %swap3A = arith.index_cast %scan3A_1504 : i32 to index
        %swap3A_1561 = tpu.vector_load %arg6[%swap3A] masked %and3A_1557 {strides = array<i32>} : memref<912xi32, #tpu.memory_space<vmem>>, vector<16xi32>, vector<16xi1>
        tpu.vector_store %arg6[%swap3A], %sub3A_1560 masked %and3A_1557 {strides = array<i32>} : memref<912xi32, #tpu.memory_space<vmem>>, vector<16xi32>, vector<16xi1>
        %swap3A_1562 = arith.index_cast %scan3A_1504 : i32 to index
        %swap3A_1563 = tpu.vector_load %arg7[%swap3A_1562] masked %and3A_1557 {strides = array<i32>} : memref<912xi32, #tpu.memory_space<vmem>>, vector<16xi32>, vector<16xi1>
        tpu.vector_store %arg7[%swap3A_1562], %add3A_1552 masked %and3A_1557 {strides = array<i32>} : memref<912xi32, #tpu.memory_space<vmem>>, vector<16xi32>, vector<16xi1>
        %all_reduce_population_count3A = tpu.all_reduce %and3A_1557 {dim = 0 : i64, kind = #tpu.reduction_kind<sum>} : vector<16xi1> -> vector<16xi32>
        %reduce_max3A = arith.constant true
        %reduce_max3A_1564 = vector.broadcast %reduce_max3A : i1 to vector<16xi1>
        %reduce_max3A_1565 = arith.constant -2147483648 : i32
        %reduce_max3A_1566 = vector.broadcast %reduce_max3A_1565 : i32 to vector<16xi32>
        %reduce_max3A_1567 = arith.xori %all_reduce_population_count3A, %reduce_max3A_1566 : vector<16xi32>
        %reduce_max3A_1568 = tpu.scan <max>, %reduce_max3A_1567 masked %reduce_max3A_1564 : vector<16xi32>, vector<16xi1> -> vector<16xi32>
        %reduce_max3A_1569 = arith.xori %reduce_max3A_1568, %reduce_max3A_1566 : vector<16xi32>
        %reduce_max3A_1570 = vector.extract %reduce_max3A_1569[15] : i32 from vector<16xi32>
        %add3A_1571 = arith.addi %scan3A_1504, %reduce_max3A_1570 : i32
        scf.yield %add3A_1571 : i32
      }
      %scan3A_53 = arith.constant 50 : i32
      %add3A_54 = arith.constant 128 : i32
      %add3A_55 = arith.addi %scan3A_52, %add3A_54 : i32
      %sub3A_56 = arith.constant 1 : i32
      %sub3A_57 = arith.subi %add3A_55, %sub3A_56 : i32
      %jit3A_58 = arith.constant 128 : i32
      %div3A_59 = arith.divsi %sub3A_57, %jit3A_58 : i32
      %sign3A_60 = arith.constant 0 : i32
      %sign3A_61 = arith.cmpi sgt, %sub3A_57, %sign3A_60 : i32
      %sign3A_62 = arith.extui %sign3A_61 : i1 to i32
      %sign3A_63 = arith.constant 0 : i32
      %sign3A_64 = arith.cmpi slt, %sub3A_57, %sign3A_63 : i32
      %sign3A_65 = arith.extui %sign3A_64 : i1 to i32
      %sign3A_66 = arith.subi %sign3A_62, %sign3A_65 : i32
      %sign3A_67 = arith.constant 0 : i32
      %sign3A_68 = arith.cmpi sgt, %jit3A_58, %sign3A_67 : i32
      %sign3A_69 = arith.extui %sign3A_68 : i1 to i32
      %sign3A_70 = arith.constant 0 : i32
      %sign3A_71 = arith.cmpi slt, %jit3A_58, %sign3A_70 : i32
      %sign3A_72 = arith.extui %sign3A_71 : i1 to i32
      %sign3A_73 = arith.subi %sign3A_69, %sign3A_72 : i32
      %ne3A_74 = arith.cmpi ne, %sign3A_66, %sign3A_73 : i32
      %rem3A_75 = arith.remsi %sub3A_57, %jit3A_58 : i32
      %ne3A_76 = arith.constant 0 : i32
      %ne3A_77 = arith.cmpi ne, %rem3A_75, %ne3A_76 : i32
      %and3A_78 = arith.andi %ne3A_74, %ne3A_77 : i1
      %sub3A_79 = arith.constant 1 : i32
      %sub3A_80 = arith.subi %div3A_59, %sub3A_79 : i32
      %select_n3A_81 = arith.select %and3A_78, %sub3A_80, %div3A_59 : i32
      %mul3A_82 = arith.constant 128 : i32
      %mul3A_83 = arith.muli %select_n3A_81, %mul3A_82 : i32
      %get3A = arith.constant 0 : index
      %get3A_84 = tpu.vector_load %arg6[%get3A] {strides = array<i32>} : memref<912xi32, #tpu.memory_space<vmem>>, vector<16xi32>,
      %iota3A = tpu.iota {dimensions = array<i32: 0>} : vector<16xi32>
      %mul3A_85 = arith.constant 0 : i32
      %mul3A_86 = vector.broadcast %mul3A_85 : i32 to vector<16xi32>
      %mul3A_87 = arith.muli %iota3A, %mul3A_86 : vector<16xi32>
      %reshape3A = vector.shape_cast %mul3A_87 : vector<16xi32> to vector<16x1xi32>
      %gather3A = vector.shape_cast %reshape3A : vector<16x1xi32> to vector<16xi32>
      %gather3A_88 = tpu.dynamic_gather %get3A_84[%gather3A] in [0] : vector<16xi32>, vector<16xi32> -> vector<16xi32>
      %get3A_89 = arith.constant 0 : index
      %get3A_90 = tpu.vector_load %arg7[%get3A_89] {strides = array<i32>} : memref<912xi32, #tpu.memory_space<vmem>>, vector<16xi32>,
      %iota3A_91 = tpu.iota {dimensions = array<i32: 0>} : vector<16xi32>
      %mul3A_92 = arith.constant 0 : i32
      %mul3A_93 = vector.broadcast %mul3A_92 : i32 to vector<16xi32>
      %mul3A_94 = arith.muli %iota3A_91, %mul3A_93 : vector<16xi32>
      %reshape3A_95 = vector.shape_cast %mul3A_94 : vector<16xi32> to vector<16x1xi32>
      %gather3A_96 = vector.shape_cast %reshape3A_95 : vector<16x1xi32> to vector<16xi32>
      %gather3A_97 = tpu.dynamic_gather %get3A_90[%gather3A_96] in [0] : vector<16xi32>, vector<16xi32> -> vector<16xi32>
      %scan3A_98 = arith.constant 0 : i32
      %scan3A_99 = arith.constant 0 : i32
      %scan3A_100 = arith.constant 8 : i32
      %scan3A_101 = arith.addi %scan3A_99, %scan3A_100 : i32
      %scan3A_102 = arith.constant 1 : i32
      scf.for %scan3A_1503 = %scan3A_99 to %scan3A_101 step %scan3A_102  : i32 {
        %mul3A_1504 = arith.constant 16 : i32
        %mul3A_1505 = arith.muli %scan3A_1503, %mul3A_1504 : i32
        %add3A_1506 = arith.addi %scan3A_52, %mul3A_1505 : i32
        %lt3A = arith.cmpi slt, %add3A_1506, %mul3A_83 : i32
        %convert_element_type3A_1507 = arith.extui %lt3A : i1 to i32
        %cond3A_1508 = arith.constant 0 : i32
        %cond3A_1509 = arith.cmpi ne, %convert_element_type3A_1507, %cond3A_1508 : i32
        scf.if %cond3A_1509 {
          %mul3A_1510 = arith.constant 16 : i32
          %mul3A_1511 = arith.muli %scan3A_1503, %mul3A_1510 : i32
          %add3A_1512 = arith.addi %scan3A_52, %mul3A_1511 : i32
          %swap3A = arith.index_cast %add3A_1512 : i32 to index
          %swap3A_1513 = tpu.vector_load %arg6[%swap3A] {strides = array<i32>} : memref<912xi32, #tpu.memory_space<vmem>>, vector<16xi32>,
          tpu.vector_store %arg6[%swap3A], %gather3A_88 {strides = array<i32>} : memref<912xi32, #tpu.memory_space<vmem>>, vector<16xi32>,
          %mul3A_1514 = arith.constant 16 : i32
          %mul3A_1515 = arith.muli %scan3A_1503, %mul3A_1514 : i32
          %add3A_1516 = arith.addi %scan3A_52, %mul3A_1515 : i32
          %swap3A_1517 = arith.index_cast %add3A_1516 : i32 to index
          %swap3A_1518 = tpu.vector_load %arg7[%swap3A_1517] {strides = array<i32>} : memref<912xi32, #tpu.memory_space<vmem>>, vector<16xi32>,
          tpu.vector_store %arg7[%swap3A_1517], %gather3A_97 {strides = array<i32>} : memref<912xi32, #tpu.memory_space<vmem>>, vector<16xi32>,
        } else {
        }
      }
      %scan3A_103 = arith.constant 8 : i32
      %gt3A = arith.constant 0 : i32
      %gt3A_104 = arith.cmpi sgt, %scan3A_52, %gt3A : i32
      %convert_element_type3A = arith.extui %gt3A_104 : i1 to i32
      %cond3A = arith.constant 0 : i32
      %cond3A_105 = arith.cmpi ne, %convert_element_type3A, %cond3A : i32
      scf.if %cond3A_105 {
        %dma_start3A_1503 = arith.constant 0 : i32
        %dma_start3A_1504 = arith.constant 0 : i32
        %dma_start3A_1505 = tpu.memref_slice %arg8[%dma_start3A_1503, %dma_start3A_1504] : memref<896x64xf32, #tpu.memory_space<vmem>> -> memref<128x64xf32, #tpu.memory_space<vmem>>
        %dma_start3A_1506 = arith.constant 0 : i32
        %dma_start3A_1507 = tpu.memref_slice %arg6[%dma_start3A_1506] : memref<912xi32, #tpu.memory_space<vmem>> -> memref<128xi32, #tpu.memory_space<vmem>>
        %dma_start3A_1508 = arith.constant 0 : i32
        %dma_start3A_1509 = arith.constant 0 : i32
        %dma_start3A_1510 = tpu.memref_slice %arg3[%dma_start3A_1508, %dma_start3A_1509] : memref<250000x64xf32, #tpu.memory_space<hbm>> -> memref<250000x64xf32, #tpu.memory_space<hbm>>
        tpu.enqueue_indirect_dma source(%dma_start3A_1510 : memref<250000x64xf32, #tpu.memory_space<hbm>>) target(%dma_start3A_1505 : memref<128x64xf32, #tpu.memory_space<vmem>>) offsets(%dma_start3A_1507 : memref<128xi32, #tpu.memory_space<vmem>>) semaphore(%arg10 : memref<!tpu.dma_semaphore, #tpu.memory_space<semaphore_mem>>)
      } else {
      }
      %gt3A_106 = arith.constant 128 : i32
      %gt3A_107 = arith.cmpi sgt, %scan3A_52, %gt3A_106 : i32
      %convert_element_type3A_108 = arith.extui %gt3A_107 : i1 to i32
      %cond3A_109 = arith.constant 0 : i32
      %cond3A_110 = arith.cmpi ne, %convert_element_type3A_108, %cond3A_109 : i32
      scf.if %cond3A_110 {
        %dma_start3A_1503 = arith.constant 128 : i32
        %dma_start3A_1504 = arith.constant 0 : i32
        %dma_start3A_1505 = tpu.memref_slice %arg8[%dma_start3A_1503, %dma_start3A_1504] : memref<896x64xf32, #tpu.memory_space<vmem>> -> memref<128x64xf32, #tpu.memory_space<vmem>>
        %dma_start3A_1506 = arith.constant 128 : i32
        %dma_start3A_1507 = tpu.memref_slice %arg6[%dma_start3A_1506] : memref<912xi32, #tpu.memory_space<vmem>> -> memref<128xi32, #tpu.memory_space<vmem>>
        %dma_start3A_1508 = arith.constant 0 : i32
        %dma_start3A_1509 = arith.constant 0 : i32
        %dma_start3A_1510 = tpu.memref_slice %arg3[%dma_start3A_1508, %dma_start3A_1509] : memref<250000x64xf32, #tpu.memory_space<hbm>> -> memref<250000x64xf32, #tpu.memory_space<hbm>>
        tpu.enqueue_indirect_dma source(%dma_start3A_1510 : memref<250000x64xf32, #tpu.memory_space<hbm>>) target(%dma_start3A_1505 : memref<128x64xf32, #tpu.memory_space<vmem>>) offsets(%dma_start3A_1507 : memref<128xi32, #tpu.memory_space<vmem>>) semaphore(%arg10 : memref<!tpu.dma_semaphore, #tpu.memory_space<semaphore_mem>>)
      } else {
      }
      %gt3A_111 = arith.constant 256 : i32
      %gt3A_112 = arith.cmpi sgt, %scan3A_52, %gt3A_111 : i32
      %convert_element_type3A_113 = arith.extui %gt3A_112 : i1 to i32
      %cond3A_114 = arith.constant 0 : i32
      %cond3A_115 = arith.cmpi ne, %convert_element_type3A_113, %cond3A_114 : i32
      scf.if %cond3A_115 {
        %dma_start3A_1503 = arith.constant 256 : i32
        %dma_start3A_1504 = arith.constant 0 : i32
        %dma_start3A_1505 = tpu.memref_slice %arg8[%dma_start3A_1503, %dma_start3A_1504] : memref<896x64xf32, #tpu.memory_space<vmem>> -> memref<128x64xf32, #tpu.memory_space<vmem>>
        %dma_start3A_1506 = arith.constant 256 : i32
        %dma_start3A_1507 = tpu.memref_slice %arg6[%dma_start3A_1506] : memref<912xi32, #tpu.memory_space<vmem>> -> memref<128xi32, #tpu.memory_space<vmem>>
        %dma_start3A_1508 = arith.constant 0 : i32
        %dma_start3A_1509 = arith.constant 0 : i32
        %dma_start3A_1510 = tpu.memref_slice %arg3[%dma_start3A_1508, %dma_start3A_1509] : memref<250000x64xf32, #tpu.memory_space<hbm>> -> memref<250000x64xf32, #tpu.memory_space<hbm>>
        tpu.enqueue_indirect_dma source(%dma_start3A_1510 : memref<250000x64xf32, #tpu.memory_space<hbm>>) target(%dma_start3A_1505 : memref<128x64xf32, #tpu.memory_space<vmem>>) offsets(%dma_start3A_1507 : memref<128xi32, #tpu.memory_space<vmem>>) semaphore(%arg10 : memref<!tpu.dma_semaphore, #tpu.memory_space<semaphore_mem>>)
      } else {
      }
      %gt3A_116 = arith.constant 384 : i32
      %gt3A_117 = arith.cmpi sgt, %scan3A_52, %gt3A_116 : i32
      %convert_element_type3A_118 = arith.extui %gt3A_117 : i1 to i32
      %cond3A_119 = arith.constant 0 : i32
      %cond3A_120 = arith.cmpi ne, %convert_element_type3A_118, %cond3A_119 : i32
      scf.if %cond3A_120 {
        %dma_start3A_1503 = arith.constant 384 : i32
        %dma_start3A_1504 = arith.constant 0 : i32
        %dma_start3A_1505 = tpu.memref_slice %arg8[%dma_start3A_1503, %dma_start3A_1504] : memref<896x64xf32, #tpu.memory_space<vmem>> -> memref<128x64xf32, #tpu.memory_space<vmem>>
        %dma_start3A_1506 = arith.constant 384 : i32
        %dma_start3A_1507 = tpu.memref_slice %arg6[%dma_start3A_1506] : memref<912xi32, #tpu.memory_space<vmem>> -> memref<128xi32, #tpu.memory_space<vmem>>
        %dma_start3A_1508 = arith.constant 0 : i32
        %dma_start3A_1509 = arith.constant 0 : i32
        %dma_start3A_1510 = tpu.memref_slice %arg3[%dma_start3A_1508, %dma_start3A_1509] : memref<250000x64xf32, #tpu.memory_space<hbm>> -> memref<250000x64xf32, #tpu.memory_space<hbm>>
        tpu.enqueue_indirect_dma source(%dma_start3A_1510 : memref<250000x64xf32, #tpu.memory_space<hbm>>) target(%dma_start3A_1505 : memref<128x64xf32, #tpu.memory_space<vmem>>) offsets(%dma_start3A_1507 : memref<128xi32, #tpu.memory_space<vmem>>) semaphore(%arg10 : memref<!tpu.dma_semaphore, #tpu.memory_space<semaphore_mem>>)
      } else {
      }
      %gt3A_121 = arith.constant 512 : i32
      %gt3A_122 = arith.cmpi sgt, %scan3A_52, %gt3A_121 : i32
      %convert_element_type3A_123 = arith.extui %gt3A_122 : i1 to i32
      %cond3A_124 = arith.constant 0 : i32
      %cond3A_125 = arith.cmpi ne, %convert_element_type3A_123, %cond3A_124 : i32
      scf.if %cond3A_125 {
        %dma_start3A_1503 = arith.constant 512 : i32
        %dma_start3A_1504 = arith.constant 0 : i32
        %dma_start3A_1505 = tpu.memref_slice %arg8[%dma_start3A_1503, %dma_start3A_1504] : memref<896x64xf32, #tpu.memory_space<vmem>> -> memref<128x64xf32, #tpu.memory_space<vmem>>
        %dma_start3A_1506 = arith.constant 512 : i32
        %dma_start3A_1507 = tpu.memref_slice %arg6[%dma_start3A_1506] : memref<912xi32, #tpu.memory_space<vmem>> -> memref<128xi32, #tpu.memory_space<vmem>>
        %dma_start3A_1508 = arith.constant 0 : i32
        %dma_start3A_1509 = arith.constant 0 : i32
        %dma_start3A_1510 = tpu.memref_slice %arg3[%dma_start3A_1508, %dma_start3A_1509] : memref<250000x64xf32, #tpu.memory_space<hbm>> -> memref<250000x64xf32, #tpu.memory_space<hbm>>
        tpu.enqueue_indirect_dma source(%dma_start3A_1510 : memref<250000x64xf32, #tpu.memory_space<hbm>>) target(%dma_start3A_1505 : memref<128x64xf32, #tpu.memory_space<vmem>>) offsets(%dma_start3A_1507 : memref<128xi32, #tpu.memory_space<vmem>>) semaphore(%arg10 : memref<!tpu.dma_semaphore, #tpu.memory_space<semaphore_mem>>)
      } else {
      }
      %gt3A_126 = arith.constant 640 : i32
      %gt3A_127 = arith.cmpi sgt, %scan3A_52, %gt3A_126 : i32
      %convert_element_type3A_128 = arith.extui %gt3A_127 : i1 to i32
      %cond3A_129 = arith.constant 0 : i32
      %cond3A_130 = arith.cmpi ne, %convert_element_type3A_128, %cond3A_129 : i32
      scf.if %cond3A_130 {
        %dma_start3A_1503 = arith.constant 640 : i32
        %dma_start3A_1504 = arith.constant 0 : i32
        %dma_start3A_1505 = tpu.memref_slice %arg8[%dma_start3A_1503, %dma_start3A_1504] : memref<896x64xf32, #tpu.memory_space<vmem>> -> memref<128x64xf32, #tpu.memory_space<vmem>>
        %dma_start3A_1506 = arith.constant 640 : i32
        %dma_start3A_1507 = tpu.memref_slice %arg6[%dma_start3A_1506] : memref<912xi32, #tpu.memory_space<vmem>> -> memref<128xi32, #tpu.memory_space<vmem>>
        %dma_start3A_1508 = arith.constant 0 : i32
        %dma_start3A_1509 = arith.constant 0 : i32
        %dma_start3A_1510 = tpu.memref_slice %arg3[%dma_start3A_1508, %dma_start3A_1509] : memref<250000x64xf32, #tpu.memory_space<hbm>> -> memref<250000x64xf32, #tpu.memory_space<hbm>>
        tpu.enqueue_indirect_dma source(%dma_start3A_1510 : memref<250000x64xf32, #tpu.memory_space<hbm>>) target(%dma_start3A_1505 : memref<128x64xf32, #tpu.memory_space<vmem>>) offsets(%dma_start3A_1507 : memref<128xi32, #tpu.memory_space<vmem>>) semaphore(%arg10 : memref<!tpu.dma_semaphore, #tpu.memory_space<semaphore_mem>>)
      } else {
      }
      %gt3A_131 = arith.constant 768 : i32
      %gt3A_132 = arith.cmpi sgt, %scan3A_52, %gt3A_131 : i32
      %convert_element_type3A_133 = arith.extui %gt3A_132 : i1 to i32
      %cond3A_134 = arith.constant 0 : i32
      %cond3A_135 = arith.cmpi ne, %convert_element_type3A_133, %cond3A_134 : i32
      scf.if %cond3A_135 {
        %dma_start3A_1503 = arith.constant 768 : i32
        %dma_start3A_1504 = arith.constant 0 : i32
        %dma_start3A_1505 = tpu.memref_slice %arg8[%dma_start3A_1503, %dma_start3A_1504] : memref<896x64xf32, #tpu.memory_space<vmem>> -> memref<128x64xf32, #tpu.memory_space<vmem>>
        %dma_start3A_1506 = arith.constant 768 : i32
        %dma_start3A_1507 = tpu.memref_slice %arg6[%dma_start3A_1506] : memref<912xi32, #tpu.memory_space<vmem>> -> memref<128xi32, #tpu.memory_space<vmem>>
        %dma_start3A_1508 = arith.constant 0 : i32
        %dma_start3A_1509 = arith.constant 0 : i32
        %dma_start3A_1510 = tpu.memref_slice %arg3[%dma_start3A_1508, %dma_start3A_1509] : memref<250000x64xf32, #tpu.memory_space<hbm>> -> memref<250000x64xf32, #tpu.memory_space<hbm>>
        tpu.enqueue_indirect_dma source(%dma_start3A_1510 : memref<250000x64xf32, #tpu.memory_space<hbm>>) target(%dma_start3A_1505 : memref<128x64xf32, #tpu.memory_space<vmem>>) offsets(%dma_start3A_1507 : memref<128xi32, #tpu.memory_space<vmem>>) semaphore(%arg10 : memref<!tpu.dma_semaphore, #tpu.memory_space<semaphore_mem>>)
      } else {
      }
      %gt3A_136 = arith.constant 0 : i32
      %gt3A_137 = arith.cmpi sgt, %scan3A_52, %gt3A_136 : i32
      %convert_element_type3A_138 = arith.extui %gt3A_137 : i1 to i32
      %cond3A_139 = arith.constant 0 : i32
      %cond3A_140 = arith.cmpi ne, %convert_element_type3A_138, %cond3A_139 : i32
      scf.if %cond3A_140 {
        %dma_wait3A_1503 = arith.constant 0 : i32
        %dma_wait3A_1504 = arith.constant 0 : i32
        %dma_wait3A_1505 = tpu.memref_slice %arg8[%dma_wait3A_1503, %dma_wait3A_1504] : memref<896x64xf32, #tpu.memory_space<vmem>> -> memref<128x64xf32, #tpu.memory_space<vmem>>
        %dma_wait3A_1506 = arith.constant 0 : i32
        %dma_wait3A_1507 = tpu.memref_slice %arg6[%dma_wait3A_1506] : memref<912xi32, #tpu.memory_space<vmem>> -> memref<128xi32, #tpu.memory_space<vmem>>
        %dma_wait3A_1508 = arith.constant 0 : i32
        %dma_wait3A_1509 = arith.constant 0 : i32
        %dma_wait3A_1510 = tpu.memref_slice %arg3[%dma_wait3A_1508, %dma_wait3A_1509] : memref<250000x64xf32, #tpu.memory_space<hbm>> -> memref<250000x64xf32, #tpu.memory_space<hbm>>
        tpu.wait_indirect_dma semaphore(%arg10 : memref<!tpu.dma_semaphore, #tpu.memory_space<semaphore_mem>>) src(%dma_wait3A_1510 : memref<250000x64xf32, #tpu.memory_space<hbm>>) dst(%dma_wait3A_1505 : memref<128x64xf32, #tpu.memory_space<vmem>>)
      } else {
      }
      %gt3A_141 = arith.constant 128 : i32
      %gt3A_142 = arith.cmpi sgt, %scan3A_52, %gt3A_141 : i32
      %convert_element_type3A_143 = arith.extui %gt3A_142 : i1 to i32
      %cond3A_144 = arith.constant 0 : i32
      %cond3A_145 = arith.cmpi ne, %convert_element_type3A_143, %cond3A_144 : i32
      scf.if %cond3A_145 {
        %dma_wait3A_1503 = arith.constant 128 : i32
        %dma_wait3A_1504 = arith.constant 0 : i32
        %dma_wait3A_1505 = tpu.memref_slice %arg8[%dma_wait3A_1503, %dma_wait3A_1504] : memref<896x64xf32, #tpu.memory_space<vmem>> -> memref<128x64xf32, #tpu.memory_space<vmem>>
        %dma_wait3A_1506 = arith.constant 128 : i32
        %dma_wait3A_1507 = tpu.memref_slice %arg6[%dma_wait3A_1506] : memref<912xi32, #tpu.memory_space<vmem>> -> memref<128xi32, #tpu.memory_space<vmem>>
        %dma_wait3A_1508 = arith.constant 0 : i32
        %dma_wait3A_1509 = arith.constant 0 : i32
        %dma_wait3A_1510 = tpu.memref_slice %arg3[%dma_wait3A_1508, %dma_wait3A_1509] : memref<250000x64xf32, #tpu.memory_space<hbm>> -> memref<250000x64xf32, #tpu.memory_space<hbm>>
        tpu.wait_indirect_dma semaphore(%arg10 : memref<!tpu.dma_semaphore, #tpu.memory_space<semaphore_mem>>) src(%dma_wait3A_1510 : memref<250000x64xf32, #tpu.memory_space<hbm>>) dst(%dma_wait3A_1505 : memref<128x64xf32, #tpu.memory_space<vmem>>)
      } else {
      }
      %gt3A_146 = arith.constant 256 : i32
      %gt3A_147 = arith.cmpi sgt, %scan3A_52, %gt3A_146 : i32
      %convert_element_type3A_148 = arith.extui %gt3A_147 : i1 to i32
      %cond3A_149 = arith.constant 0 : i32
      %cond3A_150 = arith.cmpi ne, %convert_element_type3A_148, %cond3A_149 : i32
      scf.if %cond3A_150 {
        %dma_wait3A_1503 = arith.constant 256 : i32
        %dma_wait3A_1504 = arith.constant 0 : i32
        %dma_wait3A_1505 = tpu.memref_slice %arg8[%dma_wait3A_1503, %dma_wait3A_1504] : memref<896x64xf32, #tpu.memory_space<vmem>> -> memref<128x64xf32, #tpu.memory_space<vmem>>
        %dma_wait3A_1506 = arith.constant 256 : i32
        %dma_wait3A_1507 = tpu.memref_slice %arg6[%dma_wait3A_1506] : memref<912xi32, #tpu.memory_space<vmem>> -> memref<128xi32, #tpu.memory_space<vmem>>
        %dma_wait3A_1508 = arith.constant 0 : i32
        %dma_wait3A_1509 = arith.constant 0 : i32
        %dma_wait3A_1510 = tpu.memref_slice %arg3[%dma_wait3A_1508, %dma_wait3A_1509] : memref<250000x64xf32, #tpu.memory_space<hbm>> -> memref<250000x64xf32, #tpu.memory_space<hbm>>
        tpu.wait_indirect_dma semaphore(%arg10 : memref<!tpu.dma_semaphore, #tpu.memory_space<semaphore_mem>>) src(%dma_wait3A_1510 : memref<250000x64xf32, #tpu.memory_space<hbm>>) dst(%dma_wait3A_1505 : memref<128x64xf32, #tpu.memory_space<vmem>>)
      } else {
      }
      %gt3A_151 = arith.constant 384 : i32
      %gt3A_152 = arith.cmpi sgt, %scan3A_52, %gt3A_151 : i32
      %convert_element_type3A_153 = arith.extui %gt3A_152 : i1 to i32
      %cond3A_154 = arith.constant 0 : i32
      %cond3A_155 = arith.cmpi ne, %convert_element_type3A_153, %cond3A_154 : i32
      scf.if %cond3A_155 {
        %dma_wait3A_1503 = arith.constant 384 : i32
        %dma_wait3A_1504 = arith.constant 0 : i32
        %dma_wait3A_1505 = tpu.memref_slice %arg8[%dma_wait3A_1503, %dma_wait3A_1504] : memref<896x64xf32, #tpu.memory_space<vmem>> -> memref<128x64xf32, #tpu.memory_space<vmem>>
        %dma_wait3A_1506 = arith.constant 384 : i32
        %dma_wait3A_1507 = tpu.memref_slice %arg6[%dma_wait3A_1506] : memref<912xi32, #tpu.memory_space<vmem>> -> memref<128xi32, #tpu.memory_space<vmem>>
        %dma_wait3A_1508 = arith.constant 0 : i32
        %dma_wait3A_1509 = arith.constant 0 : i32
        %dma_wait3A_1510 = tpu.memref_slice %arg3[%dma_wait3A_1508, %dma_wait3A_1509] : memref<250000x64xf32, #tpu.memory_space<hbm>> -> memref<250000x64xf32, #tpu.memory_space<hbm>>
        tpu.wait_indirect_dma semaphore(%arg10 : memref<!tpu.dma_semaphore, #tpu.memory_space<semaphore_mem>>) src(%dma_wait3A_1510 : memref<250000x64xf32, #tpu.memory_space<hbm>>) dst(%dma_wait3A_1505 : memref<128x64xf32, #tpu.memory_space<vmem>>)
      } else {
      }
      %gt3A_156 = arith.constant 512 : i32
      %gt3A_157 = arith.cmpi sgt, %scan3A_52, %gt3A_156 : i32
      %convert_element_type3A_158 = arith.extui %gt3A_157 : i1 to i32
      %cond3A_159 = arith.constant 0 : i32
      %cond3A_160 = arith.cmpi ne, %convert_element_type3A_158, %cond3A_159 : i32
      scf.if %cond3A_160 {
        %dma_wait3A_1503 = arith.constant 512 : i32
        %dma_wait3A_1504 = arith.constant 0 : i32
        %dma_wait3A_1505 = tpu.memref_slice %arg8[%dma_wait3A_1503, %dma_wait3A_1504] : memref<896x64xf32, #tpu.memory_space<vmem>> -> memref<128x64xf32, #tpu.memory_space<vmem>>
        %dma_wait3A_1506 = arith.constant 512 : i32
        %dma_wait3A_1507 = tpu.memref_slice %arg6[%dma_wait3A_1506] : memref<912xi32, #tpu.memory_space<vmem>> -> memref<128xi32, #tpu.memory_space<vmem>>
        %dma_wait3A_1508 = arith.constant 0 : i32
        %dma_wait3A_1509 = arith.constant 0 : i32
        %dma_wait3A_1510 = tpu.memref_slice %arg3[%dma_wait3A_1508, %dma_wait3A_1509] : memref<250000x64xf32, #tpu.memory_space<hbm>> -> memref<250000x64xf32, #tpu.memory_space<hbm>>
        tpu.wait_indirect_dma semaphore(%arg10 : memref<!tpu.dma_semaphore, #tpu.memory_space<semaphore_mem>>) src(%dma_wait3A_1510 : memref<250000x64xf32, #tpu.memory_space<hbm>>) dst(%dma_wait3A_1505 : memref<128x64xf32, #tpu.memory_space<vmem>>)
      } else {
      }
      %gt3A_161 = arith.constant 640 : i32
      %gt3A_162 = arith.cmpi sgt, %scan3A_52, %gt3A_161 : i32
      %convert_element_type3A_163 = arith.extui %gt3A_162 : i1 to i32
      %cond3A_164 = arith.constant 0 : i32
      %cond3A_165 = arith.cmpi ne, %convert_element_type3A_163, %cond3A_164 : i32
      scf.if %cond3A_165 {
        %dma_wait3A_1503 = arith.constant 640 : i32
        %dma_wait3A_1504 = arith.constant 0 : i32
        %dma_wait3A_1505 = tpu.memref_slice %arg8[%dma_wait3A_1503, %dma_wait3A_1504] : memref<896x64xf32, #tpu.memory_space<vmem>> -> memref<128x64xf32, #tpu.memory_space<vmem>>
        %dma_wait3A_1506 = arith.constant 640 : i32
        %dma_wait3A_1507 = tpu.memref_slice %arg6[%dma_wait3A_1506] : memref<912xi32, #tpu.memory_space<vmem>> -> memref<128xi32, #tpu.memory_space<vmem>>
        %dma_wait3A_1508 = arith.constant 0 : i32
        %dma_wait3A_1509 = arith.constant 0 : i32
        %dma_wait3A_1510 = tpu.memref_slice %arg3[%dma_wait3A_1508, %dma_wait3A_1509] : memref<250000x64xf32, #tpu.memory_space<hbm>> -> memref<250000x64xf32, #tpu.memory_space<hbm>>
        tpu.wait_indirect_dma semaphore(%arg10 : memref<!tpu.dma_semaphore, #tpu.memory_space<semaphore_mem>>) src(%dma_wait3A_1510 : memref<250000x64xf32, #tpu.memory_space<hbm>>) dst(%dma_wait3A_1505 : memref<128x64xf32, #tpu.memory_space<vmem>>)
      } else {
      }
      %gt3A_166 = arith.constant 768 : i32
      %gt3A_167 = arith.cmpi sgt, %scan3A_52, %gt3A_166 : i32
      %convert_element_type3A_168 = arith.extui %gt3A_167 : i1 to i32
      %cond3A_169 = arith.constant 0 : i32
      %cond3A_170 = arith.cmpi ne, %convert_element_type3A_168, %cond3A_169 : i32
      scf.if %cond3A_170 {
        %dma_wait3A_1503 = arith.constant 768 : i32
        %dma_wait3A_1504 = arith.constant 0 : i32
        %dma_wait3A_1505 = tpu.memref_slice %arg8[%dma_wait3A_1503, %dma_wait3A_1504] : memref<896x64xf32, #tpu.memory_space<vmem>> -> memref<128x64xf32, #tpu.memory_space<vmem>>
        %dma_wait3A_1506 = arith.constant 768 : i32
        %dma_wait3A_1507 = tpu.memref_slice %arg6[%dma_wait3A_1506] : memref<912xi32, #tpu.memory_space<vmem>> -> memref<128xi32, #tpu.memory_space<vmem>>
        %dma_wait3A_1508 = arith.constant 0 : i32
        %dma_wait3A_1509 = arith.constant 0 : i32
        %dma_wait3A_1510 = tpu.memref_slice %arg3[%dma_wait3A_1508, %dma_wait3A_1509] : memref<250000x64xf32, #tpu.memory_space<hbm>> -> memref<250000x64xf32, #tpu.memory_space<hbm>>
        tpu.wait_indirect_dma semaphore(%arg10 : memref<!tpu.dma_semaphore, #tpu.memory_space<semaphore_mem>>) src(%dma_wait3A_1510 : memref<250000x64xf32, #tpu.memory_space<hbm>>) dst(%dma_wait3A_1505 : memref<128x64xf32, #tpu.memory_space<vmem>>)
      } else {
      }
      %jit3A_171 = arith.constant 16 : i32
      %div3A_172 = arith.divsi %mul3A_83, %jit3A_171 : i32
      %sign3A_173 = arith.constant 0 : i32
      %sign3A_174 = arith.cmpi sgt, %mul3A_83, %sign3A_173 : i32
      %sign3A_175 = arith.extui %sign3A_174 : i1 to i32
      %sign3A_176 = arith.constant 0 : i32
      %sign3A_177 = arith.cmpi slt, %mul3A_83, %sign3A_176 : i32
      %sign3A_178 = arith.extui %sign3A_177 : i1 to i32
      %sign3A_179 = arith.subi %sign3A_175, %sign3A_178 : i32
      %sign3A_180 = arith.constant 0 : i32
      %sign3A_181 = arith.cmpi sgt, %jit3A_171, %sign3A_180 : i32
      %sign3A_182 = arith.extui %sign3A_181 : i1 to i32
      %sign3A_183 = arith.constant 0 : i32
      %sign3A_184 = arith.cmpi slt, %jit3A_171, %sign3A_183 : i32
      %sign3A_185 = arith.extui %sign3A_184 : i1 to i32
      %sign3A_186 = arith.subi %sign3A_182, %sign3A_185 : i32
      %ne3A_187 = arith.cmpi ne, %sign3A_179, %sign3A_186 : i32
      %rem3A_188 = arith.remsi %mul3A_83, %jit3A_171 : i32
      %ne3A_189 = arith.constant 0 : i32
      %ne3A_190 = arith.cmpi ne, %rem3A_188, %ne3A_189 : i32
      %and3A_191 = arith.andi %ne3A_187, %ne3A_190 : i1
      %sub3A_192 = arith.constant 1 : i32
      %sub3A_193 = arith.subi %div3A_172, %sub3A_192 : i32
      %select_n3A_194 = arith.select %and3A_191, %sub3A_193, %div3A_172 : i32
      %while3A_195 = arith.constant 0 : i32
      %while3A_196 = arith.constant 0 : i32
      %while3A_197 = arith.subi %select_n3A_194, %while3A_196 : i32
      %while3A_198 = arith.addi %while3A_196, %while3A_197 : i32
      %while3A_199 = arith.constant 1 : i32
      %while3A_200 = arith.divsi %while3A_197, %while3A_199 : i32
      %while3A_201 = arith.muli %while3A_200, %while3A_199 : i32
      %while3A_202 = arith.addi %while3A_196, %while3A_201 : i32
      %while3A_203 = arith.constant 1 : i32
      scf.for %while3A_1503 = %while3A_196 to %while3A_202 step %while3A_203  : i32 {
        %mul3A_1504 = arith.constant 16 : i32
        %mul3A_1505 = arith.muli %while3A_1503, %mul3A_1504 : i32
        %get3A_1506 = arith.index_cast %mul3A_1505 : i32 to index
        %get3A_1507 = tpu.vector_load %arg7[%get3A_1506] {strides = array<i32>} : memref<912xi32, #tpu.memory_space<vmem>>, vector<16xi32>,
        %slice3A = vector.extract_strided_slice %get3A_1507 {offsets = [0], sizes = [1], strides = [1]} : vector<16xi32> to vector<1xi32>
        %squeeze3A = vector.extract %slice3A[0] : i32 from vector<1xi32>
        %mul3A_1508 = arith.constant 16 : i32
        %mul3A_1509 = arith.muli %while3A_1503, %mul3A_1508 : i32
        %add3A_1510 = arith.constant 0 : i32
        %add3A_1511 = arith.addi %mul3A_1509, %add3A_1510 : i32
        %get3A_1512 = arith.index_cast %add3A_1511 : i32 to index
        %get3A_1513 = arith.constant 0 : index
        %get3A_1514 = tpu.vector_load %arg8[%get3A_1512, %get3A_1513] {strides = array<i32>} : memref<896x64xf32, #tpu.memory_space<vmem>>, vector<16xf32>,
        %swap3A = arith.index_cast %squeeze3A : i32 to index
        %swap3A_1515 = arith.constant 0 : index
        %swap3A_1516 = tpu.vector_load %arg9[%swap3A, %swap3A_1515] {strides = array<i32>} : memref<800x64xf32, #tpu.memory_space<vmem>>, vector<16xf32>,
        tpu.vector_store %arg9[%swap3A, %swap3A_1515], %get3A_1514 {strides = array<i32>} : memref<800x64xf32, #tpu.memory_space<vmem>>, vector<16xf32>,
        %mul3A_1517 = arith.constant 16 : i32
        %mul3A_1518 = arith.muli %while3A_1503, %mul3A_1517 : i32
        %add3A_1519 = arith.constant 0 : i32
        %add3A_1520 = arith.addi %mul3A_1518, %add3A_1519 : i32
        %get3A_1521 = arith.index_cast %add3A_1520 : i32 to index
        %get3A_1522 = arith.constant 16 : index
        %get3A_1523 = tpu.vector_load %arg8[%get3A_1521, %get3A_1522] {strides = array<i32>} : memref<896x64xf32, #tpu.memory_space<vmem>>, vector<16xf32>,
        %swap3A_1524 = arith.index_cast %squeeze3A : i32 to index
        %swap3A_1525 = arith.constant 16 : index
        %swap3A_1526 = tpu.vector_load %arg9[%swap3A_1524, %swap3A_1525] {strides = array<i32>} : memref<800x64xf32, #tpu.memory_space<vmem>>, vector<16xf32>,
        tpu.vector_store %arg9[%swap3A_1524, %swap3A_1525], %get3A_1523 {strides = array<i32>} : memref<800x64xf32, #tpu.memory_space<vmem>>, vector<16xf32>,
        %mul3A_1527 = arith.constant 16 : i32
        %mul3A_1528 = arith.muli %while3A_1503, %mul3A_1527 : i32
        %add3A_1529 = arith.constant 0 : i32
        %add3A_1530 = arith.addi %mul3A_1528, %add3A_1529 : i32
        %get3A_1531 = arith.index_cast %add3A_1530 : i32 to index
        %get3A_1532 = arith.constant 32 : index
        %get3A_1533 = tpu.vector_load %arg8[%get3A_1531, %get3A_1532] {strides = array<i32>} : memref<896x64xf32, #tpu.memory_space<vmem>>, vector<16xf32>,
        %swap3A_1534 = arith.index_cast %squeeze3A : i32 to index
        %swap3A_1535 = arith.constant 32 : index
        %swap3A_1536 = tpu.vector_load %arg9[%swap3A_1534, %swap3A_1535] {strides = array<i32>} : memref<800x64xf32, #tpu.memory_space<vmem>>, vector<16xf32>,
        tpu.vector_store %arg9[%swap3A_1534, %swap3A_1535], %get3A_1533 {strides = array<i32>} : memref<800x64xf32, #tpu.memory_space<vmem>>, vector<16xf32>,
        %mul3A_1537 = arith.constant 16 : i32
        %mul3A_1538 = arith.muli %while3A_1503, %mul3A_1537 : i32
        %add3A_1539 = arith.constant 0 : i32
        %add3A_1540 = arith.addi %mul3A_1538, %add3A_1539 : i32
        %get3A_1541 = arith.index_cast %add3A_1540 : i32 to index
        %get3A_1542 = arith.constant 48 : index
        %get3A_1543 = tpu.vector_load %arg8[%get3A_1541, %get3A_1542] {strides = array<i32>} : memref<896x64xf32, #tpu.memory_space<vmem>>, vector<16xf32>,
        %swap3A_1544 = arith.index_cast %squeeze3A : i32 to index
        %swap3A_1545 = arith.constant 48 : index
        %swap3A_1546 = tpu.vector_load %arg9[%swap3A_1544, %swap3A_1545] {strides = array<i32>} : memref<800x64xf32, #tpu.memory_space<vmem>>, vector<16xf32>,
        tpu.vector_store %arg9[%swap3A_1544, %swap3A_1545], %get3A_1543 {strides = array<i32>} : memref<800x64xf32, #tpu.memory_space<vmem>>, vector<16xf32>,
        %slice3A_1547 = vector.extract_strided_slice %get3A_1507 {offsets = [1], sizes = [1], strides = [1]} : vector<16xi32> to vector<1xi32>
        %squeeze3A_1548 = vector.extract %slice3A_1547[0] : i32 from vector<1xi32>
        %mul3A_1549 = arith.constant 16 : i32
        %mul3A_1550 = arith.muli %while3A_1503, %mul3A_1549 : i32
        %add3A_1551 = arith.constant 1 : i32
        %add3A_1552 = arith.addi %mul3A_1550, %add3A_1551 : i32
        %get3A_1553 = arith.index_cast %add3A_1552 : i32 to index
        %get3A_1554 = arith.constant 0 : index
        %get3A_1555 = tpu.vector_load %arg8[%get3A_1553, %get3A_1554] {strides = array<i32>} : memref<896x64xf32, #tpu.memory_space<vmem>>, vector<16xf32>,
        %swap3A_1556 = arith.index_cast %squeeze3A_1548 : i32 to index
        %swap3A_1557 = arith.constant 0 : index
        %swap3A_1558 = tpu.vector_load %arg9[%swap3A_1556, %swap3A_1557] {strides = array<i32>} : memref<800x64xf32, #tpu.memory_space<vmem>>, vector<16xf32>,
        tpu.vector_store %arg9[%swap3A_1556, %swap3A_1557], %get3A_1555 {strides = array<i32>} : memref<800x64xf32, #tpu.memory_space<vmem>>, vector<16xf32>,
        %mul3A_1559 = arith.constant 16 : i32
        %mul3A_1560 = arith.muli %while3A_1503, %mul3A_1559 : i32
        %add3A_1561 = arith.constant 1 : i32
        %add3A_1562 = arith.addi %mul3A_1560, %add3A_1561 : i32
        %get3A_1563 = arith.index_cast %add3A_1562 : i32 to index
        %get3A_1564 = arith.constant 16 : index
        %get3A_1565 = tpu.vector_load %arg8[%get3A_1563, %get3A_1564] {strides = array<i32>} : memref<896x64xf32, #tpu.memory_space<vmem>>, vector<16xf32>,
        %swap3A_1566 = arith.index_cast %squeeze3A_1548 : i32 to index
        %swap3A_1567 = arith.constant 16 : index
        %swap3A_1568 = tpu.vector_load %arg9[%swap3A_1566, %swap3A_1567] {strides = array<i32>} : memref<800x64xf32, #tpu.memory_space<vmem>>, vector<16xf32>,
        tpu.vector_store %arg9[%swap3A_1566, %swap3A_1567], %get3A_1565 {strides = array<i32>} : memref<800x64xf32, #tpu.memory_space<vmem>>, vector<16xf32>,
        %mul3A_1569 = arith.constant 16 : i32
        %mul3A_1570 = arith.muli %while3A_1503, %mul3A_1569 : i32
        %add3A_1571 = arith.constant 1 : i32
        %add3A_1572 = arith.addi %mul3A_1570, %add3A_1571 : i32
        %get3A_1573 = arith.index_cast %add3A_1572 : i32 to index
        %get3A_1574 = arith.constant 32 : index
        %get3A_1575 = tpu.vector_load %arg8[%get3A_1573, %get3A_1574] {strides = array<i32>} : memref<896x64xf32, #tpu.memory_space<vmem>>, vector<16xf32>,
        %swap3A_1576 = arith.index_cast %squeeze3A_1548 : i32 to index
        %swap3A_1577 = arith.constant 32 : index
        %swap3A_1578 = tpu.vector_load %arg9[%swap3A_1576, %swap3A_1577] {strides = array<i32>} : memref<800x64xf32, #tpu.memory_space<vmem>>, vector<16xf32>,
        tpu.vector_store %arg9[%swap3A_1576, %swap3A_1577], %get3A_1575 {strides = array<i32>} : memref<800x64xf32, #tpu.memory_space<vmem>>, vector<16xf32>,
        %mul3A_1579 = arith.constant 16 : i32
        %mul3A_1580 = arith.muli %while3A_1503, %mul3A_1579 : i32
        %add3A_1581 = arith.constant 1 : i32
        %add3A_1582 = arith.addi %mul3A_1580, %add3A_1581 : i32
        %get3A_1583 = arith.index_cast %add3A_1582 : i32 to index
        %get3A_1584 = arith.constant 48 : index
        %get3A_1585 = tpu.vector_load %arg8[%get3A_1583, %get3A_1584] {strides = array<i32>} : memref<896x64xf32, #tpu.memory_space<vmem>>, vector<16xf32>,
        %swap3A_1586 = arith.index_cast %squeeze3A_1548 : i32 to index
        %swap3A_1587 = arith.constant 48 : index
        %swap3A_1588 = tpu.vector_load %arg9[%swap3A_1586, %swap3A_1587] {strides = array<i32>} : memref<800x64xf32, #tpu.memory_space<vmem>>, vector<16xf32>,
        tpu.vector_store %arg9[%swap3A_1586, %swap3A_1587], %get3A_1585 {strides = array<i32>} : memref<800x64xf32, #tpu.memory_space<vmem>>, vector<16xf32>,
        %slice3A_1589 = vector.extract_strided_slice %get3A_1507 {offsets = [2], sizes = [1], strides = [1]} : vector<16xi32> to vector<1xi32>
        %squeeze3A_1590 = vector.extract %slice3A_1589[0] : i32 from vector<1xi32>
        %mul3A_1591 = arith.constant 16 : i32
        %mul3A_1592 = arith.muli %while3A_1503, %mul3A_1591 : i32
        %add3A_1593 = arith.constant 2 : i32
        %add3A_1594 = arith.addi %mul3A_1592, %add3A_1593 : i32
        %get3A_1595 = arith.index_cast %add3A_1594 : i32 to index
        %get3A_1596 = arith.constant 0 : index
        %get3A_1597 = tpu.vector_load %arg8[%get3A_1595, %get3A_1596] {strides = array<i32>} : memref<896x64xf32, #tpu.memory_space<vmem>>, vector<16xf32>,
        %swap3A_1598 = arith.index_cast %squeeze3A_1590 : i32 to index
        %swap3A_1599 = arith.constant 0 : index
        %swap3A_1600 = tpu.vector_load %arg9[%swap3A_1598, %swap3A_1599] {strides = array<i32>} : memref<800x64xf32, #tpu.memory_space<vmem>>, vector<16xf32>,
        tpu.vector_store %arg9[%swap3A_1598, %swap3A_1599], %get3A_1597 {strides = array<i32>} : memref<800x64xf32, #tpu.memory_space<vmem>>, vector<16xf32>,
        %mul3A_1601 = arith.constant 16 : i32
        %mul3A_1602 = arith.muli %while3A_1503, %mul3A_1601 : i32
        %add3A_1603 = arith.constant 2 : i32
        %add3A_1604 = arith.addi %mul3A_1602, %add3A_1603 : i32
        %get3A_1605 = arith.index_cast %add3A_1604 : i32 to index
        %get3A_1606 = arith.constant 16 : index
        %get3A_1607 = tpu.vector_load %arg8[%get3A_1605, %get3A_1606] {strides = array<i32>} : memref<896x64xf32, #tpu.memory_space<vmem>>, vector<16xf32>,
        %swap3A_1608 = arith.index_cast %squeeze3A_1590 : i32 to index
        %swap3A_1609 = arith.constant 16 : index
        %swap3A_1610 = tpu.vector_load %arg9[%swap3A_1608, %swap3A_1609] {strides = array<i32>} : memref<800x64xf32, #tpu.memory_space<vmem>>, vector<16xf32>,
        tpu.vector_store %arg9[%swap3A_1608, %swap3A_1609], %get3A_1607 {strides = array<i32>} : memref<800x64xf32, #tpu.memory_space<vmem>>, vector<16xf32>,
        %mul3A_1611 = arith.constant 16 : i32
        %mul3A_1612 = arith.muli %while3A_1503, %mul3A_1611 : i32
        %add3A_1613 = arith.constant 2 : i32
        %add3A_1614 = arith.addi %mul3A_1612, %add3A_1613 : i32
        %get3A_1615 = arith.index_cast %add3A_1614 : i32 to index
        %get3A_1616 = arith.constant 32 : index
        %get3A_1617 = tpu.vector_load %arg8[%get3A_1615, %get3A_1616] {strides = array<i32>} : memref<896x64xf32, #tpu.memory_space<vmem>>, vector<16xf32>,
        %swap3A_1618 = arith.index_cast %squeeze3A_1590 : i32 to index
        %swap3A_1619 = arith.constant 32 : index
        %swap3A_1620 = tpu.vector_load %arg9[%swap3A_1618, %swap3A_1619] {strides = array<i32>} : memref<800x64xf32, #tpu.memory_space<vmem>>, vector<16xf32>,
        tpu.vector_store %arg9[%swap3A_1618, %swap3A_1619], %get3A_1617 {strides = array<i32>} : memref<800x64xf32, #tpu.memory_space<vmem>>, vector<16xf32>,
        %mul3A_1621 = arith.constant 16 : i32
        %mul3A_1622 = arith.muli %while3A_1503, %mul3A_1621 : i32
        %add3A_1623 = arith.constant 2 : i32
        %add3A_1624 = arith.addi %mul3A_1622, %add3A_1623 : i32
        %get3A_1625 = arith.index_cast %add3A_1624 : i32 to index
        %get3A_1626 = arith.constant 48 : index
        %get3A_1627 = tpu.vector_load %arg8[%get3A_1625, %get3A_1626] {strides = array<i32>} : memref<896x64xf32, #tpu.memory_space<vmem>>, vector<16xf32>,
        %swap3A_1628 = arith.index_cast %squeeze3A_1590 : i32 to index
        %swap3A_1629 = arith.constant 48 : index
        %swap3A_1630 = tpu.vector_load %arg9[%swap3A_1628, %swap3A_1629] {strides = array<i32>} : memref<800x64xf32, #tpu.memory_space<vmem>>, vector<16xf32>,
        tpu.vector_store %arg9[%swap3A_1628, %swap3A_1629], %get3A_1627 {strides = array<i32>} : memref<800x64xf32, #tpu.memory_space<vmem>>, vector<16xf32>,
        %slice3A_1631 = vector.extract_strided_slice %get3A_1507 {offsets = [3], sizes = [1], strides = [1]} : vector<16xi32> to vector<1xi32>
        %squeeze3A_1632 = vector.extract %slice3A_1631[0] : i32 from vector<1xi32>
        %mul3A_1633 = arith.constant 16 : i32
        %mul3A_1634 = arith.muli %while3A_1503, %mul3A_1633 : i32
        %add3A_1635 = arith.constant 3 : i32
        %add3A_1636 = arith.addi %mul3A_1634, %add3A_1635 : i32
        %get3A_1637 = arith.index_cast %add3A_1636 : i32 to index
        %get3A_1638 = arith.constant 0 : index
        %get3A_1639 = tpu.vector_load %arg8[%get3A_1637, %get3A_1638] {strides = array<i32>} : memref<896x64xf32, #tpu.memory_space<vmem>>, vector<16xf32>,
        %swap3A_1640 = arith.index_cast %squeeze3A_1632 : i32 to index
        %swap3A_1641 = arith.constant 0 : index
        %swap3A_1642 = tpu.vector_load %arg9[%swap3A_1640, %swap3A_1641] {strides = array<i32>} : memref<800x64xf32, #tpu.memory_space<vmem>>, vector<16xf32>,
        tpu.vector_store %arg9[%swap3A_1640, %swap3A_1641], %get3A_1639 {strides = array<i32>} : memref<800x64xf32, #tpu.memory_space<vmem>>, vector<16xf32>,
        %mul3A_1643 = arith.constant 16 : i32
        %mul3A_1644 = arith.muli %while3A_1503, %mul3A_1643 : i32
        %add3A_1645 = arith.constant 3 : i32
        %add3A_1646 = arith.addi %mul3A_1644, %add3A_1645 : i32
        %get3A_1647 = arith.index_cast %add3A_1646 : i32 to index
        %get3A_1648 = arith.constant 16 : index
        %get3A_1649 = tpu.vector_load %arg8[%get3A_1647, %get3A_1648] {strides = array<i32>} : memref<896x64xf32, #tpu.memory_space<vmem>>, vector<16xf32>,
        %swap3A_1650 = arith.index_cast %squeeze3A_1632 : i32 to index
        %swap3A_1651 = arith.constant 16 : index
        %swap3A_1652 = tpu.vector_load %arg9[%swap3A_1650, %swap3A_1651] {strides = array<i32>} : memref<800x64xf32, #tpu.memory_space<vmem>>, vector<16xf32>,
        tpu.vector_store %arg9[%swap3A_1650, %swap3A_1651], %get3A_1649 {strides = array<i32>} : memref<800x64xf32, #tpu.memory_space<vmem>>, vector<16xf32>,
        %mul3A_1653 = arith.constant 16 : i32
        %mul3A_1654 = arith.muli %while3A_1503, %mul3A_1653 : i32
        %add3A_1655 = arith.constant 3 : i32
        %add3A_1656 = arith.addi %mul3A_1654, %add3A_1655 : i32
        %get3A_1657 = arith.index_cast %add3A_1656 : i32 to index
        %get3A_1658 = arith.constant 32 : index
        %get3A_1659 = tpu.vector_load %arg8[%get3A_1657, %get3A_1658] {strides = array<i32>} : memref<896x64xf32, #tpu.memory_space<vmem>>, vector<16xf32>,
        %swap3A_1660 = arith.index_cast %squeeze3A_1632 : i32 to index
        %swap3A_1661 = arith.constant 32 : index
        %swap3A_1662 = tpu.vector_load %arg9[%swap3A_1660, %swap3A_1661] {strides = array<i32>} : memref<800x64xf32, #tpu.memory_space<vmem>>, vector<16xf32>,
        tpu.vector_store %arg9[%swap3A_1660, %swap3A_1661], %get3A_1659 {strides = array<i32>} : memref<800x64xf32, #tpu.memory_space<vmem>>, vector<16xf32>,
        %mul3A_1663 = arith.constant 16 : i32
        %mul3A_1664 = arith.muli %while3A_1503, %mul3A_1663 : i32
        %add3A_1665 = arith.constant 3 : i32
        %add3A_1666 = arith.addi %mul3A_1664, %add3A_1665 : i32
        %get3A_1667 = arith.index_cast %add3A_1666 : i32 to index
        %get3A_1668 = arith.constant 48 : index
        %get3A_1669 = tpu.vector_load %arg8[%get3A_1667, %get3A_1668] {strides = array<i32>} : memref<896x64xf32, #tpu.memory_space<vmem>>, vector<16xf32>,
        %swap3A_1670 = arith.index_cast %squeeze3A_1632 : i32 to index
        %swap3A_1671 = arith.constant 48 : index
        %swap3A_1672 = tpu.vector_load %arg9[%swap3A_1670, %swap3A_1671] {strides = array<i32>} : memref<800x64xf32, #tpu.memory_space<vmem>>, vector<16xf32>,
        tpu.vector_store %arg9[%swap3A_1670, %swap3A_1671], %get3A_1669 {strides = array<i32>} : memref<800x64xf32, #tpu.memory_space<vmem>>, vector<16xf32>,
        %slice3A_1673 = vector.extract_strided_slice %get3A_1507 {offsets = [4], sizes = [1], strides = [1]} : vector<16xi32> to vector<1xi32>
        %squeeze3A_1674 = vector.extract %slice3A_1673[0] : i32 from vector<1xi32>
        %mul3A_1675 = arith.constant 16 : i32
        %mul3A_1676 = arith.muli %while3A_1503, %mul3A_1675 : i32
        %add3A_1677 = arith.constant 4 : i32
        %add3A_1678 = arith.addi %mul3A_1676, %add3A_1677 : i32
        %get3A_1679 = arith.index_cast %add3A_1678 : i32 to index
        %get3A_1680 = arith.constant 0 : index
        %get3A_1681 = tpu.vector_load %arg8[%get3A_1679, %get3A_1680] {strides = array<i32>} : memref<896x64xf32, #tpu.memory_space<vmem>>, vector<16xf32>,
        %swap3A_1682 = arith.index_cast %squeeze3A_1674 : i32 to index
        %swap3A_1683 = arith.constant 0 : index
        %swap3A_1684 = tpu.vector_load %arg9[%swap3A_1682, %swap3A_1683] {strides = array<i32>} : memref<800x64xf32, #tpu.memory_space<vmem>>, vector<16xf32>,
        tpu.vector_store %arg9[%swap3A_1682, %swap3A_1683], %get3A_1681 {strides = array<i32>} : memref<800x64xf32, #tpu.memory_space<vmem>>, vector<16xf32>,
        %mul3A_1685 = arith.constant 16 : i32
        %mul3A_1686 = arith.muli %while3A_1503, %mul3A_1685 : i32
        %add3A_1687 = arith.constant 4 : i32
        %add3A_1688 = arith.addi %mul3A_1686, %add3A_1687 : i32
        %get3A_1689 = arith.index_cast %add3A_1688 : i32 to index
        %get3A_1690 = arith.constant 16 : index
        %get3A_1691 = tpu.vector_load %arg8[%get3A_1689, %get3A_1690] {strides = array<i32>} : memref<896x64xf32, #tpu.memory_space<vmem>>, vector<16xf32>,
        %swap3A_1692 = arith.index_cast %squeeze3A_1674 : i32 to index
        %swap3A_1693 = arith.constant 16 : index
        %swap3A_1694 = tpu.vector_load %arg9[%swap3A_1692, %swap3A_1693] {strides = array<i32>} : memref<800x64xf32, #tpu.memory_space<vmem>>, vector<16xf32>,
        tpu.vector_store %arg9[%swap3A_1692, %swap3A_1693], %get3A_1691 {strides = array<i32>} : memref<800x64xf32, #tpu.memory_space<vmem>>, vector<16xf32>,
        %mul3A_1695 = arith.constant 16 : i32
        %mul3A_1696 = arith.muli %while3A_1503, %mul3A_1695 : i32
        %add3A_1697 = arith.constant 4 : i32
        %add3A_1698 = arith.addi %mul3A_1696, %add3A_1697 : i32
        %get3A_1699 = arith.index_cast %add3A_1698 : i32 to index
        %get3A_1700 = arith.constant 32 : index
        %get3A_1701 = tpu.vector_load %arg8[%get3A_1699, %get3A_1700] {strides = array<i32>} : memref<896x64xf32, #tpu.memory_space<vmem>>, vector<16xf32>,
        %swap3A_1702 = arith.index_cast %squeeze3A_1674 : i32 to index
        %swap3A_1703 = arith.constant 32 : index
        %swap3A_1704 = tpu.vector_load %arg9[%swap3A_1702, %swap3A_1703] {strides = array<i32>} : memref<800x64xf32, #tpu.memory_space<vmem>>, vector<16xf32>,
        tpu.vector_store %arg9[%swap3A_1702, %swap3A_1703], %get3A_1701 {strides = array<i32>} : memref<800x64xf32, #tpu.memory_space<vmem>>, vector<16xf32>,
        %mul3A_1705 = arith.constant 16 : i32
        %mul3A_1706 = arith.muli %while3A_1503, %mul3A_1705 : i32
        %add3A_1707 = arith.constant 4 : i32
        %add3A_1708 = arith.addi %mul3A_1706, %add3A_1707 : i32
        %get3A_1709 = arith.index_cast %add3A_1708 : i32 to index
        %get3A_1710 = arith.constant 48 : index
        %get3A_1711 = tpu.vector_load %arg8[%get3A_1709, %get3A_1710] {strides = array<i32>} : memref<896x64xf32, #tpu.memory_space<vmem>>, vector<16xf32>,
        %swap3A_1712 = arith.index_cast %squeeze3A_1674 : i32 to index
        %swap3A_1713 = arith.constant 48 : index
        %swap3A_1714 = tpu.vector_load %arg9[%swap3A_1712, %swap3A_1713] {strides = array<i32>} : memref<800x64xf32, #tpu.memory_space<vmem>>, vector<16xf32>,
        tpu.vector_store %arg9[%swap3A_1712, %swap3A_1713], %get3A_1711 {strides = array<i32>} : memref<800x64xf32, #tpu.memory_space<vmem>>, vector<16xf32>,
        %slice3A_1715 = vector.extract_strided_slice %get3A_1507 {offsets = [5], sizes = [1], strides = [1]} : vector<16xi32> to vector<1xi32>
        %squeeze3A_1716 = vector.extract %slice3A_1715[0] : i32 from vector<1xi32>
        %mul3A_1717 = arith.constant 16 : i32
        %mul3A_1718 = arith.muli %while3A_1503, %mul3A_1717 : i32
        %add3A_1719 = arith.constant 5 : i32
        %add3A_1720 = arith.addi %mul3A_1718, %add3A_1719 : i32
        %get3A_1721 = arith.index_cast %add3A_1720 : i32 to index
        %get3A_1722 = arith.constant 0 : index
        %get3A_1723 = tpu.vector_load %arg8[%get3A_1721, %get3A_1722] {strides = array<i32>} : memref<896x64xf32, #tpu.memory_space<vmem>>, vector<16xf32>,
        %swap3A_1724 = arith.index_cast %squeeze3A_1716 : i32 to index
        %swap3A_1725 = arith.constant 0 : index
        %swap3A_1726 = tpu.vector_load %arg9[%swap3A_1724, %swap3A_1725] {strides = array<i32>} : memref<800x64xf32, #tpu.memory_space<vmem>>, vector<16xf32>,
        tpu.vector_store %arg9[%swap3A_1724, %swap3A_1725], %get3A_1723 {strides = array<i32>} : memref<800x64xf32, #tpu.memory_space<vmem>>, vector<16xf32>,
        %mul3A_1727 = arith.constant 16 : i32
        %mul3A_1728 = arith.muli %while3A_1503, %mul3A_1727 : i32
        %add3A_1729 = arith.constant 5 : i32
        %add3A_1730 = arith.addi %mul3A_1728, %add3A_1729 : i32
        %get3A_1731 = arith.index_cast %add3A_1730 : i32 to index
        %get3A_1732 = arith.constant 16 : index
        %get3A_1733 = tpu.vector_load %arg8[%get3A_1731, %get3A_1732] {strides = array<i32>} : memref<896x64xf32, #tpu.memory_space<vmem>>, vector<16xf32>,
        %swap3A_1734 = arith.index_cast %squeeze3A_1716 : i32 to index
        %swap3A_1735 = arith.constant 16 : index
        %swap3A_1736 = tpu.vector_load %arg9[%swap3A_1734, %swap3A_1735] {strides = array<i32>} : memref<800x64xf32, #tpu.memory_space<vmem>>, vector<16xf32>,
        tpu.vector_store %arg9[%swap3A_1734, %swap3A_1735], %get3A_1733 {strides = array<i32>} : memref<800x64xf32, #tpu.memory_space<vmem>>, vector<16xf32>,
        %mul3A_1737 = arith.constant 16 : i32
        %mul3A_1738 = arith.muli %while3A_1503, %mul3A_1737 : i32
        %add3A_1739 = arith.constant 5 : i32
        %add3A_1740 = arith.addi %mul3A_1738, %add3A_1739 : i32
        %get3A_1741 = arith.index_cast %add3A_1740 : i32 to index
        %get3A_1742 = arith.constant 32 : index
        %get3A_1743 = tpu.vector_load %arg8[%get3A_1741, %get3A_1742] {strides = array<i32>} : memref<896x64xf32, #tpu.memory_space<vmem>>, vector<16xf32>,
        %swap3A_1744 = arith.index_cast %squeeze3A_1716 : i32 to index
        %swap3A_1745 = arith.constant 32 : index
        %swap3A_1746 = tpu.vector_load %arg9[%swap3A_1744, %swap3A_1745] {strides = array<i32>} : memref<800x64xf32, #tpu.memory_space<vmem>>, vector<16xf32>,
        tpu.vector_store %arg9[%swap3A_1744, %swap3A_1745], %get3A_1743 {strides = array<i32>} : memref<800x64xf32, #tpu.memory_space<vmem>>, vector<16xf32>,
        %mul3A_1747 = arith.constant 16 : i32
        %mul3A_1748 = arith.muli %while3A_1503, %mul3A_1747 : i32
        %add3A_1749 = arith.constant 5 : i32
        %add3A_1750 = arith.addi %mul3A_1748, %add3A_1749 : i32
        %get3A_1751 = arith.index_cast %add3A_1750 : i32 to index
        %get3A_1752 = arith.constant 48 : index
        %get3A_1753 = tpu.vector_load %arg8[%get3A_1751, %get3A_1752] {strides = array<i32>} : memref<896x64xf32, #tpu.memory_space<vmem>>, vector<16xf32>,
        %swap3A_1754 = arith.index_cast %squeeze3A_1716 : i32 to index
        %swap3A_1755 = arith.constant 48 : index
        %swap3A_1756 = tpu.vector_load %arg9[%swap3A_1754, %swap3A_1755] {strides = array<i32>} : memref<800x64xf32, #tpu.memory_space<vmem>>, vector<16xf32>,
        tpu.vector_store %arg9[%swap3A_1754, %swap3A_1755], %get3A_1753 {strides = array<i32>} : memref<800x64xf32, #tpu.memory_space<vmem>>, vector<16xf32>,
        %slice3A_1757 = vector.extract_strided_slice %get3A_1507 {offsets = [6], sizes = [1], strides = [1]} : vector<16xi32> to vector<1xi32>
        %squeeze3A_1758 = vector.extract %slice3A_1757[0] : i32 from vector<1xi32>
        %mul3A_1759 = arith.constant 16 : i32
        %mul3A_1760 = arith.muli %while3A_1503, %mul3A_1759 : i32
        %add3A_1761 = arith.constant 6 : i32
        %add3A_1762 = arith.addi %mul3A_1760, %add3A_1761 : i32
        %get3A_1763 = arith.index_cast %add3A_1762 : i32 to index
        %get3A_1764 = arith.constant 0 : index
        %get3A_1765 = tpu.vector_load %arg8[%get3A_1763, %get3A_1764] {strides = array<i32>} : memref<896x64xf32, #tpu.memory_space<vmem>>, vector<16xf32>,
        %swap3A_1766 = arith.index_cast %squeeze3A_1758 : i32 to index
        %swap3A_1767 = arith.constant 0 : index
        %swap3A_1768 = tpu.vector_load %arg9[%swap3A_1766, %swap3A_1767] {strides = array<i32>} : memref<800x64xf32, #tpu.memory_space<vmem>>, vector<16xf32>,
        tpu.vector_store %arg9[%swap3A_1766, %swap3A_1767], %get3A_1765 {strides = array<i32>} : memref<800x64xf32, #tpu.memory_space<vmem>>, vector<16xf32>,
        %mul3A_1769 = arith.constant 16 : i32
        %mul3A_1770 = arith.muli %while3A_1503, %mul3A_1769 : i32
        %add3A_1771 = arith.constant 6 : i32
        %add3A_1772 = arith.addi %mul3A_1770, %add3A_1771 : i32
        %get3A_1773 = arith.index_cast %add3A_1772 : i32 to index
        %get3A_1774 = arith.constant 16 : index
        %get3A_1775 = tpu.vector_load %arg8[%get3A_1773, %get3A_1774] {strides = array<i32>} : memref<896x64xf32, #tpu.memory_space<vmem>>, vector<16xf32>,
        %swap3A_1776 = arith.index_cast %squeeze3A_1758 : i32 to index
        %swap3A_1777 = arith.constant 16 : index
        %swap3A_1778 = tpu.vector_load %arg9[%swap3A_1776, %swap3A_1777] {strides = array<i32>} : memref<800x64xf32, #tpu.memory_space<vmem>>, vector<16xf32>,
        tpu.vector_store %arg9[%swap3A_1776, %swap3A_1777], %get3A_1775 {strides = array<i32>} : memref<800x64xf32, #tpu.memory_space<vmem>>, vector<16xf32>,
        %mul3A_1779 = arith.constant 16 : i32
        %mul3A_1780 = arith.muli %while3A_1503, %mul3A_1779 : i32
        %add3A_1781 = arith.constant 6 : i32
        %add3A_1782 = arith.addi %mul3A_1780, %add3A_1781 : i32
        %get3A_1783 = arith.index_cast %add3A_1782 : i32 to index
        %get3A_1784 = arith.constant 32 : index
        %get3A_1785 = tpu.vector_load %arg8[%get3A_1783, %get3A_1784] {strides = array<i32>} : memref<896x64xf32, #tpu.memory_space<vmem>>, vector<16xf32>,
        %swap3A_1786 = arith.index_cast %squeeze3A_1758 : i32 to index
        %swap3A_1787 = arith.constant 32 : index
        %swap3A_1788 = tpu.vector_load %arg9[%swap3A_1786, %swap3A_1787] {strides = array<i32>} : memref<800x64xf32, #tpu.memory_space<vmem>>, vector<16xf32>,
        tpu.vector_store %arg9[%swap3A_1786, %swap3A_1787], %get3A_1785 {strides = array<i32>} : memref<800x64xf32, #tpu.memory_space<vmem>>, vector<16xf32>,
        %mul3A_1789 = arith.constant 16 : i32
        %mul3A_1790 = arith.muli %while3A_1503, %mul3A_1789 : i32
        %add3A_1791 = arith.constant 6 : i32
        %add3A_1792 = arith.addi %mul3A_1790, %add3A_1791 : i32
        %get3A_1793 = arith.index_cast %add3A_1792 : i32 to index
        %get3A_1794 = arith.constant 48 : index
        %get3A_1795 = tpu.vector_load %arg8[%get3A_1793, %get3A_1794] {strides = array<i32>} : memref<896x64xf32, #tpu.memory_space<vmem>>, vector<16xf32>,
        %swap3A_1796 = arith.index_cast %squeeze3A_1758 : i32 to index
        %swap3A_1797 = arith.constant 48 : index
        %swap3A_1798 = tpu.vector_load %arg9[%swap3A_1796, %swap3A_1797] {strides = array<i32>} : memref<800x64xf32, #tpu.memory_space<vmem>>, vector<16xf32>,
        tpu.vector_store %arg9[%swap3A_1796, %swap3A_1797], %get3A_1795 {strides = array<i32>} : memref<800x64xf32, #tpu.memory_space<vmem>>, vector<16xf32>,
        %slice3A_1799 = vector.extract_strided_slice %get3A_1507 {offsets = [7], sizes = [1], strides = [1]} : vector<16xi32> to vector<1xi32>
        %squeeze3A_1800 = vector.extract %slice3A_1799[0] : i32 from vector<1xi32>
        %mul3A_1801 = arith.constant 16 : i32
        %mul3A_1802 = arith.muli %while3A_1503, %mul3A_1801 : i32
        %add3A_1803 = arith.constant 7 : i32
        %add3A_1804 = arith.addi %mul3A_1802, %add3A_1803 : i32
        %get3A_1805 = arith.index_cast %add3A_1804 : i32 to index
        %get3A_1806 = arith.constant 0 : index
        %get3A_1807 = tpu.vector_load %arg8[%get3A_1805, %get3A_1806] {strides = array<i32>} : memref<896x64xf32, #tpu.memory_space<vmem>>, vector<16xf32>,
        %swap3A_1808 = arith.index_cast %squeeze3A_1800 : i32 to index
        %swap3A_1809 = arith.constant 0 : index
        %swap3A_1810 = tpu.vector_load %arg9[%swap3A_1808, %swap3A_1809] {strides = array<i32>} : memref<800x64xf32, #tpu.memory_space<vmem>>, vector<16xf32>,
        tpu.vector_store %arg9[%swap3A_1808, %swap3A_1809], %get3A_1807 {strides = array<i32>} : memref<800x64xf32, #tpu.memory_space<vmem>>, vector<16xf32>,
        %mul3A_1811 = arith.constant 16 : i32
        %mul3A_1812 = arith.muli %while3A_1503, %mul3A_1811 : i32
        %add3A_1813 = arith.constant 7 : i32
        %add3A_1814 = arith.addi %mul3A_1812, %add3A_1813 : i32
        %get3A_1815 = arith.index_cast %add3A_1814 : i32 to index
        %get3A_1816 = arith.constant 16 : index
        %get3A_1817 = tpu.vector_load %arg8[%get3A_1815, %get3A_1816] {strides = array<i32>} : memref<896x64xf32, #tpu.memory_space<vmem>>, vector<16xf32>,
        %swap3A_1818 = arith.index_cast %squeeze3A_1800 : i32 to index
        %swap3A_1819 = arith.constant 16 : index
        %swap3A_1820 = tpu.vector_load %arg9[%swap3A_1818, %swap3A_1819] {strides = array<i32>} : memref<800x64xf32, #tpu.memory_space<vmem>>, vector<16xf32>,
        tpu.vector_store %arg9[%swap3A_1818, %swap3A_1819], %get3A_1817 {strides = array<i32>} : memref<800x64xf32, #tpu.memory_space<vmem>>, vector<16xf32>,
        %mul3A_1821 = arith.constant 16 : i32
        %mul3A_1822 = arith.muli %while3A_1503, %mul3A_1821 : i32
        %add3A_1823 = arith.constant 7 : i32
        %add3A_1824 = arith.addi %mul3A_1822, %add3A_1823 : i32
        %get3A_1825 = arith.index_cast %add3A_1824 : i32 to index
        %get3A_1826 = arith.constant 32 : index
        %get3A_1827 = tpu.vector_load %arg8[%get3A_1825, %get3A_1826] {strides = array<i32>} : memref<896x64xf32, #tpu.memory_space<vmem>>, vector<16xf32>,
        %swap3A_1828 = arith.index_cast %squeeze3A_1800 : i32 to index
        %swap3A_1829 = arith.constant 32 : index
        %swap3A_1830 = tpu.vector_load %arg9[%swap3A_1828, %swap3A_1829] {strides = array<i32>} : memref<800x64xf32, #tpu.memory_space<vmem>>, vector<16xf32>,
        tpu.vector_store %arg9[%swap3A_1828, %swap3A_1829], %get3A_1827 {strides = array<i32>} : memref<800x64xf32, #tpu.memory_space<vmem>>, vector<16xf32>,
        %mul3A_1831 = arith.constant 16 : i32
        %mul3A_1832 = arith.muli %while3A_1503, %mul3A_1831 : i32
        %add3A_1833 = arith.constant 7 : i32
        %add3A_1834 = arith.addi %mul3A_1832, %add3A_1833 : i32
        %get3A_1835 = arith.index_cast %add3A_1834 : i32 to index
        %get3A_1836 = arith.constant 48 : index
        %get3A_1837 = tpu.vector_load %arg8[%get3A_1835, %get3A_1836] {strides = array<i32>} : memref<896x64xf32, #tpu.memory_space<vmem>>, vector<16xf32>,
        %swap3A_1838 = arith.index_cast %squeeze3A_1800 : i32 to index
        %swap3A_1839 = arith.constant 48 : index
        %swap3A_1840 = tpu.vector_load %arg9[%swap3A_1838, %swap3A_1839] {strides = array<i32>} : memref<800x64xf32, #tpu.memory_space<vmem>>, vector<16xf32>,
        tpu.vector_store %arg9[%swap3A_1838, %swap3A_1839], %get3A_1837 {strides = array<i32>} : memref<800x64xf32, #tpu.memory_space<vmem>>, vector<16xf32>,
        %slice3A_1841 = vector.extract_strided_slice %get3A_1507 {offsets = [8], sizes = [1], strides = [1]} : vector<16xi32> to vector<1xi32>
        %squeeze3A_1842 = vector.extract %slice3A_1841[0] : i32 from vector<1xi32>
        %mul3A_1843 = arith.constant 16 : i32
        %mul3A_1844 = arith.muli %while3A_1503, %mul3A_1843 : i32
        %add3A_1845 = arith.constant 8 : i32
        %add3A_1846 = arith.addi %mul3A_1844, %add3A_1845 : i32
        %get3A_1847 = arith.index_cast %add3A_1846 : i32 to index
        %get3A_1848 = arith.constant 0 : index
        %get3A_1849 = tpu.vector_load %arg8[%get3A_1847, %get3A_1848] {strides = array<i32>} : memref<896x64xf32, #tpu.memory_space<vmem>>, vector<16xf32>,
        %swap3A_1850 = arith.index_cast %squeeze3A_1842 : i32 to index
        %swap3A_1851 = arith.constant 0 : index
        %swap3A_1852 = tpu.vector_load %arg9[%swap3A_1850, %swap3A_1851] {strides = array<i32>} : memref<800x64xf32, #tpu.memory_space<vmem>>, vector<16xf32>,
        tpu.vector_store %arg9[%swap3A_1850, %swap3A_1851], %get3A_1849 {strides = array<i32>} : memref<800x64xf32, #tpu.memory_space<vmem>>, vector<16xf32>,
        %mul3A_1853 = arith.constant 16 : i32
        %mul3A_1854 = arith.muli %while3A_1503, %mul3A_1853 : i32
        %add3A_1855 = arith.constant 8 : i32
        %add3A_1856 = arith.addi %mul3A_1854, %add3A_1855 : i32
        %get3A_1857 = arith.index_cast %add3A_1856 : i32 to index
        %get3A_1858 = arith.constant 16 : index
        %get3A_1859 = tpu.vector_load %arg8[%get3A_1857, %get3A_1858] {strides = array<i32>} : memref<896x64xf32, #tpu.memory_space<vmem>>, vector<16xf32>,
        %swap3A_1860 = arith.index_cast %squeeze3A_1842 : i32 to index
        %swap3A_1861 = arith.constant 16 : index
        %swap3A_1862 = tpu.vector_load %arg9[%swap3A_1860, %swap3A_1861] {strides = array<i32>} : memref<800x64xf32, #tpu.memory_space<vmem>>, vector<16xf32>,
        tpu.vector_store %arg9[%swap3A_1860, %swap3A_1861], %get3A_1859 {strides = array<i32>} : memref<800x64xf32, #tpu.memory_space<vmem>>, vector<16xf32>,
        %mul3A_1863 = arith.constant 16 : i32
        %mul3A_1864 = arith.muli %while3A_1503, %mul3A_1863 : i32
        %add3A_1865 = arith.constant 8 : i32
        %add3A_1866 = arith.addi %mul3A_1864, %add3A_1865 : i32
        %get3A_1867 = arith.index_cast %add3A_1866 : i32 to index
        %get3A_1868 = arith.constant 32 : index
        %get3A_1869 = tpu.vector_load %arg8[%get3A_1867, %get3A_1868] {strides = array<i32>} : memref<896x64xf32, #tpu.memory_space<vmem>>, vector<16xf32>,
        %swap3A_1870 = arith.index_cast %squeeze3A_1842 : i32 to index
        %swap3A_1871 = arith.constant 32 : index
        %swap3A_1872 = tpu.vector_load %arg9[%swap3A_1870, %swap3A_1871] {strides = array<i32>} : memref<800x64xf32, #tpu.memory_space<vmem>>, vector<16xf32>,
        tpu.vector_store %arg9[%swap3A_1870, %swap3A_1871], %get3A_1869 {strides = array<i32>} : memref<800x64xf32, #tpu.memory_space<vmem>>, vector<16xf32>,
        %mul3A_1873 = arith.constant 16 : i32
        %mul3A_1874 = arith.muli %while3A_1503, %mul3A_1873 : i32
        %add3A_1875 = arith.constant 8 : i32
        %add3A_1876 = arith.addi %mul3A_1874, %add3A_1875 : i32
        %get3A_1877 = arith.index_cast %add3A_1876 : i32 to index
        %get3A_1878 = arith.constant 48 : index
        %get3A_1879 = tpu.vector_load %arg8[%get3A_1877, %get3A_1878] {strides = array<i32>} : memref<896x64xf32, #tpu.memory_space<vmem>>, vector<16xf32>,
        %swap3A_1880 = arith.index_cast %squeeze3A_1842 : i32 to index
        %swap3A_1881 = arith.constant 48 : index
        %swap3A_1882 = tpu.vector_load %arg9[%swap3A_1880, %swap3A_1881] {strides = array<i32>} : memref<800x64xf32, #tpu.memory_space<vmem>>, vector<16xf32>,
        tpu.vector_store %arg9[%swap3A_1880, %swap3A_1881], %get3A_1879 {strides = array<i32>} : memref<800x64xf32, #tpu.memory_space<vmem>>, vector<16xf32>,
        %slice3A_1883 = vector.extract_strided_slice %get3A_1507 {offsets = [9], sizes = [1], strides = [1]} : vector<16xi32> to vector<1xi32>
        %squeeze3A_1884 = vector.extract %slice3A_1883[0] : i32 from vector<1xi32>
        %mul3A_1885 = arith.constant 16 : i32
        %mul3A_1886 = arith.muli %while3A_1503, %mul3A_1885 : i32
        %add3A_1887 = arith.constant 9 : i32
        %add3A_1888 = arith.addi %mul3A_1886, %add3A_1887 : i32
        %get3A_1889 = arith.index_cast %add3A_1888 : i32 to index
        %get3A_1890 = arith.constant 0 : index
        %get3A_1891 = tpu.vector_load %arg8[%get3A_1889, %get3A_1890] {strides = array<i32>} : memref<896x64xf32, #tpu.memory_space<vmem>>, vector<16xf32>,
        %swap3A_1892 = arith.index_cast %squeeze3A_1884 : i32 to index
        %swap3A_1893 = arith.constant 0 : index
        %swap3A_1894 = tpu.vector_load %arg9[%swap3A_1892, %swap3A_1893] {strides = array<i32>} : memref<800x64xf32, #tpu.memory_space<vmem>>, vector<16xf32>,
        tpu.vector_store %arg9[%swap3A_1892, %swap3A_1893], %get3A_1891 {strides = array<i32>} : memref<800x64xf32, #tpu.memory_space<vmem>>, vector<16xf32>,
        %mul3A_1895 = arith.constant 16 : i32
        %mul3A_1896 = arith.muli %while3A_1503, %mul3A_1895 : i32
        %add3A_1897 = arith.constant 9 : i32
        %add3A_1898 = arith.addi %mul3A_1896, %add3A_1897 : i32
        %get3A_1899 = arith.index_cast %add3A_1898 : i32 to index
        %get3A_1900 = arith.constant 16 : index
        %get3A_1901 = tpu.vector_load %arg8[%get3A_1899, %get3A_1900] {strides = array<i32>} : memref<896x64xf32, #tpu.memory_space<vmem>>, vector<16xf32>,
        %swap3A_1902 = arith.index_cast %squeeze3A_1884 : i32 to index
        %swap3A_1903 = arith.constant 16 : index
        %swap3A_1904 = tpu.vector_load %arg9[%swap3A_1902, %swap3A_1903] {strides = array<i32>} : memref<800x64xf32, #tpu.memory_space<vmem>>, vector<16xf32>,
        tpu.vector_store %arg9[%swap3A_1902, %swap3A_1903], %get3A_1901 {strides = array<i32>} : memref<800x64xf32, #tpu.memory_space<vmem>>, vector<16xf32>,
        %mul3A_1905 = arith.constant 16 : i32
        %mul3A_1906 = arith.muli %while3A_1503, %mul3A_1905 : i32
        %add3A_1907 = arith.constant 9 : i32
        %add3A_1908 = arith.addi %mul3A_1906, %add3A_1907 : i32
        %get3A_1909 = arith.index_cast %add3A_1908 : i32 to index
        %get3A_1910 = arith.constant 32 : index
        %get3A_1911 = tpu.vector_load %arg8[%get3A_1909, %get3A_1910] {strides = array<i32>} : memref<896x64xf32, #tpu.memory_space<vmem>>, vector<16xf32>,
        %swap3A_1912 = arith.index_cast %squeeze3A_1884 : i32 to index
        %swap3A_1913 = arith.constant 32 : index
        %swap3A_1914 = tpu.vector_load %arg9[%swap3A_1912, %swap3A_1913] {strides = array<i32>} : memref<800x64xf32, #tpu.memory_space<vmem>>, vector<16xf32>,
        tpu.vector_store %arg9[%swap3A_1912, %swap3A_1913], %get3A_1911 {strides = array<i32>} : memref<800x64xf32, #tpu.memory_space<vmem>>, vector<16xf32>,
        %mul3A_1915 = arith.constant 16 : i32
        %mul3A_1916 = arith.muli %while3A_1503, %mul3A_1915 : i32
        %add3A_1917 = arith.constant 9 : i32
        %add3A_1918 = arith.addi %mul3A_1916, %add3A_1917 : i32
        %get3A_1919 = arith.index_cast %add3A_1918 : i32 to index
        %get3A_1920 = arith.constant 48 : index
        %get3A_1921 = tpu.vector_load %arg8[%get3A_1919, %get3A_1920] {strides = array<i32>} : memref<896x64xf32, #tpu.memory_space<vmem>>, vector<16xf32>,
        %swap3A_1922 = arith.index_cast %squeeze3A_1884 : i32 to index
        %swap3A_1923 = arith.constant 48 : index
        %swap3A_1924 = tpu.vector_load %arg9[%swap3A_1922, %swap3A_1923] {strides = array<i32>} : memref<800x64xf32, #tpu.memory_space<vmem>>, vector<16xf32>,
        tpu.vector_store %arg9[%swap3A_1922, %swap3A_1923], %get3A_1921 {strides = array<i32>} : memref<800x64xf32, #tpu.memory_space<vmem>>, vector<16xf32>,
        %slice3A_1925 = vector.extract_strided_slice %get3A_1507 {offsets = [10], sizes = [1], strides = [1]} : vector<16xi32> to vector<1xi32>
        %squeeze3A_1926 = vector.extract %slice3A_1925[0] : i32 from vector<1xi32>
        %mul3A_1927 = arith.constant 16 : i32
        %mul3A_1928 = arith.muli %while3A_1503, %mul3A_1927 : i32
        %add3A_1929 = arith.constant 10 : i32
        %add3A_1930 = arith.addi %mul3A_1928, %add3A_1929 : i32
        %get3A_1931 = arith.index_cast %add3A_1930 : i32 to index
        %get3A_1932 = arith.constant 0 : index
        %get3A_1933 = tpu.vector_load %arg8[%get3A_1931, %get3A_1932] {strides = array<i32>} : memref<896x64xf32, #tpu.memory_space<vmem>>, vector<16xf32>,
        %swap3A_1934 = arith.index_cast %squeeze3A_1926 : i32 to index
        %swap3A_1935 = arith.constant 0 : index
        %swap3A_1936 = tpu.vector_load %arg9[%swap3A_1934, %swap3A_1935] {strides = array<i32>} : memref<800x64xf32, #tpu.memory_space<vmem>>, vector<16xf32>,
        tpu.vector_store %arg9[%swap3A_1934, %swap3A_1935], %get3A_1933 {strides = array<i32>} : memref<800x64xf32, #tpu.memory_space<vmem>>, vector<16xf32>,
        %mul3A_1937 = arith.constant 16 : i32
        %mul3A_1938 = arith.muli %while3A_1503, %mul3A_1937 : i32
        %add3A_1939 = arith.constant 10 : i32
        %add3A_1940 = arith.addi %mul3A_1938, %add3A_1939 : i32
        %get3A_1941 = arith.index_cast %add3A_1940 : i32 to index
        %get3A_1942 = arith.constant 16 : index
        %get3A_1943 = tpu.vector_load %arg8[%get3A_1941, %get3A_1942] {strides = array<i32>} : memref<896x64xf32, #tpu.memory_space<vmem>>, vector<16xf32>,
        %swap3A_1944 = arith.index_cast %squeeze3A_1926 : i32 to index
        %swap3A_1945 = arith.constant 16 : index
        %swap3A_1946 = tpu.vector_load %arg9[%swap3A_1944, %swap3A_1945] {strides = array<i32>} : memref<800x64xf32, #tpu.memory_space<vmem>>, vector<16xf32>,
        tpu.vector_store %arg9[%swap3A_1944, %swap3A_1945], %get3A_1943 {strides = array<i32>} : memref<800x64xf32, #tpu.memory_space<vmem>>, vector<16xf32>,
        %mul3A_1947 = arith.constant 16 : i32
        %mul3A_1948 = arith.muli %while3A_1503, %mul3A_1947 : i32
        %add3A_1949 = arith.constant 10 : i32
        %add3A_1950 = arith.addi %mul3A_1948, %add3A_1949 : i32
        %get3A_1951 = arith.index_cast %add3A_1950 : i32 to index
        %get3A_1952 = arith.constant 32 : index
        %get3A_1953 = tpu.vector_load %arg8[%get3A_1951, %get3A_1952] {strides = array<i32>} : memref<896x64xf32, #tpu.memory_space<vmem>>, vector<16xf32>,
        %swap3A_1954 = arith.index_cast %squeeze3A_1926 : i32 to index
        %swap3A_1955 = arith.constant 32 : index
        %swap3A_1956 = tpu.vector_load %arg9[%swap3A_1954, %swap3A_1955] {strides = array<i32>} : memref<800x64xf32, #tpu.memory_space<vmem>>, vector<16xf32>,
        tpu.vector_store %arg9[%swap3A_1954, %swap3A_1955], %get3A_1953 {strides = array<i32>} : memref<800x64xf32, #tpu.memory_space<vmem>>, vector<16xf32>,
        %mul3A_1957 = arith.constant 16 : i32
        %mul3A_1958 = arith.muli %while3A_1503, %mul3A_1957 : i32
        %add3A_1959 = arith.constant 10 : i32
        %add3A_1960 = arith.addi %mul3A_1958, %add3A_1959 : i32
        %get3A_1961 = arith.index_cast %add3A_1960 : i32 to index
        %get3A_1962 = arith.constant 48 : index
        %get3A_1963 = tpu.vector_load %arg8[%get3A_1961, %get3A_1962] {strides = array<i32>} : memref<896x64xf32, #tpu.memory_space<vmem>>, vector<16xf32>,
        %swap3A_1964 = arith.index_cast %squeeze3A_1926 : i32 to index
        %swap3A_1965 = arith.constant 48 : index
        %swap3A_1966 = tpu.vector_load %arg9[%swap3A_1964, %swap3A_1965] {strides = array<i32>} : memref<800x64xf32, #tpu.memory_space<vmem>>, vector<16xf32>,
        tpu.vector_store %arg9[%swap3A_1964, %swap3A_1965], %get3A_1963 {strides = array<i32>} : memref<800x64xf32, #tpu.memory_space<vmem>>, vector<16xf32>,
        %slice3A_1967 = vector.extract_strided_slice %get3A_1507 {offsets = [11], sizes = [1], strides = [1]} : vector<16xi32> to vector<1xi32>
        %squeeze3A_1968 = vector.extract %slice3A_1967[0] : i32 from vector<1xi32>
        %mul3A_1969 = arith.constant 16 : i32
        %mul3A_1970 = arith.muli %while3A_1503, %mul3A_1969 : i32
        %add3A_1971 = arith.constant 11 : i32
        %add3A_1972 = arith.addi %mul3A_1970, %add3A_1971 : i32
        %get3A_1973 = arith.index_cast %add3A_1972 : i32 to index
        %get3A_1974 = arith.constant 0 : index
        %get3A_1975 = tpu.vector_load %arg8[%get3A_1973, %get3A_1974] {strides = array<i32>} : memref<896x64xf32, #tpu.memory_space<vmem>>, vector<16xf32>,
        %swap3A_1976 = arith.index_cast %squeeze3A_1968 : i32 to index
        %swap3A_1977 = arith.constant 0 : index
        %swap3A_1978 = tpu.vector_load %arg9[%swap3A_1976, %swap3A_1977] {strides = array<i32>} : memref<800x64xf32, #tpu.memory_space<vmem>>, vector<16xf32>,
        tpu.vector_store %arg9[%swap3A_1976, %swap3A_1977], %get3A_1975 {strides = array<i32>} : memref<800x64xf32, #tpu.memory_space<vmem>>, vector<16xf32>,
        %mul3A_1979 = arith.constant 16 : i32
        %mul3A_1980 = arith.muli %while3A_1503, %mul3A_1979 : i32
        %add3A_1981 = arith.constant 11 : i32
        %add3A_1982 = arith.addi %mul3A_1980, %add3A_1981 : i32
        %get3A_1983 = arith.index_cast %add3A_1982 : i32 to index
        %get3A_1984 = arith.constant 16 : index
        %get3A_1985 = tpu.vector_load %arg8[%get3A_1983, %get3A_1984] {strides = array<i32>} : memref<896x64xf32, #tpu.memory_space<vmem>>, vector<16xf32>,
        %swap3A_1986 = arith.index_cast %squeeze3A_1968 : i32 to index
        %swap3A_1987 = arith.constant 16 : index
        %swap3A_1988 = tpu.vector_load %arg9[%swap3A_1986, %swap3A_1987] {strides = array<i32>} : memref<800x64xf32, #tpu.memory_space<vmem>>, vector<16xf32>,
        tpu.vector_store %arg9[%swap3A_1986, %swap3A_1987], %get3A_1985 {strides = array<i32>} : memref<800x64xf32, #tpu.memory_space<vmem>>, vector<16xf32>,
        %mul3A_1989 = arith.constant 16 : i32
        %mul3A_1990 = arith.muli %while3A_1503, %mul3A_1989 : i32
        %add3A_1991 = arith.constant 11 : i32
        %add3A_1992 = arith.addi %mul3A_1990, %add3A_1991 : i32
        %get3A_1993 = arith.index_cast %add3A_1992 : i32 to index
        %get3A_1994 = arith.constant 32 : index
        %get3A_1995 = tpu.vector_load %arg8[%get3A_1993, %get3A_1994] {strides = array<i32>} : memref<896x64xf32, #tpu.memory_space<vmem>>, vector<16xf32>,
        %swap3A_1996 = arith.index_cast %squeeze3A_1968 : i32 to index
        %swap3A_1997 = arith.constant 32 : index
        %swap3A_1998 = tpu.vector_load %arg9[%swap3A_1996, %swap3A_1997] {strides = array<i32>} : memref<800x64xf32, #tpu.memory_space<vmem>>, vector<16xf32>,
        tpu.vector_store %arg9[%swap3A_1996, %swap3A_1997], %get3A_1995 {strides = array<i32>} : memref<800x64xf32, #tpu.memory_space<vmem>>, vector<16xf32>,
        %mul3A_1999 = arith.constant 16 : i32
        %mul3A_2000 = arith.muli %while3A_1503, %mul3A_1999 : i32
        %add3A_2001 = arith.constant 11 : i32
        %add3A_2002 = arith.addi %mul3A_2000, %add3A_2001 : i32
        %get3A_2003 = arith.index_cast %add3A_2002 : i32 to index
        %get3A_2004 = arith.constant 48 : index
        %get3A_2005 = tpu.vector_load %arg8[%get3A_2003, %get3A_2004] {strides = array<i32>} : memref<896x64xf32, #tpu.memory_space<vmem>>, vector<16xf32>,
        %swap3A_2006 = arith.index_cast %squeeze3A_1968 : i32 to index
        %swap3A_2007 = arith.constant 48 : index
        %swap3A_2008 = tpu.vector_load %arg9[%swap3A_2006, %swap3A_2007] {strides = array<i32>} : memref<800x64xf32, #tpu.memory_space<vmem>>, vector<16xf32>,
        tpu.vector_store %arg9[%swap3A_2006, %swap3A_2007], %get3A_2005 {strides = array<i32>} : memref<800x64xf32, #tpu.memory_space<vmem>>, vector<16xf32>,
        %slice3A_2009 = vector.extract_strided_slice %get3A_1507 {offsets = [12], sizes = [1], strides = [1]} : vector<16xi32> to vector<1xi32>
        %squeeze3A_2010 = vector.extract %slice3A_2009[0] : i32 from vector<1xi32>
        %mul3A_2011 = arith.constant 16 : i32
        %mul3A_2012 = arith.muli %while3A_1503, %mul3A_2011 : i32
        %add3A_2013 = arith.constant 12 : i32
        %add3A_2014 = arith.addi %mul3A_2012, %add3A_2013 : i32
        %get3A_2015 = arith.index_cast %add3A_2014 : i32 to index
        %get3A_2016 = arith.constant 0 : index
        %get3A_2017 = tpu.vector_load %arg8[%get3A_2015, %get3A_2016] {strides = array<i32>} : memref<896x64xf32, #tpu.memory_space<vmem>>, vector<16xf32>,
        %swap3A_2018 = arith.index_cast %squeeze3A_2010 : i32 to index
        %swap3A_2019 = arith.constant 0 : index
        %swap3A_2020 = tpu.vector_load %arg9[%swap3A_2018, %swap3A_2019] {strides = array<i32>} : memref<800x64xf32, #tpu.memory_space<vmem>>, vector<16xf32>,
        tpu.vector_store %arg9[%swap3A_2018, %swap3A_2019], %get3A_2017 {strides = array<i32>} : memref<800x64xf32, #tpu.memory_space<vmem>>, vector<16xf32>,
        %mul3A_2021 = arith.constant 16 : i32
        %mul3A_2022 = arith.muli %while3A_1503, %mul3A_2021 : i32
        %add3A_2023 = arith.constant 12 : i32
        %add3A_2024 = arith.addi %mul3A_2022, %add3A_2023 : i32
        %get3A_2025 = arith.index_cast %add3A_2024 : i32 to index
        %get3A_2026 = arith.constant 16 : index
        %get3A_2027 = tpu.vector_load %arg8[%get3A_2025, %get3A_2026] {strides = array<i32>} : memref<896x64xf32, #tpu.memory_space<vmem>>, vector<16xf32>,
        %swap3A_2028 = arith.index_cast %squeeze3A_2010 : i32 to index
        %swap3A_2029 = arith.constant 16 : index
        %swap3A_2030 = tpu.vector_load %arg9[%swap3A_2028, %swap3A_2029] {strides = array<i32>} : memref<800x64xf32, #tpu.memory_space<vmem>>, vector<16xf32>,
        tpu.vector_store %arg9[%swap3A_2028, %swap3A_2029], %get3A_2027 {strides = array<i32>} : memref<800x64xf32, #tpu.memory_space<vmem>>, vector<16xf32>,
        %mul3A_2031 = arith.constant 16 : i32
        %mul3A_2032 = arith.muli %while3A_1503, %mul3A_2031 : i32
        %add3A_2033 = arith.constant 12 : i32
        %add3A_2034 = arith.addi %mul3A_2032, %add3A_2033 : i32
        %get3A_2035 = arith.index_cast %add3A_2034 : i32 to index
        %get3A_2036 = arith.constant 32 : index
        %get3A_2037 = tpu.vector_load %arg8[%get3A_2035, %get3A_2036] {strides = array<i32>} : memref<896x64xf32, #tpu.memory_space<vmem>>, vector<16xf32>,
        %swap3A_2038 = arith.index_cast %squeeze3A_2010 : i32 to index
        %swap3A_2039 = arith.constant 32 : index
        %swap3A_2040 = tpu.vector_load %arg9[%swap3A_2038, %swap3A_2039] {strides = array<i32>} : memref<800x64xf32, #tpu.memory_space<vmem>>, vector<16xf32>,
        tpu.vector_store %arg9[%swap3A_2038, %swap3A_2039], %get3A_2037 {strides = array<i32>} : memref<800x64xf32, #tpu.memory_space<vmem>>, vector<16xf32>,
        %mul3A_2041 = arith.constant 16 : i32
        %mul3A_2042 = arith.muli %while3A_1503, %mul3A_2041 : i32
        %add3A_2043 = arith.constant 12 : i32
        %add3A_2044 = arith.addi %mul3A_2042, %add3A_2043 : i32
        %get3A_2045 = arith.index_cast %add3A_2044 : i32 to index
        %get3A_2046 = arith.constant 48 : index
        %get3A_2047 = tpu.vector_load %arg8[%get3A_2045, %get3A_2046] {strides = array<i32>} : memref<896x64xf32, #tpu.memory_space<vmem>>, vector<16xf32>,
        %swap3A_2048 = arith.index_cast %squeeze3A_2010 : i32 to index
        %swap3A_2049 = arith.constant 48 : index
        %swap3A_2050 = tpu.vector_load %arg9[%swap3A_2048, %swap3A_2049] {strides = array<i32>} : memref<800x64xf32, #tpu.memory_space<vmem>>, vector<16xf32>,
        tpu.vector_store %arg9[%swap3A_2048, %swap3A_2049], %get3A_2047 {strides = array<i32>} : memref<800x64xf32, #tpu.memory_space<vmem>>, vector<16xf32>,
        %slice3A_2051 = vector.extract_strided_slice %get3A_1507 {offsets = [13], sizes = [1], strides = [1]} : vector<16xi32> to vector<1xi32>
        %squeeze3A_2052 = vector.extract %slice3A_2051[0] : i32 from vector<1xi32>
        %mul3A_2053 = arith.constant 16 : i32
        %mul3A_2054 = arith.muli %while3A_1503, %mul3A_2053 : i32
        %add3A_2055 = arith.constant 13 : i32
        %add3A_2056 = arith.addi %mul3A_2054, %add3A_2055 : i32
        %get3A_2057 = arith.index_cast %add3A_2056 : i32 to index
        %get3A_2058 = arith.constant 0 : index
        %get3A_2059 = tpu.vector_load %arg8[%get3A_2057, %get3A_2058] {strides = array<i32>} : memref<896x64xf32, #tpu.memory_space<vmem>>, vector<16xf32>,
        %swap3A_2060 = arith.index_cast %squeeze3A_2052 : i32 to index
        %swap3A_2061 = arith.constant 0 : index
        %swap3A_2062 = tpu.vector_load %arg9[%swap3A_2060, %swap3A_2061] {strides = array<i32>} : memref<800x64xf32, #tpu.memory_space<vmem>>, vector<16xf32>,
        tpu.vector_store %arg9[%swap3A_2060, %swap3A_2061], %get3A_2059 {strides = array<i32>} : memref<800x64xf32, #tpu.memory_space<vmem>>, vector<16xf32>,
        %mul3A_2063 = arith.constant 16 : i32
        %mul3A_2064 = arith.muli %while3A_1503, %mul3A_2063 : i32
        %add3A_2065 = arith.constant 13 : i32
        %add3A_2066 = arith.addi %mul3A_2064, %add3A_2065 : i32
        %get3A_2067 = arith.index_cast %add3A_2066 : i32 to index
        %get3A_2068 = arith.constant 16 : index
        %get3A_2069 = tpu.vector_load %arg8[%get3A_2067, %get3A_2068] {strides = array<i32>} : memref<896x64xf32, #tpu.memory_space<vmem>>, vector<16xf32>,
        %swap3A_2070 = arith.index_cast %squeeze3A_2052 : i32 to index
        %swap3A_2071 = arith.constant 16 : index
        %swap3A_2072 = tpu.vector_load %arg9[%swap3A_2070, %swap3A_2071] {strides = array<i32>} : memref<800x64xf32, #tpu.memory_space<vmem>>, vector<16xf32>,
        tpu.vector_store %arg9[%swap3A_2070, %swap3A_2071], %get3A_2069 {strides = array<i32>} : memref<800x64xf32, #tpu.memory_space<vmem>>, vector<16xf32>,
        %mul3A_2073 = arith.constant 16 : i32
        %mul3A_2074 = arith.muli %while3A_1503, %mul3A_2073 : i32
        %add3A_2075 = arith.constant 13 : i32
        %add3A_2076 = arith.addi %mul3A_2074, %add3A_2075 : i32
        %get3A_2077 = arith.index_cast %add3A_2076 : i32 to index
        %get3A_2078 = arith.constant 32 : index
        %get3A_2079 = tpu.vector_load %arg8[%get3A_2077, %get3A_2078] {strides = array<i32>} : memref<896x64xf32, #tpu.memory_space<vmem>>, vector<16xf32>,
        %swap3A_2080 = arith.index_cast %squeeze3A_2052 : i32 to index
        %swap3A_2081 = arith.constant 32 : index
        %swap3A_2082 = tpu.vector_load %arg9[%swap3A_2080, %swap3A_2081] {strides = array<i32>} : memref<800x64xf32, #tpu.memory_space<vmem>>, vector<16xf32>,
        tpu.vector_store %arg9[%swap3A_2080, %swap3A_2081], %get3A_2079 {strides = array<i32>} : memref<800x64xf32, #tpu.memory_space<vmem>>, vector<16xf32>,
        %mul3A_2083 = arith.constant 16 : i32
        %mul3A_2084 = arith.muli %while3A_1503, %mul3A_2083 : i32
        %add3A_2085 = arith.constant 13 : i32
        %add3A_2086 = arith.addi %mul3A_2084, %add3A_2085 : i32
        %get3A_2087 = arith.index_cast %add3A_2086 : i32 to index
        %get3A_2088 = arith.constant 48 : index
        %get3A_2089 = tpu.vector_load %arg8[%get3A_2087, %get3A_2088] {strides = array<i32>} : memref<896x64xf32, #tpu.memory_space<vmem>>, vector<16xf32>,
        %swap3A_2090 = arith.index_cast %squeeze3A_2052 : i32 to index
        %swap3A_2091 = arith.constant 48 : index
        %swap3A_2092 = tpu.vector_load %arg9[%swap3A_2090, %swap3A_2091] {strides = array<i32>} : memref<800x64xf32, #tpu.memory_space<vmem>>, vector<16xf32>,
        tpu.vector_store %arg9[%swap3A_2090, %swap3A_2091], %get3A_2089 {strides = array<i32>} : memref<800x64xf32, #tpu.memory_space<vmem>>, vector<16xf32>,
        %slice3A_2093 = vector.extract_strided_slice %get3A_1507 {offsets = [14], sizes = [1], strides = [1]} : vector<16xi32> to vector<1xi32>
        %squeeze3A_2094 = vector.extract %slice3A_2093[0] : i32 from vector<1xi32>
        %mul3A_2095 = arith.constant 16 : i32
        %mul3A_2096 = arith.muli %while3A_1503, %mul3A_2095 : i32
        %add3A_2097 = arith.constant 14 : i32
        %add3A_2098 = arith.addi %mul3A_2096, %add3A_2097 : i32
        %get3A_2099 = arith.index_cast %add3A_2098 : i32 to index
        %get3A_2100 = arith.constant 0 : index
        %get3A_2101 = tpu.vector_load %arg8[%get3A_2099, %get3A_2100] {strides = array<i32>} : memref<896x64xf32, #tpu.memory_space<vmem>>, vector<16xf32>,
        %swap3A_2102 = arith.index_cast %squeeze3A_2094 : i32 to index
        %swap3A_2103 = arith.constant 0 : index
        %swap3A_2104 = tpu.vector_load %arg9[%swap3A_2102, %swap3A_2103] {strides = array<i32>} : memref<800x64xf32, #tpu.memory_space<vmem>>, vector<16xf32>,
        tpu.vector_store %arg9[%swap3A_2102, %swap3A_2103], %get3A_2101 {strides = array<i32>} : memref<800x64xf32, #tpu.memory_space<vmem>>, vector<16xf32>,
        %mul3A_2105 = arith.constant 16 : i32
        %mul3A_2106 = arith.muli %while3A_1503, %mul3A_2105 : i32
        %add3A_2107 = arith.constant 14 : i32
        %add3A_2108 = arith.addi %mul3A_2106, %add3A_2107 : i32
        %get3A_2109 = arith.index_cast %add3A_2108 : i32 to index
        %get3A_2110 = arith.constant 16 : index
        %get3A_2111 = tpu.vector_load %arg8[%get3A_2109, %get3A_2110] {strides = array<i32>} : memref<896x64xf32, #tpu.memory_space<vmem>>, vector<16xf32>,
        %swap3A_2112 = arith.index_cast %squeeze3A_2094 : i32 to index
        %swap3A_2113 = arith.constant 16 : index
        %swap3A_2114 = tpu.vector_load %arg9[%swap3A_2112, %swap3A_2113] {strides = array<i32>} : memref<800x64xf32, #tpu.memory_space<vmem>>, vector<16xf32>,
        tpu.vector_store %arg9[%swap3A_2112, %swap3A_2113], %get3A_2111 {strides = array<i32>} : memref<800x64xf32, #tpu.memory_space<vmem>>, vector<16xf32>,
        %mul3A_2115 = arith.constant 16 : i32
        %mul3A_2116 = arith.muli %while3A_1503, %mul3A_2115 : i32
        %add3A_2117 = arith.constant 14 : i32
        %add3A_2118 = arith.addi %mul3A_2116, %add3A_2117 : i32
        %get3A_2119 = arith.index_cast %add3A_2118 : i32 to index
        %get3A_2120 = arith.constant 32 : index
        %get3A_2121 = tpu.vector_load %arg8[%get3A_2119, %get3A_2120] {strides = array<i32>} : memref<896x64xf32, #tpu.memory_space<vmem>>, vector<16xf32>,
        %swap3A_2122 = arith.index_cast %squeeze3A_2094 : i32 to index
        %swap3A_2123 = arith.constant 32 : index
        %swap3A_2124 = tpu.vector_load %arg9[%swap3A_2122, %swap3A_2123] {strides = array<i32>} : memref<800x64xf32, #tpu.memory_space<vmem>>, vector<16xf32>,
        tpu.vector_store %arg9[%swap3A_2122, %swap3A_2123], %get3A_2121 {strides = array<i32>} : memref<800x64xf32, #tpu.memory_space<vmem>>, vector<16xf32>,
        %mul3A_2125 = arith.constant 16 : i32
        %mul3A_2126 = arith.muli %while3A_1503, %mul3A_2125 : i32
        %add3A_2127 = arith.constant 14 : i32
        %add3A_2128 = arith.addi %mul3A_2126, %add3A_2127 : i32
        %get3A_2129 = arith.index_cast %add3A_2128 : i32 to index
        %get3A_2130 = arith.constant 48 : index
        %get3A_2131 = tpu.vector_load %arg8[%get3A_2129, %get3A_2130] {strides = array<i32>} : memref<896x64xf32, #tpu.memory_space<vmem>>, vector<16xf32>,
        %swap3A_2132 = arith.index_cast %squeeze3A_2094 : i32 to index
        %swap3A_2133 = arith.constant 48 : index
        %swap3A_2134 = tpu.vector_load %arg9[%swap3A_2132, %swap3A_2133] {strides = array<i32>} : memref<800x64xf32, #tpu.memory_space<vmem>>, vector<16xf32>,
        tpu.vector_store %arg9[%swap3A_2132, %swap3A_2133], %get3A_2131 {strides = array<i32>} : memref<800x64xf32, #tpu.memory_space<vmem>>, vector<16xf32>,
        %slice3A_2135 = vector.extract_strided_slice %get3A_1507 {offsets = [15], sizes = [1], strides = [1]} : vector<16xi32> to vector<1xi32>
        %squeeze3A_2136 = vector.extract %slice3A_2135[0] : i32 from vector<1xi32>
        %mul3A_2137 = arith.constant 16 : i32
        %mul3A_2138 = arith.muli %while3A_1503, %mul3A_2137 : i32
        %add3A_2139 = arith.constant 15 : i32
        %add3A_2140 = arith.addi %mul3A_2138, %add3A_2139 : i32
        %get3A_2141 = arith.index_cast %add3A_2140 : i32 to index
        %get3A_2142 = arith.constant 0 : index
        %get3A_2143 = tpu.vector_load %arg8[%get3A_2141, %get3A_2142] {strides = array<i32>} : memref<896x64xf32, #tpu.memory_space<vmem>>, vector<16xf32>,
        %swap3A_2144 = arith.index_cast %squeeze3A_2136 : i32 to index
        %swap3A_2145 = arith.constant 0 : index
        %swap3A_2146 = tpu.vector_load %arg9[%swap3A_2144, %swap3A_2145] {strides = array<i32>} : memref<800x64xf32, #tpu.memory_space<vmem>>, vector<16xf32>,
        tpu.vector_store %arg9[%swap3A_2144, %swap3A_2145], %get3A_2143 {strides = array<i32>} : memref<800x64xf32, #tpu.memory_space<vmem>>, vector<16xf32>,
        %mul3A_2147 = arith.constant 16 : i32
        %mul3A_2148 = arith.muli %while3A_1503, %mul3A_2147 : i32
        %add3A_2149 = arith.constant 15 : i32
        %add3A_2150 = arith.addi %mul3A_2148, %add3A_2149 : i32
        %get3A_2151 = arith.index_cast %add3A_2150 : i32 to index
        %get3A_2152 = arith.constant 16 : index
        %get3A_2153 = tpu.vector_load %arg8[%get3A_2151, %get3A_2152] {strides = array<i32>} : memref<896x64xf32, #tpu.memory_space<vmem>>, vector<16xf32>,
        %swap3A_2154 = arith.index_cast %squeeze3A_2136 : i32 to index
        %swap3A_2155 = arith.constant 16 : index
        %swap3A_2156 = tpu.vector_load %arg9[%swap3A_2154, %swap3A_2155] {strides = array<i32>} : memref<800x64xf32, #tpu.memory_space<vmem>>, vector<16xf32>,
        tpu.vector_store %arg9[%swap3A_2154, %swap3A_2155], %get3A_2153 {strides = array<i32>} : memref<800x64xf32, #tpu.memory_space<vmem>>, vector<16xf32>,
        %mul3A_2157 = arith.constant 16 : i32
        %mul3A_2158 = arith.muli %while3A_1503, %mul3A_2157 : i32
        %add3A_2159 = arith.constant 15 : i32
        %add3A_2160 = arith.addi %mul3A_2158, %add3A_2159 : i32
        %get3A_2161 = arith.index_cast %add3A_2160 : i32 to index
        %get3A_2162 = arith.constant 32 : index
        %get3A_2163 = tpu.vector_load %arg8[%get3A_2161, %get3A_2162] {strides = array<i32>} : memref<896x64xf32, #tpu.memory_space<vmem>>, vector<16xf32>,
        %swap3A_2164 = arith.index_cast %squeeze3A_2136 : i32 to index
        %swap3A_2165 = arith.constant 32 : index
        %swap3A_2166 = tpu.vector_load %arg9[%swap3A_2164, %swap3A_2165] {strides = array<i32>} : memref<800x64xf32, #tpu.memory_space<vmem>>, vector<16xf32>,
        tpu.vector_store %arg9[%swap3A_2164, %swap3A_2165], %get3A_2163 {strides = array<i32>} : memref<800x64xf32, #tpu.memory_space<vmem>>, vector<16xf32>,
        %mul3A_2167 = arith.constant 16 : i32
        %mul3A_2168 = arith.muli %while3A_1503, %mul3A_2167 : i32
        %add3A_2169 = arith.constant 15 : i32
        %add3A_2170 = arith.addi %mul3A_2168, %add3A_2169 : i32
        %get3A_2171 = arith.index_cast %add3A_2170 : i32 to index
        %get3A_2172 = arith.constant 48 : index
        %get3A_2173 = tpu.vector_load %arg8[%get3A_2171, %get3A_2172] {strides = array<i32>} : memref<896x64xf32, #tpu.memory_space<vmem>>, vector<16xf32>,
        %swap3A_2174 = arith.index_cast %squeeze3A_2136 : i32 to index
        %swap3A_2175 = arith.constant 48 : index
        %swap3A_2176 = tpu.vector_load %arg9[%swap3A_2174, %swap3A_2175] {strides = array<i32>} : memref<800x64xf32, #tpu.memory_space<vmem>>, vector<16xf32>,
        tpu.vector_store %arg9[%swap3A_2174, %swap3A_2175], %get3A_2173 {strides = array<i32>} : memref<800x64xf32, #tpu.memory_space<vmem>>, vector<16xf32>,
      }
      %while3A_204 = arith.constant 1 : i32
      scf.for %while3A_1503 = %while3A_202 to %while3A_198 step %while3A_204  : i32 {
        %mul3A_1504 = arith.constant 16 : i32
        %mul3A_1505 = arith.muli %while3A_1503, %mul3A_1504 : i32
        %get3A_1506 = arith.index_cast %mul3A_1505 : i32 to index
        %get3A_1507 = tpu.vector_load %arg7[%get3A_1506] {strides = array<i32>} : memref<912xi32, #tpu.memory_space<vmem>>, vector<16xi32>,
        %slice3A = vector.extract_strided_slice %get3A_1507 {offsets = [0], sizes = [1], strides = [1]} : vector<16xi32> to vector<1xi32>
        %squeeze3A = vector.extract %slice3A[0] : i32 from vector<1xi32>
        %mul3A_1508 = arith.constant 16 : i32
        %mul3A_1509 = arith.muli %while3A_1503, %mul3A_1508 : i32
        %add3A_1510 = arith.constant 0 : i32
        %add3A_1511 = arith.addi %mul3A_1509, %add3A_1510 : i32
        %get3A_1512 = arith.index_cast %add3A_1511 : i32 to index
        %get3A_1513 = arith.constant 0 : index
        %get3A_1514 = tpu.vector_load %arg8[%get3A_1512, %get3A_1513] {strides = array<i32>} : memref<896x64xf32, #tpu.memory_space<vmem>>, vector<16xf32>,
        %swap3A = arith.index_cast %squeeze3A : i32 to index
        %swap3A_1515 = arith.constant 0 : index
        %swap3A_1516 = tpu.vector_load %arg9[%swap3A, %swap3A_1515] {strides = array<i32>} : memref<800x64xf32, #tpu.memory_space<vmem>>, vector<16xf32>,
        tpu.vector_store %arg9[%swap3A, %swap3A_1515], %get3A_1514 {strides = array<i32>} : memref<800x64xf32, #tpu.memory_space<vmem>>, vector<16xf32>,
        %mul3A_1517 = arith.constant 16 : i32
        %mul3A_1518 = arith.muli %while3A_1503, %mul3A_1517 : i32
        %add3A_1519 = arith.constant 0 : i32
        %add3A_1520 = arith.addi %mul3A_1518, %add3A_1519 : i32
        %get3A_1521 = arith.index_cast %add3A_1520 : i32 to index
        %get3A_1522 = arith.constant 16 : index
        %get3A_1523 = tpu.vector_load %arg8[%get3A_1521, %get3A_1522] {strides = array<i32>} : memref<896x64xf32, #tpu.memory_space<vmem>>, vector<16xf32>,
        %swap3A_1524 = arith.index_cast %squeeze3A : i32 to index
        %swap3A_1525 = arith.constant 16 : index
        %swap3A_1526 = tpu.vector_load %arg9[%swap3A_1524, %swap3A_1525] {strides = array<i32>} : memref<800x64xf32, #tpu.memory_space<vmem>>, vector<16xf32>,
        tpu.vector_store %arg9[%swap3A_1524, %swap3A_1525], %get3A_1523 {strides = array<i32>} : memref<800x64xf32, #tpu.memory_space<vmem>>, vector<16xf32>,
        %mul3A_1527 = arith.constant 16 : i32
        %mul3A_1528 = arith.muli %while3A_1503, %mul3A_1527 : i32
        %add3A_1529 = arith.constant 0 : i32
        %add3A_1530 = arith.addi %mul3A_1528, %add3A_1529 : i32
        %get3A_1531 = arith.index_cast %add3A_1530 : i32 to index
        %get3A_1532 = arith.constant 32 : index
        %get3A_1533 = tpu.vector_load %arg8[%get3A_1531, %get3A_1532] {strides = array<i32>} : memref<896x64xf32, #tpu.memory_space<vmem>>, vector<16xf32>,
        %swap3A_1534 = arith.index_cast %squeeze3A : i32 to index
        %swap3A_1535 = arith.constant 32 : index
        %swap3A_1536 = tpu.vector_load %arg9[%swap3A_1534, %swap3A_1535] {strides = array<i32>} : memref<800x64xf32, #tpu.memory_space<vmem>>, vector<16xf32>,
        tpu.vector_store %arg9[%swap3A_1534, %swap3A_1535], %get3A_1533 {strides = array<i32>} : memref<800x64xf32, #tpu.memory_space<vmem>>, vector<16xf32>,
        %mul3A_1537 = arith.constant 16 : i32
        %mul3A_1538 = arith.muli %while3A_1503, %mul3A_1537 : i32
        %add3A_1539 = arith.constant 0 : i32
        %add3A_1540 = arith.addi %mul3A_1538, %add3A_1539 : i32
        %get3A_1541 = arith.index_cast %add3A_1540 : i32 to index
        %get3A_1542 = arith.constant 48 : index
        %get3A_1543 = tpu.vector_load %arg8[%get3A_1541, %get3A_1542] {strides = array<i32>} : memref<896x64xf32, #tpu.memory_space<vmem>>, vector<16xf32>,
        %swap3A_1544 = arith.index_cast %squeeze3A : i32 to index
        %swap3A_1545 = arith.constant 48 : index
        %swap3A_1546 = tpu.vector_load %arg9[%swap3A_1544, %swap3A_1545] {strides = array<i32>} : memref<800x64xf32, #tpu.memory_space<vmem>>, vector<16xf32>,
        tpu.vector_store %arg9[%swap3A_1544, %swap3A_1545], %get3A_1543 {strides = array<i32>} : memref<800x64xf32, #tpu.memory_space<vmem>>, vector<16xf32>,
        %slice3A_1547 = vector.extract_strided_slice %get3A_1507 {offsets = [1], sizes = [1], strides = [1]} : vector<16xi32> to vector<1xi32>
        %squeeze3A_1548 = vector.extract %slice3A_1547[0] : i32 from vector<1xi32>
        %mul3A_1549 = arith.constant 16 : i32
        %mul3A_1550 = arith.muli %while3A_1503, %mul3A_1549 : i32
        %add3A_1551 = arith.constant 1 : i32
        %add3A_1552 = arith.addi %mul3A_1550, %add3A_1551 : i32
        %get3A_1553 = arith.index_cast %add3A_1552 : i32 to index
        %get3A_1554 = arith.constant 0 : index
        %get3A_1555 = tpu.vector_load %arg8[%get3A_1553, %get3A_1554] {strides = array<i32>} : memref<896x64xf32, #tpu.memory_space<vmem>>, vector<16xf32>,
        %swap3A_1556 = arith.index_cast %squeeze3A_1548 : i32 to index
        %swap3A_1557 = arith.constant 0 : index
        %swap3A_1558 = tpu.vector_load %arg9[%swap3A_1556, %swap3A_1557] {strides = array<i32>} : memref<800x64xf32, #tpu.memory_space<vmem>>, vector<16xf32>,
        tpu.vector_store %arg9[%swap3A_1556, %swap3A_1557], %get3A_1555 {strides = array<i32>} : memref<800x64xf32, #tpu.memory_space<vmem>>, vector<16xf32>,
        %mul3A_1559 = arith.constant 16 : i32
        %mul3A_1560 = arith.muli %while3A_1503, %mul3A_1559 : i32
        %add3A_1561 = arith.constant 1 : i32
        %add3A_1562 = arith.addi %mul3A_1560, %add3A_1561 : i32
        %get3A_1563 = arith.index_cast %add3A_1562 : i32 to index
        %get3A_1564 = arith.constant 16 : index
        %get3A_1565 = tpu.vector_load %arg8[%get3A_1563, %get3A_1564] {strides = array<i32>} : memref<896x64xf32, #tpu.memory_space<vmem>>, vector<16xf32>,
        %swap3A_1566 = arith.index_cast %squeeze3A_1548 : i32 to index
        %swap3A_1567 = arith.constant 16 : index
        %swap3A_1568 = tpu.vector_load %arg9[%swap3A_1566, %swap3A_1567] {strides = array<i32>} : memref<800x64xf32, #tpu.memory_space<vmem>>, vector<16xf32>,
        tpu.vector_store %arg9[%swap3A_1566, %swap3A_1567], %get3A_1565 {strides = array<i32>} : memref<800x64xf32, #tpu.memory_space<vmem>>, vector<16xf32>,
        %mul3A_1569 = arith.constant 16 : i32
        %mul3A_1570 = arith.muli %while3A_1503, %mul3A_1569 : i32
        %add3A_1571 = arith.constant 1 : i32
        %add3A_1572 = arith.addi %mul3A_1570, %add3A_1571 : i32
        %get3A_1573 = arith.index_cast %add3A_1572 : i32 to index
        %get3A_1574 = arith.constant 32 : index
        %get3A_1575 = tpu.vector_load %arg8[%get3A_1573, %get3A_1574] {strides = array<i32>} : memref<896x64xf32, #tpu.memory_space<vmem>>, vector<16xf32>,
        %swap3A_1576 = arith.index_cast %squeeze3A_1548 : i32 to index
        %swap3A_1577 = arith.constant 32 : index
        %swap3A_1578 = tpu.vector_load %arg9[%swap3A_1576, %swap3A_1577] {strides = array<i32>} : memref<800x64xf32, #tpu.memory_space<vmem>>, vector<16xf32>,
        tpu.vector_store %arg9[%swap3A_1576, %swap3A_1577], %get3A_1575 {strides = array<i32>} : memref<800x64xf32, #tpu.memory_space<vmem>>, vector<16xf32>,
        %mul3A_1579 = arith.constant 16 : i32
        %mul3A_1580 = arith.muli %while3A_1503, %mul3A_1579 : i32
        %add3A_1581 = arith.constant 1 : i32
        %add3A_1582 = arith.addi %mul3A_1580, %add3A_1581 : i32
        %get3A_1583 = arith.index_cast %add3A_1582 : i32 to index
        %get3A_1584 = arith.constant 48 : index
        %get3A_1585 = tpu.vector_load %arg8[%get3A_1583, %get3A_1584] {strides = array<i32>} : memref<896x64xf32, #tpu.memory_space<vmem>>, vector<16xf32>,
        %swap3A_1586 = arith.index_cast %squeeze3A_1548 : i32 to index
        %swap3A_1587 = arith.constant 48 : index
        %swap3A_1588 = tpu.vector_load %arg9[%swap3A_1586, %swap3A_1587] {strides = array<i32>} : memref<800x64xf32, #tpu.memory_space<vmem>>, vector<16xf32>,
        tpu.vector_store %arg9[%swap3A_1586, %swap3A_1587], %get3A_1585 {strides = array<i32>} : memref<800x64xf32, #tpu.memory_space<vmem>>, vector<16xf32>,
        %slice3A_1589 = vector.extract_strided_slice %get3A_1507 {offsets = [2], sizes = [1], strides = [1]} : vector<16xi32> to vector<1xi32>
        %squeeze3A_1590 = vector.extract %slice3A_1589[0] : i32 from vector<1xi32>
        %mul3A_1591 = arith.constant 16 : i32
        %mul3A_1592 = arith.muli %while3A_1503, %mul3A_1591 : i32
        %add3A_1593 = arith.constant 2 : i32
        %add3A_1594 = arith.addi %mul3A_1592, %add3A_1593 : i32
        %get3A_1595 = arith.index_cast %add3A_1594 : i32 to index
        %get3A_1596 = arith.constant 0 : index
        %get3A_1597 = tpu.vector_load %arg8[%get3A_1595, %get3A_1596] {strides = array<i32>} : memref<896x64xf32, #tpu.memory_space<vmem>>, vector<16xf32>,
        %swap3A_1598 = arith.index_cast %squeeze3A_1590 : i32 to index
        %swap3A_1599 = arith.constant 0 : index
        %swap3A_1600 = tpu.vector_load %arg9[%swap3A_1598, %swap3A_1599] {strides = array<i32>} : memref<800x64xf32, #tpu.memory_space<vmem>>, vector<16xf32>,
        tpu.vector_store %arg9[%swap3A_1598, %swap3A_1599], %get3A_1597 {strides = array<i32>} : memref<800x64xf32, #tpu.memory_space<vmem>>, vector<16xf32>,
        %mul3A_1601 = arith.constant 16 : i32
        %mul3A_1602 = arith.muli %while3A_1503, %mul3A_1601 : i32
        %add3A_1603 = arith.constant 2 : i32
        %add3A_1604 = arith.addi %mul3A_1602, %add3A_1603 : i32
        %get3A_1605 = arith.index_cast %add3A_1604 : i32 to index
        %get3A_1606 = arith.constant 16 : index
        %get3A_1607 = tpu.vector_load %arg8[%get3A_1605, %get3A_1606] {strides = array<i32>} : memref<896x64xf32, #tpu.memory_space<vmem>>, vector<16xf32>,
        %swap3A_1608 = arith.index_cast %squeeze3A_1590 : i32 to index
        %swap3A_1609 = arith.constant 16 : index
        %swap3A_1610 = tpu.vector_load %arg9[%swap3A_1608, %swap3A_1609] {strides = array<i32>} : memref<800x64xf32, #tpu.memory_space<vmem>>, vector<16xf32>,
        tpu.vector_store %arg9[%swap3A_1608, %swap3A_1609], %get3A_1607 {strides = array<i32>} : memref<800x64xf32, #tpu.memory_space<vmem>>, vector<16xf32>,
        %mul3A_1611 = arith.constant 16 : i32
        %mul3A_1612 = arith.muli %while3A_1503, %mul3A_1611 : i32
        %add3A_1613 = arith.constant 2 : i32
        %add3A_1614 = arith.addi %mul3A_1612, %add3A_1613 : i32
        %get3A_1615 = arith.index_cast %add3A_1614 : i32 to index
        %get3A_1616 = arith.constant 32 : index
        %get3A_1617 = tpu.vector_load %arg8[%get3A_1615, %get3A_1616] {strides = array<i32>} : memref<896x64xf32, #tpu.memory_space<vmem>>, vector<16xf32>,
        %swap3A_1618 = arith.index_cast %squeeze3A_1590 : i32 to index
        %swap3A_1619 = arith.constant 32 : index
        %swap3A_1620 = tpu.vector_load %arg9[%swap3A_1618, %swap3A_1619] {strides = array<i32>} : memref<800x64xf32, #tpu.memory_space<vmem>>, vector<16xf32>,
        tpu.vector_store %arg9[%swap3A_1618, %swap3A_1619], %get3A_1617 {strides = array<i32>} : memref<800x64xf32, #tpu.memory_space<vmem>>, vector<16xf32>,
        %mul3A_1621 = arith.constant 16 : i32
        %mul3A_1622 = arith.muli %while3A_1503, %mul3A_1621 : i32
        %add3A_1623 = arith.constant 2 : i32
        %add3A_1624 = arith.addi %mul3A_1622, %add3A_1623 : i32
        %get3A_1625 = arith.index_cast %add3A_1624 : i32 to index
        %get3A_1626 = arith.constant 48 : index
        %get3A_1627 = tpu.vector_load %arg8[%get3A_1625, %get3A_1626] {strides = array<i32>} : memref<896x64xf32, #tpu.memory_space<vmem>>, vector<16xf32>,
        %swap3A_1628 = arith.index_cast %squeeze3A_1590 : i32 to index
        %swap3A_1629 = arith.constant 48 : index
        %swap3A_1630 = tpu.vector_load %arg9[%swap3A_1628, %swap3A_1629] {strides = array<i32>} : memref<800x64xf32, #tpu.memory_space<vmem>>, vector<16xf32>,
        tpu.vector_store %arg9[%swap3A_1628, %swap3A_1629], %get3A_1627 {strides = array<i32>} : memref<800x64xf32, #tpu.memory_space<vmem>>, vector<16xf32>,
        %slice3A_1631 = vector.extract_strided_slice %get3A_1507 {offsets = [3], sizes = [1], strides = [1]} : vector<16xi32> to vector<1xi32>
        %squeeze3A_1632 = vector.extract %slice3A_1631[0] : i32 from vector<1xi32>
        %mul3A_1633 = arith.constant 16 : i32
        %mul3A_1634 = arith.muli %while3A_1503, %mul3A_1633 : i32
        %add3A_1635 = arith.constant 3 : i32
        %add3A_1636 = arith.addi %mul3A_1634, %add3A_1635 : i32
        %get3A_1637 = arith.index_cast %add3A_1636 : i32 to index
        %get3A_1638 = arith.constant 0 : index
        %get3A_1639 = tpu.vector_load %arg8[%get3A_1637, %get3A_1638] {strides = array<i32>} : memref<896x64xf32, #tpu.memory_space<vmem>>, vector<16xf32>,
        %swap3A_1640 = arith.index_cast %squeeze3A_1632 : i32 to index
        %swap3A_1641 = arith.constant 0 : index
        %swap3A_1642 = tpu.vector_load %arg9[%swap3A_1640, %swap3A_1641] {strides = array<i32>} : memref<800x64xf32, #tpu.memory_space<vmem>>, vector<16xf32>,
        tpu.vector_store %arg9[%swap3A_1640, %swap3A_1641], %get3A_1639 {strides = array<i32>} : memref<800x64xf32, #tpu.memory_space<vmem>>, vector<16xf32>,
        %mul3A_1643 = arith.constant 16 : i32
        %mul3A_1644 = arith.muli %while3A_1503, %mul3A_1643 : i32
        %add3A_1645 = arith.constant 3 : i32
        %add3A_1646 = arith.addi %mul3A_1644, %add3A_1645 : i32
        %get3A_1647 = arith.index_cast %add3A_1646 : i32 to index
        %get3A_1648 = arith.constant 16 : index
        %get3A_1649 = tpu.vector_load %arg8[%get3A_1647, %get3A_1648] {strides = array<i32>} : memref<896x64xf32, #tpu.memory_space<vmem>>, vector<16xf32>,
        %swap3A_1650 = arith.index_cast %squeeze3A_1632 : i32 to index
        %swap3A_1651 = arith.constant 16 : index
        %swap3A_1652 = tpu.vector_load %arg9[%swap3A_1650, %swap3A_1651] {strides = array<i32>} : memref<800x64xf32, #tpu.memory_space<vmem>>, vector<16xf32>,
        tpu.vector_store %arg9[%swap3A_1650, %swap3A_1651], %get3A_1649 {strides = array<i32>} : memref<800x64xf32, #tpu.memory_space<vmem>>, vector<16xf32>,
        %mul3A_1653 = arith.constant 16 : i32
        %mul3A_1654 = arith.muli %while3A_1503, %mul3A_1653 : i32
        %add3A_1655 = arith.constant 3 : i32
        %add3A_1656 = arith.addi %mul3A_1654, %add3A_1655 : i32
        %get3A_1657 = arith.index_cast %add3A_1656 : i32 to index
        %get3A_1658 = arith.constant 32 : index
        %get3A_1659 = tpu.vector_load %arg8[%get3A_1657, %get3A_1658] {strides = array<i32>} : memref<896x64xf32, #tpu.memory_space<vmem>>, vector<16xf32>,
        %swap3A_1660 = arith.index_cast %squeeze3A_1632 : i32 to index
        %swap3A_1661 = arith.constant 32 : index
        %swap3A_1662 = tpu.vector_load %arg9[%swap3A_1660, %swap3A_1661] {strides = array<i32>} : memref<800x64xf32, #tpu.memory_space<vmem>>, vector<16xf32>,
        tpu.vector_store %arg9[%swap3A_1660, %swap3A_1661], %get3A_1659 {strides = array<i32>} : memref<800x64xf32, #tpu.memory_space<vmem>>, vector<16xf32>,
        %mul3A_1663 = arith.constant 16 : i32
        %mul3A_1664 = arith.muli %while3A_1503, %mul3A_1663 : i32
        %add3A_1665 = arith.constant 3 : i32
        %add3A_1666 = arith.addi %mul3A_1664, %add3A_1665 : i32
        %get3A_1667 = arith.index_cast %add3A_1666 : i32 to index
        %get3A_1668 = arith.constant 48 : index
        %get3A_1669 = tpu.vector_load %arg8[%get3A_1667, %get3A_1668] {strides = array<i32>} : memref<896x64xf32, #tpu.memory_space<vmem>>, vector<16xf32>,
        %swap3A_1670 = arith.index_cast %squeeze3A_1632 : i32 to index
        %swap3A_1671 = arith.constant 48 : index
        %swap3A_1672 = tpu.vector_load %arg9[%swap3A_1670, %swap3A_1671] {strides = array<i32>} : memref<800x64xf32, #tpu.memory_space<vmem>>, vector<16xf32>,
        tpu.vector_store %arg9[%swap3A_1670, %swap3A_1671], %get3A_1669 {strides = array<i32>} : memref<800x64xf32, #tpu.memory_space<vmem>>, vector<16xf32>,
        %slice3A_1673 = vector.extract_strided_slice %get3A_1507 {offsets = [4], sizes = [1], strides = [1]} : vector<16xi32> to vector<1xi32>
        %squeeze3A_1674 = vector.extract %slice3A_1673[0] : i32 from vector<1xi32>
        %mul3A_1675 = arith.constant 16 : i32
        %mul3A_1676 = arith.muli %while3A_1503, %mul3A_1675 : i32
        %add3A_1677 = arith.constant 4 : i32
        %add3A_1678 = arith.addi %mul3A_1676, %add3A_1677 : i32
        %get3A_1679 = arith.index_cast %add3A_1678 : i32 to index
        %get3A_1680 = arith.constant 0 : index
        %get3A_1681 = tpu.vector_load %arg8[%get3A_1679, %get3A_1680] {strides = array<i32>} : memref<896x64xf32, #tpu.memory_space<vmem>>, vector<16xf32>,
        %swap3A_1682 = arith.index_cast %squeeze3A_1674 : i32 to index
        %swap3A_1683 = arith.constant 0 : index
        %swap3A_1684 = tpu.vector_load %arg9[%swap3A_1682, %swap3A_1683] {strides = array<i32>} : memref<800x64xf32, #tpu.memory_space<vmem>>, vector<16xf32>,
        tpu.vector_store %arg9[%swap3A_1682, %swap3A_1683], %get3A_1681 {strides = array<i32>} : memref<800x64xf32, #tpu.memory_space<vmem>>, vector<16xf32>,
        %mul3A_1685 = arith.constant 16 : i32
        %mul3A_1686 = arith.muli %while3A_1503, %mul3A_1685 : i32
        %add3A_1687 = arith.constant 4 : i32
        %add3A_1688 = arith.addi %mul3A_1686, %add3A_1687 : i32
        %get3A_1689 = arith.index_cast %add3A_1688 : i32 to index
        %get3A_1690 = arith.constant 16 : index
        %get3A_1691 = tpu.vector_load %arg8[%get3A_1689, %get3A_1690] {strides = array<i32>} : memref<896x64xf32, #tpu.memory_space<vmem>>, vector<16xf32>,
        %swap3A_1692 = arith.index_cast %squeeze3A_1674 : i32 to index
        %swap3A_1693 = arith.constant 16 : index
        %swap3A_1694 = tpu.vector_load %arg9[%swap3A_1692, %swap3A_1693] {strides = array<i32>} : memref<800x64xf32, #tpu.memory_space<vmem>>, vector<16xf32>,
        tpu.vector_store %arg9[%swap3A_1692, %swap3A_1693], %get3A_1691 {strides = array<i32>} : memref<800x64xf32, #tpu.memory_space<vmem>>, vector<16xf32>,
        %mul3A_1695 = arith.constant 16 : i32
        %mul3A_1696 = arith.muli %while3A_1503, %mul3A_1695 : i32
        %add3A_1697 = arith.constant 4 : i32
        %add3A_1698 = arith.addi %mul3A_1696, %add3A_1697 : i32
        %get3A_1699 = arith.index_cast %add3A_1698 : i32 to index
        %get3A_1700 = arith.constant 32 : index
        %get3A_1701 = tpu.vector_load %arg8[%get3A_1699, %get3A_1700] {strides = array<i32>} : memref<896x64xf32, #tpu.memory_space<vmem>>, vector<16xf32>,
        %swap3A_1702 = arith.index_cast %squeeze3A_1674 : i32 to index
        %swap3A_1703 = arith.constant 32 : index
        %swap3A_1704 = tpu.vector_load %arg9[%swap3A_1702, %swap3A_1703] {strides = array<i32>} : memref<800x64xf32, #tpu.memory_space<vmem>>, vector<16xf32>,
        tpu.vector_store %arg9[%swap3A_1702, %swap3A_1703], %get3A_1701 {strides = array<i32>} : memref<800x64xf32, #tpu.memory_space<vmem>>, vector<16xf32>,
        %mul3A_1705 = arith.constant 16 : i32
        %mul3A_1706 = arith.muli %while3A_1503, %mul3A_1705 : i32
        %add3A_1707 = arith.constant 4 : i32
        %add3A_1708 = arith.addi %mul3A_1706, %add3A_1707 : i32
        %get3A_1709 = arith.index_cast %add3A_1708 : i32 to index
        %get3A_1710 = arith.constant 48 : index
        %get3A_1711 = tpu.vector_load %arg8[%get3A_1709, %get3A_1710] {strides = array<i32>} : memref<896x64xf32, #tpu.memory_space<vmem>>, vector<16xf32>,
        %swap3A_1712 = arith.index_cast %squeeze3A_1674 : i32 to index
        %swap3A_1713 = arith.constant 48 : index
        %swap3A_1714 = tpu.vector_load %arg9[%swap3A_1712, %swap3A_1713] {strides = array<i32>} : memref<800x64xf32, #tpu.memory_space<vmem>>, vector<16xf32>,
        tpu.vector_store %arg9[%swap3A_1712, %swap3A_1713], %get3A_1711 {strides = array<i32>} : memref<800x64xf32, #tpu.memory_space<vmem>>, vector<16xf32>,
        %slice3A_1715 = vector.extract_strided_slice %get3A_1507 {offsets = [5], sizes = [1], strides = [1]} : vector<16xi32> to vector<1xi32>
        %squeeze3A_1716 = vector.extract %slice3A_1715[0] : i32 from vector<1xi32>
        %mul3A_1717 = arith.constant 16 : i32
        %mul3A_1718 = arith.muli %while3A_1503, %mul3A_1717 : i32
        %add3A_1719 = arith.constant 5 : i32
        %add3A_1720 = arith.addi %mul3A_1718, %add3A_1719 : i32
        %get3A_1721 = arith.index_cast %add3A_1720 : i32 to index
        %get3A_1722 = arith.constant 0 : index
        %get3A_1723 = tpu.vector_load %arg8[%get3A_1721, %get3A_1722] {strides = array<i32>} : memref<896x64xf32, #tpu.memory_space<vmem>>, vector<16xf32>,
        %swap3A_1724 = arith.index_cast %squeeze3A_1716 : i32 to index
        %swap3A_1725 = arith.constant 0 : index
        %swap3A_1726 = tpu.vector_load %arg9[%swap3A_1724, %swap3A_1725] {strides = array<i32>} : memref<800x64xf32, #tpu.memory_space<vmem>>, vector<16xf32>,
        tpu.vector_store %arg9[%swap3A_1724, %swap3A_1725], %get3A_1723 {strides = array<i32>} : memref<800x64xf32, #tpu.memory_space<vmem>>, vector<16xf32>,
        %mul3A_1727 = arith.constant 16 : i32
        %mul3A_1728 = arith.muli %while3A_1503, %mul3A_1727 : i32
        %add3A_1729 = arith.constant 5 : i32
        %add3A_1730 = arith.addi %mul3A_1728, %add3A_1729 : i32
        %get3A_1731 = arith.index_cast %add3A_1730 : i32 to index
        %get3A_1732 = arith.constant 16 : index
        %get3A_1733 = tpu.vector_load %arg8[%get3A_1731, %get3A_1732] {strides = array<i32>} : memref<896x64xf32, #tpu.memory_space<vmem>>, vector<16xf32>,
        %swap3A_1734 = arith.index_cast %squeeze3A_1716 : i32 to index
        %swap3A_1735 = arith.constant 16 : index
        %swap3A_1736 = tpu.vector_load %arg9[%swap3A_1734, %swap3A_1735] {strides = array<i32>} : memref<800x64xf32, #tpu.memory_space<vmem>>, vector<16xf32>,
        tpu.vector_store %arg9[%swap3A_1734, %swap3A_1735], %get3A_1733 {strides = array<i32>} : memref<800x64xf32, #tpu.memory_space<vmem>>, vector<16xf32>,
        %mul3A_1737 = arith.constant 16 : i32
        %mul3A_1738 = arith.muli %while3A_1503, %mul3A_1737 : i32
        %add3A_1739 = arith.constant 5 : i32
        %add3A_1740 = arith.addi %mul3A_1738, %add3A_1739 : i32
        %get3A_1741 = arith.index_cast %add3A_1740 : i32 to index
        %get3A_1742 = arith.constant 32 : index
        %get3A_1743 = tpu.vector_load %arg8[%get3A_1741, %get3A_1742] {strides = array<i32>} : memref<896x64xf32, #tpu.memory_space<vmem>>, vector<16xf32>,
        %swap3A_1744 = arith.index_cast %squeeze3A_1716 : i32 to index
        %swap3A_1745 = arith.constant 32 : index
        %swap3A_1746 = tpu.vector_load %arg9[%swap3A_1744, %swap3A_1745] {strides = array<i32>} : memref<800x64xf32, #tpu.memory_space<vmem>>, vector<16xf32>,
        tpu.vector_store %arg9[%swap3A_1744, %swap3A_1745], %get3A_1743 {strides = array<i32>} : memref<800x64xf32, #tpu.memory_space<vmem>>, vector<16xf32>,
        %mul3A_1747 = arith.constant 16 : i32
        %mul3A_1748 = arith.muli %while3A_1503, %mul3A_1747 : i32
        %add3A_1749 = arith.constant 5 : i32
        %add3A_1750 = arith.addi %mul3A_1748, %add3A_1749 : i32
        %get3A_1751 = arith.index_cast %add3A_1750 : i32 to index
        %get3A_1752 = arith.constant 48 : index
        %get3A_1753 = tpu.vector_load %arg8[%get3A_1751, %get3A_1752] {strides = array<i32>} : memref<896x64xf32, #tpu.memory_space<vmem>>, vector<16xf32>,
        %swap3A_1754 = arith.index_cast %squeeze3A_1716 : i32 to index
        %swap3A_1755 = arith.constant 48 : index
        %swap3A_1756 = tpu.vector_load %arg9[%swap3A_1754, %swap3A_1755] {strides = array<i32>} : memref<800x64xf32, #tpu.memory_space<vmem>>, vector<16xf32>,
        tpu.vector_store %arg9[%swap3A_1754, %swap3A_1755], %get3A_1753 {strides = array<i32>} : memref<800x64xf32, #tpu.memory_space<vmem>>, vector<16xf32>,
        %slice3A_1757 = vector.extract_strided_slice %get3A_1507 {offsets = [6], sizes = [1], strides = [1]} : vector<16xi32> to vector<1xi32>
        %squeeze3A_1758 = vector.extract %slice3A_1757[0] : i32 from vector<1xi32>
        %mul3A_1759 = arith.constant 16 : i32
        %mul3A_1760 = arith.muli %while3A_1503, %mul3A_1759 : i32
        %add3A_1761 = arith.constant 6 : i32
        %add3A_1762 = arith.addi %mul3A_1760, %add3A_1761 : i32
        %get3A_1763 = arith.index_cast %add3A_1762 : i32 to index
        %get3A_1764 = arith.constant 0 : index
        %get3A_1765 = tpu.vector_load %arg8[%get3A_1763, %get3A_1764] {strides = array<i32>} : memref<896x64xf32, #tpu.memory_space<vmem>>, vector<16xf32>,
        %swap3A_1766 = arith.index_cast %squeeze3A_1758 : i32 to index
        %swap3A_1767 = arith.constant 0 : index
        %swap3A_1768 = tpu.vector_load %arg9[%swap3A_1766, %swap3A_1767] {strides = array<i32>} : memref<800x64xf32, #tpu.memory_space<vmem>>, vector<16xf32>,
        tpu.vector_store %arg9[%swap3A_1766, %swap3A_1767], %get3A_1765 {strides = array<i32>} : memref<800x64xf32, #tpu.memory_space<vmem>>, vector<16xf32>,
        %mul3A_1769 = arith.constant 16 : i32
        %mul3A_1770 = arith.muli %while3A_1503, %mul3A_1769 : i32
        %add3A_1771 = arith.constant 6 : i32
        %add3A_1772 = arith.addi %mul3A_1770, %add3A_1771 : i32
        %get3A_1773 = arith.index_cast %add3A_1772 : i32 to index
        %get3A_1774 = arith.constant 16 : index
        %get3A_1775 = tpu.vector_load %arg8[%get3A_1773, %get3A_1774] {strides = array<i32>} : memref<896x64xf32, #tpu.memory_space<vmem>>, vector<16xf32>,
        %swap3A_1776 = arith.index_cast %squeeze3A_1758 : i32 to index
        %swap3A_1777 = arith.constant 16 : index
        %swap3A_1778 = tpu.vector_load %arg9[%swap3A_1776, %swap3A_1777] {strides = array<i32>} : memref<800x64xf32, #tpu.memory_space<vmem>>, vector<16xf32>,
        tpu.vector_store %arg9[%swap3A_1776, %swap3A_1777], %get3A_1775 {strides = array<i32>} : memref<800x64xf32, #tpu.memory_space<vmem>>, vector<16xf32>,
        %mul3A_1779 = arith.constant 16 : i32
        %mul3A_1780 = arith.muli %while3A_1503, %mul3A_1779 : i32
        %add3A_1781 = arith.constant 6 : i32
        %add3A_1782 = arith.addi %mul3A_1780, %add3A_1781 : i32
        %get3A_1783 = arith.index_cast %add3A_1782 : i32 to index
        %get3A_1784 = arith.constant 32 : index
        %get3A_1785 = tpu.vector_load %arg8[%get3A_1783, %get3A_1784] {strides = array<i32>} : memref<896x64xf32, #tpu.memory_space<vmem>>, vector<16xf32>,
        %swap3A_1786 = arith.index_cast %squeeze3A_1758 : i32 to index
        %swap3A_1787 = arith.constant 32 : index
        %swap3A_1788 = tpu.vector_load %arg9[%swap3A_1786, %swap3A_1787] {strides = array<i32>} : memref<800x64xf32, #tpu.memory_space<vmem>>, vector<16xf32>,
        tpu.vector_store %arg9[%swap3A_1786, %swap3A_1787], %get3A_1785 {strides = array<i32>} : memref<800x64xf32, #tpu.memory_space<vmem>>, vector<16xf32>,
        %mul3A_1789 = arith.constant 16 : i32
        %mul3A_1790 = arith.muli %while3A_1503, %mul3A_1789 : i32
        %add3A_1791 = arith.constant 6 : i32
        %add3A_1792 = arith.addi %mul3A_1790, %add3A_1791 : i32
        %get3A_1793 = arith.index_cast %add3A_1792 : i32 to index
        %get3A_1794 = arith.constant 48 : index
        %get3A_1795 = tpu.vector_load %arg8[%get3A_1793, %get3A_1794] {strides = array<i32>} : memref<896x64xf32, #tpu.memory_space<vmem>>, vector<16xf32>,
        %swap3A_1796 = arith.index_cast %squeeze3A_1758 : i32 to index
        %swap3A_1797 = arith.constant 48 : index
        %swap3A_1798 = tpu.vector_load %arg9[%swap3A_1796, %swap3A_1797] {strides = array<i32>} : memref<800x64xf32, #tpu.memory_space<vmem>>, vector<16xf32>,
        tpu.vector_store %arg9[%swap3A_1796, %swap3A_1797], %get3A_1795 {strides = array<i32>} : memref<800x64xf32, #tpu.memory_space<vmem>>, vector<16xf32>,
        %slice3A_1799 = vector.extract_strided_slice %get3A_1507 {offsets = [7], sizes = [1], strides = [1]} : vector<16xi32> to vector<1xi32>
        %squeeze3A_1800 = vector.extract %slice3A_1799[0] : i32 from vector<1xi32>
        %mul3A_1801 = arith.constant 16 : i32
        %mul3A_1802 = arith.muli %while3A_1503, %mul3A_1801 : i32
        %add3A_1803 = arith.constant 7 : i32
        %add3A_1804 = arith.addi %mul3A_1802, %add3A_1803 : i32
        %get3A_1805 = arith.index_cast %add3A_1804 : i32 to index
        %get3A_1806 = arith.constant 0 : index
        %get3A_1807 = tpu.vector_load %arg8[%get3A_1805, %get3A_1806] {strides = array<i32>} : memref<896x64xf32, #tpu.memory_space<vmem>>, vector<16xf32>,
        %swap3A_1808 = arith.index_cast %squeeze3A_1800 : i32 to index
        %swap3A_1809 = arith.constant 0 : index
        %swap3A_1810 = tpu.vector_load %arg9[%swap3A_1808, %swap3A_1809] {strides = array<i32>} : memref<800x64xf32, #tpu.memory_space<vmem>>, vector<16xf32>,
        tpu.vector_store %arg9[%swap3A_1808, %swap3A_1809], %get3A_1807 {strides = array<i32>} : memref<800x64xf32, #tpu.memory_space<vmem>>, vector<16xf32>,
        %mul3A_1811 = arith.constant 16 : i32
        %mul3A_1812 = arith.muli %while3A_1503, %mul3A_1811 : i32
        %add3A_1813 = arith.constant 7 : i32
        %add3A_1814 = arith.addi %mul3A_1812, %add3A_1813 : i32
        %get3A_1815 = arith.index_cast %add3A_1814 : i32 to index
        %get3A_1816 = arith.constant 16 : index
        %get3A_1817 = tpu.vector_load %arg8[%get3A_1815, %get3A_1816] {strides = array<i32>} : memref<896x64xf32, #tpu.memory_space<vmem>>, vector<16xf32>,
        %swap3A_1818 = arith.index_cast %squeeze3A_1800 : i32 to index
        %swap3A_1819 = arith.constant 16 : index
        %swap3A_1820 = tpu.vector_load %arg9[%swap3A_1818, %swap3A_1819] {strides = array<i32>} : memref<800x64xf32, #tpu.memory_space<vmem>>, vector<16xf32>,
        tpu.vector_store %arg9[%swap3A_1818, %swap3A_1819], %get3A_1817 {strides = array<i32>} : memref<800x64xf32, #tpu.memory_space<vmem>>, vector<16xf32>,
        %mul3A_1821 = arith.constant 16 : i32
        %mul3A_1822 = arith.muli %while3A_1503, %mul3A_1821 : i32
        %add3A_1823 = arith.constant 7 : i32
        %add3A_1824 = arith.addi %mul3A_1822, %add3A_1823 : i32
        %get3A_1825 = arith.index_cast %add3A_1824 : i32 to index
        %get3A_1826 = arith.constant 32 : index
        %get3A_1827 = tpu.vector_load %arg8[%get3A_1825, %get3A_1826] {strides = array<i32>} : memref<896x64xf32, #tpu.memory_space<vmem>>, vector<16xf32>,
        %swap3A_1828 = arith.index_cast %squeeze3A_1800 : i32 to index
        %swap3A_1829 = arith.constant 32 : index
        %swap3A_1830 = tpu.vector_load %arg9[%swap3A_1828, %swap3A_1829] {strides = array<i32>} : memref<800x64xf32, #tpu.memory_space<vmem>>, vector<16xf32>,
        tpu.vector_store %arg9[%swap3A_1828, %swap3A_1829], %get3A_1827 {strides = array<i32>} : memref<800x64xf32, #tpu.memory_space<vmem>>, vector<16xf32>,
        %mul3A_1831 = arith.constant 16 : i32
        %mul3A_1832 = arith.muli %while3A_1503, %mul3A_1831 : i32
        %add3A_1833 = arith.constant 7 : i32
        %add3A_1834 = arith.addi %mul3A_1832, %add3A_1833 : i32
        %get3A_1835 = arith.index_cast %add3A_1834 : i32 to index
        %get3A_1836 = arith.constant 48 : index
        %get3A_1837 = tpu.vector_load %arg8[%get3A_1835, %get3A_1836] {strides = array<i32>} : memref<896x64xf32, #tpu.memory_space<vmem>>, vector<16xf32>,
        %swap3A_1838 = arith.index_cast %squeeze3A_1800 : i32 to index
        %swap3A_1839 = arith.constant 48 : index
        %swap3A_1840 = tpu.vector_load %arg9[%swap3A_1838, %swap3A_1839] {strides = array<i32>} : memref<800x64xf32, #tpu.memory_space<vmem>>, vector<16xf32>,
        tpu.vector_store %arg9[%swap3A_1838, %swap3A_1839], %get3A_1837 {strides = array<i32>} : memref<800x64xf32, #tpu.memory_space<vmem>>, vector<16xf32>,
        %slice3A_1841 = vector.extract_strided_slice %get3A_1507 {offsets = [8], sizes = [1], strides = [1]} : vector<16xi32> to vector<1xi32>
        %squeeze3A_1842 = vector.extract %slice3A_1841[0] : i32 from vector<1xi32>
        %mul3A_1843 = arith.constant 16 : i32
        %mul3A_1844 = arith.muli %while3A_1503, %mul3A_1843 : i32
        %add3A_1845 = arith.constant 8 : i32
        %add3A_1846 = arith.addi %mul3A_1844, %add3A_1845 : i32
        %get3A_1847 = arith.index_cast %add3A_1846 : i32 to index
        %get3A_1848 = arith.constant 0 : index
        %get3A_1849 = tpu.vector_load %arg8[%get3A_1847, %get3A_1848] {strides = array<i32>} : memref<896x64xf32, #tpu.memory_space<vmem>>, vector<16xf32>,
        %swap3A_1850 = arith.index_cast %squeeze3A_1842 : i32 to index
        %swap3A_1851 = arith.constant 0 : index
        %swap3A_1852 = tpu.vector_load %arg9[%swap3A_1850, %swap3A_1851] {strides = array<i32>} : memref<800x64xf32, #tpu.memory_space<vmem>>, vector<16xf32>,
        tpu.vector_store %arg9[%swap3A_1850, %swap3A_1851], %get3A_1849 {strides = array<i32>} : memref<800x64xf32, #tpu.memory_space<vmem>>, vector<16xf32>,
        %mul3A_1853 = arith.constant 16 : i32
        %mul3A_1854 = arith.muli %while3A_1503, %mul3A_1853 : i32
        %add3A_1855 = arith.constant 8 : i32
        %add3A_1856 = arith.addi %mul3A_1854, %add3A_1855 : i32
        %get3A_1857 = arith.index_cast %add3A_1856 : i32 to index
        %get3A_1858 = arith.constant 16 : index
        %get3A_1859 = tpu.vector_load %arg8[%get3A_1857, %get3A_1858] {strides = array<i32>} : memref<896x64xf32, #tpu.memory_space<vmem>>, vector<16xf32>,
        %swap3A_1860 = arith.index_cast %squeeze3A_1842 : i32 to index
        %swap3A_1861 = arith.constant 16 : index
        %swap3A_1862 = tpu.vector_load %arg9[%swap3A_1860, %swap3A_1861] {strides = array<i32>} : memref<800x64xf32, #tpu.memory_space<vmem>>, vector<16xf32>,
        tpu.vector_store %arg9[%swap3A_1860, %swap3A_1861], %get3A_1859 {strides = array<i32>} : memref<800x64xf32, #tpu.memory_space<vmem>>, vector<16xf32>,
        %mul3A_1863 = arith.constant 16 : i32
        %mul3A_1864 = arith.muli %while3A_1503, %mul3A_1863 : i32
        %add3A_1865 = arith.constant 8 : i32
        %add3A_1866 = arith.addi %mul3A_1864, %add3A_1865 : i32
        %get3A_1867 = arith.index_cast %add3A_1866 : i32 to index
        %get3A_1868 = arith.constant 32 : index
        %get3A_1869 = tpu.vector_load %arg8[%get3A_1867, %get3A_1868] {strides = array<i32>} : memref<896x64xf32, #tpu.memory_space<vmem>>, vector<16xf32>,
        %swap3A_1870 = arith.index_cast %squeeze3A_1842 : i32 to index
        %swap3A_1871 = arith.constant 32 : index
        %swap3A_1872 = tpu.vector_load %arg9[%swap3A_1870, %swap3A_1871] {strides = array<i32>} : memref<800x64xf32, #tpu.memory_space<vmem>>, vector<16xf32>,
        tpu.vector_store %arg9[%swap3A_1870, %swap3A_1871], %get3A_1869 {strides = array<i32>} : memref<800x64xf32, #tpu.memory_space<vmem>>, vector<16xf32>,
        %mul3A_1873 = arith.constant 16 : i32
        %mul3A_1874 = arith.muli %while3A_1503, %mul3A_1873 : i32
        %add3A_1875 = arith.constant 8 : i32
        %add3A_1876 = arith.addi %mul3A_1874, %add3A_1875 : i32
        %get3A_1877 = arith.index_cast %add3A_1876 : i32 to index
        %get3A_1878 = arith.constant 48 : index
        %get3A_1879 = tpu.vector_load %arg8[%get3A_1877, %get3A_1878] {strides = array<i32>} : memref<896x64xf32, #tpu.memory_space<vmem>>, vector<16xf32>,
        %swap3A_1880 = arith.index_cast %squeeze3A_1842 : i32 to index
        %swap3A_1881 = arith.constant 48 : index
        %swap3A_1882 = tpu.vector_load %arg9[%swap3A_1880, %swap3A_1881] {strides = array<i32>} : memref<800x64xf32, #tpu.memory_space<vmem>>, vector<16xf32>,
        tpu.vector_store %arg9[%swap3A_1880, %swap3A_1881], %get3A_1879 {strides = array<i32>} : memref<800x64xf32, #tpu.memory_space<vmem>>, vector<16xf32>,
        %slice3A_1883 = vector.extract_strided_slice %get3A_1507 {offsets = [9], sizes = [1], strides = [1]} : vector<16xi32> to vector<1xi32>
        %squeeze3A_1884 = vector.extract %slice3A_1883[0] : i32 from vector<1xi32>
        %mul3A_1885 = arith.constant 16 : i32
        %mul3A_1886 = arith.muli %while3A_1503, %mul3A_1885 : i32
        %add3A_1887 = arith.constant 9 : i32
        %add3A_1888 = arith.addi %mul3A_1886, %add3A_1887 : i32
        %get3A_1889 = arith.index_cast %add3A_1888 : i32 to index
        %get3A_1890 = arith.constant 0 : index
        %get3A_1891 = tpu.vector_load %arg8[%get3A_1889, %get3A_1890] {strides = array<i32>} : memref<896x64xf32, #tpu.memory_space<vmem>>, vector<16xf32>,
        %swap3A_1892 = arith.index_cast %squeeze3A_1884 : i32 to index
        %swap3A_1893 = arith.constant 0 : index
        %swap3A_1894 = tpu.vector_load %arg9[%swap3A_1892, %swap3A_1893] {strides = array<i32>} : memref<800x64xf32, #tpu.memory_space<vmem>>, vector<16xf32>,
        tpu.vector_store %arg9[%swap3A_1892, %swap3A_1893], %get3A_1891 {strides = array<i32>} : memref<800x64xf32, #tpu.memory_space<vmem>>, vector<16xf32>,
        %mul3A_1895 = arith.constant 16 : i32
        %mul3A_1896 = arith.muli %while3A_1503, %mul3A_1895 : i32
        %add3A_1897 = arith.constant 9 : i32
        %add3A_1898 = arith.addi %mul3A_1896, %add3A_1897 : i32
        %get3A_1899 = arith.index_cast %add3A_1898 : i32 to index
        %get3A_1900 = arith.constant 16 : index
        %get3A_1901 = tpu.vector_load %arg8[%get3A_1899, %get3A_1900] {strides = array<i32>} : memref<896x64xf32, #tpu.memory_space<vmem>>, vector<16xf32>,
        %swap3A_1902 = arith.index_cast %squeeze3A_1884 : i32 to index
        %swap3A_1903 = arith.constant 16 : index
        %swap3A_1904 = tpu.vector_load %arg9[%swap3A_1902, %swap3A_1903] {strides = array<i32>} : memref<800x64xf32, #tpu.memory_space<vmem>>, vector<16xf32>,
        tpu.vector_store %arg9[%swap3A_1902, %swap3A_1903], %get3A_1901 {strides = array<i32>} : memref<800x64xf32, #tpu.memory_space<vmem>>, vector<16xf32>,
        %mul3A_1905 = arith.constant 16 : i32
        %mul3A_1906 = arith.muli %while3A_1503, %mul3A_1905 : i32
        %add3A_1907 = arith.constant 9 : i32
        %add3A_1908 = arith.addi %mul3A_1906, %add3A_1907 : i32
        %get3A_1909 = arith.index_cast %add3A_1908 : i32 to index
        %get3A_1910 = arith.constant 32 : index
        %get3A_1911 = tpu.vector_load %arg8[%get3A_1909, %get3A_1910] {strides = array<i32>} : memref<896x64xf32, #tpu.memory_space<vmem>>, vector<16xf32>,
        %swap3A_1912 = arith.index_cast %squeeze3A_1884 : i32 to index
        %swap3A_1913 = arith.constant 32 : index
        %swap3A_1914 = tpu.vector_load %arg9[%swap3A_1912, %swap3A_1913] {strides = array<i32>} : memref<800x64xf32, #tpu.memory_space<vmem>>, vector<16xf32>,
        tpu.vector_store %arg9[%swap3A_1912, %swap3A_1913], %get3A_1911 {strides = array<i32>} : memref<800x64xf32, #tpu.memory_space<vmem>>, vector<16xf32>,
        %mul3A_1915 = arith.constant 16 : i32
        %mul3A_1916 = arith.muli %while3A_1503, %mul3A_1915 : i32
        %add3A_1917 = arith.constant 9 : i32
        %add3A_1918 = arith.addi %mul3A_1916, %add3A_1917 : i32
        %get3A_1919 = arith.index_cast %add3A_1918 : i32 to index
        %get3A_1920 = arith.constant 48 : index
        %get3A_1921 = tpu.vector_load %arg8[%get3A_1919, %get3A_1920] {strides = array<i32>} : memref<896x64xf32, #tpu.memory_space<vmem>>, vector<16xf32>,
        %swap3A_1922 = arith.index_cast %squeeze3A_1884 : i32 to index
        %swap3A_1923 = arith.constant 48 : index
        %swap3A_1924 = tpu.vector_load %arg9[%swap3A_1922, %swap3A_1923] {strides = array<i32>} : memref<800x64xf32, #tpu.memory_space<vmem>>, vector<16xf32>,
        tpu.vector_store %arg9[%swap3A_1922, %swap3A_1923], %get3A_1921 {strides = array<i32>} : memref<800x64xf32, #tpu.memory_space<vmem>>, vector<16xf32>,
        %slice3A_1925 = vector.extract_strided_slice %get3A_1507 {offsets = [10], sizes = [1], strides = [1]} : vector<16xi32> to vector<1xi32>
        %squeeze3A_1926 = vector.extract %slice3A_1925[0] : i32 from vector<1xi32>
        %mul3A_1927 = arith.constant 16 : i32
        %mul3A_1928 = arith.muli %while3A_1503, %mul3A_1927 : i32
        %add3A_1929 = arith.constant 10 : i32
        %add3A_1930 = arith.addi %mul3A_1928, %add3A_1929 : i32
        %get3A_1931 = arith.index_cast %add3A_1930 : i32 to index
        %get3A_1932 = arith.constant 0 : index
        %get3A_1933 = tpu.vector_load %arg8[%get3A_1931, %get3A_1932] {strides = array<i32>} : memref<896x64xf32, #tpu.memory_space<vmem>>, vector<16xf32>,
        %swap3A_1934 = arith.index_cast %squeeze3A_1926 : i32 to index
        %swap3A_1935 = arith.constant 0 : index
        %swap3A_1936 = tpu.vector_load %arg9[%swap3A_1934, %swap3A_1935] {strides = array<i32>} : memref<800x64xf32, #tpu.memory_space<vmem>>, vector<16xf32>,
        tpu.vector_store %arg9[%swap3A_1934, %swap3A_1935], %get3A_1933 {strides = array<i32>} : memref<800x64xf32, #tpu.memory_space<vmem>>, vector<16xf32>,
        %mul3A_1937 = arith.constant 16 : i32
        %mul3A_1938 = arith.muli %while3A_1503, %mul3A_1937 : i32
        %add3A_1939 = arith.constant 10 : i32
        %add3A_1940 = arith.addi %mul3A_1938, %add3A_1939 : i32
        %get3A_1941 = arith.index_cast %add3A_1940 : i32 to index
        %get3A_1942 = arith.constant 16 : index
        %get3A_1943 = tpu.vector_load %arg8[%get3A_1941, %get3A_1942] {strides = array<i32>} : memref<896x64xf32, #tpu.memory_space<vmem>>, vector<16xf32>,
        %swap3A_1944 = arith.index_cast %squeeze3A_1926 : i32 to index
        %swap3A_1945 = arith.constant 16 : index
        %swap3A_1946 = tpu.vector_load %arg9[%swap3A_1944, %swap3A_1945] {strides = array<i32>} : memref<800x64xf32, #tpu.memory_space<vmem>>, vector<16xf32>,
        tpu.vector_store %arg9[%swap3A_1944, %swap3A_1945], %get3A_1943 {strides = array<i32>} : memref<800x64xf32, #tpu.memory_space<vmem>>, vector<16xf32>,
        %mul3A_1947 = arith.constant 16 : i32
        %mul3A_1948 = arith.muli %while3A_1503, %mul3A_1947 : i32
        %add3A_1949 = arith.constant 10 : i32
        %add3A_1950 = arith.addi %mul3A_1948, %add3A_1949 : i32
        %get3A_1951 = arith.index_cast %add3A_1950 : i32 to index
        %get3A_1952 = arith.constant 32 : index
        %get3A_1953 = tpu.vector_load %arg8[%get3A_1951, %get3A_1952] {strides = array<i32>} : memref<896x64xf32, #tpu.memory_space<vmem>>, vector<16xf32>,
        %swap3A_1954 = arith.index_cast %squeeze3A_1926 : i32 to index
        %swap3A_1955 = arith.constant 32 : index
        %swap3A_1956 = tpu.vector_load %arg9[%swap3A_1954, %swap3A_1955] {strides = array<i32>} : memref<800x64xf32, #tpu.memory_space<vmem>>, vector<16xf32>,
        tpu.vector_store %arg9[%swap3A_1954, %swap3A_1955], %get3A_1953 {strides = array<i32>} : memref<800x64xf32, #tpu.memory_space<vmem>>, vector<16xf32>,
        %mul3A_1957 = arith.constant 16 : i32
        %mul3A_1958 = arith.muli %while3A_1503, %mul3A_1957 : i32
        %add3A_1959 = arith.constant 10 : i32
        %add3A_1960 = arith.addi %mul3A_1958, %add3A_1959 : i32
        %get3A_1961 = arith.index_cast %add3A_1960 : i32 to index
        %get3A_1962 = arith.constant 48 : index
        %get3A_1963 = tpu.vector_load %arg8[%get3A_1961, %get3A_1962] {strides = array<i32>} : memref<896x64xf32, #tpu.memory_space<vmem>>, vector<16xf32>,
        %swap3A_1964 = arith.index_cast %squeeze3A_1926 : i32 to index
        %swap3A_1965 = arith.constant 48 : index
        %swap3A_1966 = tpu.vector_load %arg9[%swap3A_1964, %swap3A_1965] {strides = array<i32>} : memref<800x64xf32, #tpu.memory_space<vmem>>, vector<16xf32>,
        tpu.vector_store %arg9[%swap3A_1964, %swap3A_1965], %get3A_1963 {strides = array<i32>} : memref<800x64xf32, #tpu.memory_space<vmem>>, vector<16xf32>,
        %slice3A_1967 = vector.extract_strided_slice %get3A_1507 {offsets = [11], sizes = [1], strides = [1]} : vector<16xi32> to vector<1xi32>
        %squeeze3A_1968 = vector.extract %slice3A_1967[0] : i32 from vector<1xi32>
        %mul3A_1969 = arith.constant 16 : i32
        %mul3A_1970 = arith.muli %while3A_1503, %mul3A_1969 : i32
        %add3A_1971 = arith.constant 11 : i32
        %add3A_1972 = arith.addi %mul3A_1970, %add3A_1971 : i32
        %get3A_1973 = arith.index_cast %add3A_1972 : i32 to index
        %get3A_1974 = arith.constant 0 : index
        %get3A_1975 = tpu.vector_load %arg8[%get3A_1973, %get3A_1974] {strides = array<i32>} : memref<896x64xf32, #tpu.memory_space<vmem>>, vector<16xf32>,
        %swap3A_1976 = arith.index_cast %squeeze3A_1968 : i32 to index
        %swap3A_1977 = arith.constant 0 : index
        %swap3A_1978 = tpu.vector_load %arg9[%swap3A_1976, %swap3A_1977] {strides = array<i32>} : memref<800x64xf32, #tpu.memory_space<vmem>>, vector<16xf32>,
        tpu.vector_store %arg9[%swap3A_1976, %swap3A_1977], %get3A_1975 {strides = array<i32>} : memref<800x64xf32, #tpu.memory_space<vmem>>, vector<16xf32>,
        %mul3A_1979 = arith.constant 16 : i32
        %mul3A_1980 = arith.muli %while3A_1503, %mul3A_1979 : i32
        %add3A_1981 = arith.constant 11 : i32
        %add3A_1982 = arith.addi %mul3A_1980, %add3A_1981 : i32
        %get3A_1983 = arith.index_cast %add3A_1982 : i32 to index
        %get3A_1984 = arith.constant 16 : index
        %get3A_1985 = tpu.vector_load %arg8[%get3A_1983, %get3A_1984] {strides = array<i32>} : memref<896x64xf32, #tpu.memory_space<vmem>>, vector<16xf32>,
        %swap3A_1986 = arith.index_cast %squeeze3A_1968 : i32 to index
        %swap3A_1987 = arith.constant 16 : index
        %swap3A_1988 = tpu.vector_load %arg9[%swap3A_1986, %swap3A_1987] {strides = array<i32>} : memref<800x64xf32, #tpu.memory_space<vmem>>, vector<16xf32>,
        tpu.vector_store %arg9[%swap3A_1986, %swap3A_1987], %get3A_1985 {strides = array<i32>} : memref<800x64xf32, #tpu.memory_space<vmem>>, vector<16xf32>,
        %mul3A_1989 = arith.constant 16 : i32
        %mul3A_1990 = arith.muli %while3A_1503, %mul3A_1989 : i32
        %add3A_1991 = arith.constant 11 : i32
        %add3A_1992 = arith.addi %mul3A_1990, %add3A_1991 : i32
        %get3A_1993 = arith.index_cast %add3A_1992 : i32 to index
        %get3A_1994 = arith.constant 32 : index
        %get3A_1995 = tpu.vector_load %arg8[%get3A_1993, %get3A_1994] {strides = array<i32>} : memref<896x64xf32, #tpu.memory_space<vmem>>, vector<16xf32>,
        %swap3A_1996 = arith.index_cast %squeeze3A_1968 : i32 to index
        %swap3A_1997 = arith.constant 32 : index
        %swap3A_1998 = tpu.vector_load %arg9[%swap3A_1996, %swap3A_1997] {strides = array<i32>} : memref<800x64xf32, #tpu.memory_space<vmem>>, vector<16xf32>,
        tpu.vector_store %arg9[%swap3A_1996, %swap3A_1997], %get3A_1995 {strides = array<i32>} : memref<800x64xf32, #tpu.memory_space<vmem>>, vector<16xf32>,
        %mul3A_1999 = arith.constant 16 : i32
        %mul3A_2000 = arith.muli %while3A_1503, %mul3A_1999 : i32
        %add3A_2001 = arith.constant 11 : i32
        %add3A_2002 = arith.addi %mul3A_2000, %add3A_2001 : i32
        %get3A_2003 = arith.index_cast %add3A_2002 : i32 to index
        %get3A_2004 = arith.constant 48 : index
        %get3A_2005 = tpu.vector_load %arg8[%get3A_2003, %get3A_2004] {strides = array<i32>} : memref<896x64xf32, #tpu.memory_space<vmem>>, vector<16xf32>,
        %swap3A_2006 = arith.index_cast %squeeze3A_1968 : i32 to index
        %swap3A_2007 = arith.constant 48 : index
        %swap3A_2008 = tpu.vector_load %arg9[%swap3A_2006, %swap3A_2007] {strides = array<i32>} : memref<800x64xf32, #tpu.memory_space<vmem>>, vector<16xf32>,
        tpu.vector_store %arg9[%swap3A_2006, %swap3A_2007], %get3A_2005 {strides = array<i32>} : memref<800x64xf32, #tpu.memory_space<vmem>>, vector<16xf32>,
        %slice3A_2009 = vector.extract_strided_slice %get3A_1507 {offsets = [12], sizes = [1], strides = [1]} : vector<16xi32> to vector<1xi32>
        %squeeze3A_2010 = vector.extract %slice3A_2009[0] : i32 from vector<1xi32>
        %mul3A_2011 = arith.constant 16 : i32
        %mul3A_2012 = arith.muli %while3A_1503, %mul3A_2011 : i32
        %add3A_2013 = arith.constant 12 : i32
        %add3A_2014 = arith.addi %mul3A_2012, %add3A_2013 : i32
        %get3A_2015 = arith.index_cast %add3A_2014 : i32 to index
        %get3A_2016 = arith.constant 0 : index
        %get3A_2017 = tpu.vector_load %arg8[%get3A_2015, %get3A_2016] {strides = array<i32>} : memref<896x64xf32, #tpu.memory_space<vmem>>, vector<16xf32>,
        %swap3A_2018 = arith.index_cast %squeeze3A_2010 : i32 to index
        %swap3A_2019 = arith.constant 0 : index
        %swap3A_2020 = tpu.vector_load %arg9[%swap3A_2018, %swap3A_2019] {strides = array<i32>} : memref<800x64xf32, #tpu.memory_space<vmem>>, vector<16xf32>,
        tpu.vector_store %arg9[%swap3A_2018, %swap3A_2019], %get3A_2017 {strides = array<i32>} : memref<800x64xf32, #tpu.memory_space<vmem>>, vector<16xf32>,
        %mul3A_2021 = arith.constant 16 : i32
        %mul3A_2022 = arith.muli %while3A_1503, %mul3A_2021 : i32
        %add3A_2023 = arith.constant 12 : i32
        %add3A_2024 = arith.addi %mul3A_2022, %add3A_2023 : i32
        %get3A_2025 = arith.index_cast %add3A_2024 : i32 to index
        %get3A_2026 = arith.constant 16 : index
        %get3A_2027 = tpu.vector_load %arg8[%get3A_2025, %get3A_2026] {strides = array<i32>} : memref<896x64xf32, #tpu.memory_space<vmem>>, vector<16xf32>,
        %swap3A_2028 = arith.index_cast %squeeze3A_2010 : i32 to index
        %swap3A_2029 = arith.constant 16 : index
        %swap3A_2030 = tpu.vector_load %arg9[%swap3A_2028, %swap3A_2029] {strides = array<i32>} : memref<800x64xf32, #tpu.memory_space<vmem>>, vector<16xf32>,
        tpu.vector_store %arg9[%swap3A_2028, %swap3A_2029], %get3A_2027 {strides = array<i32>} : memref<800x64xf32, #tpu.memory_space<vmem>>, vector<16xf32>,
        %mul3A_2031 = arith.constant 16 : i32
        %mul3A_2032 = arith.muli %while3A_1503, %mul3A_2031 : i32
        %add3A_2033 = arith.constant 12 : i32
        %add3A_2034 = arith.addi %mul3A_2032, %add3A_2033 : i32
        %get3A_2035 = arith.index_cast %add3A_2034 : i32 to index
        %get3A_2036 = arith.constant 32 : index
        %get3A_2037 = tpu.vector_load %arg8[%get3A_2035, %get3A_2036] {strides = array<i32>} : memref<896x64xf32, #tpu.memory_space<vmem>>, vector<16xf32>,
        %swap3A_2038 = arith.index_cast %squeeze3A_2010 : i32 to index
        %swap3A_2039 = arith.constant 32 : index
        %swap3A_2040 = tpu.vector_load %arg9[%swap3A_2038, %swap3A_2039] {strides = array<i32>} : memref<800x64xf32, #tpu.memory_space<vmem>>, vector<16xf32>,
        tpu.vector_store %arg9[%swap3A_2038, %swap3A_2039], %get3A_2037 {strides = array<i32>} : memref<800x64xf32, #tpu.memory_space<vmem>>, vector<16xf32>,
        %mul3A_2041 = arith.constant 16 : i32
        %mul3A_2042 = arith.muli %while3A_1503, %mul3A_2041 : i32
        %add3A_2043 = arith.constant 12 : i32
        %add3A_2044 = arith.addi %mul3A_2042, %add3A_2043 : i32
        %get3A_2045 = arith.index_cast %add3A_2044 : i32 to index
        %get3A_2046 = arith.constant 48 : index
        %get3A_2047 = tpu.vector_load %arg8[%get3A_2045, %get3A_2046] {strides = array<i32>} : memref<896x64xf32, #tpu.memory_space<vmem>>, vector<16xf32>,
        %swap3A_2048 = arith.index_cast %squeeze3A_2010 : i32 to index
        %swap3A_2049 = arith.constant 48 : index
        %swap3A_2050 = tpu.vector_load %arg9[%swap3A_2048, %swap3A_2049] {strides = array<i32>} : memref<800x64xf32, #tpu.memory_space<vmem>>, vector<16xf32>,
        tpu.vector_store %arg9[%swap3A_2048, %swap3A_2049], %get3A_2047 {strides = array<i32>} : memref<800x64xf32, #tpu.memory_space<vmem>>, vector<16xf32>,
        %slice3A_2051 = vector.extract_strided_slice %get3A_1507 {offsets = [13], sizes = [1], strides = [1]} : vector<16xi32> to vector<1xi32>
        %squeeze3A_2052 = vector.extract %slice3A_2051[0] : i32 from vector<1xi32>
        %mul3A_2053 = arith.constant 16 : i32
        %mul3A_2054 = arith.muli %while3A_1503, %mul3A_2053 : i32
        %add3A_2055 = arith.constant 13 : i32
        %add3A_2056 = arith.addi %mul3A_2054, %add3A_2055 : i32
        %get3A_2057 = arith.index_cast %add3A_2056 : i32 to index
        %get3A_2058 = arith.constant 0 : index
        %get3A_2059 = tpu.vector_load %arg8[%get3A_2057, %get3A_2058] {strides = array<i32>} : memref<896x64xf32, #tpu.memory_space<vmem>>, vector<16xf32>,
        %swap3A_2060 = arith.index_cast %squeeze3A_2052 : i32 to index
        %swap3A_2061 = arith.constant 0 : index
        %swap3A_2062 = tpu.vector_load %arg9[%swap3A_2060, %swap3A_2061] {strides = array<i32>} : memref<800x64xf32, #tpu.memory_space<vmem>>, vector<16xf32>,
        tpu.vector_store %arg9[%swap3A_2060, %swap3A_2061], %get3A_2059 {strides = array<i32>} : memref<800x64xf32, #tpu.memory_space<vmem>>, vector<16xf32>,
        %mul3A_2063 = arith.constant 16 : i32
        %mul3A_2064 = arith.muli %while3A_1503, %mul3A_2063 : i32
        %add3A_2065 = arith.constant 13 : i32
        %add3A_2066 = arith.addi %mul3A_2064, %add3A_2065 : i32
        %get3A_2067 = arith.index_cast %add3A_2066 : i32 to index
        %get3A_2068 = arith.constant 16 : index
        %get3A_2069 = tpu.vector_load %arg8[%get3A_2067, %get3A_2068] {strides = array<i32>} : memref<896x64xf32, #tpu.memory_space<vmem>>, vector<16xf32>,
        %swap3A_2070 = arith.index_cast %squeeze3A_2052 : i32 to index
        %swap3A_2071 = arith.constant 16 : index
        %swap3A_2072 = tpu.vector_load %arg9[%swap3A_2070, %swap3A_2071] {strides = array<i32>} : memref<800x64xf32, #tpu.memory_space<vmem>>, vector<16xf32>,
        tpu.vector_store %arg9[%swap3A_2070, %swap3A_2071], %get3A_2069 {strides = array<i32>} : memref<800x64xf32, #tpu.memory_space<vmem>>, vector<16xf32>,
        %mul3A_2073 = arith.constant 16 : i32
        %mul3A_2074 = arith.muli %while3A_1503, %mul3A_2073 : i32
        %add3A_2075 = arith.constant 13 : i32
        %add3A_2076 = arith.addi %mul3A_2074, %add3A_2075 : i32
        %get3A_2077 = arith.index_cast %add3A_2076 : i32 to index
        %get3A_2078 = arith.constant 32 : index
        %get3A_2079 = tpu.vector_load %arg8[%get3A_2077, %get3A_2078] {strides = array<i32>} : memref<896x64xf32, #tpu.memory_space<vmem>>, vector<16xf32>,
        %swap3A_2080 = arith.index_cast %squeeze3A_2052 : i32 to index
        %swap3A_2081 = arith.constant 32 : index
        %swap3A_2082 = tpu.vector_load %arg9[%swap3A_2080, %swap3A_2081] {strides = array<i32>} : memref<800x64xf32, #tpu.memory_space<vmem>>, vector<16xf32>,
        tpu.vector_store %arg9[%swap3A_2080, %swap3A_2081], %get3A_2079 {strides = array<i32>} : memref<800x64xf32, #tpu.memory_space<vmem>>, vector<16xf32>,
        %mul3A_2083 = arith.constant 16 : i32
        %mul3A_2084 = arith.muli %while3A_1503, %mul3A_2083 : i32
        %add3A_2085 = arith.constant 13 : i32
        %add3A_2086 = arith.addi %mul3A_2084, %add3A_2085 : i32
        %get3A_2087 = arith.index_cast %add3A_2086 : i32 to index
        %get3A_2088 = arith.constant 48 : index
        %get3A_2089 = tpu.vector_load %arg8[%get3A_2087, %get3A_2088] {strides = array<i32>} : memref<896x64xf32, #tpu.memory_space<vmem>>, vector<16xf32>,
        %swap3A_2090 = arith.index_cast %squeeze3A_2052 : i32 to index
        %swap3A_2091 = arith.constant 48 : index
        %swap3A_2092 = tpu.vector_load %arg9[%swap3A_2090, %swap3A_2091] {strides = array<i32>} : memref<800x64xf32, #tpu.memory_space<vmem>>, vector<16xf32>,
        tpu.vector_store %arg9[%swap3A_2090, %swap3A_2091], %get3A_2089 {strides = array<i32>} : memref<800x64xf32, #tpu.memory_space<vmem>>, vector<16xf32>,
        %slice3A_2093 = vector.extract_strided_slice %get3A_1507 {offsets = [14], sizes = [1], strides = [1]} : vector<16xi32> to vector<1xi32>
        %squeeze3A_2094 = vector.extract %slice3A_2093[0] : i32 from vector<1xi32>
        %mul3A_2095 = arith.constant 16 : i32
        %mul3A_2096 = arith.muli %while3A_1503, %mul3A_2095 : i32
        %add3A_2097 = arith.constant 14 : i32
        %add3A_2098 = arith.addi %mul3A_2096, %add3A_2097 : i32
        %get3A_2099 = arith.index_cast %add3A_2098 : i32 to index
        %get3A_2100 = arith.constant 0 : index
        %get3A_2101 = tpu.vector_load %arg8[%get3A_2099, %get3A_2100] {strides = array<i32>} : memref<896x64xf32, #tpu.memory_space<vmem>>, vector<16xf32>,
        %swap3A_2102 = arith.index_cast %squeeze3A_2094 : i32 to index
        %swap3A_2103 = arith.constant 0 : index
        %swap3A_2104 = tpu.vector_load %arg9[%swap3A_2102, %swap3A_2103] {strides = array<i32>} : memref<800x64xf32, #tpu.memory_space<vmem>>, vector<16xf32>,
        tpu.vector_store %arg9[%swap3A_2102, %swap3A_2103], %get3A_2101 {strides = array<i32>} : memref<800x64xf32, #tpu.memory_space<vmem>>, vector<16xf32>,
        %mul3A_2105 = arith.constant 16 : i32
        %mul3A_2106 = arith.muli %while3A_1503, %mul3A_2105 : i32
        %add3A_2107 = arith.constant 14 : i32
        %add3A_2108 = arith.addi %mul3A_2106, %add3A_2107 : i32
        %get3A_2109 = arith.index_cast %add3A_2108 : i32 to index
        %get3A_2110 = arith.constant 16 : index
        %get3A_2111 = tpu.vector_load %arg8[%get3A_2109, %get3A_2110] {strides = array<i32>} : memref<896x64xf32, #tpu.memory_space<vmem>>, vector<16xf32>,
        %swap3A_2112 = arith.index_cast %squeeze3A_2094 : i32 to index
        %swap3A_2113 = arith.constant 16 : index
        %swap3A_2114 = tpu.vector_load %arg9[%swap3A_2112, %swap3A_2113] {strides = array<i32>} : memref<800x64xf32, #tpu.memory_space<vmem>>, vector<16xf32>,
        tpu.vector_store %arg9[%swap3A_2112, %swap3A_2113], %get3A_2111 {strides = array<i32>} : memref<800x64xf32, #tpu.memory_space<vmem>>, vector<16xf32>,
        %mul3A_2115 = arith.constant 16 : i32
        %mul3A_2116 = arith.muli %while3A_1503, %mul3A_2115 : i32
        %add3A_2117 = arith.constant 14 : i32
        %add3A_2118 = arith.addi %mul3A_2116, %add3A_2117 : i32
        %get3A_2119 = arith.index_cast %add3A_2118 : i32 to index
        %get3A_2120 = arith.constant 32 : index
        %get3A_2121 = tpu.vector_load %arg8[%get3A_2119, %get3A_2120] {strides = array<i32>} : memref<896x64xf32, #tpu.memory_space<vmem>>, vector<16xf32>,
        %swap3A_2122 = arith.index_cast %squeeze3A_2094 : i32 to index
        %swap3A_2123 = arith.constant 32 : index
        %swap3A_2124 = tpu.vector_load %arg9[%swap3A_2122, %swap3A_2123] {strides = array<i32>} : memref<800x64xf32, #tpu.memory_space<vmem>>, vector<16xf32>,
        tpu.vector_store %arg9[%swap3A_2122, %swap3A_2123], %get3A_2121 {strides = array<i32>} : memref<800x64xf32, #tpu.memory_space<vmem>>, vector<16xf32>,
        %mul3A_2125 = arith.constant 16 : i32
        %mul3A_2126 = arith.muli %while3A_1503, %mul3A_2125 : i32
        %add3A_2127 = arith.constant 14 : i32
        %add3A_2128 = arith.addi %mul3A_2126, %add3A_2127 : i32
        %get3A_2129 = arith.index_cast %add3A_2128 : i32 to index
        %get3A_2130 = arith.constant 48 : index
        %get3A_2131 = tpu.vector_load %arg8[%get3A_2129, %get3A_2130] {strides = array<i32>} : memref<896x64xf32, #tpu.memory_space<vmem>>, vector<16xf32>,
        %swap3A_2132 = arith.index_cast %squeeze3A_2094 : i32 to index
        %swap3A_2133 = arith.constant 48 : index
        %swap3A_2134 = tpu.vector_load %arg9[%swap3A_2132, %swap3A_2133] {strides = array<i32>} : memref<800x64xf32, #tpu.memory_space<vmem>>, vector<16xf32>,
        tpu.vector_store %arg9[%swap3A_2132, %swap3A_2133], %get3A_2131 {strides = array<i32>} : memref<800x64xf32, #tpu.memory_space<vmem>>, vector<16xf32>,
        %slice3A_2135 = vector.extract_strided_slice %get3A_1507 {offsets = [15], sizes = [1], strides = [1]} : vector<16xi32> to vector<1xi32>
        %squeeze3A_2136 = vector.extract %slice3A_2135[0] : i32 from vector<1xi32>
        %mul3A_2137 = arith.constant 16 : i32
        %mul3A_2138 = arith.muli %while3A_1503, %mul3A_2137 : i32
        %add3A_2139 = arith.constant 15 : i32
        %add3A_2140 = arith.addi %mul3A_2138, %add3A_2139 : i32
        %get3A_2141 = arith.index_cast %add3A_2140 : i32 to index
        %get3A_2142 = arith.constant 0 : index
        %get3A_2143 = tpu.vector_load %arg8[%get3A_2141, %get3A_2142] {strides = array<i32>} : memref<896x64xf32, #tpu.memory_space<vmem>>, vector<16xf32>,
        %swap3A_2144 = arith.index_cast %squeeze3A_2136 : i32 to index
        %swap3A_2145 = arith.constant 0 : index
        %swap3A_2146 = tpu.vector_load %arg9[%swap3A_2144, %swap3A_2145] {strides = array<i32>} : memref<800x64xf32, #tpu.memory_space<vmem>>, vector<16xf32>,
        tpu.vector_store %arg9[%swap3A_2144, %swap3A_2145], %get3A_2143 {strides = array<i32>} : memref<800x64xf32, #tpu.memory_space<vmem>>, vector<16xf32>,
        %mul3A_2147 = arith.constant 16 : i32
        %mul3A_2148 = arith.muli %while3A_1503, %mul3A_2147 : i32
        %add3A_2149 = arith.constant 15 : i32
        %add3A_2150 = arith.addi %mul3A_2148, %add3A_2149 : i32
        %get3A_2151 = arith.index_cast %add3A_2150 : i32 to index
        %get3A_2152 = arith.constant 16 : index
        %get3A_2153 = tpu.vector_load %arg8[%get3A_2151, %get3A_2152] {strides = array<i32>} : memref<896x64xf32, #tpu.memory_space<vmem>>, vector<16xf32>,
        %swap3A_2154 = arith.index_cast %squeeze3A_2136 : i32 to index
        %swap3A_2155 = arith.constant 16 : index
        %swap3A_2156 = tpu.vector_load %arg9[%swap3A_2154, %swap3A_2155] {strides = array<i32>} : memref<800x64xf32, #tpu.memory_space<vmem>>, vector<16xf32>,
        tpu.vector_store %arg9[%swap3A_2154, %swap3A_2155], %get3A_2153 {strides = array<i32>} : memref<800x64xf32, #tpu.memory_space<vmem>>, vector<16xf32>,
        %mul3A_2157 = arith.constant 16 : i32
        %mul3A_2158 = arith.muli %while3A_1503, %mul3A_2157 : i32
        %add3A_2159 = arith.constant 15 : i32
        %add3A_2160 = arith.addi %mul3A_2158, %add3A_2159 : i32
        %get3A_2161 = arith.index_cast %add3A_2160 : i32 to index
        %get3A_2162 = arith.constant 32 : index
        %get3A_2163 = tpu.vector_load %arg8[%get3A_2161, %get3A_2162] {strides = array<i32>} : memref<896x64xf32, #tpu.memory_space<vmem>>, vector<16xf32>,
        %swap3A_2164 = arith.index_cast %squeeze3A_2136 : i32 to index
        %swap3A_2165 = arith.constant 32 : index
        %swap3A_2166 = tpu.vector_load %arg9[%swap3A_2164, %swap3A_2165] {strides = array<i32>} : memref<800x64xf32, #tpu.memory_space<vmem>>, vector<16xf32>,
        tpu.vector_store %arg9[%swap3A_2164, %swap3A_2165], %get3A_2163 {strides = array<i32>} : memref<800x64xf32, #tpu.memory_space<vmem>>, vector<16xf32>,
        %mul3A_2167 = arith.constant 16 : i32
        %mul3A_2168 = arith.muli %while3A_1503, %mul3A_2167 : i32
        %add3A_2169 = arith.constant 15 : i32
        %add3A_2170 = arith.addi %mul3A_2168, %add3A_2169 : i32
        %get3A_2171 = arith.index_cast %add3A_2170 : i32 to index
        %get3A_2172 = arith.constant 48 : index
        %get3A_2173 = tpu.vector_load %arg8[%get3A_2171, %get3A_2172] {strides = array<i32>} : memref<896x64xf32, #tpu.memory_space<vmem>>, vector<16xf32>,
        %swap3A_2174 = arith.index_cast %squeeze3A_2136 : i32 to index
        %swap3A_2175 = arith.constant 48 : index
        %swap3A_2176 = tpu.vector_load %arg9[%swap3A_2174, %swap3A_2175] {strides = array<i32>} : memref<800x64xf32, #tpu.memory_space<vmem>>, vector<16xf32>,
        tpu.vector_store %arg9[%swap3A_2174, %swap3A_2175], %get3A_2173 {strides = array<i32>} : memref<800x64xf32, #tpu.memory_space<vmem>>, vector<16xf32>,
      }
      %dma_start3A = arith.constant 0 : i32
      %dma_start3A_205 = arith.constant 0 : i32
      %dma_start3A_206 = arith.constant 0 : i32
      %dma_start3A_207 = tpu.memref_slice %arg9[%dma_start3A_205, %dma_start3A_206] : memref<800x64xf32, #tpu.memory_space<vmem>> -> memref<16x64xf32, #tpu.memory_space<vmem>>
      %dma_start3A_208 = arith.constant 0 : i32
      %dma_start3A_209 = tpu.memref_slice %arg4[%dma_start3A, %add3A_19, %dma_start3A_208] : memref<50x16384x64xf32, #tpu.memory_space<hbm>> -> memref<1x16x64xf32, #tpu.memory_space<hbm>>
      %dma_start3A_210 = tpu.memref_squeeze %dma_start3A_209 : memref<1x16x64xf32, #tpu.memory_space<hbm>> -> memref<16x64xf32, #tpu.memory_space<hbm>>
      %dma_start3A_211 = arith.constant 0 : i32
      %dma_start3A_212 = tpu.memref_slice %arg4[%dma_start3A, %add3A_19, %dma_start3A_211] : memref<50x16384x64xf32, #tpu.memory_space<hbm>> -> memref<1x16x64xf32, #tpu.memory_space<hbm>>
      %dma_start3A_213 = tpu.memref_squeeze %dma_start3A_212 : memref<1x16x64xf32, #tpu.memory_space<hbm>> -> memref<16x64xf32, #tpu.memory_space<hbm>>
      %dma_start3A_214 = arith.constant 0 : i32
      %dma_start3A_215 = arith.constant 0 : i32
      %dma_start3A_216 = tpu.memref_slice %arg9[%dma_start3A_214, %dma_start3A_215] : memref<800x64xf32, #tpu.memory_space<vmem>> -> memref<16x64xf32, #tpu.memory_space<vmem>>
      tpu.enqueue_dma source(%dma_start3A_216 : memref<16x64xf32, #tpu.memory_space<vmem>>) target(%dma_start3A_213 : memref<16x64xf32, #tpu.memory_space<hbm>>) target_semaphore(%arg11 : memref<!tpu.dma_semaphore, #tpu.memory_space<semaphore_mem>>)
      %dma_start3A_217 = arith.constant 1 : i32
      %dma_start3A_218 = arith.constant 16 : i32
      %dma_start3A_219 = arith.constant 0 : i32
      %dma_start3A_220 = tpu.memref_slice %arg9[%dma_start3A_218, %dma_start3A_219] : memref<800x64xf32, #tpu.memory_space<vmem>> -> memref<16x64xf32, #tpu.memory_space<vmem>>
      %dma_start3A_221 = arith.constant 0 : i32
      %dma_start3A_222 = tpu.memref_slice %arg4[%dma_start3A_217, %add3A_19, %dma_start3A_221] : memref<50x16384x64xf32, #tpu.memory_space<hbm>> -> memref<1x16x64xf32, #tpu.memory_space<hbm>>
      %dma_start3A_223 = tpu.memref_squeeze %dma_start3A_222 : memref<1x16x64xf32, #tpu.memory_space<hbm>> -> memref<16x64xf32, #tpu.memory_space<hbm>>
      %dma_start3A_224 = arith.constant 0 : i32
      %dma_start3A_225 = tpu.memref_slice %arg4[%dma_start3A_217, %add3A_19, %dma_start3A_224] : memref<50x16384x64xf32, #tpu.memory_space<hbm>> -> memref<1x16x64xf32, #tpu.memory_space<hbm>>
      %dma_start3A_226 = tpu.memref_squeeze %dma_start3A_225 : memref<1x16x64xf32, #tpu.memory_space<hbm>> -> memref<16x64xf32, #tpu.memory_space<hbm>>
      %dma_start3A_227 = arith.constant 16 : i32
      %dma_start3A_228 = arith.constant 0 : i32
      %dma_start3A_229 = tpu.memref_slice %arg9[%dma_start3A_227, %dma_start3A_228] : memref<800x64xf32, #tpu.memory_space<vmem>> -> memref<16x64xf32, #tpu.memory_space<vmem>>
      tpu.enqueue_dma source(%dma_start3A_229 : memref<16x64xf32, #tpu.memory_space<vmem>>) target(%dma_start3A_226 : memref<16x64xf32, #tpu.memory_space<hbm>>) target_semaphore(%arg11 : memref<!tpu.dma_semaphore, #tpu.memory_space<semaphore_mem>>)
      %dma_start3A_230 = arith.constant 2 : i32
      %dma_start3A_231 = arith.constant 32 : i32
      %dma_start3A_232 = arith.constant 0 : i32
      %dma_start3A_233 = tpu.memref_slice %arg9[%dma_start3A_231, %dma_start3A_232] : memref<800x64xf32, #tpu.memory_space<vmem>> -> memref<16x64xf32, #tpu.memory_space<vmem>>
      %dma_start3A_234 = arith.constant 0 : i32
      %dma_start3A_235 = tpu.memref_slice %arg4[%dma_start3A_230, %add3A_19, %dma_start3A_234] : memref<50x16384x64xf32, #tpu.memory_space<hbm>> -> memref<1x16x64xf32, #tpu.memory_space<hbm>>
      %dma_start3A_236 = tpu.memref_squeeze %dma_start3A_235 : memref<1x16x64xf32, #tpu.memory_space<hbm>> -> memref<16x64xf32, #tpu.memory_space<hbm>>
      %dma_start3A_237 = arith.constant 0 : i32
      %dma_start3A_238 = tpu.memref_slice %arg4[%dma_start3A_230, %add3A_19, %dma_start3A_237] : memref<50x16384x64xf32, #tpu.memory_space<hbm>> -> memref<1x16x64xf32, #tpu.memory_space<hbm>>
      %dma_start3A_239 = tpu.memref_squeeze %dma_start3A_238 : memref<1x16x64xf32, #tpu.memory_space<hbm>> -> memref<16x64xf32, #tpu.memory_space<hbm>>
      %dma_start3A_240 = arith.constant 32 : i32
      %dma_start3A_241 = arith.constant 0 : i32
      %dma_start3A_242 = tpu.memref_slice %arg9[%dma_start3A_240, %dma_start3A_241] : memref<800x64xf32, #tpu.memory_space<vmem>> -> memref<16x64xf32, #tpu.memory_space<vmem>>
      tpu.enqueue_dma source(%dma_start3A_242 : memref<16x64xf32, #tpu.memory_space<vmem>>) target(%dma_start3A_239 : memref<16x64xf32, #tpu.memory_space<hbm>>) target_semaphore(%arg11 : memref<!tpu.dma_semaphore, #tpu.memory_space<semaphore_mem>>)
      %dma_start3A_243 = arith.constant 3 : i32
      %dma_start3A_244 = arith.constant 48 : i32
      %dma_start3A_245 = arith.constant 0 : i32
      %dma_start3A_246 = tpu.memref_slice %arg9[%dma_start3A_244, %dma_start3A_245] : memref<800x64xf32, #tpu.memory_space<vmem>> -> memref<16x64xf32, #tpu.memory_space<vmem>>
      %dma_start3A_247 = arith.constant 0 : i32
      %dma_start3A_248 = tpu.memref_slice %arg4[%dma_start3A_243, %add3A_19, %dma_start3A_247] : memref<50x16384x64xf32, #tpu.memory_space<hbm>> -> memref<1x16x64xf32, #tpu.memory_space<hbm>>
      %dma_start3A_249 = tpu.memref_squeeze %dma_start3A_248 : memref<1x16x64xf32, #tpu.memory_space<hbm>> -> memref<16x64xf32, #tpu.memory_space<hbm>>
      %dma_start3A_250 = arith.constant 0 : i32
      %dma_start3A_251 = tpu.memref_slice %arg4[%dma_start3A_243, %add3A_19, %dma_start3A_250] : memref<50x16384x64xf32, #tpu.memory_space<hbm>> -> memref<1x16x64xf32, #tpu.memory_space<hbm>>
      %dma_start3A_252 = tpu.memref_squeeze %dma_start3A_251 : memref<1x16x64xf32, #tpu.memory_space<hbm>> -> memref<16x64xf32, #tpu.memory_space<hbm>>
      %dma_start3A_253 = arith.constant 48 : i32
      %dma_start3A_254 = arith.constant 0 : i32
      %dma_start3A_255 = tpu.memref_slice %arg9[%dma_start3A_253, %dma_start3A_254] : memref<800x64xf32, #tpu.memory_space<vmem>> -> memref<16x64xf32, #tpu.memory_space<vmem>>
      tpu.enqueue_dma source(%dma_start3A_255 : memref<16x64xf32, #tpu.memory_space<vmem>>) target(%dma_start3A_252 : memref<16x64xf32, #tpu.memory_space<hbm>>) target_semaphore(%arg11 : memref<!tpu.dma_semaphore, #tpu.memory_space<semaphore_mem>>)
      %dma_start3A_256 = arith.constant 4 : i32
      %dma_start3A_257 = arith.constant 64 : i32
      %dma_start3A_258 = arith.constant 0 : i32
      %dma_start3A_259 = tpu.memref_slice %arg9[%dma_start3A_257, %dma_start3A_258] : memref<800x64xf32, #tpu.memory_space<vmem>> -> memref<16x64xf32, #tpu.memory_space<vmem>>
      %dma_start3A_260 = arith.constant 0 : i32
      %dma_start3A_261 = tpu.memref_slice %arg4[%dma_start3A_256, %add3A_19, %dma_start3A_260] : memref<50x16384x64xf32, #tpu.memory_space<hbm>> -> memref<1x16x64xf32, #tpu.memory_space<hbm>>
      %dma_start3A_262 = tpu.memref_squeeze %dma_start3A_261 : memref<1x16x64xf32, #tpu.memory_space<hbm>> -> memref<16x64xf32, #tpu.memory_space<hbm>>
      %dma_start3A_263 = arith.constant 0 : i32
      %dma_start3A_264 = tpu.memref_slice %arg4[%dma_start3A_256, %add3A_19, %dma_start3A_263] : memref<50x16384x64xf32, #tpu.memory_space<hbm>> -> memref<1x16x64xf32, #tpu.memory_space<hbm>>
      %dma_start3A_265 = tpu.memref_squeeze %dma_start3A_264 : memref<1x16x64xf32, #tpu.memory_space<hbm>> -> memref<16x64xf32, #tpu.memory_space<hbm>>
      %dma_start3A_266 = arith.constant 64 : i32
      %dma_start3A_267 = arith.constant 0 : i32
      %dma_start3A_268 = tpu.memref_slice %arg9[%dma_start3A_266, %dma_start3A_267] : memref<800x64xf32, #tpu.memory_space<vmem>> -> memref<16x64xf32, #tpu.memory_space<vmem>>
      tpu.enqueue_dma source(%dma_start3A_268 : memref<16x64xf32, #tpu.memory_space<vmem>>) target(%dma_start3A_265 : memref<16x64xf32, #tpu.memory_space<hbm>>) target_semaphore(%arg11 : memref<!tpu.dma_semaphore, #tpu.memory_space<semaphore_mem>>)
      %dma_start3A_269 = arith.constant 5 : i32
      %dma_start3A_270 = arith.constant 80 : i32
      %dma_start3A_271 = arith.constant 0 : i32
      %dma_start3A_272 = tpu.memref_slice %arg9[%dma_start3A_270, %dma_start3A_271] : memref<800x64xf32, #tpu.memory_space<vmem>> -> memref<16x64xf32, #tpu.memory_space<vmem>>
      %dma_start3A_273 = arith.constant 0 : i32
      %dma_start3A_274 = tpu.memref_slice %arg4[%dma_start3A_269, %add3A_19, %dma_start3A_273] : memref<50x16384x64xf32, #tpu.memory_space<hbm>> -> memref<1x16x64xf32, #tpu.memory_space<hbm>>
      %dma_start3A_275 = tpu.memref_squeeze %dma_start3A_274 : memref<1x16x64xf32, #tpu.memory_space<hbm>> -> memref<16x64xf32, #tpu.memory_space<hbm>>
      %dma_start3A_276 = arith.constant 0 : i32
      %dma_start3A_277 = tpu.memref_slice %arg4[%dma_start3A_269, %add3A_19, %dma_start3A_276] : memref<50x16384x64xf32, #tpu.memory_space<hbm>> -> memref<1x16x64xf32, #tpu.memory_space<hbm>>
      %dma_start3A_278 = tpu.memref_squeeze %dma_start3A_277 : memref<1x16x64xf32, #tpu.memory_space<hbm>> -> memref<16x64xf32, #tpu.memory_space<hbm>>
      %dma_start3A_279 = arith.constant 80 : i32
      %dma_start3A_280 = arith.constant 0 : i32
      %dma_start3A_281 = tpu.memref_slice %arg9[%dma_start3A_279, %dma_start3A_280] : memref<800x64xf32, #tpu.memory_space<vmem>> -> memref<16x64xf32, #tpu.memory_space<vmem>>
      tpu.enqueue_dma source(%dma_start3A_281 : memref<16x64xf32, #tpu.memory_space<vmem>>) target(%dma_start3A_278 : memref<16x64xf32, #tpu.memory_space<hbm>>) target_semaphore(%arg11 : memref<!tpu.dma_semaphore, #tpu.memory_space<semaphore_mem>>)
      %dma_start3A_282 = arith.constant 6 : i32
      %dma_start3A_283 = arith.constant 96 : i32
      %dma_start3A_284 = arith.constant 0 : i32
      %dma_start3A_285 = tpu.memref_slice %arg9[%dma_start3A_283, %dma_start3A_284] : memref<800x64xf32, #tpu.memory_space<vmem>> -> memref<16x64xf32, #tpu.memory_space<vmem>>
      %dma_start3A_286 = arith.constant 0 : i32
      %dma_start3A_287 = tpu.memref_slice %arg4[%dma_start3A_282, %add3A_19, %dma_start3A_286] : memref<50x16384x64xf32, #tpu.memory_space<hbm>> -> memref<1x16x64xf32, #tpu.memory_space<hbm>>
      %dma_start3A_288 = tpu.memref_squeeze %dma_start3A_287 : memref<1x16x64xf32, #tpu.memory_space<hbm>> -> memref<16x64xf32, #tpu.memory_space<hbm>>
      %dma_start3A_289 = arith.constant 0 : i32
      %dma_start3A_290 = tpu.memref_slice %arg4[%dma_start3A_282, %add3A_19, %dma_start3A_289] : memref<50x16384x64xf32, #tpu.memory_space<hbm>> -> memref<1x16x64xf32, #tpu.memory_space<hbm>>
      %dma_start3A_291 = tpu.memref_squeeze %dma_start3A_290 : memref<1x16x64xf32, #tpu.memory_space<hbm>> -> memref<16x64xf32, #tpu.memory_space<hbm>>
      %dma_start3A_292 = arith.constant 96 : i32
      %dma_start3A_293 = arith.constant 0 : i32
      %dma_start3A_294 = tpu.memref_slice %arg9[%dma_start3A_292, %dma_start3A_293] : memref<800x64xf32, #tpu.memory_space<vmem>> -> memref<16x64xf32, #tpu.memory_space<vmem>>
      tpu.enqueue_dma source(%dma_start3A_294 : memref<16x64xf32, #tpu.memory_space<vmem>>) target(%dma_start3A_291 : memref<16x64xf32, #tpu.memory_space<hbm>>) target_semaphore(%arg11 : memref<!tpu.dma_semaphore, #tpu.memory_space<semaphore_mem>>)
      %dma_start3A_295 = arith.constant 7 : i32
      %dma_start3A_296 = arith.constant 112 : i32
      %dma_start3A_297 = arith.constant 0 : i32
      %dma_start3A_298 = tpu.memref_slice %arg9[%dma_start3A_296, %dma_start3A_297] : memref<800x64xf32, #tpu.memory_space<vmem>> -> memref<16x64xf32, #tpu.memory_space<vmem>>
      %dma_start3A_299 = arith.constant 0 : i32
      %dma_start3A_300 = tpu.memref_slice %arg4[%dma_start3A_295, %add3A_19, %dma_start3A_299] : memref<50x16384x64xf32, #tpu.memory_space<hbm>> -> memref<1x16x64xf32, #tpu.memory_space<hbm>>
      %dma_start3A_301 = tpu.memref_squeeze %dma_start3A_300 : memref<1x16x64xf32, #tpu.memory_space<hbm>> -> memref<16x64xf32, #tpu.memory_space<hbm>>
      %dma_start3A_302 = arith.constant 0 : i32
      %dma_start3A_303 = tpu.memref_slice %arg4[%dma_start3A_295, %add3A_19, %dma_start3A_302] : memref<50x16384x64xf32, #tpu.memory_space<hbm>> -> memref<1x16x64xf32, #tpu.memory_space<hbm>>
      %dma_start3A_304 = tpu.memref_squeeze %dma_start3A_303 : memref<1x16x64xf32, #tpu.memory_space<hbm>> -> memref<16x64xf32, #tpu.memory_space<hbm>>
      %dma_start3A_305 = arith.constant 112 : i32
      %dma_start3A_306 = arith.constant 0 : i32
      %dma_start3A_307 = tpu.memref_slice %arg9[%dma_start3A_305, %dma_start3A_306] : memref<800x64xf32, #tpu.memory_space<vmem>> -> memref<16x64xf32, #tpu.memory_space<vmem>>
      tpu.enqueue_dma source(%dma_start3A_307 : memref<16x64xf32, #tpu.memory_space<vmem>>) target(%dma_start3A_304 : memref<16x64xf32, #tpu.memory_space<hbm>>) target_semaphore(%arg11 : memref<!tpu.dma_semaphore, #tpu.memory_space<semaphore_mem>>)
      %dma_start3A_308 = arith.constant 8 : i32
      %dma_start3A_309 = arith.constant 128 : i32
      %dma_start3A_310 = arith.constant 0 : i32
      %dma_start3A_311 = tpu.memref_slice %arg9[%dma_start3A_309, %dma_start3A_310] : memref<800x64xf32, #tpu.memory_space<vmem>> -> memref<16x64xf32, #tpu.memory_space<vmem>>
      %dma_start3A_312 = arith.constant 0 : i32
      %dma_start3A_313 = tpu.memref_slice %arg4[%dma_start3A_308, %add3A_19, %dma_start3A_312] : memref<50x16384x64xf32, #tpu.memory_space<hbm>> -> memref<1x16x64xf32, #tpu.memory_space<hbm>>
      %dma_start3A_314 = tpu.memref_squeeze %dma_start3A_313 : memref<1x16x64xf32, #tpu.memory_space<hbm>> -> memref<16x64xf32, #tpu.memory_space<hbm>>
      %dma_start3A_315 = arith.constant 0 : i32
      %dma_start3A_316 = tpu.memref_slice %arg4[%dma_start3A_308, %add3A_19, %dma_start3A_315] : memref<50x16384x64xf32, #tpu.memory_space<hbm>> -> memref<1x16x64xf32, #tpu.memory_space<hbm>>
      %dma_start3A_317 = tpu.memref_squeeze %dma_start3A_316 : memref<1x16x64xf32, #tpu.memory_space<hbm>> -> memref<16x64xf32, #tpu.memory_space<hbm>>
      %dma_start3A_318 = arith.constant 128 : i32
      %dma_start3A_319 = arith.constant 0 : i32
      %dma_start3A_320 = tpu.memref_slice %arg9[%dma_start3A_318, %dma_start3A_319] : memref<800x64xf32, #tpu.memory_space<vmem>> -> memref<16x64xf32, #tpu.memory_space<vmem>>
      tpu.enqueue_dma source(%dma_start3A_320 : memref<16x64xf32, #tpu.memory_space<vmem>>) target(%dma_start3A_317 : memref<16x64xf32, #tpu.memory_space<hbm>>) target_semaphore(%arg11 : memref<!tpu.dma_semaphore, #tpu.memory_space<semaphore_mem>>)
      %dma_start3A_321 = arith.constant 9 : i32
      %dma_start3A_322 = arith.constant 144 : i32
      %dma_start3A_323 = arith.constant 0 : i32
      %dma_start3A_324 = tpu.memref_slice %arg9[%dma_start3A_322, %dma_start3A_323] : memref<800x64xf32, #tpu.memory_space<vmem>> -> memref<16x64xf32, #tpu.memory_space<vmem>>
      %dma_start3A_325 = arith.constant 0 : i32
      %dma_start3A_326 = tpu.memref_slice %arg4[%dma_start3A_321, %add3A_19, %dma_start3A_325] : memref<50x16384x64xf32, #tpu.memory_space<hbm>> -> memref<1x16x64xf32, #tpu.memory_space<hbm>>
      %dma_start3A_327 = tpu.memref_squeeze %dma_start3A_326 : memref<1x16x64xf32, #tpu.memory_space<hbm>> -> memref<16x64xf32, #tpu.memory_space<hbm>>
      %dma_start3A_328 = arith.constant 0 : i32
      %dma_start3A_329 = tpu.memref_slice %arg4[%dma_start3A_321, %add3A_19, %dma_start3A_328] : memref<50x16384x64xf32, #tpu.memory_space<hbm>> -> memref<1x16x64xf32, #tpu.memory_space<hbm>>
      %dma_start3A_330 = tpu.memref_squeeze %dma_start3A_329 : memref<1x16x64xf32, #tpu.memory_space<hbm>> -> memref<16x64xf32, #tpu.memory_space<hbm>>
      %dma_start3A_331 = arith.constant 144 : i32
      %dma_start3A_332 = arith.constant 0 : i32
      %dma_start3A_333 = tpu.memref_slice %arg9[%dma_start3A_331, %dma_start3A_332] : memref<800x64xf32, #tpu.memory_space<vmem>> -> memref<16x64xf32, #tpu.memory_space<vmem>>
      tpu.enqueue_dma source(%dma_start3A_333 : memref<16x64xf32, #tpu.memory_space<vmem>>) target(%dma_start3A_330 : memref<16x64xf32, #tpu.memory_space<hbm>>) target_semaphore(%arg11 : memref<!tpu.dma_semaphore, #tpu.memory_space<semaphore_mem>>)
      %dma_start3A_334 = arith.constant 10 : i32
      %dma_start3A_335 = arith.constant 160 : i32
      %dma_start3A_336 = arith.constant 0 : i32
      %dma_start3A_337 = tpu.memref_slice %arg9[%dma_start3A_335, %dma_start3A_336] : memref<800x64xf32, #tpu.memory_space<vmem>> -> memref<16x64xf32, #tpu.memory_space<vmem>>
      %dma_start3A_338 = arith.constant 0 : i32
      %dma_start3A_339 = tpu.memref_slice %arg4[%dma_start3A_334, %add3A_19, %dma_start3A_338] : memref<50x16384x64xf32, #tpu.memory_space<hbm>> -> memref<1x16x64xf32, #tpu.memory_space<hbm>>
      %dma_start3A_340 = tpu.memref_squeeze %dma_start3A_339 : memref<1x16x64xf32, #tpu.memory_space<hbm>> -> memref<16x64xf32, #tpu.memory_space<hbm>>
      %dma_start3A_341 = arith.constant 0 : i32
      %dma_start3A_342 = tpu.memref_slice %arg4[%dma_start3A_334, %add3A_19, %dma_start3A_341] : memref<50x16384x64xf32, #tpu.memory_space<hbm>> -> memref<1x16x64xf32, #tpu.memory_space<hbm>>
      %dma_start3A_343 = tpu.memref_squeeze %dma_start3A_342 : memref<1x16x64xf32, #tpu.memory_space<hbm>> -> memref<16x64xf32, #tpu.memory_space<hbm>>
      %dma_start3A_344 = arith.constant 160 : i32
      %dma_start3A_345 = arith.constant 0 : i32
      %dma_start3A_346 = tpu.memref_slice %arg9[%dma_start3A_344, %dma_start3A_345] : memref<800x64xf32, #tpu.memory_space<vmem>> -> memref<16x64xf32, #tpu.memory_space<vmem>>
      tpu.enqueue_dma source(%dma_start3A_346 : memref<16x64xf32, #tpu.memory_space<vmem>>) target(%dma_start3A_343 : memref<16x64xf32, #tpu.memory_space<hbm>>) target_semaphore(%arg11 : memref<!tpu.dma_semaphore, #tpu.memory_space<semaphore_mem>>)
      %dma_start3A_347 = arith.constant 11 : i32
      %dma_start3A_348 = arith.constant 176 : i32
      %dma_start3A_349 = arith.constant 0 : i32
      %dma_start3A_350 = tpu.memref_slice %arg9[%dma_start3A_348, %dma_start3A_349] : memref<800x64xf32, #tpu.memory_space<vmem>> -> memref<16x64xf32, #tpu.memory_space<vmem>>
      %dma_start3A_351 = arith.constant 0 : i32
      %dma_start3A_352 = tpu.memref_slice %arg4[%dma_start3A_347, %add3A_19, %dma_start3A_351] : memref<50x16384x64xf32, #tpu.memory_space<hbm>> -> memref<1x16x64xf32, #tpu.memory_space<hbm>>
      %dma_start3A_353 = tpu.memref_squeeze %dma_start3A_352 : memref<1x16x64xf32, #tpu.memory_space<hbm>> -> memref<16x64xf32, #tpu.memory_space<hbm>>
      %dma_start3A_354 = arith.constant 0 : i32
      %dma_start3A_355 = tpu.memref_slice %arg4[%dma_start3A_347, %add3A_19, %dma_start3A_354] : memref<50x16384x64xf32, #tpu.memory_space<hbm>> -> memref<1x16x64xf32, #tpu.memory_space<hbm>>
      %dma_start3A_356 = tpu.memref_squeeze %dma_start3A_355 : memref<1x16x64xf32, #tpu.memory_space<hbm>> -> memref<16x64xf32, #tpu.memory_space<hbm>>
      %dma_start3A_357 = arith.constant 176 : i32
      %dma_start3A_358 = arith.constant 0 : i32
      %dma_start3A_359 = tpu.memref_slice %arg9[%dma_start3A_357, %dma_start3A_358] : memref<800x64xf32, #tpu.memory_space<vmem>> -> memref<16x64xf32, #tpu.memory_space<vmem>>
      tpu.enqueue_dma source(%dma_start3A_359 : memref<16x64xf32, #tpu.memory_space<vmem>>) target(%dma_start3A_356 : memref<16x64xf32, #tpu.memory_space<hbm>>) target_semaphore(%arg11 : memref<!tpu.dma_semaphore, #tpu.memory_space<semaphore_mem>>)
      %dma_start3A_360 = arith.constant 12 : i32
      %dma_start3A_361 = arith.constant 192 : i32
      %dma_start3A_362 = arith.constant 0 : i32
      %dma_start3A_363 = tpu.memref_slice %arg9[%dma_start3A_361, %dma_start3A_362] : memref<800x64xf32, #tpu.memory_space<vmem>> -> memref<16x64xf32, #tpu.memory_space<vmem>>
      %dma_start3A_364 = arith.constant 0 : i32
      %dma_start3A_365 = tpu.memref_slice %arg4[%dma_start3A_360, %add3A_19, %dma_start3A_364] : memref<50x16384x64xf32, #tpu.memory_space<hbm>> -> memref<1x16x64xf32, #tpu.memory_space<hbm>>
      %dma_start3A_366 = tpu.memref_squeeze %dma_start3A_365 : memref<1x16x64xf32, #tpu.memory_space<hbm>> -> memref<16x64xf32, #tpu.memory_space<hbm>>
      %dma_start3A_367 = arith.constant 0 : i32
      %dma_start3A_368 = tpu.memref_slice %arg4[%dma_start3A_360, %add3A_19, %dma_start3A_367] : memref<50x16384x64xf32, #tpu.memory_space<hbm>> -> memref<1x16x64xf32, #tpu.memory_space<hbm>>
      %dma_start3A_369 = tpu.memref_squeeze %dma_start3A_368 : memref<1x16x64xf32, #tpu.memory_space<hbm>> -> memref<16x64xf32, #tpu.memory_space<hbm>>
      %dma_start3A_370 = arith.constant 192 : i32
      %dma_start3A_371 = arith.constant 0 : i32
      %dma_start3A_372 = tpu.memref_slice %arg9[%dma_start3A_370, %dma_start3A_371] : memref<800x64xf32, #tpu.memory_space<vmem>> -> memref<16x64xf32, #tpu.memory_space<vmem>>
      tpu.enqueue_dma source(%dma_start3A_372 : memref<16x64xf32, #tpu.memory_space<vmem>>) target(%dma_start3A_369 : memref<16x64xf32, #tpu.memory_space<hbm>>) target_semaphore(%arg11 : memref<!tpu.dma_semaphore, #tpu.memory_space<semaphore_mem>>)
      %dma_start3A_373 = arith.constant 13 : i32
      %dma_start3A_374 = arith.constant 208 : i32
      %dma_start3A_375 = arith.constant 0 : i32
      %dma_start3A_376 = tpu.memref_slice %arg9[%dma_start3A_374, %dma_start3A_375] : memref<800x64xf32, #tpu.memory_space<vmem>> -> memref<16x64xf32, #tpu.memory_space<vmem>>
      %dma_start3A_377 = arith.constant 0 : i32
      %dma_start3A_378 = tpu.memref_slice %arg4[%dma_start3A_373, %add3A_19, %dma_start3A_377] : memref<50x16384x64xf32, #tpu.memory_space<hbm>> -> memref<1x16x64xf32, #tpu.memory_space<hbm>>
      %dma_start3A_379 = tpu.memref_squeeze %dma_start3A_378 : memref<1x16x64xf32, #tpu.memory_space<hbm>> -> memref<16x64xf32, #tpu.memory_space<hbm>>
      %dma_start3A_380 = arith.constant 0 : i32
      %dma_start3A_381 = tpu.memref_slice %arg4[%dma_start3A_373, %add3A_19, %dma_start3A_380] : memref<50x16384x64xf32, #tpu.memory_space<hbm>> -> memref<1x16x64xf32, #tpu.memory_space<hbm>>
      %dma_start3A_382 = tpu.memref_squeeze %dma_start3A_381 : memref<1x16x64xf32, #tpu.memory_space<hbm>> -> memref<16x64xf32, #tpu.memory_space<hbm>>
      %dma_start3A_383 = arith.constant 208 : i32
      %dma_start3A_384 = arith.constant 0 : i32
      %dma_start3A_385 = tpu.memref_slice %arg9[%dma_start3A_383, %dma_start3A_384] : memref<800x64xf32, #tpu.memory_space<vmem>> -> memref<16x64xf32, #tpu.memory_space<vmem>>
      tpu.enqueue_dma source(%dma_start3A_385 : memref<16x64xf32, #tpu.memory_space<vmem>>) target(%dma_start3A_382 : memref<16x64xf32, #tpu.memory_space<hbm>>) target_semaphore(%arg11 : memref<!tpu.dma_semaphore, #tpu.memory_space<semaphore_mem>>)
      %dma_start3A_386 = arith.constant 14 : i32
      %dma_start3A_387 = arith.constant 224 : i32
      %dma_start3A_388 = arith.constant 0 : i32
      %dma_start3A_389 = tpu.memref_slice %arg9[%dma_start3A_387, %dma_start3A_388] : memref<800x64xf32, #tpu.memory_space<vmem>> -> memref<16x64xf32, #tpu.memory_space<vmem>>
      %dma_start3A_390 = arith.constant 0 : i32
      %dma_start3A_391 = tpu.memref_slice %arg4[%dma_start3A_386, %add3A_19, %dma_start3A_390] : memref<50x16384x64xf32, #tpu.memory_space<hbm>> -> memref<1x16x64xf32, #tpu.memory_space<hbm>>
      %dma_start3A_392 = tpu.memref_squeeze %dma_start3A_391 : memref<1x16x64xf32, #tpu.memory_space<hbm>> -> memref<16x64xf32, #tpu.memory_space<hbm>>
      %dma_start3A_393 = arith.constant 0 : i32
      %dma_start3A_394 = tpu.memref_slice %arg4[%dma_start3A_386, %add3A_19, %dma_start3A_393] : memref<50x16384x64xf32, #tpu.memory_space<hbm>> -> memref<1x16x64xf32, #tpu.memory_space<hbm>>
      %dma_start3A_395 = tpu.memref_squeeze %dma_start3A_394 : memref<1x16x64xf32, #tpu.memory_space<hbm>> -> memref<16x64xf32, #tpu.memory_space<hbm>>
      %dma_start3A_396 = arith.constant 224 : i32
      %dma_start3A_397 = arith.constant 0 : i32
      %dma_start3A_398 = tpu.memref_slice %arg9[%dma_start3A_396, %dma_start3A_397] : memref<800x64xf32, #tpu.memory_space<vmem>> -> memref<16x64xf32, #tpu.memory_space<vmem>>
      tpu.enqueue_dma source(%dma_start3A_398 : memref<16x64xf32, #tpu.memory_space<vmem>>) target(%dma_start3A_395 : memref<16x64xf32, #tpu.memory_space<hbm>>) target_semaphore(%arg11 : memref<!tpu.dma_semaphore, #tpu.memory_space<semaphore_mem>>)
      %dma_start3A_399 = arith.constant 15 : i32
      %dma_start3A_400 = arith.constant 240 : i32
      %dma_start3A_401 = arith.constant 0 : i32
      %dma_start3A_402 = tpu.memref_slice %arg9[%dma_start3A_400, %dma_start3A_401] : memref<800x64xf32, #tpu.memory_space<vmem>> -> memref<16x64xf32, #tpu.memory_space<vmem>>
      %dma_start3A_403 = arith.constant 0 : i32
      %dma_start3A_404 = tpu.memref_slice %arg4[%dma_start3A_399, %add3A_19, %dma_start3A_403] : memref<50x16384x64xf32, #tpu.memory_space<hbm>> -> memref<1x16x64xf32, #tpu.memory_space<hbm>>
      %dma_start3A_405 = tpu.memref_squeeze %dma_start3A_404 : memref<1x16x64xf32, #tpu.memory_space<hbm>> -> memref<16x64xf32, #tpu.memory_space<hbm>>
      %dma_start3A_406 = arith.constant 0 : i32
      %dma_start3A_407 = tpu.memref_slice %arg4[%dma_start3A_399, %add3A_19, %dma_start3A_406] : memref<50x16384x64xf32, #tpu.memory_space<hbm>> -> memref<1x16x64xf32, #tpu.memory_space<hbm>>
      %dma_start3A_408 = tpu.memref_squeeze %dma_start3A_407 : memref<1x16x64xf32, #tpu.memory_space<hbm>> -> memref<16x64xf32, #tpu.memory_space<hbm>>
      %dma_start3A_409 = arith.constant 240 : i32
      %dma_start3A_410 = arith.constant 0 : i32
      %dma_start3A_411 = tpu.memref_slice %arg9[%dma_start3A_409, %dma_start3A_410] : memref<800x64xf32, #tpu.memory_space<vmem>> -> memref<16x64xf32, #tpu.memory_space<vmem>>
      tpu.enqueue_dma source(%dma_start3A_411 : memref<16x64xf32, #tpu.memory_space<vmem>>) target(%dma_start3A_408 : memref<16x64xf32, #tpu.memory_space<hbm>>) target_semaphore(%arg11 : memref<!tpu.dma_semaphore, #tpu.memory_space<semaphore_mem>>)
      %dma_start3A_412 = arith.constant 16 : i32
      %dma_start3A_413 = arith.constant 256 : i32
      %dma_start3A_414 = arith.constant 0 : i32
      %dma_start3A_415 = tpu.memref_slice %arg9[%dma_start3A_413, %dma_start3A_414] : memref<800x64xf32, #tpu.memory_space<vmem>> -> memref<16x64xf32, #tpu.memory_space<vmem>>
      %dma_start3A_416 = arith.constant 0 : i32
      %dma_start3A_417 = tpu.memref_slice %arg4[%dma_start3A_412, %add3A_19, %dma_start3A_416] : memref<50x16384x64xf32, #tpu.memory_space<hbm>> -> memref<1x16x64xf32, #tpu.memory_space<hbm>>
      %dma_start3A_418 = tpu.memref_squeeze %dma_start3A_417 : memref<1x16x64xf32, #tpu.memory_space<hbm>> -> memref<16x64xf32, #tpu.memory_space<hbm>>
      %dma_start3A_419 = arith.constant 0 : i32
      %dma_start3A_420 = tpu.memref_slice %arg4[%dma_start3A_412, %add3A_19, %dma_start3A_419] : memref<50x16384x64xf32, #tpu.memory_space<hbm>> -> memref<1x16x64xf32, #tpu.memory_space<hbm>>
      %dma_start3A_421 = tpu.memref_squeeze %dma_start3A_420 : memref<1x16x64xf32, #tpu.memory_space<hbm>> -> memref<16x64xf32, #tpu.memory_space<hbm>>
      %dma_start3A_422 = arith.constant 256 : i32
      %dma_start3A_423 = arith.constant 0 : i32
      %dma_start3A_424 = tpu.memref_slice %arg9[%dma_start3A_422, %dma_start3A_423] : memref<800x64xf32, #tpu.memory_space<vmem>> -> memref<16x64xf32, #tpu.memory_space<vmem>>
      tpu.enqueue_dma source(%dma_start3A_424 : memref<16x64xf32, #tpu.memory_space<vmem>>) target(%dma_start3A_421 : memref<16x64xf32, #tpu.memory_space<hbm>>) target_semaphore(%arg11 : memref<!tpu.dma_semaphore, #tpu.memory_space<semaphore_mem>>)
      %dma_start3A_425 = arith.constant 17 : i32
      %dma_start3A_426 = arith.constant 272 : i32
      %dma_start3A_427 = arith.constant 0 : i32
      %dma_start3A_428 = tpu.memref_slice %arg9[%dma_start3A_426, %dma_start3A_427] : memref<800x64xf32, #tpu.memory_space<vmem>> -> memref<16x64xf32, #tpu.memory_space<vmem>>
      %dma_start3A_429 = arith.constant 0 : i32
      %dma_start3A_430 = tpu.memref_slice %arg4[%dma_start3A_425, %add3A_19, %dma_start3A_429] : memref<50x16384x64xf32, #tpu.memory_space<hbm>> -> memref<1x16x64xf32, #tpu.memory_space<hbm>>
      %dma_start3A_431 = tpu.memref_squeeze %dma_start3A_430 : memref<1x16x64xf32, #tpu.memory_space<hbm>> -> memref<16x64xf32, #tpu.memory_space<hbm>>
      %dma_start3A_432 = arith.constant 0 : i32
      %dma_start3A_433 = tpu.memref_slice %arg4[%dma_start3A_425, %add3A_19, %dma_start3A_432] : memref<50x16384x64xf32, #tpu.memory_space<hbm>> -> memref<1x16x64xf32, #tpu.memory_space<hbm>>
      %dma_start3A_434 = tpu.memref_squeeze %dma_start3A_433 : memref<1x16x64xf32, #tpu.memory_space<hbm>> -> memref<16x64xf32, #tpu.memory_space<hbm>>
      %dma_start3A_435 = arith.constant 272 : i32
      %dma_start3A_436 = arith.constant 0 : i32
      %dma_start3A_437 = tpu.memref_slice %arg9[%dma_start3A_435, %dma_start3A_436] : memref<800x64xf32, #tpu.memory_space<vmem>> -> memref<16x64xf32, #tpu.memory_space<vmem>>
      tpu.enqueue_dma source(%dma_start3A_437 : memref<16x64xf32, #tpu.memory_space<vmem>>) target(%dma_start3A_434 : memref<16x64xf32, #tpu.memory_space<hbm>>) target_semaphore(%arg11 : memref<!tpu.dma_semaphore, #tpu.memory_space<semaphore_mem>>)
      %dma_start3A_438 = arith.constant 18 : i32
      %dma_start3A_439 = arith.constant 288 : i32
      %dma_start3A_440 = arith.constant 0 : i32
      %dma_start3A_441 = tpu.memref_slice %arg9[%dma_start3A_439, %dma_start3A_440] : memref<800x64xf32, #tpu.memory_space<vmem>> -> memref<16x64xf32, #tpu.memory_space<vmem>>
      %dma_start3A_442 = arith.constant 0 : i32
      %dma_start3A_443 = tpu.memref_slice %arg4[%dma_start3A_438, %add3A_19, %dma_start3A_442] : memref<50x16384x64xf32, #tpu.memory_space<hbm>> -> memref<1x16x64xf32, #tpu.memory_space<hbm>>
      %dma_start3A_444 = tpu.memref_squeeze %dma_start3A_443 : memref<1x16x64xf32, #tpu.memory_space<hbm>> -> memref<16x64xf32, #tpu.memory_space<hbm>>
      %dma_start3A_445 = arith.constant 0 : i32
      %dma_start3A_446 = tpu.memref_slice %arg4[%dma_start3A_438, %add3A_19, %dma_start3A_445] : memref<50x16384x64xf32, #tpu.memory_space<hbm>> -> memref<1x16x64xf32, #tpu.memory_space<hbm>>
      %dma_start3A_447 = tpu.memref_squeeze %dma_start3A_446 : memref<1x16x64xf32, #tpu.memory_space<hbm>> -> memref<16x64xf32, #tpu.memory_space<hbm>>
      %dma_start3A_448 = arith.constant 288 : i32
      %dma_start3A_449 = arith.constant 0 : i32
      %dma_start3A_450 = tpu.memref_slice %arg9[%dma_start3A_448, %dma_start3A_449] : memref<800x64xf32, #tpu.memory_space<vmem>> -> memref<16x64xf32, #tpu.memory_space<vmem>>
      tpu.enqueue_dma source(%dma_start3A_450 : memref<16x64xf32, #tpu.memory_space<vmem>>) target(%dma_start3A_447 : memref<16x64xf32, #tpu.memory_space<hbm>>) target_semaphore(%arg11 : memref<!tpu.dma_semaphore, #tpu.memory_space<semaphore_mem>>)
      %dma_start3A_451 = arith.constant 19 : i32
      %dma_start3A_452 = arith.constant 304 : i32
      %dma_start3A_453 = arith.constant 0 : i32
      %dma_start3A_454 = tpu.memref_slice %arg9[%dma_start3A_452, %dma_start3A_453] : memref<800x64xf32, #tpu.memory_space<vmem>> -> memref<16x64xf32, #tpu.memory_space<vmem>>
      %dma_start3A_455 = arith.constant 0 : i32
      %dma_start3A_456 = tpu.memref_slice %arg4[%dma_start3A_451, %add3A_19, %dma_start3A_455] : memref<50x16384x64xf32, #tpu.memory_space<hbm>> -> memref<1x16x64xf32, #tpu.memory_space<hbm>>
      %dma_start3A_457 = tpu.memref_squeeze %dma_start3A_456 : memref<1x16x64xf32, #tpu.memory_space<hbm>> -> memref<16x64xf32, #tpu.memory_space<hbm>>
      %dma_start3A_458 = arith.constant 0 : i32
      %dma_start3A_459 = tpu.memref_slice %arg4[%dma_start3A_451, %add3A_19, %dma_start3A_458] : memref<50x16384x64xf32, #tpu.memory_space<hbm>> -> memref<1x16x64xf32, #tpu.memory_space<hbm>>
      %dma_start3A_460 = tpu.memref_squeeze %dma_start3A_459 : memref<1x16x64xf32, #tpu.memory_space<hbm>> -> memref<16x64xf32, #tpu.memory_space<hbm>>
      %dma_start3A_461 = arith.constant 304 : i32
      %dma_start3A_462 = arith.constant 0 : i32
      %dma_start3A_463 = tpu.memref_slice %arg9[%dma_start3A_461, %dma_start3A_462] : memref<800x64xf32, #tpu.memory_space<vmem>> -> memref<16x64xf32, #tpu.memory_space<vmem>>
      tpu.enqueue_dma source(%dma_start3A_463 : memref<16x64xf32, #tpu.memory_space<vmem>>) target(%dma_start3A_460 : memref<16x64xf32, #tpu.memory_space<hbm>>) target_semaphore(%arg11 : memref<!tpu.dma_semaphore, #tpu.memory_space<semaphore_mem>>)
      %dma_start3A_464 = arith.constant 20 : i32
      %dma_start3A_465 = arith.constant 320 : i32
      %dma_start3A_466 = arith.constant 0 : i32
      %dma_start3A_467 = tpu.memref_slice %arg9[%dma_start3A_465, %dma_start3A_466] : memref<800x64xf32, #tpu.memory_space<vmem>> -> memref<16x64xf32, #tpu.memory_space<vmem>>
      %dma_start3A_468 = arith.constant 0 : i32
      %dma_start3A_469 = tpu.memref_slice %arg4[%dma_start3A_464, %add3A_19, %dma_start3A_468] : memref<50x16384x64xf32, #tpu.memory_space<hbm>> -> memref<1x16x64xf32, #tpu.memory_space<hbm>>
      %dma_start3A_470 = tpu.memref_squeeze %dma_start3A_469 : memref<1x16x64xf32, #tpu.memory_space<hbm>> -> memref<16x64xf32, #tpu.memory_space<hbm>>
      %dma_start3A_471 = arith.constant 0 : i32
      %dma_start3A_472 = tpu.memref_slice %arg4[%dma_start3A_464, %add3A_19, %dma_start3A_471] : memref<50x16384x64xf32, #tpu.memory_space<hbm>> -> memref<1x16x64xf32, #tpu.memory_space<hbm>>
      %dma_start3A_473 = tpu.memref_squeeze %dma_start3A_472 : memref<1x16x64xf32, #tpu.memory_space<hbm>> -> memref<16x64xf32, #tpu.memory_space<hbm>>
      %dma_start3A_474 = arith.constant 320 : i32
      %dma_start3A_475 = arith.constant 0 : i32
      %dma_start3A_476 = tpu.memref_slice %arg9[%dma_start3A_474, %dma_start3A_475] : memref<800x64xf32, #tpu.memory_space<vmem>> -> memref<16x64xf32, #tpu.memory_space<vmem>>
      tpu.enqueue_dma source(%dma_start3A_476 : memref<16x64xf32, #tpu.memory_space<vmem>>) target(%dma_start3A_473 : memref<16x64xf32, #tpu.memory_space<hbm>>) target_semaphore(%arg11 : memref<!tpu.dma_semaphore, #tpu.memory_space<semaphore_mem>>)
      %dma_start3A_477 = arith.constant 21 : i32
      %dma_start3A_478 = arith.constant 336 : i32
      %dma_start3A_479 = arith.constant 0 : i32
      %dma_start3A_480 = tpu.memref_slice %arg9[%dma_start3A_478, %dma_start3A_479] : memref<800x64xf32, #tpu.memory_space<vmem>> -> memref<16x64xf32, #tpu.memory_space<vmem>>
      %dma_start3A_481 = arith.constant 0 : i32
      %dma_start3A_482 = tpu.memref_slice %arg4[%dma_start3A_477, %add3A_19, %dma_start3A_481] : memref<50x16384x64xf32, #tpu.memory_space<hbm>> -> memref<1x16x64xf32, #tpu.memory_space<hbm>>
      %dma_start3A_483 = tpu.memref_squeeze %dma_start3A_482 : memref<1x16x64xf32, #tpu.memory_space<hbm>> -> memref<16x64xf32, #tpu.memory_space<hbm>>
      %dma_start3A_484 = arith.constant 0 : i32
      %dma_start3A_485 = tpu.memref_slice %arg4[%dma_start3A_477, %add3A_19, %dma_start3A_484] : memref<50x16384x64xf32, #tpu.memory_space<hbm>> -> memref<1x16x64xf32, #tpu.memory_space<hbm>>
      %dma_start3A_486 = tpu.memref_squeeze %dma_start3A_485 : memref<1x16x64xf32, #tpu.memory_space<hbm>> -> memref<16x64xf32, #tpu.memory_space<hbm>>
      %dma_start3A_487 = arith.constant 336 : i32
      %dma_start3A_488 = arith.constant 0 : i32
      %dma_start3A_489 = tpu.memref_slice %arg9[%dma_start3A_487, %dma_start3A_488] : memref<800x64xf32, #tpu.memory_space<vmem>> -> memref<16x64xf32, #tpu.memory_space<vmem>>
      tpu.enqueue_dma source(%dma_start3A_489 : memref<16x64xf32, #tpu.memory_space<vmem>>) target(%dma_start3A_486 : memref<16x64xf32, #tpu.memory_space<hbm>>) target_semaphore(%arg11 : memref<!tpu.dma_semaphore, #tpu.memory_space<semaphore_mem>>)
      %dma_start3A_490 = arith.constant 22 : i32
      %dma_start3A_491 = arith.constant 352 : i32
      %dma_start3A_492 = arith.constant 0 : i32
      %dma_start3A_493 = tpu.memref_slice %arg9[%dma_start3A_491, %dma_start3A_492] : memref<800x64xf32, #tpu.memory_space<vmem>> -> memref<16x64xf32, #tpu.memory_space<vmem>>
      %dma_start3A_494 = arith.constant 0 : i32
      %dma_start3A_495 = tpu.memref_slice %arg4[%dma_start3A_490, %add3A_19, %dma_start3A_494] : memref<50x16384x64xf32, #tpu.memory_space<hbm>> -> memref<1x16x64xf32, #tpu.memory_space<hbm>>
      %dma_start3A_496 = tpu.memref_squeeze %dma_start3A_495 : memref<1x16x64xf32, #tpu.memory_space<hbm>> -> memref<16x64xf32, #tpu.memory_space<hbm>>
      %dma_start3A_497 = arith.constant 0 : i32
      %dma_start3A_498 = tpu.memref_slice %arg4[%dma_start3A_490, %add3A_19, %dma_start3A_497] : memref<50x16384x64xf32, #tpu.memory_space<hbm>> -> memref<1x16x64xf32, #tpu.memory_space<hbm>>
      %dma_start3A_499 = tpu.memref_squeeze %dma_start3A_498 : memref<1x16x64xf32, #tpu.memory_space<hbm>> -> memref<16x64xf32, #tpu.memory_space<hbm>>
      %dma_start3A_500 = arith.constant 352 : i32
      %dma_start3A_501 = arith.constant 0 : i32
      %dma_start3A_502 = tpu.memref_slice %arg9[%dma_start3A_500, %dma_start3A_501] : memref<800x64xf32, #tpu.memory_space<vmem>> -> memref<16x64xf32, #tpu.memory_space<vmem>>
      tpu.enqueue_dma source(%dma_start3A_502 : memref<16x64xf32, #tpu.memory_space<vmem>>) target(%dma_start3A_499 : memref<16x64xf32, #tpu.memory_space<hbm>>) target_semaphore(%arg11 : memref<!tpu.dma_semaphore, #tpu.memory_space<semaphore_mem>>)
      %dma_start3A_503 = arith.constant 23 : i32
      %dma_start3A_504 = arith.constant 368 : i32
      %dma_start3A_505 = arith.constant 0 : i32
      %dma_start3A_506 = tpu.memref_slice %arg9[%dma_start3A_504, %dma_start3A_505] : memref<800x64xf32, #tpu.memory_space<vmem>> -> memref<16x64xf32, #tpu.memory_space<vmem>>
      %dma_start3A_507 = arith.constant 0 : i32
      %dma_start3A_508 = tpu.memref_slice %arg4[%dma_start3A_503, %add3A_19, %dma_start3A_507] : memref<50x16384x64xf32, #tpu.memory_space<hbm>> -> memref<1x16x64xf32, #tpu.memory_space<hbm>>
      %dma_start3A_509 = tpu.memref_squeeze %dma_start3A_508 : memref<1x16x64xf32, #tpu.memory_space<hbm>> -> memref<16x64xf32, #tpu.memory_space<hbm>>
      %dma_start3A_510 = arith.constant 0 : i32
      %dma_start3A_511 = tpu.memref_slice %arg4[%dma_start3A_503, %add3A_19, %dma_start3A_510] : memref<50x16384x64xf32, #tpu.memory_space<hbm>> -> memref<1x16x64xf32, #tpu.memory_space<hbm>>
      %dma_start3A_512 = tpu.memref_squeeze %dma_start3A_511 : memref<1x16x64xf32, #tpu.memory_space<hbm>> -> memref<16x64xf32, #tpu.memory_space<hbm>>
      %dma_start3A_513 = arith.constant 368 : i32
      %dma_start3A_514 = arith.constant 0 : i32
      %dma_start3A_515 = tpu.memref_slice %arg9[%dma_start3A_513, %dma_start3A_514] : memref<800x64xf32, #tpu.memory_space<vmem>> -> memref<16x64xf32, #tpu.memory_space<vmem>>
      tpu.enqueue_dma source(%dma_start3A_515 : memref<16x64xf32, #tpu.memory_space<vmem>>) target(%dma_start3A_512 : memref<16x64xf32, #tpu.memory_space<hbm>>) target_semaphore(%arg11 : memref<!tpu.dma_semaphore, #tpu.memory_space<semaphore_mem>>)
      %dma_start3A_516 = arith.constant 24 : i32
      %dma_start3A_517 = arith.constant 384 : i32
      %dma_start3A_518 = arith.constant 0 : i32
      %dma_start3A_519 = tpu.memref_slice %arg9[%dma_start3A_517, %dma_start3A_518] : memref<800x64xf32, #tpu.memory_space<vmem>> -> memref<16x64xf32, #tpu.memory_space<vmem>>
      %dma_start3A_520 = arith.constant 0 : i32
      %dma_start3A_521 = tpu.memref_slice %arg4[%dma_start3A_516, %add3A_19, %dma_start3A_520] : memref<50x16384x64xf32, #tpu.memory_space<hbm>> -> memref<1x16x64xf32, #tpu.memory_space<hbm>>
      %dma_start3A_522 = tpu.memref_squeeze %dma_start3A_521 : memref<1x16x64xf32, #tpu.memory_space<hbm>> -> memref<16x64xf32, #tpu.memory_space<hbm>>
      %dma_start3A_523 = arith.constant 0 : i32
      %dma_start3A_524 = tpu.memref_slice %arg4[%dma_start3A_516, %add3A_19, %dma_start3A_523] : memref<50x16384x64xf32, #tpu.memory_space<hbm>> -> memref<1x16x64xf32, #tpu.memory_space<hbm>>
      %dma_start3A_525 = tpu.memref_squeeze %dma_start3A_524 : memref<1x16x64xf32, #tpu.memory_space<hbm>> -> memref<16x64xf32, #tpu.memory_space<hbm>>
      %dma_start3A_526 = arith.constant 384 : i32
      %dma_start3A_527 = arith.constant 0 : i32
      %dma_start3A_528 = tpu.memref_slice %arg9[%dma_start3A_526, %dma_start3A_527] : memref<800x64xf32, #tpu.memory_space<vmem>> -> memref<16x64xf32, #tpu.memory_space<vmem>>
      tpu.enqueue_dma source(%dma_start3A_528 : memref<16x64xf32, #tpu.memory_space<vmem>>) target(%dma_start3A_525 : memref<16x64xf32, #tpu.memory_space<hbm>>) target_semaphore(%arg11 : memref<!tpu.dma_semaphore, #tpu.memory_space<semaphore_mem>>)
      %dma_start3A_529 = arith.constant 25 : i32
      %dma_start3A_530 = arith.constant 400 : i32
      %dma_start3A_531 = arith.constant 0 : i32
      %dma_start3A_532 = tpu.memref_slice %arg9[%dma_start3A_530, %dma_start3A_531] : memref<800x64xf32, #tpu.memory_space<vmem>> -> memref<16x64xf32, #tpu.memory_space<vmem>>
      %dma_start3A_533 = arith.constant 0 : i32
      %dma_start3A_534 = tpu.memref_slice %arg4[%dma_start3A_529, %add3A_19, %dma_start3A_533] : memref<50x16384x64xf32, #tpu.memory_space<hbm>> -> memref<1x16x64xf32, #tpu.memory_space<hbm>>
      %dma_start3A_535 = tpu.memref_squeeze %dma_start3A_534 : memref<1x16x64xf32, #tpu.memory_space<hbm>> -> memref<16x64xf32, #tpu.memory_space<hbm>>
      %dma_start3A_536 = arith.constant 0 : i32
      %dma_start3A_537 = tpu.memref_slice %arg4[%dma_start3A_529, %add3A_19, %dma_start3A_536] : memref<50x16384x64xf32, #tpu.memory_space<hbm>> -> memref<1x16x64xf32, #tpu.memory_space<hbm>>
      %dma_start3A_538 = tpu.memref_squeeze %dma_start3A_537 : memref<1x16x64xf32, #tpu.memory_space<hbm>> -> memref<16x64xf32, #tpu.memory_space<hbm>>
      %dma_start3A_539 = arith.constant 400 : i32
      %dma_start3A_540 = arith.constant 0 : i32
      %dma_start3A_541 = tpu.memref_slice %arg9[%dma_start3A_539, %dma_start3A_540] : memref<800x64xf32, #tpu.memory_space<vmem>> -> memref<16x64xf32, #tpu.memory_space<vmem>>
      tpu.enqueue_dma source(%dma_start3A_541 : memref<16x64xf32, #tpu.memory_space<vmem>>) target(%dma_start3A_538 : memref<16x64xf32, #tpu.memory_space<hbm>>) target_semaphore(%arg11 : memref<!tpu.dma_semaphore, #tpu.memory_space<semaphore_mem>>)
      %dma_start3A_542 = arith.constant 26 : i32
      %dma_start3A_543 = arith.constant 416 : i32
      %dma_start3A_544 = arith.constant 0 : i32
      %dma_start3A_545 = tpu.memref_slice %arg9[%dma_start3A_543, %dma_start3A_544] : memref<800x64xf32, #tpu.memory_space<vmem>> -> memref<16x64xf32, #tpu.memory_space<vmem>>
      %dma_start3A_546 = arith.constant 0 : i32
      %dma_start3A_547 = tpu.memref_slice %arg4[%dma_start3A_542, %add3A_19, %dma_start3A_546] : memref<50x16384x64xf32, #tpu.memory_space<hbm>> -> memref<1x16x64xf32, #tpu.memory_space<hbm>>
      %dma_start3A_548 = tpu.memref_squeeze %dma_start3A_547 : memref<1x16x64xf32, #tpu.memory_space<hbm>> -> memref<16x64xf32, #tpu.memory_space<hbm>>
      %dma_start3A_549 = arith.constant 0 : i32
      %dma_start3A_550 = tpu.memref_slice %arg4[%dma_start3A_542, %add3A_19, %dma_start3A_549] : memref<50x16384x64xf32, #tpu.memory_space<hbm>> -> memref<1x16x64xf32, #tpu.memory_space<hbm>>
      %dma_start3A_551 = tpu.memref_squeeze %dma_start3A_550 : memref<1x16x64xf32, #tpu.memory_space<hbm>> -> memref<16x64xf32, #tpu.memory_space<hbm>>
      %dma_start3A_552 = arith.constant 416 : i32
      %dma_start3A_553 = arith.constant 0 : i32
      %dma_start3A_554 = tpu.memref_slice %arg9[%dma_start3A_552, %dma_start3A_553] : memref<800x64xf32, #tpu.memory_space<vmem>> -> memref<16x64xf32, #tpu.memory_space<vmem>>
      tpu.enqueue_dma source(%dma_start3A_554 : memref<16x64xf32, #tpu.memory_space<vmem>>) target(%dma_start3A_551 : memref<16x64xf32, #tpu.memory_space<hbm>>) target_semaphore(%arg11 : memref<!tpu.dma_semaphore, #tpu.memory_space<semaphore_mem>>)
      %dma_start3A_555 = arith.constant 27 : i32
      %dma_start3A_556 = arith.constant 432 : i32
      %dma_start3A_557 = arith.constant 0 : i32
      %dma_start3A_558 = tpu.memref_slice %arg9[%dma_start3A_556, %dma_start3A_557] : memref<800x64xf32, #tpu.memory_space<vmem>> -> memref<16x64xf32, #tpu.memory_space<vmem>>
      %dma_start3A_559 = arith.constant 0 : i32
      %dma_start3A_560 = tpu.memref_slice %arg4[%dma_start3A_555, %add3A_19, %dma_start3A_559] : memref<50x16384x64xf32, #tpu.memory_space<hbm>> -> memref<1x16x64xf32, #tpu.memory_space<hbm>>
      %dma_start3A_561 = tpu.memref_squeeze %dma_start3A_560 : memref<1x16x64xf32, #tpu.memory_space<hbm>> -> memref<16x64xf32, #tpu.memory_space<hbm>>
      %dma_start3A_562 = arith.constant 0 : i32
      %dma_start3A_563 = tpu.memref_slice %arg4[%dma_start3A_555, %add3A_19, %dma_start3A_562] : memref<50x16384x64xf32, #tpu.memory_space<hbm>> -> memref<1x16x64xf32, #tpu.memory_space<hbm>>
      %dma_start3A_564 = tpu.memref_squeeze %dma_start3A_563 : memref<1x16x64xf32, #tpu.memory_space<hbm>> -> memref<16x64xf32, #tpu.memory_space<hbm>>
      %dma_start3A_565 = arith.constant 432 : i32
      %dma_start3A_566 = arith.constant 0 : i32
      %dma_start3A_567 = tpu.memref_slice %arg9[%dma_start3A_565, %dma_start3A_566] : memref<800x64xf32, #tpu.memory_space<vmem>> -> memref<16x64xf32, #tpu.memory_space<vmem>>
      tpu.enqueue_dma source(%dma_start3A_567 : memref<16x64xf32, #tpu.memory_space<vmem>>) target(%dma_start3A_564 : memref<16x64xf32, #tpu.memory_space<hbm>>) target_semaphore(%arg11 : memref<!tpu.dma_semaphore, #tpu.memory_space<semaphore_mem>>)
      %dma_start3A_568 = arith.constant 28 : i32
      %dma_start3A_569 = arith.constant 448 : i32
      %dma_start3A_570 = arith.constant 0 : i32
      %dma_start3A_571 = tpu.memref_slice %arg9[%dma_start3A_569, %dma_start3A_570] : memref<800x64xf32, #tpu.memory_space<vmem>> -> memref<16x64xf32, #tpu.memory_space<vmem>>
      %dma_start3A_572 = arith.constant 0 : i32
      %dma_start3A_573 = tpu.memref_slice %arg4[%dma_start3A_568, %add3A_19, %dma_start3A_572] : memref<50x16384x64xf32, #tpu.memory_space<hbm>> -> memref<1x16x64xf32, #tpu.memory_space<hbm>>
      %dma_start3A_574 = tpu.memref_squeeze %dma_start3A_573 : memref<1x16x64xf32, #tpu.memory_space<hbm>> -> memref<16x64xf32, #tpu.memory_space<hbm>>
      %dma_start3A_575 = arith.constant 0 : i32
      %dma_start3A_576 = tpu.memref_slice %arg4[%dma_start3A_568, %add3A_19, %dma_start3A_575] : memref<50x16384x64xf32, #tpu.memory_space<hbm>> -> memref<1x16x64xf32, #tpu.memory_space<hbm>>
      %dma_start3A_577 = tpu.memref_squeeze %dma_start3A_576 : memref<1x16x64xf32, #tpu.memory_space<hbm>> -> memref<16x64xf32, #tpu.memory_space<hbm>>
      %dma_start3A_578 = arith.constant 448 : i32
      %dma_start3A_579 = arith.constant 0 : i32
      %dma_start3A_580 = tpu.memref_slice %arg9[%dma_start3A_578, %dma_start3A_579] : memref<800x64xf32, #tpu.memory_space<vmem>> -> memref<16x64xf32, #tpu.memory_space<vmem>>
      tpu.enqueue_dma source(%dma_start3A_580 : memref<16x64xf32, #tpu.memory_space<vmem>>) target(%dma_start3A_577 : memref<16x64xf32, #tpu.memory_space<hbm>>) target_semaphore(%arg11 : memref<!tpu.dma_semaphore, #tpu.memory_space<semaphore_mem>>)
      %dma_start3A_581 = arith.constant 29 : i32
      %dma_start3A_582 = arith.constant 464 : i32
      %dma_start3A_583 = arith.constant 0 : i32
      %dma_start3A_584 = tpu.memref_slice %arg9[%dma_start3A_582, %dma_start3A_583] : memref<800x64xf32, #tpu.memory_space<vmem>> -> memref<16x64xf32, #tpu.memory_space<vmem>>
      %dma_start3A_585 = arith.constant 0 : i32
      %dma_start3A_586 = tpu.memref_slice %arg4[%dma_start3A_581, %add3A_19, %dma_start3A_585] : memref<50x16384x64xf32, #tpu.memory_space<hbm>> -> memref<1x16x64xf32, #tpu.memory_space<hbm>>
      %dma_start3A_587 = tpu.memref_squeeze %dma_start3A_586 : memref<1x16x64xf32, #tpu.memory_space<hbm>> -> memref<16x64xf32, #tpu.memory_space<hbm>>
      %dma_start3A_588 = arith.constant 0 : i32
      %dma_start3A_589 = tpu.memref_slice %arg4[%dma_start3A_581, %add3A_19, %dma_start3A_588] : memref<50x16384x64xf32, #tpu.memory_space<hbm>> -> memref<1x16x64xf32, #tpu.memory_space<hbm>>
      %dma_start3A_590 = tpu.memref_squeeze %dma_start3A_589 : memref<1x16x64xf32, #tpu.memory_space<hbm>> -> memref<16x64xf32, #tpu.memory_space<hbm>>
      %dma_start3A_591 = arith.constant 464 : i32
      %dma_start3A_592 = arith.constant 0 : i32
      %dma_start3A_593 = tpu.memref_slice %arg9[%dma_start3A_591, %dma_start3A_592] : memref<800x64xf32, #tpu.memory_space<vmem>> -> memref<16x64xf32, #tpu.memory_space<vmem>>
      tpu.enqueue_dma source(%dma_start3A_593 : memref<16x64xf32, #tpu.memory_space<vmem>>) target(%dma_start3A_590 : memref<16x64xf32, #tpu.memory_space<hbm>>) target_semaphore(%arg11 : memref<!tpu.dma_semaphore, #tpu.memory_space<semaphore_mem>>)
      %dma_start3A_594 = arith.constant 30 : i32
      %dma_start3A_595 = arith.constant 480 : i32
      %dma_start3A_596 = arith.constant 0 : i32
      %dma_start3A_597 = tpu.memref_slice %arg9[%dma_start3A_595, %dma_start3A_596] : memref<800x64xf32, #tpu.memory_space<vmem>> -> memref<16x64xf32, #tpu.memory_space<vmem>>
      %dma_start3A_598 = arith.constant 0 : i32
      %dma_start3A_599 = tpu.memref_slice %arg4[%dma_start3A_594, %add3A_19, %dma_start3A_598] : memref<50x16384x64xf32, #tpu.memory_space<hbm>> -> memref<1x16x64xf32, #tpu.memory_space<hbm>>
      %dma_start3A_600 = tpu.memref_squeeze %dma_start3A_599 : memref<1x16x64xf32, #tpu.memory_space<hbm>> -> memref<16x64xf32, #tpu.memory_space<hbm>>
      %dma_start3A_601 = arith.constant 0 : i32
      %dma_start3A_602 = tpu.memref_slice %arg4[%dma_start3A_594, %add3A_19, %dma_start3A_601] : memref<50x16384x64xf32, #tpu.memory_space<hbm>> -> memref<1x16x64xf32, #tpu.memory_space<hbm>>
      %dma_start3A_603 = tpu.memref_squeeze %dma_start3A_602 : memref<1x16x64xf32, #tpu.memory_space<hbm>> -> memref<16x64xf32, #tpu.memory_space<hbm>>
      %dma_start3A_604 = arith.constant 480 : i32
      %dma_start3A_605 = arith.constant 0 : i32
      %dma_start3A_606 = tpu.memref_slice %arg9[%dma_start3A_604, %dma_start3A_605] : memref<800x64xf32, #tpu.memory_space<vmem>> -> memref<16x64xf32, #tpu.memory_space<vmem>>
      tpu.enqueue_dma source(%dma_start3A_606 : memref<16x64xf32, #tpu.memory_space<vmem>>) target(%dma_start3A_603 : memref<16x64xf32, #tpu.memory_space<hbm>>) target_semaphore(%arg11 : memref<!tpu.dma_semaphore, #tpu.memory_space<semaphore_mem>>)
      %dma_start3A_607 = arith.constant 31 : i32
      %dma_start3A_608 = arith.constant 496 : i32
      %dma_start3A_609 = arith.constant 0 : i32
      %dma_start3A_610 = tpu.memref_slice %arg9[%dma_start3A_608, %dma_start3A_609] : memref<800x64xf32, #tpu.memory_space<vmem>> -> memref<16x64xf32, #tpu.memory_space<vmem>>
      %dma_start3A_611 = arith.constant 0 : i32
      %dma_start3A_612 = tpu.memref_slice %arg4[%dma_start3A_607, %add3A_19, %dma_start3A_611] : memref<50x16384x64xf32, #tpu.memory_space<hbm>> -> memref<1x16x64xf32, #tpu.memory_space<hbm>>
      %dma_start3A_613 = tpu.memref_squeeze %dma_start3A_612 : memref<1x16x64xf32, #tpu.memory_space<hbm>> -> memref<16x64xf32, #tpu.memory_space<hbm>>
      %dma_start3A_614 = arith.constant 0 : i32
      %dma_start3A_615 = tpu.memref_slice %arg4[%dma_start3A_607, %add3A_19, %dma_start3A_614] : memref<50x16384x64xf32, #tpu.memory_space<hbm>> -> memref<1x16x64xf32, #tpu.memory_space<hbm>>
      %dma_start3A_616 = tpu.memref_squeeze %dma_start3A_615 : memref<1x16x64xf32, #tpu.memory_space<hbm>> -> memref<16x64xf32, #tpu.memory_space<hbm>>
      %dma_start3A_617 = arith.constant 496 : i32
      %dma_start3A_618 = arith.constant 0 : i32
      %dma_start3A_619 = tpu.memref_slice %arg9[%dma_start3A_617, %dma_start3A_618] : memref<800x64xf32, #tpu.memory_space<vmem>> -> memref<16x64xf32, #tpu.memory_space<vmem>>
      tpu.enqueue_dma source(%dma_start3A_619 : memref<16x64xf32, #tpu.memory_space<vmem>>) target(%dma_start3A_616 : memref<16x64xf32, #tpu.memory_space<hbm>>) target_semaphore(%arg11 : memref<!tpu.dma_semaphore, #tpu.memory_space<semaphore_mem>>)
      %dma_start3A_620 = arith.constant 32 : i32
      %dma_start3A_621 = arith.constant 512 : i32
      %dma_start3A_622 = arith.constant 0 : i32
      %dma_start3A_623 = tpu.memref_slice %arg9[%dma_start3A_621, %dma_start3A_622] : memref<800x64xf32, #tpu.memory_space<vmem>> -> memref<16x64xf32, #tpu.memory_space<vmem>>
      %dma_start3A_624 = arith.constant 0 : i32
      %dma_start3A_625 = tpu.memref_slice %arg4[%dma_start3A_620, %add3A_19, %dma_start3A_624] : memref<50x16384x64xf32, #tpu.memory_space<hbm>> -> memref<1x16x64xf32, #tpu.memory_space<hbm>>
      %dma_start3A_626 = tpu.memref_squeeze %dma_start3A_625 : memref<1x16x64xf32, #tpu.memory_space<hbm>> -> memref<16x64xf32, #tpu.memory_space<hbm>>
      %dma_start3A_627 = arith.constant 0 : i32
      %dma_start3A_628 = tpu.memref_slice %arg4[%dma_start3A_620, %add3A_19, %dma_start3A_627] : memref<50x16384x64xf32, #tpu.memory_space<hbm>> -> memref<1x16x64xf32, #tpu.memory_space<hbm>>
      %dma_start3A_629 = tpu.memref_squeeze %dma_start3A_628 : memref<1x16x64xf32, #tpu.memory_space<hbm>> -> memref<16x64xf32, #tpu.memory_space<hbm>>
      %dma_start3A_630 = arith.constant 512 : i32
      %dma_start3A_631 = arith.constant 0 : i32
      %dma_start3A_632 = tpu.memref_slice %arg9[%dma_start3A_630, %dma_start3A_631] : memref<800x64xf32, #tpu.memory_space<vmem>> -> memref<16x64xf32, #tpu.memory_space<vmem>>
      tpu.enqueue_dma source(%dma_start3A_632 : memref<16x64xf32, #tpu.memory_space<vmem>>) target(%dma_start3A_629 : memref<16x64xf32, #tpu.memory_space<hbm>>) target_semaphore(%arg11 : memref<!tpu.dma_semaphore, #tpu.memory_space<semaphore_mem>>)
      %dma_start3A_633 = arith.constant 33 : i32
      %dma_start3A_634 = arith.constant 528 : i32
      %dma_start3A_635 = arith.constant 0 : i32
      %dma_start3A_636 = tpu.memref_slice %arg9[%dma_start3A_634, %dma_start3A_635] : memref<800x64xf32, #tpu.memory_space<vmem>> -> memref<16x64xf32, #tpu.memory_space<vmem>>
      %dma_start3A_637 = arith.constant 0 : i32
      %dma_start3A_638 = tpu.memref_slice %arg4[%dma_start3A_633, %add3A_19, %dma_start3A_637] : memref<50x16384x64xf32, #tpu.memory_space<hbm>> -> memref<1x16x64xf32, #tpu.memory_space<hbm>>
      %dma_start3A_639 = tpu.memref_squeeze %dma_start3A_638 : memref<1x16x64xf32, #tpu.memory_space<hbm>> -> memref<16x64xf32, #tpu.memory_space<hbm>>
      %dma_start3A_640 = arith.constant 0 : i32
      %dma_start3A_641 = tpu.memref_slice %arg4[%dma_start3A_633, %add3A_19, %dma_start3A_640] : memref<50x16384x64xf32, #tpu.memory_space<hbm>> -> memref<1x16x64xf32, #tpu.memory_space<hbm>>
      %dma_start3A_642 = tpu.memref_squeeze %dma_start3A_641 : memref<1x16x64xf32, #tpu.memory_space<hbm>> -> memref<16x64xf32, #tpu.memory_space<hbm>>
      %dma_start3A_643 = arith.constant 528 : i32
      %dma_start3A_644 = arith.constant 0 : i32
      %dma_start3A_645 = tpu.memref_slice %arg9[%dma_start3A_643, %dma_start3A_644] : memref<800x64xf32, #tpu.memory_space<vmem>> -> memref<16x64xf32, #tpu.memory_space<vmem>>
      tpu.enqueue_dma source(%dma_start3A_645 : memref<16x64xf32, #tpu.memory_space<vmem>>) target(%dma_start3A_642 : memref<16x64xf32, #tpu.memory_space<hbm>>) target_semaphore(%arg11 : memref<!tpu.dma_semaphore, #tpu.memory_space<semaphore_mem>>)
      %dma_start3A_646 = arith.constant 34 : i32
      %dma_start3A_647 = arith.constant 544 : i32
      %dma_start3A_648 = arith.constant 0 : i32
      %dma_start3A_649 = tpu.memref_slice %arg9[%dma_start3A_647, %dma_start3A_648] : memref<800x64xf32, #tpu.memory_space<vmem>> -> memref<16x64xf32, #tpu.memory_space<vmem>>
      %dma_start3A_650 = arith.constant 0 : i32
      %dma_start3A_651 = tpu.memref_slice %arg4[%dma_start3A_646, %add3A_19, %dma_start3A_650] : memref<50x16384x64xf32, #tpu.memory_space<hbm>> -> memref<1x16x64xf32, #tpu.memory_space<hbm>>
      %dma_start3A_652 = tpu.memref_squeeze %dma_start3A_651 : memref<1x16x64xf32, #tpu.memory_space<hbm>> -> memref<16x64xf32, #tpu.memory_space<hbm>>
      %dma_start3A_653 = arith.constant 0 : i32
      %dma_start3A_654 = tpu.memref_slice %arg4[%dma_start3A_646, %add3A_19, %dma_start3A_653] : memref<50x16384x64xf32, #tpu.memory_space<hbm>> -> memref<1x16x64xf32, #tpu.memory_space<hbm>>
      %dma_start3A_655 = tpu.memref_squeeze %dma_start3A_654 : memref<1x16x64xf32, #tpu.memory_space<hbm>> -> memref<16x64xf32, #tpu.memory_space<hbm>>
      %dma_start3A_656 = arith.constant 544 : i32
      %dma_start3A_657 = arith.constant 0 : i32
      %dma_start3A_658 = tpu.memref_slice %arg9[%dma_start3A_656, %dma_start3A_657] : memref<800x64xf32, #tpu.memory_space<vmem>> -> memref<16x64xf32, #tpu.memory_space<vmem>>
      tpu.enqueue_dma source(%dma_start3A_658 : memref<16x64xf32, #tpu.memory_space<vmem>>) target(%dma_start3A_655 : memref<16x64xf32, #tpu.memory_space<hbm>>) target_semaphore(%arg11 : memref<!tpu.dma_semaphore, #tpu.memory_space<semaphore_mem>>)
      %dma_start3A_659 = arith.constant 35 : i32
      %dma_start3A_660 = arith.constant 560 : i32
      %dma_start3A_661 = arith.constant 0 : i32
      %dma_start3A_662 = tpu.memref_slice %arg9[%dma_start3A_660, %dma_start3A_661] : memref<800x64xf32, #tpu.memory_space<vmem>> -> memref<16x64xf32, #tpu.memory_space<vmem>>
      %dma_start3A_663 = arith.constant 0 : i32
      %dma_start3A_664 = tpu.memref_slice %arg4[%dma_start3A_659, %add3A_19, %dma_start3A_663] : memref<50x16384x64xf32, #tpu.memory_space<hbm>> -> memref<1x16x64xf32, #tpu.memory_space<hbm>>
      %dma_start3A_665 = tpu.memref_squeeze %dma_start3A_664 : memref<1x16x64xf32, #tpu.memory_space<hbm>> -> memref<16x64xf32, #tpu.memory_space<hbm>>
      %dma_start3A_666 = arith.constant 0 : i32
      %dma_start3A_667 = tpu.memref_slice %arg4[%dma_start3A_659, %add3A_19, %dma_start3A_666] : memref<50x16384x64xf32, #tpu.memory_space<hbm>> -> memref<1x16x64xf32, #tpu.memory_space<hbm>>
      %dma_start3A_668 = tpu.memref_squeeze %dma_start3A_667 : memref<1x16x64xf32, #tpu.memory_space<hbm>> -> memref<16x64xf32, #tpu.memory_space<hbm>>
      %dma_start3A_669 = arith.constant 560 : i32
      %dma_start3A_670 = arith.constant 0 : i32
      %dma_start3A_671 = tpu.memref_slice %arg9[%dma_start3A_669, %dma_start3A_670] : memref<800x64xf32, #tpu.memory_space<vmem>> -> memref<16x64xf32, #tpu.memory_space<vmem>>
      tpu.enqueue_dma source(%dma_start3A_671 : memref<16x64xf32, #tpu.memory_space<vmem>>) target(%dma_start3A_668 : memref<16x64xf32, #tpu.memory_space<hbm>>) target_semaphore(%arg11 : memref<!tpu.dma_semaphore, #tpu.memory_space<semaphore_mem>>)
      %dma_start3A_672 = arith.constant 36 : i32
      %dma_start3A_673 = arith.constant 576 : i32
      %dma_start3A_674 = arith.constant 0 : i32
      %dma_start3A_675 = tpu.memref_slice %arg9[%dma_start3A_673, %dma_start3A_674] : memref<800x64xf32, #tpu.memory_space<vmem>> -> memref<16x64xf32, #tpu.memory_space<vmem>>
      %dma_start3A_676 = arith.constant 0 : i32
      %dma_start3A_677 = tpu.memref_slice %arg4[%dma_start3A_672, %add3A_19, %dma_start3A_676] : memref<50x16384x64xf32, #tpu.memory_space<hbm>> -> memref<1x16x64xf32, #tpu.memory_space<hbm>>
      %dma_start3A_678 = tpu.memref_squeeze %dma_start3A_677 : memref<1x16x64xf32, #tpu.memory_space<hbm>> -> memref<16x64xf32, #tpu.memory_space<hbm>>
      %dma_start3A_679 = arith.constant 0 : i32
      %dma_start3A_680 = tpu.memref_slice %arg4[%dma_start3A_672, %add3A_19, %dma_start3A_679] : memref<50x16384x64xf32, #tpu.memory_space<hbm>> -> memref<1x16x64xf32, #tpu.memory_space<hbm>>
      %dma_start3A_681 = tpu.memref_squeeze %dma_start3A_680 : memref<1x16x64xf32, #tpu.memory_space<hbm>> -> memref<16x64xf32, #tpu.memory_space<hbm>>
      %dma_start3A_682 = arith.constant 576 : i32
      %dma_start3A_683 = arith.constant 0 : i32
      %dma_start3A_684 = tpu.memref_slice %arg9[%dma_start3A_682, %dma_start3A_683] : memref<800x64xf32, #tpu.memory_space<vmem>> -> memref<16x64xf32, #tpu.memory_space<vmem>>
      tpu.enqueue_dma source(%dma_start3A_684 : memref<16x64xf32, #tpu.memory_space<vmem>>) target(%dma_start3A_681 : memref<16x64xf32, #tpu.memory_space<hbm>>) target_semaphore(%arg11 : memref<!tpu.dma_semaphore, #tpu.memory_space<semaphore_mem>>)
      %dma_start3A_685 = arith.constant 37 : i32
      %dma_start3A_686 = arith.constant 592 : i32
      %dma_start3A_687 = arith.constant 0 : i32
      %dma_start3A_688 = tpu.memref_slice %arg9[%dma_start3A_686, %dma_start3A_687] : memref<800x64xf32, #tpu.memory_space<vmem>> -> memref<16x64xf32, #tpu.memory_space<vmem>>
      %dma_start3A_689 = arith.constant 0 : i32
      %dma_start3A_690 = tpu.memref_slice %arg4[%dma_start3A_685, %add3A_19, %dma_start3A_689] : memref<50x16384x64xf32, #tpu.memory_space<hbm>> -> memref<1x16x64xf32, #tpu.memory_space<hbm>>
      %dma_start3A_691 = tpu.memref_squeeze %dma_start3A_690 : memref<1x16x64xf32, #tpu.memory_space<hbm>> -> memref<16x64xf32, #tpu.memory_space<hbm>>
      %dma_start3A_692 = arith.constant 0 : i32
      %dma_start3A_693 = tpu.memref_slice %arg4[%dma_start3A_685, %add3A_19, %dma_start3A_692] : memref<50x16384x64xf32, #tpu.memory_space<hbm>> -> memref<1x16x64xf32, #tpu.memory_space<hbm>>
      %dma_start3A_694 = tpu.memref_squeeze %dma_start3A_693 : memref<1x16x64xf32, #tpu.memory_space<hbm>> -> memref<16x64xf32, #tpu.memory_space<hbm>>
      %dma_start3A_695 = arith.constant 592 : i32
      %dma_start3A_696 = arith.constant 0 : i32
      %dma_start3A_697 = tpu.memref_slice %arg9[%dma_start3A_695, %dma_start3A_696] : memref<800x64xf32, #tpu.memory_space<vmem>> -> memref<16x64xf32, #tpu.memory_space<vmem>>
      tpu.enqueue_dma source(%dma_start3A_697 : memref<16x64xf32, #tpu.memory_space<vmem>>) target(%dma_start3A_694 : memref<16x64xf32, #tpu.memory_space<hbm>>) target_semaphore(%arg11 : memref<!tpu.dma_semaphore, #tpu.memory_space<semaphore_mem>>)
      %dma_start3A_698 = arith.constant 38 : i32
      %dma_start3A_699 = arith.constant 608 : i32
      %dma_start3A_700 = arith.constant 0 : i32
      %dma_start3A_701 = tpu.memref_slice %arg9[%dma_start3A_699, %dma_start3A_700] : memref<800x64xf32, #tpu.memory_space<vmem>> -> memref<16x64xf32, #tpu.memory_space<vmem>>
      %dma_start3A_702 = arith.constant 0 : i32
      %dma_start3A_703 = tpu.memref_slice %arg4[%dma_start3A_698, %add3A_19, %dma_start3A_702] : memref<50x16384x64xf32, #tpu.memory_space<hbm>> -> memref<1x16x64xf32, #tpu.memory_space<hbm>>
      %dma_start3A_704 = tpu.memref_squeeze %dma_start3A_703 : memref<1x16x64xf32, #tpu.memory_space<hbm>> -> memref<16x64xf32, #tpu.memory_space<hbm>>
      %dma_start3A_705 = arith.constant 0 : i32
      %dma_start3A_706 = tpu.memref_slice %arg4[%dma_start3A_698, %add3A_19, %dma_start3A_705] : memref<50x16384x64xf32, #tpu.memory_space<hbm>> -> memref<1x16x64xf32, #tpu.memory_space<hbm>>
      %dma_start3A_707 = tpu.memref_squeeze %dma_start3A_706 : memref<1x16x64xf32, #tpu.memory_space<hbm>> -> memref<16x64xf32, #tpu.memory_space<hbm>>
      %dma_start3A_708 = arith.constant 608 : i32
      %dma_start3A_709 = arith.constant 0 : i32
      %dma_start3A_710 = tpu.memref_slice %arg9[%dma_start3A_708, %dma_start3A_709] : memref<800x64xf32, #tpu.memory_space<vmem>> -> memref<16x64xf32, #tpu.memory_space<vmem>>
      tpu.enqueue_dma source(%dma_start3A_710 : memref<16x64xf32, #tpu.memory_space<vmem>>) target(%dma_start3A_707 : memref<16x64xf32, #tpu.memory_space<hbm>>) target_semaphore(%arg11 : memref<!tpu.dma_semaphore, #tpu.memory_space<semaphore_mem>>)
      %dma_start3A_711 = arith.constant 39 : i32
      %dma_start3A_712 = arith.constant 624 : i32
      %dma_start3A_713 = arith.constant 0 : i32
      %dma_start3A_714 = tpu.memref_slice %arg9[%dma_start3A_712, %dma_start3A_713] : memref<800x64xf32, #tpu.memory_space<vmem>> -> memref<16x64xf32, #tpu.memory_space<vmem>>
      %dma_start3A_715 = arith.constant 0 : i32
      %dma_start3A_716 = tpu.memref_slice %arg4[%dma_start3A_711, %add3A_19, %dma_start3A_715] : memref<50x16384x64xf32, #tpu.memory_space<hbm>> -> memref<1x16x64xf32, #tpu.memory_space<hbm>>
      %dma_start3A_717 = tpu.memref_squeeze %dma_start3A_716 : memref<1x16x64xf32, #tpu.memory_space<hbm>> -> memref<16x64xf32, #tpu.memory_space<hbm>>
      %dma_start3A_718 = arith.constant 0 : i32
      %dma_start3A_719 = tpu.memref_slice %arg4[%dma_start3A_711, %add3A_19, %dma_start3A_718] : memref<50x16384x64xf32, #tpu.memory_space<hbm>> -> memref<1x16x64xf32, #tpu.memory_space<hbm>>
      %dma_start3A_720 = tpu.memref_squeeze %dma_start3A_719 : memref<1x16x64xf32, #tpu.memory_space<hbm>> -> memref<16x64xf32, #tpu.memory_space<hbm>>
      %dma_start3A_721 = arith.constant 624 : i32
      %dma_start3A_722 = arith.constant 0 : i32
      %dma_start3A_723 = tpu.memref_slice %arg9[%dma_start3A_721, %dma_start3A_722] : memref<800x64xf32, #tpu.memory_space<vmem>> -> memref<16x64xf32, #tpu.memory_space<vmem>>
      tpu.enqueue_dma source(%dma_start3A_723 : memref<16x64xf32, #tpu.memory_space<vmem>>) target(%dma_start3A_720 : memref<16x64xf32, #tpu.memory_space<hbm>>) target_semaphore(%arg11 : memref<!tpu.dma_semaphore, #tpu.memory_space<semaphore_mem>>)
      %dma_start3A_724 = arith.constant 40 : i32
      %dma_start3A_725 = arith.constant 640 : i32
      %dma_start3A_726 = arith.constant 0 : i32
      %dma_start3A_727 = tpu.memref_slice %arg9[%dma_start3A_725, %dma_start3A_726] : memref<800x64xf32, #tpu.memory_space<vmem>> -> memref<16x64xf32, #tpu.memory_space<vmem>>
      %dma_start3A_728 = arith.constant 0 : i32
      %dma_start3A_729 = tpu.memref_slice %arg4[%dma_start3A_724, %add3A_19, %dma_start3A_728] : memref<50x16384x64xf32, #tpu.memory_space<hbm>> -> memref<1x16x64xf32, #tpu.memory_space<hbm>>
      %dma_start3A_730 = tpu.memref_squeeze %dma_start3A_729 : memref<1x16x64xf32, #tpu.memory_space<hbm>> -> memref<16x64xf32, #tpu.memory_space<hbm>>
      %dma_start3A_731 = arith.constant 0 : i32
      %dma_start3A_732 = tpu.memref_slice %arg4[%dma_start3A_724, %add3A_19, %dma_start3A_731] : memref<50x16384x64xf32, #tpu.memory_space<hbm>> -> memref<1x16x64xf32, #tpu.memory_space<hbm>>
      %dma_start3A_733 = tpu.memref_squeeze %dma_start3A_732 : memref<1x16x64xf32, #tpu.memory_space<hbm>> -> memref<16x64xf32, #tpu.memory_space<hbm>>
      %dma_start3A_734 = arith.constant 640 : i32
      %dma_start3A_735 = arith.constant 0 : i32
      %dma_start3A_736 = tpu.memref_slice %arg9[%dma_start3A_734, %dma_start3A_735] : memref<800x64xf32, #tpu.memory_space<vmem>> -> memref<16x64xf32, #tpu.memory_space<vmem>>
      tpu.enqueue_dma source(%dma_start3A_736 : memref<16x64xf32, #tpu.memory_space<vmem>>) target(%dma_start3A_733 : memref<16x64xf32, #tpu.memory_space<hbm>>) target_semaphore(%arg11 : memref<!tpu.dma_semaphore, #tpu.memory_space<semaphore_mem>>)
      %dma_start3A_737 = arith.constant 41 : i32
      %dma_start3A_738 = arith.constant 656 : i32
      %dma_start3A_739 = arith.constant 0 : i32
      %dma_start3A_740 = tpu.memref_slice %arg9[%dma_start3A_738, %dma_start3A_739] : memref<800x64xf32, #tpu.memory_space<vmem>> -> memref<16x64xf32, #tpu.memory_space<vmem>>
      %dma_start3A_741 = arith.constant 0 : i32
      %dma_start3A_742 = tpu.memref_slice %arg4[%dma_start3A_737, %add3A_19, %dma_start3A_741] : memref<50x16384x64xf32, #tpu.memory_space<hbm>> -> memref<1x16x64xf32, #tpu.memory_space<hbm>>
      %dma_start3A_743 = tpu.memref_squeeze %dma_start3A_742 : memref<1x16x64xf32, #tpu.memory_space<hbm>> -> memref<16x64xf32, #tpu.memory_space<hbm>>
      %dma_start3A_744 = arith.constant 0 : i32
      %dma_start3A_745 = tpu.memref_slice %arg4[%dma_start3A_737, %add3A_19, %dma_start3A_744] : memref<50x16384x64xf32, #tpu.memory_space<hbm>> -> memref<1x16x64xf32, #tpu.memory_space<hbm>>
      %dma_start3A_746 = tpu.memref_squeeze %dma_start3A_745 : memref<1x16x64xf32, #tpu.memory_space<hbm>> -> memref<16x64xf32, #tpu.memory_space<hbm>>
      %dma_start3A_747 = arith.constant 656 : i32
      %dma_start3A_748 = arith.constant 0 : i32
      %dma_start3A_749 = tpu.memref_slice %arg9[%dma_start3A_747, %dma_start3A_748] : memref<800x64xf32, #tpu.memory_space<vmem>> -> memref<16x64xf32, #tpu.memory_space<vmem>>
      tpu.enqueue_dma source(%dma_start3A_749 : memref<16x64xf32, #tpu.memory_space<vmem>>) target(%dma_start3A_746 : memref<16x64xf32, #tpu.memory_space<hbm>>) target_semaphore(%arg11 : memref<!tpu.dma_semaphore, #tpu.memory_space<semaphore_mem>>)
      %dma_start3A_750 = arith.constant 42 : i32
      %dma_start3A_751 = arith.constant 672 : i32
      %dma_start3A_752 = arith.constant 0 : i32
      %dma_start3A_753 = tpu.memref_slice %arg9[%dma_start3A_751, %dma_start3A_752] : memref<800x64xf32, #tpu.memory_space<vmem>> -> memref<16x64xf32, #tpu.memory_space<vmem>>
      %dma_start3A_754 = arith.constant 0 : i32
      %dma_start3A_755 = tpu.memref_slice %arg4[%dma_start3A_750, %add3A_19, %dma_start3A_754] : memref<50x16384x64xf32, #tpu.memory_space<hbm>> -> memref<1x16x64xf32, #tpu.memory_space<hbm>>
      %dma_start3A_756 = tpu.memref_squeeze %dma_start3A_755 : memref<1x16x64xf32, #tpu.memory_space<hbm>> -> memref<16x64xf32, #tpu.memory_space<hbm>>
      %dma_start3A_757 = arith.constant 0 : i32
      %dma_start3A_758 = tpu.memref_slice %arg4[%dma_start3A_750, %add3A_19, %dma_start3A_757] : memref<50x16384x64xf32, #tpu.memory_space<hbm>> -> memref<1x16x64xf32, #tpu.memory_space<hbm>>
      %dma_start3A_759 = tpu.memref_squeeze %dma_start3A_758 : memref<1x16x64xf32, #tpu.memory_space<hbm>> -> memref<16x64xf32, #tpu.memory_space<hbm>>
      %dma_start3A_760 = arith.constant 672 : i32
      %dma_start3A_761 = arith.constant 0 : i32
      %dma_start3A_762 = tpu.memref_slice %arg9[%dma_start3A_760, %dma_start3A_761] : memref<800x64xf32, #tpu.memory_space<vmem>> -> memref<16x64xf32, #tpu.memory_space<vmem>>
      tpu.enqueue_dma source(%dma_start3A_762 : memref<16x64xf32, #tpu.memory_space<vmem>>) target(%dma_start3A_759 : memref<16x64xf32, #tpu.memory_space<hbm>>) target_semaphore(%arg11 : memref<!tpu.dma_semaphore, #tpu.memory_space<semaphore_mem>>)
      %dma_start3A_763 = arith.constant 43 : i32
      %dma_start3A_764 = arith.constant 688 : i32
      %dma_start3A_765 = arith.constant 0 : i32
      %dma_start3A_766 = tpu.memref_slice %arg9[%dma_start3A_764, %dma_start3A_765] : memref<800x64xf32, #tpu.memory_space<vmem>> -> memref<16x64xf32, #tpu.memory_space<vmem>>
      %dma_start3A_767 = arith.constant 0 : i32
      %dma_start3A_768 = tpu.memref_slice %arg4[%dma_start3A_763, %add3A_19, %dma_start3A_767] : memref<50x16384x64xf32, #tpu.memory_space<hbm>> -> memref<1x16x64xf32, #tpu.memory_space<hbm>>
      %dma_start3A_769 = tpu.memref_squeeze %dma_start3A_768 : memref<1x16x64xf32, #tpu.memory_space<hbm>> -> memref<16x64xf32, #tpu.memory_space<hbm>>
      %dma_start3A_770 = arith.constant 0 : i32
      %dma_start3A_771 = tpu.memref_slice %arg4[%dma_start3A_763, %add3A_19, %dma_start3A_770] : memref<50x16384x64xf32, #tpu.memory_space<hbm>> -> memref<1x16x64xf32, #tpu.memory_space<hbm>>
      %dma_start3A_772 = tpu.memref_squeeze %dma_start3A_771 : memref<1x16x64xf32, #tpu.memory_space<hbm>> -> memref<16x64xf32, #tpu.memory_space<hbm>>
      %dma_start3A_773 = arith.constant 688 : i32
      %dma_start3A_774 = arith.constant 0 : i32
      %dma_start3A_775 = tpu.memref_slice %arg9[%dma_start3A_773, %dma_start3A_774] : memref<800x64xf32, #tpu.memory_space<vmem>> -> memref<16x64xf32, #tpu.memory_space<vmem>>
      tpu.enqueue_dma source(%dma_start3A_775 : memref<16x64xf32, #tpu.memory_space<vmem>>) target(%dma_start3A_772 : memref<16x64xf32, #tpu.memory_space<hbm>>) target_semaphore(%arg11 : memref<!tpu.dma_semaphore, #tpu.memory_space<semaphore_mem>>)
      %dma_start3A_776 = arith.constant 44 : i32
      %dma_start3A_777 = arith.constant 704 : i32
      %dma_start3A_778 = arith.constant 0 : i32
      %dma_start3A_779 = tpu.memref_slice %arg9[%dma_start3A_777, %dma_start3A_778] : memref<800x64xf32, #tpu.memory_space<vmem>> -> memref<16x64xf32, #tpu.memory_space<vmem>>
      %dma_start3A_780 = arith.constant 0 : i32
      %dma_start3A_781 = tpu.memref_slice %arg4[%dma_start3A_776, %add3A_19, %dma_start3A_780] : memref<50x16384x64xf32, #tpu.memory_space<hbm>> -> memref<1x16x64xf32, #tpu.memory_space<hbm>>
      %dma_start3A_782 = tpu.memref_squeeze %dma_start3A_781 : memref<1x16x64xf32, #tpu.memory_space<hbm>> -> memref<16x64xf32, #tpu.memory_space<hbm>>
      %dma_start3A_783 = arith.constant 0 : i32
      %dma_start3A_784 = tpu.memref_slice %arg4[%dma_start3A_776, %add3A_19, %dma_start3A_783] : memref<50x16384x64xf32, #tpu.memory_space<hbm>> -> memref<1x16x64xf32, #tpu.memory_space<hbm>>
      %dma_start3A_785 = tpu.memref_squeeze %dma_start3A_784 : memref<1x16x64xf32, #tpu.memory_space<hbm>> -> memref<16x64xf32, #tpu.memory_space<hbm>>
      %dma_start3A_786 = arith.constant 704 : i32
      %dma_start3A_787 = arith.constant 0 : i32
      %dma_start3A_788 = tpu.memref_slice %arg9[%dma_start3A_786, %dma_start3A_787] : memref<800x64xf32, #tpu.memory_space<vmem>> -> memref<16x64xf32, #tpu.memory_space<vmem>>
      tpu.enqueue_dma source(%dma_start3A_788 : memref<16x64xf32, #tpu.memory_space<vmem>>) target(%dma_start3A_785 : memref<16x64xf32, #tpu.memory_space<hbm>>) target_semaphore(%arg11 : memref<!tpu.dma_semaphore, #tpu.memory_space<semaphore_mem>>)
      %dma_start3A_789 = arith.constant 45 : i32
      %dma_start3A_790 = arith.constant 720 : i32
      %dma_start3A_791 = arith.constant 0 : i32
      %dma_start3A_792 = tpu.memref_slice %arg9[%dma_start3A_790, %dma_start3A_791] : memref<800x64xf32, #tpu.memory_space<vmem>> -> memref<16x64xf32, #tpu.memory_space<vmem>>
      %dma_start3A_793 = arith.constant 0 : i32
      %dma_start3A_794 = tpu.memref_slice %arg4[%dma_start3A_789, %add3A_19, %dma_start3A_793] : memref<50x16384x64xf32, #tpu.memory_space<hbm>> -> memref<1x16x64xf32, #tpu.memory_space<hbm>>
      %dma_start3A_795 = tpu.memref_squeeze %dma_start3A_794 : memref<1x16x64xf32, #tpu.memory_space<hbm>> -> memref<16x64xf32, #tpu.memory_space<hbm>>
      %dma_start3A_796 = arith.constant 0 : i32
      %dma_start3A_797 = tpu.memref_slice %arg4[%dma_start3A_789, %add3A_19, %dma_start3A_796] : memref<50x16384x64xf32, #tpu.memory_space<hbm>> -> memref<1x16x64xf32, #tpu.memory_space<hbm>>
      %dma_start3A_798 = tpu.memref_squeeze %dma_start3A_797 : memref<1x16x64xf32, #tpu.memory_space<hbm>> -> memref<16x64xf32, #tpu.memory_space<hbm>>
      %dma_start3A_799 = arith.constant 720 : i32
      %dma_start3A_800 = arith.constant 0 : i32
      %dma_start3A_801 = tpu.memref_slice %arg9[%dma_start3A_799, %dma_start3A_800] : memref<800x64xf32, #tpu.memory_space<vmem>> -> memref<16x64xf32, #tpu.memory_space<vmem>>
      tpu.enqueue_dma source(%dma_start3A_801 : memref<16x64xf32, #tpu.memory_space<vmem>>) target(%dma_start3A_798 : memref<16x64xf32, #tpu.memory_space<hbm>>) target_semaphore(%arg11 : memref<!tpu.dma_semaphore, #tpu.memory_space<semaphore_mem>>)
      %dma_start3A_802 = arith.constant 46 : i32
      %dma_start3A_803 = arith.constant 736 : i32
      %dma_start3A_804 = arith.constant 0 : i32
      %dma_start3A_805 = tpu.memref_slice %arg9[%dma_start3A_803, %dma_start3A_804] : memref<800x64xf32, #tpu.memory_space<vmem>> -> memref<16x64xf32, #tpu.memory_space<vmem>>
      %dma_start3A_806 = arith.constant 0 : i32
      %dma_start3A_807 = tpu.memref_slice %arg4[%dma_start3A_802, %add3A_19, %dma_start3A_806] : memref<50x16384x64xf32, #tpu.memory_space<hbm>> -> memref<1x16x64xf32, #tpu.memory_space<hbm>>
      %dma_start3A_808 = tpu.memref_squeeze %dma_start3A_807 : memref<1x16x64xf32, #tpu.memory_space<hbm>> -> memref<16x64xf32, #tpu.memory_space<hbm>>
      %dma_start3A_809 = arith.constant 0 : i32
      %dma_start3A_810 = tpu.memref_slice %arg4[%dma_start3A_802, %add3A_19, %dma_start3A_809] : memref<50x16384x64xf32, #tpu.memory_space<hbm>> -> memref<1x16x64xf32, #tpu.memory_space<hbm>>
      %dma_start3A_811 = tpu.memref_squeeze %dma_start3A_810 : memref<1x16x64xf32, #tpu.memory_space<hbm>> -> memref<16x64xf32, #tpu.memory_space<hbm>>
      %dma_start3A_812 = arith.constant 736 : i32
      %dma_start3A_813 = arith.constant 0 : i32
      %dma_start3A_814 = tpu.memref_slice %arg9[%dma_start3A_812, %dma_start3A_813] : memref<800x64xf32, #tpu.memory_space<vmem>> -> memref<16x64xf32, #tpu.memory_space<vmem>>
      tpu.enqueue_dma source(%dma_start3A_814 : memref<16x64xf32, #tpu.memory_space<vmem>>) target(%dma_start3A_811 : memref<16x64xf32, #tpu.memory_space<hbm>>) target_semaphore(%arg11 : memref<!tpu.dma_semaphore, #tpu.memory_space<semaphore_mem>>)
      %dma_start3A_815 = arith.constant 47 : i32
      %dma_start3A_816 = arith.constant 752 : i32
      %dma_start3A_817 = arith.constant 0 : i32
      %dma_start3A_818 = tpu.memref_slice %arg9[%dma_start3A_816, %dma_start3A_817] : memref<800x64xf32, #tpu.memory_space<vmem>> -> memref<16x64xf32, #tpu.memory_space<vmem>>
      %dma_start3A_819 = arith.constant 0 : i32
      %dma_start3A_820 = tpu.memref_slice %arg4[%dma_start3A_815, %add3A_19, %dma_start3A_819] : memref<50x16384x64xf32, #tpu.memory_space<hbm>> -> memref<1x16x64xf32, #tpu.memory_space<hbm>>
      %dma_start3A_821 = tpu.memref_squeeze %dma_start3A_820 : memref<1x16x64xf32, #tpu.memory_space<hbm>> -> memref<16x64xf32, #tpu.memory_space<hbm>>
      %dma_start3A_822 = arith.constant 0 : i32
      %dma_start3A_823 = tpu.memref_slice %arg4[%dma_start3A_815, %add3A_19, %dma_start3A_822] : memref<50x16384x64xf32, #tpu.memory_space<hbm>> -> memref<1x16x64xf32, #tpu.memory_space<hbm>>
      %dma_start3A_824 = tpu.memref_squeeze %dma_start3A_823 : memref<1x16x64xf32, #tpu.memory_space<hbm>> -> memref<16x64xf32, #tpu.memory_space<hbm>>
      %dma_start3A_825 = arith.constant 752 : i32
      %dma_start3A_826 = arith.constant 0 : i32
      %dma_start3A_827 = tpu.memref_slice %arg9[%dma_start3A_825, %dma_start3A_826] : memref<800x64xf32, #tpu.memory_space<vmem>> -> memref<16x64xf32, #tpu.memory_space<vmem>>
      tpu.enqueue_dma source(%dma_start3A_827 : memref<16x64xf32, #tpu.memory_space<vmem>>) target(%dma_start3A_824 : memref<16x64xf32, #tpu.memory_space<hbm>>) target_semaphore(%arg11 : memref<!tpu.dma_semaphore, #tpu.memory_space<semaphore_mem>>)
      %dma_start3A_828 = arith.constant 48 : i32
      %dma_start3A_829 = arith.constant 768 : i32
      %dma_start3A_830 = arith.constant 0 : i32
      %dma_start3A_831 = tpu.memref_slice %arg9[%dma_start3A_829, %dma_start3A_830] : memref<800x64xf32, #tpu.memory_space<vmem>> -> memref<16x64xf32, #tpu.memory_space<vmem>>
      %dma_start3A_832 = arith.constant 0 : i32
      %dma_start3A_833 = tpu.memref_slice %arg4[%dma_start3A_828, %add3A_19, %dma_start3A_832] : memref<50x16384x64xf32, #tpu.memory_space<hbm>> -> memref<1x16x64xf32, #tpu.memory_space<hbm>>
      %dma_start3A_834 = tpu.memref_squeeze %dma_start3A_833 : memref<1x16x64xf32, #tpu.memory_space<hbm>> -> memref<16x64xf32, #tpu.memory_space<hbm>>
      %dma_start3A_835 = arith.constant 0 : i32
      %dma_start3A_836 = tpu.memref_slice %arg4[%dma_start3A_828, %add3A_19, %dma_start3A_835] : memref<50x16384x64xf32, #tpu.memory_space<hbm>> -> memref<1x16x64xf32, #tpu.memory_space<hbm>>
      %dma_start3A_837 = tpu.memref_squeeze %dma_start3A_836 : memref<1x16x64xf32, #tpu.memory_space<hbm>> -> memref<16x64xf32, #tpu.memory_space<hbm>>
      %dma_start3A_838 = arith.constant 768 : i32
      %dma_start3A_839 = arith.constant 0 : i32
      %dma_start3A_840 = tpu.memref_slice %arg9[%dma_start3A_838, %dma_start3A_839] : memref<800x64xf32, #tpu.memory_space<vmem>> -> memref<16x64xf32, #tpu.memory_space<vmem>>
      tpu.enqueue_dma source(%dma_start3A_840 : memref<16x64xf32, #tpu.memory_space<vmem>>) target(%dma_start3A_837 : memref<16x64xf32, #tpu.memory_space<hbm>>) target_semaphore(%arg11 : memref<!tpu.dma_semaphore, #tpu.memory_space<semaphore_mem>>)
      %dma_start3A_841 = arith.constant 49 : i32
      %dma_start3A_842 = arith.constant 784 : i32
      %dma_start3A_843 = arith.constant 0 : i32
      %dma_start3A_844 = tpu.memref_slice %arg9[%dma_start3A_842, %dma_start3A_843] : memref<800x64xf32, #tpu.memory_space<vmem>> -> memref<16x64xf32, #tpu.memory_space<vmem>>
      %dma_start3A_845 = arith.constant 0 : i32
      %dma_start3A_846 = tpu.memref_slice %arg4[%dma_start3A_841, %add3A_19, %dma_start3A_845] : memref<50x16384x64xf32, #tpu.memory_space<hbm>> -> memref<1x16x64xf32, #tpu.memory_space<hbm>>
      %dma_start3A_847 = tpu.memref_squeeze %dma_start3A_846 : memref<1x16x64xf32, #tpu.memory_space<hbm>> -> memref<16x64xf32, #tpu.memory_space<hbm>>
      %dma_start3A_848 = arith.constant 0 : i32
      %dma_start3A_849 = tpu.memref_slice %arg4[%dma_start3A_841, %add3A_19, %dma_start3A_848] : memref<50x16384x64xf32, #tpu.memory_space<hbm>> -> memref<1x16x64xf32, #tpu.memory_space<hbm>>
      %dma_start3A_850 = tpu.memref_squeeze %dma_start3A_849 : memref<1x16x64xf32, #tpu.memory_space<hbm>> -> memref<16x64xf32, #tpu.memory_space<hbm>>
      %dma_start3A_851 = arith.constant 784 : i32
      %dma_start3A_852 = arith.constant 0 : i32
      %dma_start3A_853 = tpu.memref_slice %arg9[%dma_start3A_851, %dma_start3A_852] : memref<800x64xf32, #tpu.memory_space<vmem>> -> memref<16x64xf32, #tpu.memory_space<vmem>>
      tpu.enqueue_dma source(%dma_start3A_853 : memref<16x64xf32, #tpu.memory_space<vmem>>) target(%dma_start3A_850 : memref<16x64xf32, #tpu.memory_space<hbm>>) target_semaphore(%arg11 : memref<!tpu.dma_semaphore, #tpu.memory_space<semaphore_mem>>)
      %dma_wait3A = arith.constant 0 : i32
      %dma_wait3A_854 = arith.constant 0 : i32
      %dma_wait3A_855 = arith.constant 0 : i32
      %dma_wait3A_856 = tpu.memref_slice %arg9[%dma_wait3A_854, %dma_wait3A_855] : memref<800x64xf32, #tpu.memory_space<vmem>> -> memref<16x64xf32, #tpu.memory_space<vmem>>
      %dma_wait3A_857 = arith.constant 0 : i32
      %dma_wait3A_858 = tpu.memref_slice %arg4[%dma_wait3A, %add3A_19, %dma_wait3A_857] : memref<50x16384x64xf32, #tpu.memory_space<hbm>> -> memref<1x16x64xf32, #tpu.memory_space<hbm>>
      %dma_wait3A_859 = tpu.memref_squeeze %dma_wait3A_858 : memref<1x16x64xf32, #tpu.memory_space<hbm>> -> memref<16x64xf32, #tpu.memory_space<hbm>>
      %dma_wait3A_860 = arith.constant 0 : i32
      %dma_wait3A_861 = tpu.memref_slice %arg4[%dma_wait3A, %add3A_19, %dma_wait3A_860] : memref<50x16384x64xf32, #tpu.memory_space<hbm>> -> memref<1x16x64xf32, #tpu.memory_space<hbm>>
      %dma_wait3A_862 = tpu.memref_squeeze %dma_wait3A_861 : memref<1x16x64xf32, #tpu.memory_space<hbm>> -> memref<16x64xf32, #tpu.memory_space<hbm>>
      %dma_wait3A_863 = arith.constant 0 : i32
      %dma_wait3A_864 = arith.constant 0 : i32
      %dma_wait3A_865 = tpu.memref_slice %arg9[%dma_wait3A_863, %dma_wait3A_864] : memref<800x64xf32, #tpu.memory_space<vmem>> -> memref<16x64xf32, #tpu.memory_space<vmem>>
      tpu.wait_dma2 semaphore(%arg11 : memref<!tpu.dma_semaphore, #tpu.memory_space<semaphore_mem>>) src(%dma_wait3A_865 : memref<16x64xf32, #tpu.memory_space<vmem>>) dst(%dma_wait3A_862 : memref<16x64xf32, #tpu.memory_space<hbm>>)
      %dma_wait3A_866 = arith.constant 1 : i32
      %dma_wait3A_867 = arith.constant 16 : i32
      %dma_wait3A_868 = arith.constant 0 : i32
      %dma_wait3A_869 = tpu.memref_slice %arg9[%dma_wait3A_867, %dma_wait3A_868] : memref<800x64xf32, #tpu.memory_space<vmem>> -> memref<16x64xf32, #tpu.memory_space<vmem>>
      %dma_wait3A_870 = arith.constant 0 : i32
      %dma_wait3A_871 = tpu.memref_slice %arg4[%dma_wait3A_866, %add3A_19, %dma_wait3A_870] : memref<50x16384x64xf32, #tpu.memory_space<hbm>> -> memref<1x16x64xf32, #tpu.memory_space<hbm>>
      %dma_wait3A_872 = tpu.memref_squeeze %dma_wait3A_871 : memref<1x16x64xf32, #tpu.memory_space<hbm>> -> memref<16x64xf32, #tpu.memory_space<hbm>>
      %dma_wait3A_873 = arith.constant 0 : i32
      %dma_wait3A_874 = tpu.memref_slice %arg4[%dma_wait3A_866, %add3A_19, %dma_wait3A_873] : memref<50x16384x64xf32, #tpu.memory_space<hbm>> -> memref<1x16x64xf32, #tpu.memory_space<hbm>>
      %dma_wait3A_875 = tpu.memref_squeeze %dma_wait3A_874 : memref<1x16x64xf32, #tpu.memory_space<hbm>> -> memref<16x64xf32, #tpu.memory_space<hbm>>
      %dma_wait3A_876 = arith.constant 16 : i32
      %dma_wait3A_877 = arith.constant 0 : i32
      %dma_wait3A_878 = tpu.memref_slice %arg9[%dma_wait3A_876, %dma_wait3A_877] : memref<800x64xf32, #tpu.memory_space<vmem>> -> memref<16x64xf32, #tpu.memory_space<vmem>>
      tpu.wait_dma2 semaphore(%arg11 : memref<!tpu.dma_semaphore, #tpu.memory_space<semaphore_mem>>) src(%dma_wait3A_878 : memref<16x64xf32, #tpu.memory_space<vmem>>) dst(%dma_wait3A_875 : memref<16x64xf32, #tpu.memory_space<hbm>>)
      %dma_wait3A_879 = arith.constant 2 : i32
      %dma_wait3A_880 = arith.constant 32 : i32
      %dma_wait3A_881 = arith.constant 0 : i32
      %dma_wait3A_882 = tpu.memref_slice %arg9[%dma_wait3A_880, %dma_wait3A_881] : memref<800x64xf32, #tpu.memory_space<vmem>> -> memref<16x64xf32, #tpu.memory_space<vmem>>
      %dma_wait3A_883 = arith.constant 0 : i32
      %dma_wait3A_884 = tpu.memref_slice %arg4[%dma_wait3A_879, %add3A_19, %dma_wait3A_883] : memref<50x16384x64xf32, #tpu.memory_space<hbm>> -> memref<1x16x64xf32, #tpu.memory_space<hbm>>
      %dma_wait3A_885 = tpu.memref_squeeze %dma_wait3A_884 : memref<1x16x64xf32, #tpu.memory_space<hbm>> -> memref<16x64xf32, #tpu.memory_space<hbm>>
      %dma_wait3A_886 = arith.constant 0 : i32
      %dma_wait3A_887 = tpu.memref_slice %arg4[%dma_wait3A_879, %add3A_19, %dma_wait3A_886] : memref<50x16384x64xf32, #tpu.memory_space<hbm>> -> memref<1x16x64xf32, #tpu.memory_space<hbm>>
      %dma_wait3A_888 = tpu.memref_squeeze %dma_wait3A_887 : memref<1x16x64xf32, #tpu.memory_space<hbm>> -> memref<16x64xf32, #tpu.memory_space<hbm>>
      %dma_wait3A_889 = arith.constant 32 : i32
      %dma_wait3A_890 = arith.constant 0 : i32
      %dma_wait3A_891 = tpu.memref_slice %arg9[%dma_wait3A_889, %dma_wait3A_890] : memref<800x64xf32, #tpu.memory_space<vmem>> -> memref<16x64xf32, #tpu.memory_space<vmem>>
      tpu.wait_dma2 semaphore(%arg11 : memref<!tpu.dma_semaphore, #tpu.memory_space<semaphore_mem>>) src(%dma_wait3A_891 : memref<16x64xf32, #tpu.memory_space<vmem>>) dst(%dma_wait3A_888 : memref<16x64xf32, #tpu.memory_space<hbm>>)
      %dma_wait3A_892 = arith.constant 3 : i32
      %dma_wait3A_893 = arith.constant 48 : i32
      %dma_wait3A_894 = arith.constant 0 : i32
      %dma_wait3A_895 = tpu.memref_slice %arg9[%dma_wait3A_893, %dma_wait3A_894] : memref<800x64xf32, #tpu.memory_space<vmem>> -> memref<16x64xf32, #tpu.memory_space<vmem>>
      %dma_wait3A_896 = arith.constant 0 : i32
      %dma_wait3A_897 = tpu.memref_slice %arg4[%dma_wait3A_892, %add3A_19, %dma_wait3A_896] : memref<50x16384x64xf32, #tpu.memory_space<hbm>> -> memref<1x16x64xf32, #tpu.memory_space<hbm>>
      %dma_wait3A_898 = tpu.memref_squeeze %dma_wait3A_897 : memref<1x16x64xf32, #tpu.memory_space<hbm>> -> memref<16x64xf32, #tpu.memory_space<hbm>>
      %dma_wait3A_899 = arith.constant 0 : i32
      %dma_wait3A_900 = tpu.memref_slice %arg4[%dma_wait3A_892, %add3A_19, %dma_wait3A_899] : memref<50x16384x64xf32, #tpu.memory_space<hbm>> -> memref<1x16x64xf32, #tpu.memory_space<hbm>>
      %dma_wait3A_901 = tpu.memref_squeeze %dma_wait3A_900 : memref<1x16x64xf32, #tpu.memory_space<hbm>> -> memref<16x64xf32, #tpu.memory_space<hbm>>
      %dma_wait3A_902 = arith.constant 48 : i32
      %dma_wait3A_903 = arith.constant 0 : i32
      %dma_wait3A_904 = tpu.memref_slice %arg9[%dma_wait3A_902, %dma_wait3A_903] : memref<800x64xf32, #tpu.memory_space<vmem>> -> memref<16x64xf32, #tpu.memory_space<vmem>>
      tpu.wait_dma2 semaphore(%arg11 : memref<!tpu.dma_semaphore, #tpu.memory_space<semaphore_mem>>) src(%dma_wait3A_904 : memref<16x64xf32, #tpu.memory_space<vmem>>) dst(%dma_wait3A_901 : memref<16x64xf32, #tpu.memory_space<hbm>>)
      %dma_wait3A_905 = arith.constant 4 : i32
      %dma_wait3A_906 = arith.constant 64 : i32
      %dma_wait3A_907 = arith.constant 0 : i32
      %dma_wait3A_908 = tpu.memref_slice %arg9[%dma_wait3A_906, %dma_wait3A_907] : memref<800x64xf32, #tpu.memory_space<vmem>> -> memref<16x64xf32, #tpu.memory_space<vmem>>
      %dma_wait3A_909 = arith.constant 0 : i32
      %dma_wait3A_910 = tpu.memref_slice %arg4[%dma_wait3A_905, %add3A_19, %dma_wait3A_909] : memref<50x16384x64xf32, #tpu.memory_space<hbm>> -> memref<1x16x64xf32, #tpu.memory_space<hbm>>
      %dma_wait3A_911 = tpu.memref_squeeze %dma_wait3A_910 : memref<1x16x64xf32, #tpu.memory_space<hbm>> -> memref<16x64xf32, #tpu.memory_space<hbm>>
      %dma_wait3A_912 = arith.constant 0 : i32
      %dma_wait3A_913 = tpu.memref_slice %arg4[%dma_wait3A_905, %add3A_19, %dma_wait3A_912] : memref<50x16384x64xf32, #tpu.memory_space<hbm>> -> memref<1x16x64xf32, #tpu.memory_space<hbm>>
      %dma_wait3A_914 = tpu.memref_squeeze %dma_wait3A_913 : memref<1x16x64xf32, #tpu.memory_space<hbm>> -> memref<16x64xf32, #tpu.memory_space<hbm>>
      %dma_wait3A_915 = arith.constant 64 : i32
      %dma_wait3A_916 = arith.constant 0 : i32
      %dma_wait3A_917 = tpu.memref_slice %arg9[%dma_wait3A_915, %dma_wait3A_916] : memref<800x64xf32, #tpu.memory_space<vmem>> -> memref<16x64xf32, #tpu.memory_space<vmem>>
      tpu.wait_dma2 semaphore(%arg11 : memref<!tpu.dma_semaphore, #tpu.memory_space<semaphore_mem>>) src(%dma_wait3A_917 : memref<16x64xf32, #tpu.memory_space<vmem>>) dst(%dma_wait3A_914 : memref<16x64xf32, #tpu.memory_space<hbm>>)
      %dma_wait3A_918 = arith.constant 5 : i32
      %dma_wait3A_919 = arith.constant 80 : i32
      %dma_wait3A_920 = arith.constant 0 : i32
      %dma_wait3A_921 = tpu.memref_slice %arg9[%dma_wait3A_919, %dma_wait3A_920] : memref<800x64xf32, #tpu.memory_space<vmem>> -> memref<16x64xf32, #tpu.memory_space<vmem>>
      %dma_wait3A_922 = arith.constant 0 : i32
      %dma_wait3A_923 = tpu.memref_slice %arg4[%dma_wait3A_918, %add3A_19, %dma_wait3A_922] : memref<50x16384x64xf32, #tpu.memory_space<hbm>> -> memref<1x16x64xf32, #tpu.memory_space<hbm>>
      %dma_wait3A_924 = tpu.memref_squeeze %dma_wait3A_923 : memref<1x16x64xf32, #tpu.memory_space<hbm>> -> memref<16x64xf32, #tpu.memory_space<hbm>>
      %dma_wait3A_925 = arith.constant 0 : i32
      %dma_wait3A_926 = tpu.memref_slice %arg4[%dma_wait3A_918, %add3A_19, %dma_wait3A_925] : memref<50x16384x64xf32, #tpu.memory_space<hbm>> -> memref<1x16x64xf32, #tpu.memory_space<hbm>>
      %dma_wait3A_927 = tpu.memref_squeeze %dma_wait3A_926 : memref<1x16x64xf32, #tpu.memory_space<hbm>> -> memref<16x64xf32, #tpu.memory_space<hbm>>
      %dma_wait3A_928 = arith.constant 80 : i32
      %dma_wait3A_929 = arith.constant 0 : i32
      %dma_wait3A_930 = tpu.memref_slice %arg9[%dma_wait3A_928, %dma_wait3A_929] : memref<800x64xf32, #tpu.memory_space<vmem>> -> memref<16x64xf32, #tpu.memory_space<vmem>>
      tpu.wait_dma2 semaphore(%arg11 : memref<!tpu.dma_semaphore, #tpu.memory_space<semaphore_mem>>) src(%dma_wait3A_930 : memref<16x64xf32, #tpu.memory_space<vmem>>) dst(%dma_wait3A_927 : memref<16x64xf32, #tpu.memory_space<hbm>>)
      %dma_wait3A_931 = arith.constant 6 : i32
      %dma_wait3A_932 = arith.constant 96 : i32
      %dma_wait3A_933 = arith.constant 0 : i32
      %dma_wait3A_934 = tpu.memref_slice %arg9[%dma_wait3A_932, %dma_wait3A_933] : memref<800x64xf32, #tpu.memory_space<vmem>> -> memref<16x64xf32, #tpu.memory_space<vmem>>
      %dma_wait3A_935 = arith.constant 0 : i32
      %dma_wait3A_936 = tpu.memref_slice %arg4[%dma_wait3A_931, %add3A_19, %dma_wait3A_935] : memref<50x16384x64xf32, #tpu.memory_space<hbm>> -> memref<1x16x64xf32, #tpu.memory_space<hbm>>
      %dma_wait3A_937 = tpu.memref_squeeze %dma_wait3A_936 : memref<1x16x64xf32, #tpu.memory_space<hbm>> -> memref<16x64xf32, #tpu.memory_space<hbm>>
      %dma_wait3A_938 = arith.constant 0 : i32
      %dma_wait3A_939 = tpu.memref_slice %arg4[%dma_wait3A_931, %add3A_19, %dma_wait3A_938] : memref<50x16384x64xf32, #tpu.memory_space<hbm>> -> memref<1x16x64xf32, #tpu.memory_space<hbm>>
      %dma_wait3A_940 = tpu.memref_squeeze %dma_wait3A_939 : memref<1x16x64xf32, #tpu.memory_space<hbm>> -> memref<16x64xf32, #tpu.memory_space<hbm>>
      %dma_wait3A_941 = arith.constant 96 : i32
      %dma_wait3A_942 = arith.constant 0 : i32
      %dma_wait3A_943 = tpu.memref_slice %arg9[%dma_wait3A_941, %dma_wait3A_942] : memref<800x64xf32, #tpu.memory_space<vmem>> -> memref<16x64xf32, #tpu.memory_space<vmem>>
      tpu.wait_dma2 semaphore(%arg11 : memref<!tpu.dma_semaphore, #tpu.memory_space<semaphore_mem>>) src(%dma_wait3A_943 : memref<16x64xf32, #tpu.memory_space<vmem>>) dst(%dma_wait3A_940 : memref<16x64xf32, #tpu.memory_space<hbm>>)
      %dma_wait3A_944 = arith.constant 7 : i32
      %dma_wait3A_945 = arith.constant 112 : i32
      %dma_wait3A_946 = arith.constant 0 : i32
      %dma_wait3A_947 = tpu.memref_slice %arg9[%dma_wait3A_945, %dma_wait3A_946] : memref<800x64xf32, #tpu.memory_space<vmem>> -> memref<16x64xf32, #tpu.memory_space<vmem>>
      %dma_wait3A_948 = arith.constant 0 : i32
      %dma_wait3A_949 = tpu.memref_slice %arg4[%dma_wait3A_944, %add3A_19, %dma_wait3A_948] : memref<50x16384x64xf32, #tpu.memory_space<hbm>> -> memref<1x16x64xf32, #tpu.memory_space<hbm>>
      %dma_wait3A_950 = tpu.memref_squeeze %dma_wait3A_949 : memref<1x16x64xf32, #tpu.memory_space<hbm>> -> memref<16x64xf32, #tpu.memory_space<hbm>>
      %dma_wait3A_951 = arith.constant 0 : i32
      %dma_wait3A_952 = tpu.memref_slice %arg4[%dma_wait3A_944, %add3A_19, %dma_wait3A_951] : memref<50x16384x64xf32, #tpu.memory_space<hbm>> -> memref<1x16x64xf32, #tpu.memory_space<hbm>>
      %dma_wait3A_953 = tpu.memref_squeeze %dma_wait3A_952 : memref<1x16x64xf32, #tpu.memory_space<hbm>> -> memref<16x64xf32, #tpu.memory_space<hbm>>
      %dma_wait3A_954 = arith.constant 112 : i32
      %dma_wait3A_955 = arith.constant 0 : i32
      %dma_wait3A_956 = tpu.memref_slice %arg9[%dma_wait3A_954, %dma_wait3A_955] : memref<800x64xf32, #tpu.memory_space<vmem>> -> memref<16x64xf32, #tpu.memory_space<vmem>>
      tpu.wait_dma2 semaphore(%arg11 : memref<!tpu.dma_semaphore, #tpu.memory_space<semaphore_mem>>) src(%dma_wait3A_956 : memref<16x64xf32, #tpu.memory_space<vmem>>) dst(%dma_wait3A_953 : memref<16x64xf32, #tpu.memory_space<hbm>>)
      %dma_wait3A_957 = arith.constant 8 : i32
      %dma_wait3A_958 = arith.constant 128 : i32
      %dma_wait3A_959 = arith.constant 0 : i32
      %dma_wait3A_960 = tpu.memref_slice %arg9[%dma_wait3A_958, %dma_wait3A_959] : memref<800x64xf32, #tpu.memory_space<vmem>> -> memref<16x64xf32, #tpu.memory_space<vmem>>
      %dma_wait3A_961 = arith.constant 0 : i32
      %dma_wait3A_962 = tpu.memref_slice %arg4[%dma_wait3A_957, %add3A_19, %dma_wait3A_961] : memref<50x16384x64xf32, #tpu.memory_space<hbm>> -> memref<1x16x64xf32, #tpu.memory_space<hbm>>
      %dma_wait3A_963 = tpu.memref_squeeze %dma_wait3A_962 : memref<1x16x64xf32, #tpu.memory_space<hbm>> -> memref<16x64xf32, #tpu.memory_space<hbm>>
      %dma_wait3A_964 = arith.constant 0 : i32
      %dma_wait3A_965 = tpu.memref_slice %arg4[%dma_wait3A_957, %add3A_19, %dma_wait3A_964] : memref<50x16384x64xf32, #tpu.memory_space<hbm>> -> memref<1x16x64xf32, #tpu.memory_space<hbm>>
      %dma_wait3A_966 = tpu.memref_squeeze %dma_wait3A_965 : memref<1x16x64xf32, #tpu.memory_space<hbm>> -> memref<16x64xf32, #tpu.memory_space<hbm>>
      %dma_wait3A_967 = arith.constant 128 : i32
      %dma_wait3A_968 = arith.constant 0 : i32
      %dma_wait3A_969 = tpu.memref_slice %arg9[%dma_wait3A_967, %dma_wait3A_968] : memref<800x64xf32, #tpu.memory_space<vmem>> -> memref<16x64xf32, #tpu.memory_space<vmem>>
      tpu.wait_dma2 semaphore(%arg11 : memref<!tpu.dma_semaphore, #tpu.memory_space<semaphore_mem>>) src(%dma_wait3A_969 : memref<16x64xf32, #tpu.memory_space<vmem>>) dst(%dma_wait3A_966 : memref<16x64xf32, #tpu.memory_space<hbm>>)
      %dma_wait3A_970 = arith.constant 9 : i32
      %dma_wait3A_971 = arith.constant 144 : i32
      %dma_wait3A_972 = arith.constant 0 : i32
      %dma_wait3A_973 = tpu.memref_slice %arg9[%dma_wait3A_971, %dma_wait3A_972] : memref<800x64xf32, #tpu.memory_space<vmem>> -> memref<16x64xf32, #tpu.memory_space<vmem>>
      %dma_wait3A_974 = arith.constant 0 : i32
      %dma_wait3A_975 = tpu.memref_slice %arg4[%dma_wait3A_970, %add3A_19, %dma_wait3A_974] : memref<50x16384x64xf32, #tpu.memory_space<hbm>> -> memref<1x16x64xf32, #tpu.memory_space<hbm>>
      %dma_wait3A_976 = tpu.memref_squeeze %dma_wait3A_975 : memref<1x16x64xf32, #tpu.memory_space<hbm>> -> memref<16x64xf32, #tpu.memory_space<hbm>>
      %dma_wait3A_977 = arith.constant 0 : i32
      %dma_wait3A_978 = tpu.memref_slice %arg4[%dma_wait3A_970, %add3A_19, %dma_wait3A_977] : memref<50x16384x64xf32, #tpu.memory_space<hbm>> -> memref<1x16x64xf32, #tpu.memory_space<hbm>>
      %dma_wait3A_979 = tpu.memref_squeeze %dma_wait3A_978 : memref<1x16x64xf32, #tpu.memory_space<hbm>> -> memref<16x64xf32, #tpu.memory_space<hbm>>
      %dma_wait3A_980 = arith.constant 144 : i32
      %dma_wait3A_981 = arith.constant 0 : i32
      %dma_wait3A_982 = tpu.memref_slice %arg9[%dma_wait3A_980, %dma_wait3A_981] : memref<800x64xf32, #tpu.memory_space<vmem>> -> memref<16x64xf32, #tpu.memory_space<vmem>>
      tpu.wait_dma2 semaphore(%arg11 : memref<!tpu.dma_semaphore, #tpu.memory_space<semaphore_mem>>) src(%dma_wait3A_982 : memref<16x64xf32, #tpu.memory_space<vmem>>) dst(%dma_wait3A_979 : memref<16x64xf32, #tpu.memory_space<hbm>>)
      %dma_wait3A_983 = arith.constant 10 : i32
      %dma_wait3A_984 = arith.constant 160 : i32
      %dma_wait3A_985 = arith.constant 0 : i32
      %dma_wait3A_986 = tpu.memref_slice %arg9[%dma_wait3A_984, %dma_wait3A_985] : memref<800x64xf32, #tpu.memory_space<vmem>> -> memref<16x64xf32, #tpu.memory_space<vmem>>
      %dma_wait3A_987 = arith.constant 0 : i32
      %dma_wait3A_988 = tpu.memref_slice %arg4[%dma_wait3A_983, %add3A_19, %dma_wait3A_987] : memref<50x16384x64xf32, #tpu.memory_space<hbm>> -> memref<1x16x64xf32, #tpu.memory_space<hbm>>
      %dma_wait3A_989 = tpu.memref_squeeze %dma_wait3A_988 : memref<1x16x64xf32, #tpu.memory_space<hbm>> -> memref<16x64xf32, #tpu.memory_space<hbm>>
      %dma_wait3A_990 = arith.constant 0 : i32
      %dma_wait3A_991 = tpu.memref_slice %arg4[%dma_wait3A_983, %add3A_19, %dma_wait3A_990] : memref<50x16384x64xf32, #tpu.memory_space<hbm>> -> memref<1x16x64xf32, #tpu.memory_space<hbm>>
      %dma_wait3A_992 = tpu.memref_squeeze %dma_wait3A_991 : memref<1x16x64xf32, #tpu.memory_space<hbm>> -> memref<16x64xf32, #tpu.memory_space<hbm>>
      %dma_wait3A_993 = arith.constant 160 : i32
      %dma_wait3A_994 = arith.constant 0 : i32
      %dma_wait3A_995 = tpu.memref_slice %arg9[%dma_wait3A_993, %dma_wait3A_994] : memref<800x64xf32, #tpu.memory_space<vmem>> -> memref<16x64xf32, #tpu.memory_space<vmem>>
      tpu.wait_dma2 semaphore(%arg11 : memref<!tpu.dma_semaphore, #tpu.memory_space<semaphore_mem>>) src(%dma_wait3A_995 : memref<16x64xf32, #tpu.memory_space<vmem>>) dst(%dma_wait3A_992 : memref<16x64xf32, #tpu.memory_space<hbm>>)
      %dma_wait3A_996 = arith.constant 11 : i32
      %dma_wait3A_997 = arith.constant 176 : i32
      %dma_wait3A_998 = arith.constant 0 : i32
      %dma_wait3A_999 = tpu.memref_slice %arg9[%dma_wait3A_997, %dma_wait3A_998] : memref<800x64xf32, #tpu.memory_space<vmem>> -> memref<16x64xf32, #tpu.memory_space<vmem>>
      %dma_wait3A_1000 = arith.constant 0 : i32
      %dma_wait3A_1001 = tpu.memref_slice %arg4[%dma_wait3A_996, %add3A_19, %dma_wait3A_1000] : memref<50x16384x64xf32, #tpu.memory_space<hbm>> -> memref<1x16x64xf32, #tpu.memory_space<hbm>>
      %dma_wait3A_1002 = tpu.memref_squeeze %dma_wait3A_1001 : memref<1x16x64xf32, #tpu.memory_space<hbm>> -> memref<16x64xf32, #tpu.memory_space<hbm>>
      %dma_wait3A_1003 = arith.constant 0 : i32
      %dma_wait3A_1004 = tpu.memref_slice %arg4[%dma_wait3A_996, %add3A_19, %dma_wait3A_1003] : memref<50x16384x64xf32, #tpu.memory_space<hbm>> -> memref<1x16x64xf32, #tpu.memory_space<hbm>>
      %dma_wait3A_1005 = tpu.memref_squeeze %dma_wait3A_1004 : memref<1x16x64xf32, #tpu.memory_space<hbm>> -> memref<16x64xf32, #tpu.memory_space<hbm>>
      %dma_wait3A_1006 = arith.constant 176 : i32
      %dma_wait3A_1007 = arith.constant 0 : i32
      %dma_wait3A_1008 = tpu.memref_slice %arg9[%dma_wait3A_1006, %dma_wait3A_1007] : memref<800x64xf32, #tpu.memory_space<vmem>> -> memref<16x64xf32, #tpu.memory_space<vmem>>
      tpu.wait_dma2 semaphore(%arg11 : memref<!tpu.dma_semaphore, #tpu.memory_space<semaphore_mem>>) src(%dma_wait3A_1008 : memref<16x64xf32, #tpu.memory_space<vmem>>) dst(%dma_wait3A_1005 : memref<16x64xf32, #tpu.memory_space<hbm>>)
      %dma_wait3A_1009 = arith.constant 12 : i32
      %dma_wait3A_1010 = arith.constant 192 : i32
      %dma_wait3A_1011 = arith.constant 0 : i32
      %dma_wait3A_1012 = tpu.memref_slice %arg9[%dma_wait3A_1010, %dma_wait3A_1011] : memref<800x64xf32, #tpu.memory_space<vmem>> -> memref<16x64xf32, #tpu.memory_space<vmem>>
      %dma_wait3A_1013 = arith.constant 0 : i32
      %dma_wait3A_1014 = tpu.memref_slice %arg4[%dma_wait3A_1009, %add3A_19, %dma_wait3A_1013] : memref<50x16384x64xf32, #tpu.memory_space<hbm>> -> memref<1x16x64xf32, #tpu.memory_space<hbm>>
      %dma_wait3A_1015 = tpu.memref_squeeze %dma_wait3A_1014 : memref<1x16x64xf32, #tpu.memory_space<hbm>> -> memref<16x64xf32, #tpu.memory_space<hbm>>
      %dma_wait3A_1016 = arith.constant 0 : i32
      %dma_wait3A_1017 = tpu.memref_slice %arg4[%dma_wait3A_1009, %add3A_19, %dma_wait3A_1016] : memref<50x16384x64xf32, #tpu.memory_space<hbm>> -> memref<1x16x64xf32, #tpu.memory_space<hbm>>
      %dma_wait3A_1018 = tpu.memref_squeeze %dma_wait3A_1017 : memref<1x16x64xf32, #tpu.memory_space<hbm>> -> memref<16x64xf32, #tpu.memory_space<hbm>>
      %dma_wait3A_1019 = arith.constant 192 : i32
      %dma_wait3A_1020 = arith.constant 0 : i32
      %dma_wait3A_1021 = tpu.memref_slice %arg9[%dma_wait3A_1019, %dma_wait3A_1020] : memref<800x64xf32, #tpu.memory_space<vmem>> -> memref<16x64xf32, #tpu.memory_space<vmem>>
      tpu.wait_dma2 semaphore(%arg11 : memref<!tpu.dma_semaphore, #tpu.memory_space<semaphore_mem>>) src(%dma_wait3A_1021 : memref<16x64xf32, #tpu.memory_space<vmem>>) dst(%dma_wait3A_1018 : memref<16x64xf32, #tpu.memory_space<hbm>>)
      %dma_wait3A_1022 = arith.constant 13 : i32
      %dma_wait3A_1023 = arith.constant 208 : i32
      %dma_wait3A_1024 = arith.constant 0 : i32
      %dma_wait3A_1025 = tpu.memref_slice %arg9[%dma_wait3A_1023, %dma_wait3A_1024] : memref<800x64xf32, #tpu.memory_space<vmem>> -> memref<16x64xf32, #tpu.memory_space<vmem>>
      %dma_wait3A_1026 = arith.constant 0 : i32
      %dma_wait3A_1027 = tpu.memref_slice %arg4[%dma_wait3A_1022, %add3A_19, %dma_wait3A_1026] : memref<50x16384x64xf32, #tpu.memory_space<hbm>> -> memref<1x16x64xf32, #tpu.memory_space<hbm>>
      %dma_wait3A_1028 = tpu.memref_squeeze %dma_wait3A_1027 : memref<1x16x64xf32, #tpu.memory_space<hbm>> -> memref<16x64xf32, #tpu.memory_space<hbm>>
      %dma_wait3A_1029 = arith.constant 0 : i32
      %dma_wait3A_1030 = tpu.memref_slice %arg4[%dma_wait3A_1022, %add3A_19, %dma_wait3A_1029] : memref<50x16384x64xf32, #tpu.memory_space<hbm>> -> memref<1x16x64xf32, #tpu.memory_space<hbm>>
      %dma_wait3A_1031 = tpu.memref_squeeze %dma_wait3A_1030 : memref<1x16x64xf32, #tpu.memory_space<hbm>> -> memref<16x64xf32, #tpu.memory_space<hbm>>
      %dma_wait3A_1032 = arith.constant 208 : i32
      %dma_wait3A_1033 = arith.constant 0 : i32
      %dma_wait3A_1034 = tpu.memref_slice %arg9[%dma_wait3A_1032, %dma_wait3A_1033] : memref<800x64xf32, #tpu.memory_space<vmem>> -> memref<16x64xf32, #tpu.memory_space<vmem>>
      tpu.wait_dma2 semaphore(%arg11 : memref<!tpu.dma_semaphore, #tpu.memory_space<semaphore_mem>>) src(%dma_wait3A_1034 : memref<16x64xf32, #tpu.memory_space<vmem>>) dst(%dma_wait3A_1031 : memref<16x64xf32, #tpu.memory_space<hbm>>)
      %dma_wait3A_1035 = arith.constant 14 : i32
      %dma_wait3A_1036 = arith.constant 224 : i32
      %dma_wait3A_1037 = arith.constant 0 : i32
      %dma_wait3A_1038 = tpu.memref_slice %arg9[%dma_wait3A_1036, %dma_wait3A_1037] : memref<800x64xf32, #tpu.memory_space<vmem>> -> memref<16x64xf32, #tpu.memory_space<vmem>>
      %dma_wait3A_1039 = arith.constant 0 : i32
      %dma_wait3A_1040 = tpu.memref_slice %arg4[%dma_wait3A_1035, %add3A_19, %dma_wait3A_1039] : memref<50x16384x64xf32, #tpu.memory_space<hbm>> -> memref<1x16x64xf32, #tpu.memory_space<hbm>>
      %dma_wait3A_1041 = tpu.memref_squeeze %dma_wait3A_1040 : memref<1x16x64xf32, #tpu.memory_space<hbm>> -> memref<16x64xf32, #tpu.memory_space<hbm>>
      %dma_wait3A_1042 = arith.constant 0 : i32
      %dma_wait3A_1043 = tpu.memref_slice %arg4[%dma_wait3A_1035, %add3A_19, %dma_wait3A_1042] : memref<50x16384x64xf32, #tpu.memory_space<hbm>> -> memref<1x16x64xf32, #tpu.memory_space<hbm>>
      %dma_wait3A_1044 = tpu.memref_squeeze %dma_wait3A_1043 : memref<1x16x64xf32, #tpu.memory_space<hbm>> -> memref<16x64xf32, #tpu.memory_space<hbm>>
      %dma_wait3A_1045 = arith.constant 224 : i32
      %dma_wait3A_1046 = arith.constant 0 : i32
      %dma_wait3A_1047 = tpu.memref_slice %arg9[%dma_wait3A_1045, %dma_wait3A_1046] : memref<800x64xf32, #tpu.memory_space<vmem>> -> memref<16x64xf32, #tpu.memory_space<vmem>>
      tpu.wait_dma2 semaphore(%arg11 : memref<!tpu.dma_semaphore, #tpu.memory_space<semaphore_mem>>) src(%dma_wait3A_1047 : memref<16x64xf32, #tpu.memory_space<vmem>>) dst(%dma_wait3A_1044 : memref<16x64xf32, #tpu.memory_space<hbm>>)
      %dma_wait3A_1048 = arith.constant 15 : i32
      %dma_wait3A_1049 = arith.constant 240 : i32
      %dma_wait3A_1050 = arith.constant 0 : i32
      %dma_wait3A_1051 = tpu.memref_slice %arg9[%dma_wait3A_1049, %dma_wait3A_1050] : memref<800x64xf32, #tpu.memory_space<vmem>> -> memref<16x64xf32, #tpu.memory_space<vmem>>
      %dma_wait3A_1052 = arith.constant 0 : i32
      %dma_wait3A_1053 = tpu.memref_slice %arg4[%dma_wait3A_1048, %add3A_19, %dma_wait3A_1052] : memref<50x16384x64xf32, #tpu.memory_space<hbm>> -> memref<1x16x64xf32, #tpu.memory_space<hbm>>
      %dma_wait3A_1054 = tpu.memref_squeeze %dma_wait3A_1053 : memref<1x16x64xf32, #tpu.memory_space<hbm>> -> memref<16x64xf32, #tpu.memory_space<hbm>>
      %dma_wait3A_1055 = arith.constant 0 : i32
      %dma_wait3A_1056 = tpu.memref_slice %arg4[%dma_wait3A_1048, %add3A_19, %dma_wait3A_1055] : memref<50x16384x64xf32, #tpu.memory_space<hbm>> -> memref<1x16x64xf32, #tpu.memory_space<hbm>>
      %dma_wait3A_1057 = tpu.memref_squeeze %dma_wait3A_1056 : memref<1x16x64xf32, #tpu.memory_space<hbm>> -> memref<16x64xf32, #tpu.memory_space<hbm>>
      %dma_wait3A_1058 = arith.constant 240 : i32
      %dma_wait3A_1059 = arith.constant 0 : i32
      %dma_wait3A_1060 = tpu.memref_slice %arg9[%dma_wait3A_1058, %dma_wait3A_1059] : memref<800x64xf32, #tpu.memory_space<vmem>> -> memref<16x64xf32, #tpu.memory_space<vmem>>
      tpu.wait_dma2 semaphore(%arg11 : memref<!tpu.dma_semaphore, #tpu.memory_space<semaphore_mem>>) src(%dma_wait3A_1060 : memref<16x64xf32, #tpu.memory_space<vmem>>) dst(%dma_wait3A_1057 : memref<16x64xf32, #tpu.memory_space<hbm>>)
      %dma_wait3A_1061 = arith.constant 16 : i32
      %dma_wait3A_1062 = arith.constant 256 : i32
      %dma_wait3A_1063 = arith.constant 0 : i32
      %dma_wait3A_1064 = tpu.memref_slice %arg9[%dma_wait3A_1062, %dma_wait3A_1063] : memref<800x64xf32, #tpu.memory_space<vmem>> -> memref<16x64xf32, #tpu.memory_space<vmem>>
      %dma_wait3A_1065 = arith.constant 0 : i32
      %dma_wait3A_1066 = tpu.memref_slice %arg4[%dma_wait3A_1061, %add3A_19, %dma_wait3A_1065] : memref<50x16384x64xf32, #tpu.memory_space<hbm>> -> memref<1x16x64xf32, #tpu.memory_space<hbm>>
      %dma_wait3A_1067 = tpu.memref_squeeze %dma_wait3A_1066 : memref<1x16x64xf32, #tpu.memory_space<hbm>> -> memref<16x64xf32, #tpu.memory_space<hbm>>
      %dma_wait3A_1068 = arith.constant 0 : i32
      %dma_wait3A_1069 = tpu.memref_slice %arg4[%dma_wait3A_1061, %add3A_19, %dma_wait3A_1068] : memref<50x16384x64xf32, #tpu.memory_space<hbm>> -> memref<1x16x64xf32, #tpu.memory_space<hbm>>
      %dma_wait3A_1070 = tpu.memref_squeeze %dma_wait3A_1069 : memref<1x16x64xf32, #tpu.memory_space<hbm>> -> memref<16x64xf32, #tpu.memory_space<hbm>>
      %dma_wait3A_1071 = arith.constant 256 : i32
      %dma_wait3A_1072 = arith.constant 0 : i32
      %dma_wait3A_1073 = tpu.memref_slice %arg9[%dma_wait3A_1071, %dma_wait3A_1072] : memref<800x64xf32, #tpu.memory_space<vmem>> -> memref<16x64xf32, #tpu.memory_space<vmem>>
      tpu.wait_dma2 semaphore(%arg11 : memref<!tpu.dma_semaphore, #tpu.memory_space<semaphore_mem>>) src(%dma_wait3A_1073 : memref<16x64xf32, #tpu.memory_space<vmem>>) dst(%dma_wait3A_1070 : memref<16x64xf32, #tpu.memory_space<hbm>>)
      %dma_wait3A_1074 = arith.constant 17 : i32
      %dma_wait3A_1075 = arith.constant 272 : i32
      %dma_wait3A_1076 = arith.constant 0 : i32
      %dma_wait3A_1077 = tpu.memref_slice %arg9[%dma_wait3A_1075, %dma_wait3A_1076] : memref<800x64xf32, #tpu.memory_space<vmem>> -> memref<16x64xf32, #tpu.memory_space<vmem>>
      %dma_wait3A_1078 = arith.constant 0 : i32
      %dma_wait3A_1079 = tpu.memref_slice %arg4[%dma_wait3A_1074, %add3A_19, %dma_wait3A_1078] : memref<50x16384x64xf32, #tpu.memory_space<hbm>> -> memref<1x16x64xf32, #tpu.memory_space<hbm>>
      %dma_wait3A_1080 = tpu.memref_squeeze %dma_wait3A_1079 : memref<1x16x64xf32, #tpu.memory_space<hbm>> -> memref<16x64xf32, #tpu.memory_space<hbm>>
      %dma_wait3A_1081 = arith.constant 0 : i32
      %dma_wait3A_1082 = tpu.memref_slice %arg4[%dma_wait3A_1074, %add3A_19, %dma_wait3A_1081] : memref<50x16384x64xf32, #tpu.memory_space<hbm>> -> memref<1x16x64xf32, #tpu.memory_space<hbm>>
      %dma_wait3A_1083 = tpu.memref_squeeze %dma_wait3A_1082 : memref<1x16x64xf32, #tpu.memory_space<hbm>> -> memref<16x64xf32, #tpu.memory_space<hbm>>
      %dma_wait3A_1084 = arith.constant 272 : i32
      %dma_wait3A_1085 = arith.constant 0 : i32
      %dma_wait3A_1086 = tpu.memref_slice %arg9[%dma_wait3A_1084, %dma_wait3A_1085] : memref<800x64xf32, #tpu.memory_space<vmem>> -> memref<16x64xf32, #tpu.memory_space<vmem>>
      tpu.wait_dma2 semaphore(%arg11 : memref<!tpu.dma_semaphore, #tpu.memory_space<semaphore_mem>>) src(%dma_wait3A_1086 : memref<16x64xf32, #tpu.memory_space<vmem>>) dst(%dma_wait3A_1083 : memref<16x64xf32, #tpu.memory_space<hbm>>)
      %dma_wait3A_1087 = arith.constant 18 : i32
      %dma_wait3A_1088 = arith.constant 288 : i32
      %dma_wait3A_1089 = arith.constant 0 : i32
      %dma_wait3A_1090 = tpu.memref_slice %arg9[%dma_wait3A_1088, %dma_wait3A_1089] : memref<800x64xf32, #tpu.memory_space<vmem>> -> memref<16x64xf32, #tpu.memory_space<vmem>>
      %dma_wait3A_1091 = arith.constant 0 : i32
      %dma_wait3A_1092 = tpu.memref_slice %arg4[%dma_wait3A_1087, %add3A_19, %dma_wait3A_1091] : memref<50x16384x64xf32, #tpu.memory_space<hbm>> -> memref<1x16x64xf32, #tpu.memory_space<hbm>>
      %dma_wait3A_1093 = tpu.memref_squeeze %dma_wait3A_1092 : memref<1x16x64xf32, #tpu.memory_space<hbm>> -> memref<16x64xf32, #tpu.memory_space<hbm>>
      %dma_wait3A_1094 = arith.constant 0 : i32
      %dma_wait3A_1095 = tpu.memref_slice %arg4[%dma_wait3A_1087, %add3A_19, %dma_wait3A_1094] : memref<50x16384x64xf32, #tpu.memory_space<hbm>> -> memref<1x16x64xf32, #tpu.memory_space<hbm>>
      %dma_wait3A_1096 = tpu.memref_squeeze %dma_wait3A_1095 : memref<1x16x64xf32, #tpu.memory_space<hbm>> -> memref<16x64xf32, #tpu.memory_space<hbm>>
      %dma_wait3A_1097 = arith.constant 288 : i32
      %dma_wait3A_1098 = arith.constant 0 : i32
      %dma_wait3A_1099 = tpu.memref_slice %arg9[%dma_wait3A_1097, %dma_wait3A_1098] : memref<800x64xf32, #tpu.memory_space<vmem>> -> memref<16x64xf32, #tpu.memory_space<vmem>>
      tpu.wait_dma2 semaphore(%arg11 : memref<!tpu.dma_semaphore, #tpu.memory_space<semaphore_mem>>) src(%dma_wait3A_1099 : memref<16x64xf32, #tpu.memory_space<vmem>>) dst(%dma_wait3A_1096 : memref<16x64xf32, #tpu.memory_space<hbm>>)
      %dma_wait3A_1100 = arith.constant 19 : i32
      %dma_wait3A_1101 = arith.constant 304 : i32
      %dma_wait3A_1102 = arith.constant 0 : i32
      %dma_wait3A_1103 = tpu.memref_slice %arg9[%dma_wait3A_1101, %dma_wait3A_1102] : memref<800x64xf32, #tpu.memory_space<vmem>> -> memref<16x64xf32, #tpu.memory_space<vmem>>
      %dma_wait3A_1104 = arith.constant 0 : i32
      %dma_wait3A_1105 = tpu.memref_slice %arg4[%dma_wait3A_1100, %add3A_19, %dma_wait3A_1104] : memref<50x16384x64xf32, #tpu.memory_space<hbm>> -> memref<1x16x64xf32, #tpu.memory_space<hbm>>
      %dma_wait3A_1106 = tpu.memref_squeeze %dma_wait3A_1105 : memref<1x16x64xf32, #tpu.memory_space<hbm>> -> memref<16x64xf32, #tpu.memory_space<hbm>>
      %dma_wait3A_1107 = arith.constant 0 : i32
      %dma_wait3A_1108 = tpu.memref_slice %arg4[%dma_wait3A_1100, %add3A_19, %dma_wait3A_1107] : memref<50x16384x64xf32, #tpu.memory_space<hbm>> -> memref<1x16x64xf32, #tpu.memory_space<hbm>>
      %dma_wait3A_1109 = tpu.memref_squeeze %dma_wait3A_1108 : memref<1x16x64xf32, #tpu.memory_space<hbm>> -> memref<16x64xf32, #tpu.memory_space<hbm>>
      %dma_wait3A_1110 = arith.constant 304 : i32
      %dma_wait3A_1111 = arith.constant 0 : i32
      %dma_wait3A_1112 = tpu.memref_slice %arg9[%dma_wait3A_1110, %dma_wait3A_1111] : memref<800x64xf32, #tpu.memory_space<vmem>> -> memref<16x64xf32, #tpu.memory_space<vmem>>
      tpu.wait_dma2 semaphore(%arg11 : memref<!tpu.dma_semaphore, #tpu.memory_space<semaphore_mem>>) src(%dma_wait3A_1112 : memref<16x64xf32, #tpu.memory_space<vmem>>) dst(%dma_wait3A_1109 : memref<16x64xf32, #tpu.memory_space<hbm>>)
      %dma_wait3A_1113 = arith.constant 20 : i32
      %dma_wait3A_1114 = arith.constant 320 : i32
      %dma_wait3A_1115 = arith.constant 0 : i32
      %dma_wait3A_1116 = tpu.memref_slice %arg9[%dma_wait3A_1114, %dma_wait3A_1115] : memref<800x64xf32, #tpu.memory_space<vmem>> -> memref<16x64xf32, #tpu.memory_space<vmem>>
      %dma_wait3A_1117 = arith.constant 0 : i32
      %dma_wait3A_1118 = tpu.memref_slice %arg4[%dma_wait3A_1113, %add3A_19, %dma_wait3A_1117] : memref<50x16384x64xf32, #tpu.memory_space<hbm>> -> memref<1x16x64xf32, #tpu.memory_space<hbm>>
      %dma_wait3A_1119 = tpu.memref_squeeze %dma_wait3A_1118 : memref<1x16x64xf32, #tpu.memory_space<hbm>> -> memref<16x64xf32, #tpu.memory_space<hbm>>
      %dma_wait3A_1120 = arith.constant 0 : i32
      %dma_wait3A_1121 = tpu.memref_slice %arg4[%dma_wait3A_1113, %add3A_19, %dma_wait3A_1120] : memref<50x16384x64xf32, #tpu.memory_space<hbm>> -> memref<1x16x64xf32, #tpu.memory_space<hbm>>
      %dma_wait3A_1122 = tpu.memref_squeeze %dma_wait3A_1121 : memref<1x16x64xf32, #tpu.memory_space<hbm>> -> memref<16x64xf32, #tpu.memory_space<hbm>>
      %dma_wait3A_1123 = arith.constant 320 : i32
      %dma_wait3A_1124 = arith.constant 0 : i32
      %dma_wait3A_1125 = tpu.memref_slice %arg9[%dma_wait3A_1123, %dma_wait3A_1124] : memref<800x64xf32, #tpu.memory_space<vmem>> -> memref<16x64xf32, #tpu.memory_space<vmem>>
      tpu.wait_dma2 semaphore(%arg11 : memref<!tpu.dma_semaphore, #tpu.memory_space<semaphore_mem>>) src(%dma_wait3A_1125 : memref<16x64xf32, #tpu.memory_space<vmem>>) dst(%dma_wait3A_1122 : memref<16x64xf32, #tpu.memory_space<hbm>>)
      %dma_wait3A_1126 = arith.constant 21 : i32
      %dma_wait3A_1127 = arith.constant 336 : i32
      %dma_wait3A_1128 = arith.constant 0 : i32
      %dma_wait3A_1129 = tpu.memref_slice %arg9[%dma_wait3A_1127, %dma_wait3A_1128] : memref<800x64xf32, #tpu.memory_space<vmem>> -> memref<16x64xf32, #tpu.memory_space<vmem>>
      %dma_wait3A_1130 = arith.constant 0 : i32
      %dma_wait3A_1131 = tpu.memref_slice %arg4[%dma_wait3A_1126, %add3A_19, %dma_wait3A_1130] : memref<50x16384x64xf32, #tpu.memory_space<hbm>> -> memref<1x16x64xf32, #tpu.memory_space<hbm>>
      %dma_wait3A_1132 = tpu.memref_squeeze %dma_wait3A_1131 : memref<1x16x64xf32, #tpu.memory_space<hbm>> -> memref<16x64xf32, #tpu.memory_space<hbm>>
      %dma_wait3A_1133 = arith.constant 0 : i32
      %dma_wait3A_1134 = tpu.memref_slice %arg4[%dma_wait3A_1126, %add3A_19, %dma_wait3A_1133] : memref<50x16384x64xf32, #tpu.memory_space<hbm>> -> memref<1x16x64xf32, #tpu.memory_space<hbm>>
      %dma_wait3A_1135 = tpu.memref_squeeze %dma_wait3A_1134 : memref<1x16x64xf32, #tpu.memory_space<hbm>> -> memref<16x64xf32, #tpu.memory_space<hbm>>
      %dma_wait3A_1136 = arith.constant 336 : i32
      %dma_wait3A_1137 = arith.constant 0 : i32
      %dma_wait3A_1138 = tpu.memref_slice %arg9[%dma_wait3A_1136, %dma_wait3A_1137] : memref<800x64xf32, #tpu.memory_space<vmem>> -> memref<16x64xf32, #tpu.memory_space<vmem>>
      tpu.wait_dma2 semaphore(%arg11 : memref<!tpu.dma_semaphore, #tpu.memory_space<semaphore_mem>>) src(%dma_wait3A_1138 : memref<16x64xf32, #tpu.memory_space<vmem>>) dst(%dma_wait3A_1135 : memref<16x64xf32, #tpu.memory_space<hbm>>)
      %dma_wait3A_1139 = arith.constant 22 : i32
      %dma_wait3A_1140 = arith.constant 352 : i32
      %dma_wait3A_1141 = arith.constant 0 : i32
      %dma_wait3A_1142 = tpu.memref_slice %arg9[%dma_wait3A_1140, %dma_wait3A_1141] : memref<800x64xf32, #tpu.memory_space<vmem>> -> memref<16x64xf32, #tpu.memory_space<vmem>>
      %dma_wait3A_1143 = arith.constant 0 : i32
      %dma_wait3A_1144 = tpu.memref_slice %arg4[%dma_wait3A_1139, %add3A_19, %dma_wait3A_1143] : memref<50x16384x64xf32, #tpu.memory_space<hbm>> -> memref<1x16x64xf32, #tpu.memory_space<hbm>>
      %dma_wait3A_1145 = tpu.memref_squeeze %dma_wait3A_1144 : memref<1x16x64xf32, #tpu.memory_space<hbm>> -> memref<16x64xf32, #tpu.memory_space<hbm>>
      %dma_wait3A_1146 = arith.constant 0 : i32
      %dma_wait3A_1147 = tpu.memref_slice %arg4[%dma_wait3A_1139, %add3A_19, %dma_wait3A_1146] : memref<50x16384x64xf32, #tpu.memory_space<hbm>> -> memref<1x16x64xf32, #tpu.memory_space<hbm>>
      %dma_wait3A_1148 = tpu.memref_squeeze %dma_wait3A_1147 : memref<1x16x64xf32, #tpu.memory_space<hbm>> -> memref<16x64xf32, #tpu.memory_space<hbm>>
      %dma_wait3A_1149 = arith.constant 352 : i32
      %dma_wait3A_1150 = arith.constant 0 : i32
      %dma_wait3A_1151 = tpu.memref_slice %arg9[%dma_wait3A_1149, %dma_wait3A_1150] : memref<800x64xf32, #tpu.memory_space<vmem>> -> memref<16x64xf32, #tpu.memory_space<vmem>>
      tpu.wait_dma2 semaphore(%arg11 : memref<!tpu.dma_semaphore, #tpu.memory_space<semaphore_mem>>) src(%dma_wait3A_1151 : memref<16x64xf32, #tpu.memory_space<vmem>>) dst(%dma_wait3A_1148 : memref<16x64xf32, #tpu.memory_space<hbm>>)
      %dma_wait3A_1152 = arith.constant 23 : i32
      %dma_wait3A_1153 = arith.constant 368 : i32
      %dma_wait3A_1154 = arith.constant 0 : i32
      %dma_wait3A_1155 = tpu.memref_slice %arg9[%dma_wait3A_1153, %dma_wait3A_1154] : memref<800x64xf32, #tpu.memory_space<vmem>> -> memref<16x64xf32, #tpu.memory_space<vmem>>
      %dma_wait3A_1156 = arith.constant 0 : i32
      %dma_wait3A_1157 = tpu.memref_slice %arg4[%dma_wait3A_1152, %add3A_19, %dma_wait3A_1156] : memref<50x16384x64xf32, #tpu.memory_space<hbm>> -> memref<1x16x64xf32, #tpu.memory_space<hbm>>
      %dma_wait3A_1158 = tpu.memref_squeeze %dma_wait3A_1157 : memref<1x16x64xf32, #tpu.memory_space<hbm>> -> memref<16x64xf32, #tpu.memory_space<hbm>>
      %dma_wait3A_1159 = arith.constant 0 : i32
      %dma_wait3A_1160 = tpu.memref_slice %arg4[%dma_wait3A_1152, %add3A_19, %dma_wait3A_1159] : memref<50x16384x64xf32, #tpu.memory_space<hbm>> -> memref<1x16x64xf32, #tpu.memory_space<hbm>>
      %dma_wait3A_1161 = tpu.memref_squeeze %dma_wait3A_1160 : memref<1x16x64xf32, #tpu.memory_space<hbm>> -> memref<16x64xf32, #tpu.memory_space<hbm>>
      %dma_wait3A_1162 = arith.constant 368 : i32
      %dma_wait3A_1163 = arith.constant 0 : i32
      %dma_wait3A_1164 = tpu.memref_slice %arg9[%dma_wait3A_1162, %dma_wait3A_1163] : memref<800x64xf32, #tpu.memory_space<vmem>> -> memref<16x64xf32, #tpu.memory_space<vmem>>
      tpu.wait_dma2 semaphore(%arg11 : memref<!tpu.dma_semaphore, #tpu.memory_space<semaphore_mem>>) src(%dma_wait3A_1164 : memref<16x64xf32, #tpu.memory_space<vmem>>) dst(%dma_wait3A_1161 : memref<16x64xf32, #tpu.memory_space<hbm>>)
      %dma_wait3A_1165 = arith.constant 24 : i32
      %dma_wait3A_1166 = arith.constant 384 : i32
      %dma_wait3A_1167 = arith.constant 0 : i32
      %dma_wait3A_1168 = tpu.memref_slice %arg9[%dma_wait3A_1166, %dma_wait3A_1167] : memref<800x64xf32, #tpu.memory_space<vmem>> -> memref<16x64xf32, #tpu.memory_space<vmem>>
      %dma_wait3A_1169 = arith.constant 0 : i32
      %dma_wait3A_1170 = tpu.memref_slice %arg4[%dma_wait3A_1165, %add3A_19, %dma_wait3A_1169] : memref<50x16384x64xf32, #tpu.memory_space<hbm>> -> memref<1x16x64xf32, #tpu.memory_space<hbm>>
      %dma_wait3A_1171 = tpu.memref_squeeze %dma_wait3A_1170 : memref<1x16x64xf32, #tpu.memory_space<hbm>> -> memref<16x64xf32, #tpu.memory_space<hbm>>
      %dma_wait3A_1172 = arith.constant 0 : i32
      %dma_wait3A_1173 = tpu.memref_slice %arg4[%dma_wait3A_1165, %add3A_19, %dma_wait3A_1172] : memref<50x16384x64xf32, #tpu.memory_space<hbm>> -> memref<1x16x64xf32, #tpu.memory_space<hbm>>
      %dma_wait3A_1174 = tpu.memref_squeeze %dma_wait3A_1173 : memref<1x16x64xf32, #tpu.memory_space<hbm>> -> memref<16x64xf32, #tpu.memory_space<hbm>>
      %dma_wait3A_1175 = arith.constant 384 : i32
      %dma_wait3A_1176 = arith.constant 0 : i32
      %dma_wait3A_1177 = tpu.memref_slice %arg9[%dma_wait3A_1175, %dma_wait3A_1176] : memref<800x64xf32, #tpu.memory_space<vmem>> -> memref<16x64xf32, #tpu.memory_space<vmem>>
      tpu.wait_dma2 semaphore(%arg11 : memref<!tpu.dma_semaphore, #tpu.memory_space<semaphore_mem>>) src(%dma_wait3A_1177 : memref<16x64xf32, #tpu.memory_space<vmem>>) dst(%dma_wait3A_1174 : memref<16x64xf32, #tpu.memory_space<hbm>>)
      %dma_wait3A_1178 = arith.constant 25 : i32
      %dma_wait3A_1179 = arith.constant 400 : i32
      %dma_wait3A_1180 = arith.constant 0 : i32
      %dma_wait3A_1181 = tpu.memref_slice %arg9[%dma_wait3A_1179, %dma_wait3A_1180] : memref<800x64xf32, #tpu.memory_space<vmem>> -> memref<16x64xf32, #tpu.memory_space<vmem>>
      %dma_wait3A_1182 = arith.constant 0 : i32
      %dma_wait3A_1183 = tpu.memref_slice %arg4[%dma_wait3A_1178, %add3A_19, %dma_wait3A_1182] : memref<50x16384x64xf32, #tpu.memory_space<hbm>> -> memref<1x16x64xf32, #tpu.memory_space<hbm>>
      %dma_wait3A_1184 = tpu.memref_squeeze %dma_wait3A_1183 : memref<1x16x64xf32, #tpu.memory_space<hbm>> -> memref<16x64xf32, #tpu.memory_space<hbm>>
      %dma_wait3A_1185 = arith.constant 0 : i32
      %dma_wait3A_1186 = tpu.memref_slice %arg4[%dma_wait3A_1178, %add3A_19, %dma_wait3A_1185] : memref<50x16384x64xf32, #tpu.memory_space<hbm>> -> memref<1x16x64xf32, #tpu.memory_space<hbm>>
      %dma_wait3A_1187 = tpu.memref_squeeze %dma_wait3A_1186 : memref<1x16x64xf32, #tpu.memory_space<hbm>> -> memref<16x64xf32, #tpu.memory_space<hbm>>
      %dma_wait3A_1188 = arith.constant 400 : i32
      %dma_wait3A_1189 = arith.constant 0 : i32
      %dma_wait3A_1190 = tpu.memref_slice %arg9[%dma_wait3A_1188, %dma_wait3A_1189] : memref<800x64xf32, #tpu.memory_space<vmem>> -> memref<16x64xf32, #tpu.memory_space<vmem>>
      tpu.wait_dma2 semaphore(%arg11 : memref<!tpu.dma_semaphore, #tpu.memory_space<semaphore_mem>>) src(%dma_wait3A_1190 : memref<16x64xf32, #tpu.memory_space<vmem>>) dst(%dma_wait3A_1187 : memref<16x64xf32, #tpu.memory_space<hbm>>)
      %dma_wait3A_1191 = arith.constant 26 : i32
      %dma_wait3A_1192 = arith.constant 416 : i32
      %dma_wait3A_1193 = arith.constant 0 : i32
      %dma_wait3A_1194 = tpu.memref_slice %arg9[%dma_wait3A_1192, %dma_wait3A_1193] : memref<800x64xf32, #tpu.memory_space<vmem>> -> memref<16x64xf32, #tpu.memory_space<vmem>>
      %dma_wait3A_1195 = arith.constant 0 : i32
      %dma_wait3A_1196 = tpu.memref_slice %arg4[%dma_wait3A_1191, %add3A_19, %dma_wait3A_1195] : memref<50x16384x64xf32, #tpu.memory_space<hbm>> -> memref<1x16x64xf32, #tpu.memory_space<hbm>>
      %dma_wait3A_1197 = tpu.memref_squeeze %dma_wait3A_1196 : memref<1x16x64xf32, #tpu.memory_space<hbm>> -> memref<16x64xf32, #tpu.memory_space<hbm>>
      %dma_wait3A_1198 = arith.constant 0 : i32
      %dma_wait3A_1199 = tpu.memref_slice %arg4[%dma_wait3A_1191, %add3A_19, %dma_wait3A_1198] : memref<50x16384x64xf32, #tpu.memory_space<hbm>> -> memref<1x16x64xf32, #tpu.memory_space<hbm>>
      %dma_wait3A_1200 = tpu.memref_squeeze %dma_wait3A_1199 : memref<1x16x64xf32, #tpu.memory_space<hbm>> -> memref<16x64xf32, #tpu.memory_space<hbm>>
      %dma_wait3A_1201 = arith.constant 416 : i32
      %dma_wait3A_1202 = arith.constant 0 : i32
      %dma_wait3A_1203 = tpu.memref_slice %arg9[%dma_wait3A_1201, %dma_wait3A_1202] : memref<800x64xf32, #tpu.memory_space<vmem>> -> memref<16x64xf32, #tpu.memory_space<vmem>>
      tpu.wait_dma2 semaphore(%arg11 : memref<!tpu.dma_semaphore, #tpu.memory_space<semaphore_mem>>) src(%dma_wait3A_1203 : memref<16x64xf32, #tpu.memory_space<vmem>>) dst(%dma_wait3A_1200 : memref<16x64xf32, #tpu.memory_space<hbm>>)
      %dma_wait3A_1204 = arith.constant 27 : i32
      %dma_wait3A_1205 = arith.constant 432 : i32
      %dma_wait3A_1206 = arith.constant 0 : i32
      %dma_wait3A_1207 = tpu.memref_slice %arg9[%dma_wait3A_1205, %dma_wait3A_1206] : memref<800x64xf32, #tpu.memory_space<vmem>> -> memref<16x64xf32, #tpu.memory_space<vmem>>
      %dma_wait3A_1208 = arith.constant 0 : i32
      %dma_wait3A_1209 = tpu.memref_slice %arg4[%dma_wait3A_1204, %add3A_19, %dma_wait3A_1208] : memref<50x16384x64xf32, #tpu.memory_space<hbm>> -> memref<1x16x64xf32, #tpu.memory_space<hbm>>
      %dma_wait3A_1210 = tpu.memref_squeeze %dma_wait3A_1209 : memref<1x16x64xf32, #tpu.memory_space<hbm>> -> memref<16x64xf32, #tpu.memory_space<hbm>>
      %dma_wait3A_1211 = arith.constant 0 : i32
      %dma_wait3A_1212 = tpu.memref_slice %arg4[%dma_wait3A_1204, %add3A_19, %dma_wait3A_1211] : memref<50x16384x64xf32, #tpu.memory_space<hbm>> -> memref<1x16x64xf32, #tpu.memory_space<hbm>>
      %dma_wait3A_1213 = tpu.memref_squeeze %dma_wait3A_1212 : memref<1x16x64xf32, #tpu.memory_space<hbm>> -> memref<16x64xf32, #tpu.memory_space<hbm>>
      %dma_wait3A_1214 = arith.constant 432 : i32
      %dma_wait3A_1215 = arith.constant 0 : i32
      %dma_wait3A_1216 = tpu.memref_slice %arg9[%dma_wait3A_1214, %dma_wait3A_1215] : memref<800x64xf32, #tpu.memory_space<vmem>> -> memref<16x64xf32, #tpu.memory_space<vmem>>
      tpu.wait_dma2 semaphore(%arg11 : memref<!tpu.dma_semaphore, #tpu.memory_space<semaphore_mem>>) src(%dma_wait3A_1216 : memref<16x64xf32, #tpu.memory_space<vmem>>) dst(%dma_wait3A_1213 : memref<16x64xf32, #tpu.memory_space<hbm>>)
      %dma_wait3A_1217 = arith.constant 28 : i32
      %dma_wait3A_1218 = arith.constant 448 : i32
      %dma_wait3A_1219 = arith.constant 0 : i32
      %dma_wait3A_1220 = tpu.memref_slice %arg9[%dma_wait3A_1218, %dma_wait3A_1219] : memref<800x64xf32, #tpu.memory_space<vmem>> -> memref<16x64xf32, #tpu.memory_space<vmem>>
      %dma_wait3A_1221 = arith.constant 0 : i32
      %dma_wait3A_1222 = tpu.memref_slice %arg4[%dma_wait3A_1217, %add3A_19, %dma_wait3A_1221] : memref<50x16384x64xf32, #tpu.memory_space<hbm>> -> memref<1x16x64xf32, #tpu.memory_space<hbm>>
      %dma_wait3A_1223 = tpu.memref_squeeze %dma_wait3A_1222 : memref<1x16x64xf32, #tpu.memory_space<hbm>> -> memref<16x64xf32, #tpu.memory_space<hbm>>
      %dma_wait3A_1224 = arith.constant 0 : i32
      %dma_wait3A_1225 = tpu.memref_slice %arg4[%dma_wait3A_1217, %add3A_19, %dma_wait3A_1224] : memref<50x16384x64xf32, #tpu.memory_space<hbm>> -> memref<1x16x64xf32, #tpu.memory_space<hbm>>
      %dma_wait3A_1226 = tpu.memref_squeeze %dma_wait3A_1225 : memref<1x16x64xf32, #tpu.memory_space<hbm>> -> memref<16x64xf32, #tpu.memory_space<hbm>>
      %dma_wait3A_1227 = arith.constant 448 : i32
      %dma_wait3A_1228 = arith.constant 0 : i32
      %dma_wait3A_1229 = tpu.memref_slice %arg9[%dma_wait3A_1227, %dma_wait3A_1228] : memref<800x64xf32, #tpu.memory_space<vmem>> -> memref<16x64xf32, #tpu.memory_space<vmem>>
      tpu.wait_dma2 semaphore(%arg11 : memref<!tpu.dma_semaphore, #tpu.memory_space<semaphore_mem>>) src(%dma_wait3A_1229 : memref<16x64xf32, #tpu.memory_space<vmem>>) dst(%dma_wait3A_1226 : memref<16x64xf32, #tpu.memory_space<hbm>>)
      %dma_wait3A_1230 = arith.constant 29 : i32
      %dma_wait3A_1231 = arith.constant 464 : i32
      %dma_wait3A_1232 = arith.constant 0 : i32
      %dma_wait3A_1233 = tpu.memref_slice %arg9[%dma_wait3A_1231, %dma_wait3A_1232] : memref<800x64xf32, #tpu.memory_space<vmem>> -> memref<16x64xf32, #tpu.memory_space<vmem>>
      %dma_wait3A_1234 = arith.constant 0 : i32
      %dma_wait3A_1235 = tpu.memref_slice %arg4[%dma_wait3A_1230, %add3A_19, %dma_wait3A_1234] : memref<50x16384x64xf32, #tpu.memory_space<hbm>> -> memref<1x16x64xf32, #tpu.memory_space<hbm>>
      %dma_wait3A_1236 = tpu.memref_squeeze %dma_wait3A_1235 : memref<1x16x64xf32, #tpu.memory_space<hbm>> -> memref<16x64xf32, #tpu.memory_space<hbm>>
      %dma_wait3A_1237 = arith.constant 0 : i32
      %dma_wait3A_1238 = tpu.memref_slice %arg4[%dma_wait3A_1230, %add3A_19, %dma_wait3A_1237] : memref<50x16384x64xf32, #tpu.memory_space<hbm>> -> memref<1x16x64xf32, #tpu.memory_space<hbm>>
      %dma_wait3A_1239 = tpu.memref_squeeze %dma_wait3A_1238 : memref<1x16x64xf32, #tpu.memory_space<hbm>> -> memref<16x64xf32, #tpu.memory_space<hbm>>
      %dma_wait3A_1240 = arith.constant 464 : i32
      %dma_wait3A_1241 = arith.constant 0 : i32
      %dma_wait3A_1242 = tpu.memref_slice %arg9[%dma_wait3A_1240, %dma_wait3A_1241] : memref<800x64xf32, #tpu.memory_space<vmem>> -> memref<16x64xf32, #tpu.memory_space<vmem>>
      tpu.wait_dma2 semaphore(%arg11 : memref<!tpu.dma_semaphore, #tpu.memory_space<semaphore_mem>>) src(%dma_wait3A_1242 : memref<16x64xf32, #tpu.memory_space<vmem>>) dst(%dma_wait3A_1239 : memref<16x64xf32, #tpu.memory_space<hbm>>)
      %dma_wait3A_1243 = arith.constant 30 : i32
      %dma_wait3A_1244 = arith.constant 480 : i32
      %dma_wait3A_1245 = arith.constant 0 : i32
      %dma_wait3A_1246 = tpu.memref_slice %arg9[%dma_wait3A_1244, %dma_wait3A_1245] : memref<800x64xf32, #tpu.memory_space<vmem>> -> memref<16x64xf32, #tpu.memory_space<vmem>>
      %dma_wait3A_1247 = arith.constant 0 : i32
      %dma_wait3A_1248 = tpu.memref_slice %arg4[%dma_wait3A_1243, %add3A_19, %dma_wait3A_1247] : memref<50x16384x64xf32, #tpu.memory_space<hbm>> -> memref<1x16x64xf32, #tpu.memory_space<hbm>>
      %dma_wait3A_1249 = tpu.memref_squeeze %dma_wait3A_1248 : memref<1x16x64xf32, #tpu.memory_space<hbm>> -> memref<16x64xf32, #tpu.memory_space<hbm>>
      %dma_wait3A_1250 = arith.constant 0 : i32
      %dma_wait3A_1251 = tpu.memref_slice %arg4[%dma_wait3A_1243, %add3A_19, %dma_wait3A_1250] : memref<50x16384x64xf32, #tpu.memory_space<hbm>> -> memref<1x16x64xf32, #tpu.memory_space<hbm>>
      %dma_wait3A_1252 = tpu.memref_squeeze %dma_wait3A_1251 : memref<1x16x64xf32, #tpu.memory_space<hbm>> -> memref<16x64xf32, #tpu.memory_space<hbm>>
      %dma_wait3A_1253 = arith.constant 480 : i32
      %dma_wait3A_1254 = arith.constant 0 : i32
      %dma_wait3A_1255 = tpu.memref_slice %arg9[%dma_wait3A_1253, %dma_wait3A_1254] : memref<800x64xf32, #tpu.memory_space<vmem>> -> memref<16x64xf32, #tpu.memory_space<vmem>>
      tpu.wait_dma2 semaphore(%arg11 : memref<!tpu.dma_semaphore, #tpu.memory_space<semaphore_mem>>) src(%dma_wait3A_1255 : memref<16x64xf32, #tpu.memory_space<vmem>>) dst(%dma_wait3A_1252 : memref<16x64xf32, #tpu.memory_space<hbm>>)
      %dma_wait3A_1256 = arith.constant 31 : i32
      %dma_wait3A_1257 = arith.constant 496 : i32
      %dma_wait3A_1258 = arith.constant 0 : i32
      %dma_wait3A_1259 = tpu.memref_slice %arg9[%dma_wait3A_1257, %dma_wait3A_1258] : memref<800x64xf32, #tpu.memory_space<vmem>> -> memref<16x64xf32, #tpu.memory_space<vmem>>
      %dma_wait3A_1260 = arith.constant 0 : i32
      %dma_wait3A_1261 = tpu.memref_slice %arg4[%dma_wait3A_1256, %add3A_19, %dma_wait3A_1260] : memref<50x16384x64xf32, #tpu.memory_space<hbm>> -> memref<1x16x64xf32, #tpu.memory_space<hbm>>
      %dma_wait3A_1262 = tpu.memref_squeeze %dma_wait3A_1261 : memref<1x16x64xf32, #tpu.memory_space<hbm>> -> memref<16x64xf32, #tpu.memory_space<hbm>>
      %dma_wait3A_1263 = arith.constant 0 : i32
      %dma_wait3A_1264 = tpu.memref_slice %arg4[%dma_wait3A_1256, %add3A_19, %dma_wait3A_1263] : memref<50x16384x64xf32, #tpu.memory_space<hbm>> -> memref<1x16x64xf32, #tpu.memory_space<hbm>>
      %dma_wait3A_1265 = tpu.memref_squeeze %dma_wait3A_1264 : memref<1x16x64xf32, #tpu.memory_space<hbm>> -> memref<16x64xf32, #tpu.memory_space<hbm>>
      %dma_wait3A_1266 = arith.constant 496 : i32
      %dma_wait3A_1267 = arith.constant 0 : i32
      %dma_wait3A_1268 = tpu.memref_slice %arg9[%dma_wait3A_1266, %dma_wait3A_1267] : memref<800x64xf32, #tpu.memory_space<vmem>> -> memref<16x64xf32, #tpu.memory_space<vmem>>
      tpu.wait_dma2 semaphore(%arg11 : memref<!tpu.dma_semaphore, #tpu.memory_space<semaphore_mem>>) src(%dma_wait3A_1268 : memref<16x64xf32, #tpu.memory_space<vmem>>) dst(%dma_wait3A_1265 : memref<16x64xf32, #tpu.memory_space<hbm>>)
      %dma_wait3A_1269 = arith.constant 32 : i32
      %dma_wait3A_1270 = arith.constant 512 : i32
      %dma_wait3A_1271 = arith.constant 0 : i32
      %dma_wait3A_1272 = tpu.memref_slice %arg9[%dma_wait3A_1270, %dma_wait3A_1271] : memref<800x64xf32, #tpu.memory_space<vmem>> -> memref<16x64xf32, #tpu.memory_space<vmem>>
      %dma_wait3A_1273 = arith.constant 0 : i32
      %dma_wait3A_1274 = tpu.memref_slice %arg4[%dma_wait3A_1269, %add3A_19, %dma_wait3A_1273] : memref<50x16384x64xf32, #tpu.memory_space<hbm>> -> memref<1x16x64xf32, #tpu.memory_space<hbm>>
      %dma_wait3A_1275 = tpu.memref_squeeze %dma_wait3A_1274 : memref<1x16x64xf32, #tpu.memory_space<hbm>> -> memref<16x64xf32, #tpu.memory_space<hbm>>
      %dma_wait3A_1276 = arith.constant 0 : i32
      %dma_wait3A_1277 = tpu.memref_slice %arg4[%dma_wait3A_1269, %add3A_19, %dma_wait3A_1276] : memref<50x16384x64xf32, #tpu.memory_space<hbm>> -> memref<1x16x64xf32, #tpu.memory_space<hbm>>
      %dma_wait3A_1278 = tpu.memref_squeeze %dma_wait3A_1277 : memref<1x16x64xf32, #tpu.memory_space<hbm>> -> memref<16x64xf32, #tpu.memory_space<hbm>>
      %dma_wait3A_1279 = arith.constant 512 : i32
      %dma_wait3A_1280 = arith.constant 0 : i32
      %dma_wait3A_1281 = tpu.memref_slice %arg9[%dma_wait3A_1279, %dma_wait3A_1280] : memref<800x64xf32, #tpu.memory_space<vmem>> -> memref<16x64xf32, #tpu.memory_space<vmem>>
      tpu.wait_dma2 semaphore(%arg11 : memref<!tpu.dma_semaphore, #tpu.memory_space<semaphore_mem>>) src(%dma_wait3A_1281 : memref<16x64xf32, #tpu.memory_space<vmem>>) dst(%dma_wait3A_1278 : memref<16x64xf32, #tpu.memory_space<hbm>>)
      %dma_wait3A_1282 = arith.constant 33 : i32
      %dma_wait3A_1283 = arith.constant 528 : i32
      %dma_wait3A_1284 = arith.constant 0 : i32
      %dma_wait3A_1285 = tpu.memref_slice %arg9[%dma_wait3A_1283, %dma_wait3A_1284] : memref<800x64xf32, #tpu.memory_space<vmem>> -> memref<16x64xf32, #tpu.memory_space<vmem>>
      %dma_wait3A_1286 = arith.constant 0 : i32
      %dma_wait3A_1287 = tpu.memref_slice %arg4[%dma_wait3A_1282, %add3A_19, %dma_wait3A_1286] : memref<50x16384x64xf32, #tpu.memory_space<hbm>> -> memref<1x16x64xf32, #tpu.memory_space<hbm>>
      %dma_wait3A_1288 = tpu.memref_squeeze %dma_wait3A_1287 : memref<1x16x64xf32, #tpu.memory_space<hbm>> -> memref<16x64xf32, #tpu.memory_space<hbm>>
      %dma_wait3A_1289 = arith.constant 0 : i32
      %dma_wait3A_1290 = tpu.memref_slice %arg4[%dma_wait3A_1282, %add3A_19, %dma_wait3A_1289] : memref<50x16384x64xf32, #tpu.memory_space<hbm>> -> memref<1x16x64xf32, #tpu.memory_space<hbm>>
      %dma_wait3A_1291 = tpu.memref_squeeze %dma_wait3A_1290 : memref<1x16x64xf32, #tpu.memory_space<hbm>> -> memref<16x64xf32, #tpu.memory_space<hbm>>
      %dma_wait3A_1292 = arith.constant 528 : i32
      %dma_wait3A_1293 = arith.constant 0 : i32
      %dma_wait3A_1294 = tpu.memref_slice %arg9[%dma_wait3A_1292, %dma_wait3A_1293] : memref<800x64xf32, #tpu.memory_space<vmem>> -> memref<16x64xf32, #tpu.memory_space<vmem>>
      tpu.wait_dma2 semaphore(%arg11 : memref<!tpu.dma_semaphore, #tpu.memory_space<semaphore_mem>>) src(%dma_wait3A_1294 : memref<16x64xf32, #tpu.memory_space<vmem>>) dst(%dma_wait3A_1291 : memref<16x64xf32, #tpu.memory_space<hbm>>)
      %dma_wait3A_1295 = arith.constant 34 : i32
      %dma_wait3A_1296 = arith.constant 544 : i32
      %dma_wait3A_1297 = arith.constant 0 : i32
      %dma_wait3A_1298 = tpu.memref_slice %arg9[%dma_wait3A_1296, %dma_wait3A_1297] : memref<800x64xf32, #tpu.memory_space<vmem>> -> memref<16x64xf32, #tpu.memory_space<vmem>>
      %dma_wait3A_1299 = arith.constant 0 : i32
      %dma_wait3A_1300 = tpu.memref_slice %arg4[%dma_wait3A_1295, %add3A_19, %dma_wait3A_1299] : memref<50x16384x64xf32, #tpu.memory_space<hbm>> -> memref<1x16x64xf32, #tpu.memory_space<hbm>>
      %dma_wait3A_1301 = tpu.memref_squeeze %dma_wait3A_1300 : memref<1x16x64xf32, #tpu.memory_space<hbm>> -> memref<16x64xf32, #tpu.memory_space<hbm>>
      %dma_wait3A_1302 = arith.constant 0 : i32
      %dma_wait3A_1303 = tpu.memref_slice %arg4[%dma_wait3A_1295, %add3A_19, %dma_wait3A_1302] : memref<50x16384x64xf32, #tpu.memory_space<hbm>> -> memref<1x16x64xf32, #tpu.memory_space<hbm>>
      %dma_wait3A_1304 = tpu.memref_squeeze %dma_wait3A_1303 : memref<1x16x64xf32, #tpu.memory_space<hbm>> -> memref<16x64xf32, #tpu.memory_space<hbm>>
      %dma_wait3A_1305 = arith.constant 544 : i32
      %dma_wait3A_1306 = arith.constant 0 : i32
      %dma_wait3A_1307 = tpu.memref_slice %arg9[%dma_wait3A_1305, %dma_wait3A_1306] : memref<800x64xf32, #tpu.memory_space<vmem>> -> memref<16x64xf32, #tpu.memory_space<vmem>>
      tpu.wait_dma2 semaphore(%arg11 : memref<!tpu.dma_semaphore, #tpu.memory_space<semaphore_mem>>) src(%dma_wait3A_1307 : memref<16x64xf32, #tpu.memory_space<vmem>>) dst(%dma_wait3A_1304 : memref<16x64xf32, #tpu.memory_space<hbm>>)
      %dma_wait3A_1308 = arith.constant 35 : i32
      %dma_wait3A_1309 = arith.constant 560 : i32
      %dma_wait3A_1310 = arith.constant 0 : i32
      %dma_wait3A_1311 = tpu.memref_slice %arg9[%dma_wait3A_1309, %dma_wait3A_1310] : memref<800x64xf32, #tpu.memory_space<vmem>> -> memref<16x64xf32, #tpu.memory_space<vmem>>
      %dma_wait3A_1312 = arith.constant 0 : i32
      %dma_wait3A_1313 = tpu.memref_slice %arg4[%dma_wait3A_1308, %add3A_19, %dma_wait3A_1312] : memref<50x16384x64xf32, #tpu.memory_space<hbm>> -> memref<1x16x64xf32, #tpu.memory_space<hbm>>
      %dma_wait3A_1314 = tpu.memref_squeeze %dma_wait3A_1313 : memref<1x16x64xf32, #tpu.memory_space<hbm>> -> memref<16x64xf32, #tpu.memory_space<hbm>>
      %dma_wait3A_1315 = arith.constant 0 : i32
      %dma_wait3A_1316 = tpu.memref_slice %arg4[%dma_wait3A_1308, %add3A_19, %dma_wait3A_1315] : memref<50x16384x64xf32, #tpu.memory_space<hbm>> -> memref<1x16x64xf32, #tpu.memory_space<hbm>>
      %dma_wait3A_1317 = tpu.memref_squeeze %dma_wait3A_1316 : memref<1x16x64xf32, #tpu.memory_space<hbm>> -> memref<16x64xf32, #tpu.memory_space<hbm>>
      %dma_wait3A_1318 = arith.constant 560 : i32
      %dma_wait3A_1319 = arith.constant 0 : i32
      %dma_wait3A_1320 = tpu.memref_slice %arg9[%dma_wait3A_1318, %dma_wait3A_1319] : memref<800x64xf32, #tpu.memory_space<vmem>> -> memref<16x64xf32, #tpu.memory_space<vmem>>
      tpu.wait_dma2 semaphore(%arg11 : memref<!tpu.dma_semaphore, #tpu.memory_space<semaphore_mem>>) src(%dma_wait3A_1320 : memref<16x64xf32, #tpu.memory_space<vmem>>) dst(%dma_wait3A_1317 : memref<16x64xf32, #tpu.memory_space<hbm>>)
      %dma_wait3A_1321 = arith.constant 36 : i32
      %dma_wait3A_1322 = arith.constant 576 : i32
      %dma_wait3A_1323 = arith.constant 0 : i32
      %dma_wait3A_1324 = tpu.memref_slice %arg9[%dma_wait3A_1322, %dma_wait3A_1323] : memref<800x64xf32, #tpu.memory_space<vmem>> -> memref<16x64xf32, #tpu.memory_space<vmem>>
      %dma_wait3A_1325 = arith.constant 0 : i32
      %dma_wait3A_1326 = tpu.memref_slice %arg4[%dma_wait3A_1321, %add3A_19, %dma_wait3A_1325] : memref<50x16384x64xf32, #tpu.memory_space<hbm>> -> memref<1x16x64xf32, #tpu.memory_space<hbm>>
      %dma_wait3A_1327 = tpu.memref_squeeze %dma_wait3A_1326 : memref<1x16x64xf32, #tpu.memory_space<hbm>> -> memref<16x64xf32, #tpu.memory_space<hbm>>
      %dma_wait3A_1328 = arith.constant 0 : i32
      %dma_wait3A_1329 = tpu.memref_slice %arg4[%dma_wait3A_1321, %add3A_19, %dma_wait3A_1328] : memref<50x16384x64xf32, #tpu.memory_space<hbm>> -> memref<1x16x64xf32, #tpu.memory_space<hbm>>
      %dma_wait3A_1330 = tpu.memref_squeeze %dma_wait3A_1329 : memref<1x16x64xf32, #tpu.memory_space<hbm>> -> memref<16x64xf32, #tpu.memory_space<hbm>>
      %dma_wait3A_1331 = arith.constant 576 : i32
      %dma_wait3A_1332 = arith.constant 0 : i32
      %dma_wait3A_1333 = tpu.memref_slice %arg9[%dma_wait3A_1331, %dma_wait3A_1332] : memref<800x64xf32, #tpu.memory_space<vmem>> -> memref<16x64xf32, #tpu.memory_space<vmem>>
      tpu.wait_dma2 semaphore(%arg11 : memref<!tpu.dma_semaphore, #tpu.memory_space<semaphore_mem>>) src(%dma_wait3A_1333 : memref<16x64xf32, #tpu.memory_space<vmem>>) dst(%dma_wait3A_1330 : memref<16x64xf32, #tpu.memory_space<hbm>>)
      %dma_wait3A_1334 = arith.constant 37 : i32
      %dma_wait3A_1335 = arith.constant 592 : i32
      %dma_wait3A_1336 = arith.constant 0 : i32
      %dma_wait3A_1337 = tpu.memref_slice %arg9[%dma_wait3A_1335, %dma_wait3A_1336] : memref<800x64xf32, #tpu.memory_space<vmem>> -> memref<16x64xf32, #tpu.memory_space<vmem>>
      %dma_wait3A_1338 = arith.constant 0 : i32
      %dma_wait3A_1339 = tpu.memref_slice %arg4[%dma_wait3A_1334, %add3A_19, %dma_wait3A_1338] : memref<50x16384x64xf32, #tpu.memory_space<hbm>> -> memref<1x16x64xf32, #tpu.memory_space<hbm>>
      %dma_wait3A_1340 = tpu.memref_squeeze %dma_wait3A_1339 : memref<1x16x64xf32, #tpu.memory_space<hbm>> -> memref<16x64xf32, #tpu.memory_space<hbm>>
      %dma_wait3A_1341 = arith.constant 0 : i32
      %dma_wait3A_1342 = tpu.memref_slice %arg4[%dma_wait3A_1334, %add3A_19, %dma_wait3A_1341] : memref<50x16384x64xf32, #tpu.memory_space<hbm>> -> memref<1x16x64xf32, #tpu.memory_space<hbm>>
      %dma_wait3A_1343 = tpu.memref_squeeze %dma_wait3A_1342 : memref<1x16x64xf32, #tpu.memory_space<hbm>> -> memref<16x64xf32, #tpu.memory_space<hbm>>
      %dma_wait3A_1344 = arith.constant 592 : i32
      %dma_wait3A_1345 = arith.constant 0 : i32
      %dma_wait3A_1346 = tpu.memref_slice %arg9[%dma_wait3A_1344, %dma_wait3A_1345] : memref<800x64xf32, #tpu.memory_space<vmem>> -> memref<16x64xf32, #tpu.memory_space<vmem>>
      tpu.wait_dma2 semaphore(%arg11 : memref<!tpu.dma_semaphore, #tpu.memory_space<semaphore_mem>>) src(%dma_wait3A_1346 : memref<16x64xf32, #tpu.memory_space<vmem>>) dst(%dma_wait3A_1343 : memref<16x64xf32, #tpu.memory_space<hbm>>)
      %dma_wait3A_1347 = arith.constant 38 : i32
      %dma_wait3A_1348 = arith.constant 608 : i32
      %dma_wait3A_1349 = arith.constant 0 : i32
      %dma_wait3A_1350 = tpu.memref_slice %arg9[%dma_wait3A_1348, %dma_wait3A_1349] : memref<800x64xf32, #tpu.memory_space<vmem>> -> memref<16x64xf32, #tpu.memory_space<vmem>>
      %dma_wait3A_1351 = arith.constant 0 : i32
      %dma_wait3A_1352 = tpu.memref_slice %arg4[%dma_wait3A_1347, %add3A_19, %dma_wait3A_1351] : memref<50x16384x64xf32, #tpu.memory_space<hbm>> -> memref<1x16x64xf32, #tpu.memory_space<hbm>>
      %dma_wait3A_1353 = tpu.memref_squeeze %dma_wait3A_1352 : memref<1x16x64xf32, #tpu.memory_space<hbm>> -> memref<16x64xf32, #tpu.memory_space<hbm>>
      %dma_wait3A_1354 = arith.constant 0 : i32
      %dma_wait3A_1355 = tpu.memref_slice %arg4[%dma_wait3A_1347, %add3A_19, %dma_wait3A_1354] : memref<50x16384x64xf32, #tpu.memory_space<hbm>> -> memref<1x16x64xf32, #tpu.memory_space<hbm>>
      %dma_wait3A_1356 = tpu.memref_squeeze %dma_wait3A_1355 : memref<1x16x64xf32, #tpu.memory_space<hbm>> -> memref<16x64xf32, #tpu.memory_space<hbm>>
      %dma_wait3A_1357 = arith.constant 608 : i32
      %dma_wait3A_1358 = arith.constant 0 : i32
      %dma_wait3A_1359 = tpu.memref_slice %arg9[%dma_wait3A_1357, %dma_wait3A_1358] : memref<800x64xf32, #tpu.memory_space<vmem>> -> memref<16x64xf32, #tpu.memory_space<vmem>>
      tpu.wait_dma2 semaphore(%arg11 : memref<!tpu.dma_semaphore, #tpu.memory_space<semaphore_mem>>) src(%dma_wait3A_1359 : memref<16x64xf32, #tpu.memory_space<vmem>>) dst(%dma_wait3A_1356 : memref<16x64xf32, #tpu.memory_space<hbm>>)
      %dma_wait3A_1360 = arith.constant 39 : i32
      %dma_wait3A_1361 = arith.constant 624 : i32
      %dma_wait3A_1362 = arith.constant 0 : i32
      %dma_wait3A_1363 = tpu.memref_slice %arg9[%dma_wait3A_1361, %dma_wait3A_1362] : memref<800x64xf32, #tpu.memory_space<vmem>> -> memref<16x64xf32, #tpu.memory_space<vmem>>
      %dma_wait3A_1364 = arith.constant 0 : i32
      %dma_wait3A_1365 = tpu.memref_slice %arg4[%dma_wait3A_1360, %add3A_19, %dma_wait3A_1364] : memref<50x16384x64xf32, #tpu.memory_space<hbm>> -> memref<1x16x64xf32, #tpu.memory_space<hbm>>
      %dma_wait3A_1366 = tpu.memref_squeeze %dma_wait3A_1365 : memref<1x16x64xf32, #tpu.memory_space<hbm>> -> memref<16x64xf32, #tpu.memory_space<hbm>>
      %dma_wait3A_1367 = arith.constant 0 : i32
      %dma_wait3A_1368 = tpu.memref_slice %arg4[%dma_wait3A_1360, %add3A_19, %dma_wait3A_1367] : memref<50x16384x64xf32, #tpu.memory_space<hbm>> -> memref<1x16x64xf32, #tpu.memory_space<hbm>>
      %dma_wait3A_1369 = tpu.memref_squeeze %dma_wait3A_1368 : memref<1x16x64xf32, #tpu.memory_space<hbm>> -> memref<16x64xf32, #tpu.memory_space<hbm>>
      %dma_wait3A_1370 = arith.constant 624 : i32
      %dma_wait3A_1371 = arith.constant 0 : i32
      %dma_wait3A_1372 = tpu.memref_slice %arg9[%dma_wait3A_1370, %dma_wait3A_1371] : memref<800x64xf32, #tpu.memory_space<vmem>> -> memref<16x64xf32, #tpu.memory_space<vmem>>
      tpu.wait_dma2 semaphore(%arg11 : memref<!tpu.dma_semaphore, #tpu.memory_space<semaphore_mem>>) src(%dma_wait3A_1372 : memref<16x64xf32, #tpu.memory_space<vmem>>) dst(%dma_wait3A_1369 : memref<16x64xf32, #tpu.memory_space<hbm>>)
      %dma_wait3A_1373 = arith.constant 40 : i32
      %dma_wait3A_1374 = arith.constant 640 : i32
      %dma_wait3A_1375 = arith.constant 0 : i32
      %dma_wait3A_1376 = tpu.memref_slice %arg9[%dma_wait3A_1374, %dma_wait3A_1375] : memref<800x64xf32, #tpu.memory_space<vmem>> -> memref<16x64xf32, #tpu.memory_space<vmem>>
      %dma_wait3A_1377 = arith.constant 0 : i32
      %dma_wait3A_1378 = tpu.memref_slice %arg4[%dma_wait3A_1373, %add3A_19, %dma_wait3A_1377] : memref<50x16384x64xf32, #tpu.memory_space<hbm>> -> memref<1x16x64xf32, #tpu.memory_space<hbm>>
      %dma_wait3A_1379 = tpu.memref_squeeze %dma_wait3A_1378 : memref<1x16x64xf32, #tpu.memory_space<hbm>> -> memref<16x64xf32, #tpu.memory_space<hbm>>
      %dma_wait3A_1380 = arith.constant 0 : i32
      %dma_wait3A_1381 = tpu.memref_slice %arg4[%dma_wait3A_1373, %add3A_19, %dma_wait3A_1380] : memref<50x16384x64xf32, #tpu.memory_space<hbm>> -> memref<1x16x64xf32, #tpu.memory_space<hbm>>
      %dma_wait3A_1382 = tpu.memref_squeeze %dma_wait3A_1381 : memref<1x16x64xf32, #tpu.memory_space<hbm>> -> memref<16x64xf32, #tpu.memory_space<hbm>>
      %dma_wait3A_1383 = arith.constant 640 : i32
      %dma_wait3A_1384 = arith.constant 0 : i32
      %dma_wait3A_1385 = tpu.memref_slice %arg9[%dma_wait3A_1383, %dma_wait3A_1384] : memref<800x64xf32, #tpu.memory_space<vmem>> -> memref<16x64xf32, #tpu.memory_space<vmem>>
      tpu.wait_dma2 semaphore(%arg11 : memref<!tpu.dma_semaphore, #tpu.memory_space<semaphore_mem>>) src(%dma_wait3A_1385 : memref<16x64xf32, #tpu.memory_space<vmem>>) dst(%dma_wait3A_1382 : memref<16x64xf32, #tpu.memory_space<hbm>>)
      %dma_wait3A_1386 = arith.constant 41 : i32
      %dma_wait3A_1387 = arith.constant 656 : i32
      %dma_wait3A_1388 = arith.constant 0 : i32
      %dma_wait3A_1389 = tpu.memref_slice %arg9[%dma_wait3A_1387, %dma_wait3A_1388] : memref<800x64xf32, #tpu.memory_space<vmem>> -> memref<16x64xf32, #tpu.memory_space<vmem>>
      %dma_wait3A_1390 = arith.constant 0 : i32
      %dma_wait3A_1391 = tpu.memref_slice %arg4[%dma_wait3A_1386, %add3A_19, %dma_wait3A_1390] : memref<50x16384x64xf32, #tpu.memory_space<hbm>> -> memref<1x16x64xf32, #tpu.memory_space<hbm>>
      %dma_wait3A_1392 = tpu.memref_squeeze %dma_wait3A_1391 : memref<1x16x64xf32, #tpu.memory_space<hbm>> -> memref<16x64xf32, #tpu.memory_space<hbm>>
      %dma_wait3A_1393 = arith.constant 0 : i32
      %dma_wait3A_1394 = tpu.memref_slice %arg4[%dma_wait3A_1386, %add3A_19, %dma_wait3A_1393] : memref<50x16384x64xf32, #tpu.memory_space<hbm>> -> memref<1x16x64xf32, #tpu.memory_space<hbm>>
      %dma_wait3A_1395 = tpu.memref_squeeze %dma_wait3A_1394 : memref<1x16x64xf32, #tpu.memory_space<hbm>> -> memref<16x64xf32, #tpu.memory_space<hbm>>
      %dma_wait3A_1396 = arith.constant 656 : i32
      %dma_wait3A_1397 = arith.constant 0 : i32
      %dma_wait3A_1398 = tpu.memref_slice %arg9[%dma_wait3A_1396, %dma_wait3A_1397] : memref<800x64xf32, #tpu.memory_space<vmem>> -> memref<16x64xf32, #tpu.memory_space<vmem>>
      tpu.wait_dma2 semaphore(%arg11 : memref<!tpu.dma_semaphore, #tpu.memory_space<semaphore_mem>>) src(%dma_wait3A_1398 : memref<16x64xf32, #tpu.memory_space<vmem>>) dst(%dma_wait3A_1395 : memref<16x64xf32, #tpu.memory_space<hbm>>)
      %dma_wait3A_1399 = arith.constant 42 : i32
      %dma_wait3A_1400 = arith.constant 672 : i32
      %dma_wait3A_1401 = arith.constant 0 : i32
      %dma_wait3A_1402 = tpu.memref_slice %arg9[%dma_wait3A_1400, %dma_wait3A_1401] : memref<800x64xf32, #tpu.memory_space<vmem>> -> memref<16x64xf32, #tpu.memory_space<vmem>>
      %dma_wait3A_1403 = arith.constant 0 : i32
      %dma_wait3A_1404 = tpu.memref_slice %arg4[%dma_wait3A_1399, %add3A_19, %dma_wait3A_1403] : memref<50x16384x64xf32, #tpu.memory_space<hbm>> -> memref<1x16x64xf32, #tpu.memory_space<hbm>>
      %dma_wait3A_1405 = tpu.memref_squeeze %dma_wait3A_1404 : memref<1x16x64xf32, #tpu.memory_space<hbm>> -> memref<16x64xf32, #tpu.memory_space<hbm>>
      %dma_wait3A_1406 = arith.constant 0 : i32
      %dma_wait3A_1407 = tpu.memref_slice %arg4[%dma_wait3A_1399, %add3A_19, %dma_wait3A_1406] : memref<50x16384x64xf32, #tpu.memory_space<hbm>> -> memref<1x16x64xf32, #tpu.memory_space<hbm>>
      %dma_wait3A_1408 = tpu.memref_squeeze %dma_wait3A_1407 : memref<1x16x64xf32, #tpu.memory_space<hbm>> -> memref<16x64xf32, #tpu.memory_space<hbm>>
      %dma_wait3A_1409 = arith.constant 672 : i32
      %dma_wait3A_1410 = arith.constant 0 : i32
      %dma_wait3A_1411 = tpu.memref_slice %arg9[%dma_wait3A_1409, %dma_wait3A_1410] : memref<800x64xf32, #tpu.memory_space<vmem>> -> memref<16x64xf32, #tpu.memory_space<vmem>>
      tpu.wait_dma2 semaphore(%arg11 : memref<!tpu.dma_semaphore, #tpu.memory_space<semaphore_mem>>) src(%dma_wait3A_1411 : memref<16x64xf32, #tpu.memory_space<vmem>>) dst(%dma_wait3A_1408 : memref<16x64xf32, #tpu.memory_space<hbm>>)
      %dma_wait3A_1412 = arith.constant 43 : i32
      %dma_wait3A_1413 = arith.constant 688 : i32
      %dma_wait3A_1414 = arith.constant 0 : i32
      %dma_wait3A_1415 = tpu.memref_slice %arg9[%dma_wait3A_1413, %dma_wait3A_1414] : memref<800x64xf32, #tpu.memory_space<vmem>> -> memref<16x64xf32, #tpu.memory_space<vmem>>
      %dma_wait3A_1416 = arith.constant 0 : i32
      %dma_wait3A_1417 = tpu.memref_slice %arg4[%dma_wait3A_1412, %add3A_19, %dma_wait3A_1416] : memref<50x16384x64xf32, #tpu.memory_space<hbm>> -> memref<1x16x64xf32, #tpu.memory_space<hbm>>
      %dma_wait3A_1418 = tpu.memref_squeeze %dma_wait3A_1417 : memref<1x16x64xf32, #tpu.memory_space<hbm>> -> memref<16x64xf32, #tpu.memory_space<hbm>>
      %dma_wait3A_1419 = arith.constant 0 : i32
      %dma_wait3A_1420 = tpu.memref_slice %arg4[%dma_wait3A_1412, %add3A_19, %dma_wait3A_1419] : memref<50x16384x64xf32, #tpu.memory_space<hbm>> -> memref<1x16x64xf32, #tpu.memory_space<hbm>>
      %dma_wait3A_1421 = tpu.memref_squeeze %dma_wait3A_1420 : memref<1x16x64xf32, #tpu.memory_space<hbm>> -> memref<16x64xf32, #tpu.memory_space<hbm>>
      %dma_wait3A_1422 = arith.constant 688 : i32
      %dma_wait3A_1423 = arith.constant 0 : i32
      %dma_wait3A_1424 = tpu.memref_slice %arg9[%dma_wait3A_1422, %dma_wait3A_1423] : memref<800x64xf32, #tpu.memory_space<vmem>> -> memref<16x64xf32, #tpu.memory_space<vmem>>
      tpu.wait_dma2 semaphore(%arg11 : memref<!tpu.dma_semaphore, #tpu.memory_space<semaphore_mem>>) src(%dma_wait3A_1424 : memref<16x64xf32, #tpu.memory_space<vmem>>) dst(%dma_wait3A_1421 : memref<16x64xf32, #tpu.memory_space<hbm>>)
      %dma_wait3A_1425 = arith.constant 44 : i32
      %dma_wait3A_1426 = arith.constant 704 : i32
      %dma_wait3A_1427 = arith.constant 0 : i32
      %dma_wait3A_1428 = tpu.memref_slice %arg9[%dma_wait3A_1426, %dma_wait3A_1427] : memref<800x64xf32, #tpu.memory_space<vmem>> -> memref<16x64xf32, #tpu.memory_space<vmem>>
      %dma_wait3A_1429 = arith.constant 0 : i32
      %dma_wait3A_1430 = tpu.memref_slice %arg4[%dma_wait3A_1425, %add3A_19, %dma_wait3A_1429] : memref<50x16384x64xf32, #tpu.memory_space<hbm>> -> memref<1x16x64xf32, #tpu.memory_space<hbm>>
      %dma_wait3A_1431 = tpu.memref_squeeze %dma_wait3A_1430 : memref<1x16x64xf32, #tpu.memory_space<hbm>> -> memref<16x64xf32, #tpu.memory_space<hbm>>
      %dma_wait3A_1432 = arith.constant 0 : i32
      %dma_wait3A_1433 = tpu.memref_slice %arg4[%dma_wait3A_1425, %add3A_19, %dma_wait3A_1432] : memref<50x16384x64xf32, #tpu.memory_space<hbm>> -> memref<1x16x64xf32, #tpu.memory_space<hbm>>
      %dma_wait3A_1434 = tpu.memref_squeeze %dma_wait3A_1433 : memref<1x16x64xf32, #tpu.memory_space<hbm>> -> memref<16x64xf32, #tpu.memory_space<hbm>>
      %dma_wait3A_1435 = arith.constant 704 : i32
      %dma_wait3A_1436 = arith.constant 0 : i32
      %dma_wait3A_1437 = tpu.memref_slice %arg9[%dma_wait3A_1435, %dma_wait3A_1436] : memref<800x64xf32, #tpu.memory_space<vmem>> -> memref<16x64xf32, #tpu.memory_space<vmem>>
      tpu.wait_dma2 semaphore(%arg11 : memref<!tpu.dma_semaphore, #tpu.memory_space<semaphore_mem>>) src(%dma_wait3A_1437 : memref<16x64xf32, #tpu.memory_space<vmem>>) dst(%dma_wait3A_1434 : memref<16x64xf32, #tpu.memory_space<hbm>>)
      %dma_wait3A_1438 = arith.constant 45 : i32
      %dma_wait3A_1439 = arith.constant 720 : i32
      %dma_wait3A_1440 = arith.constant 0 : i32
      %dma_wait3A_1441 = tpu.memref_slice %arg9[%dma_wait3A_1439, %dma_wait3A_1440] : memref<800x64xf32, #tpu.memory_space<vmem>> -> memref<16x64xf32, #tpu.memory_space<vmem>>
      %dma_wait3A_1442 = arith.constant 0 : i32
      %dma_wait3A_1443 = tpu.memref_slice %arg4[%dma_wait3A_1438, %add3A_19, %dma_wait3A_1442] : memref<50x16384x64xf32, #tpu.memory_space<hbm>> -> memref<1x16x64xf32, #tpu.memory_space<hbm>>
      %dma_wait3A_1444 = tpu.memref_squeeze %dma_wait3A_1443 : memref<1x16x64xf32, #tpu.memory_space<hbm>> -> memref<16x64xf32, #tpu.memory_space<hbm>>
      %dma_wait3A_1445 = arith.constant 0 : i32
      %dma_wait3A_1446 = tpu.memref_slice %arg4[%dma_wait3A_1438, %add3A_19, %dma_wait3A_1445] : memref<50x16384x64xf32, #tpu.memory_space<hbm>> -> memref<1x16x64xf32, #tpu.memory_space<hbm>>
      %dma_wait3A_1447 = tpu.memref_squeeze %dma_wait3A_1446 : memref<1x16x64xf32, #tpu.memory_space<hbm>> -> memref<16x64xf32, #tpu.memory_space<hbm>>
      %dma_wait3A_1448 = arith.constant 720 : i32
      %dma_wait3A_1449 = arith.constant 0 : i32
      %dma_wait3A_1450 = tpu.memref_slice %arg9[%dma_wait3A_1448, %dma_wait3A_1449] : memref<800x64xf32, #tpu.memory_space<vmem>> -> memref<16x64xf32, #tpu.memory_space<vmem>>
      tpu.wait_dma2 semaphore(%arg11 : memref<!tpu.dma_semaphore, #tpu.memory_space<semaphore_mem>>) src(%dma_wait3A_1450 : memref<16x64xf32, #tpu.memory_space<vmem>>) dst(%dma_wait3A_1447 : memref<16x64xf32, #tpu.memory_space<hbm>>)
      %dma_wait3A_1451 = arith.constant 46 : i32
      %dma_wait3A_1452 = arith.constant 736 : i32
      %dma_wait3A_1453 = arith.constant 0 : i32
      %dma_wait3A_1454 = tpu.memref_slice %arg9[%dma_wait3A_1452, %dma_wait3A_1453] : memref<800x64xf32, #tpu.memory_space<vmem>> -> memref<16x64xf32, #tpu.memory_space<vmem>>
      %dma_wait3A_1455 = arith.constant 0 : i32
      %dma_wait3A_1456 = tpu.memref_slice %arg4[%dma_wait3A_1451, %add3A_19, %dma_wait3A_1455] : memref<50x16384x64xf32, #tpu.memory_space<hbm>> -> memref<1x16x64xf32, #tpu.memory_space<hbm>>
      %dma_wait3A_1457 = tpu.memref_squeeze %dma_wait3A_1456 : memref<1x16x64xf32, #tpu.memory_space<hbm>> -> memref<16x64xf32, #tpu.memory_space<hbm>>
      %dma_wait3A_1458 = arith.constant 0 : i32
      %dma_wait3A_1459 = tpu.memref_slice %arg4[%dma_wait3A_1451, %add3A_19, %dma_wait3A_1458] : memref<50x16384x64xf32, #tpu.memory_space<hbm>> -> memref<1x16x64xf32, #tpu.memory_space<hbm>>
      %dma_wait3A_1460 = tpu.memref_squeeze %dma_wait3A_1459 : memref<1x16x64xf32, #tpu.memory_space<hbm>> -> memref<16x64xf32, #tpu.memory_space<hbm>>
      %dma_wait3A_1461 = arith.constant 736 : i32
      %dma_wait3A_1462 = arith.constant 0 : i32
      %dma_wait3A_1463 = tpu.memref_slice %arg9[%dma_wait3A_1461, %dma_wait3A_1462] : memref<800x64xf32, #tpu.memory_space<vmem>> -> memref<16x64xf32, #tpu.memory_space<vmem>>
      tpu.wait_dma2 semaphore(%arg11 : memref<!tpu.dma_semaphore, #tpu.memory_space<semaphore_mem>>) src(%dma_wait3A_1463 : memref<16x64xf32, #tpu.memory_space<vmem>>) dst(%dma_wait3A_1460 : memref<16x64xf32, #tpu.memory_space<hbm>>)
      %dma_wait3A_1464 = arith.constant 47 : i32
      %dma_wait3A_1465 = arith.constant 752 : i32
      %dma_wait3A_1466 = arith.constant 0 : i32
      %dma_wait3A_1467 = tpu.memref_slice %arg9[%dma_wait3A_1465, %dma_wait3A_1466] : memref<800x64xf32, #tpu.memory_space<vmem>> -> memref<16x64xf32, #tpu.memory_space<vmem>>
      %dma_wait3A_1468 = arith.constant 0 : i32
      %dma_wait3A_1469 = tpu.memref_slice %arg4[%dma_wait3A_1464, %add3A_19, %dma_wait3A_1468] : memref<50x16384x64xf32, #tpu.memory_space<hbm>> -> memref<1x16x64xf32, #tpu.memory_space<hbm>>
      %dma_wait3A_1470 = tpu.memref_squeeze %dma_wait3A_1469 : memref<1x16x64xf32, #tpu.memory_space<hbm>> -> memref<16x64xf32, #tpu.memory_space<hbm>>
      %dma_wait3A_1471 = arith.constant 0 : i32
      %dma_wait3A_1472 = tpu.memref_slice %arg4[%dma_wait3A_1464, %add3A_19, %dma_wait3A_1471] : memref<50x16384x64xf32, #tpu.memory_space<hbm>> -> memref<1x16x64xf32, #tpu.memory_space<hbm>>
      %dma_wait3A_1473 = tpu.memref_squeeze %dma_wait3A_1472 : memref<1x16x64xf32, #tpu.memory_space<hbm>> -> memref<16x64xf32, #tpu.memory_space<hbm>>
      %dma_wait3A_1474 = arith.constant 752 : i32
      %dma_wait3A_1475 = arith.constant 0 : i32
      %dma_wait3A_1476 = tpu.memref_slice %arg9[%dma_wait3A_1474, %dma_wait3A_1475] : memref<800x64xf32, #tpu.memory_space<vmem>> -> memref<16x64xf32, #tpu.memory_space<vmem>>
      tpu.wait_dma2 semaphore(%arg11 : memref<!tpu.dma_semaphore, #tpu.memory_space<semaphore_mem>>) src(%dma_wait3A_1476 : memref<16x64xf32, #tpu.memory_space<vmem>>) dst(%dma_wait3A_1473 : memref<16x64xf32, #tpu.memory_space<hbm>>)
      %dma_wait3A_1477 = arith.constant 48 : i32
      %dma_wait3A_1478 = arith.constant 768 : i32
      %dma_wait3A_1479 = arith.constant 0 : i32
      %dma_wait3A_1480 = tpu.memref_slice %arg9[%dma_wait3A_1478, %dma_wait3A_1479] : memref<800x64xf32, #tpu.memory_space<vmem>> -> memref<16x64xf32, #tpu.memory_space<vmem>>
      %dma_wait3A_1481 = arith.constant 0 : i32
      %dma_wait3A_1482 = tpu.memref_slice %arg4[%dma_wait3A_1477, %add3A_19, %dma_wait3A_1481] : memref<50x16384x64xf32, #tpu.memory_space<hbm>> -> memref<1x16x64xf32, #tpu.memory_space<hbm>>
      %dma_wait3A_1483 = tpu.memref_squeeze %dma_wait3A_1482 : memref<1x16x64xf32, #tpu.memory_space<hbm>> -> memref<16x64xf32, #tpu.memory_space<hbm>>
      %dma_wait3A_1484 = arith.constant 0 : i32
      %dma_wait3A_1485 = tpu.memref_slice %arg4[%dma_wait3A_1477, %add3A_19, %dma_wait3A_1484] : memref<50x16384x64xf32, #tpu.memory_space<hbm>> -> memref<1x16x64xf32, #tpu.memory_space<hbm>>
      %dma_wait3A_1486 = tpu.memref_squeeze %dma_wait3A_1485 : memref<1x16x64xf32, #tpu.memory_space<hbm>> -> memref<16x64xf32, #tpu.memory_space<hbm>>
      %dma_wait3A_1487 = arith.constant 768 : i32
      %dma_wait3A_1488 = arith.constant 0 : i32
      %dma_wait3A_1489 = tpu.memref_slice %arg9[%dma_wait3A_1487, %dma_wait3A_1488] : memref<800x64xf32, #tpu.memory_space<vmem>> -> memref<16x64xf32, #tpu.memory_space<vmem>>
      tpu.wait_dma2 semaphore(%arg11 : memref<!tpu.dma_semaphore, #tpu.memory_space<semaphore_mem>>) src(%dma_wait3A_1489 : memref<16x64xf32, #tpu.memory_space<vmem>>) dst(%dma_wait3A_1486 : memref<16x64xf32, #tpu.memory_space<hbm>>)
      %dma_wait3A_1490 = arith.constant 49 : i32
      %dma_wait3A_1491 = arith.constant 784 : i32
      %dma_wait3A_1492 = arith.constant 0 : i32
      %dma_wait3A_1493 = tpu.memref_slice %arg9[%dma_wait3A_1491, %dma_wait3A_1492] : memref<800x64xf32, #tpu.memory_space<vmem>> -> memref<16x64xf32, #tpu.memory_space<vmem>>
      %dma_wait3A_1494 = arith.constant 0 : i32
      %dma_wait3A_1495 = tpu.memref_slice %arg4[%dma_wait3A_1490, %add3A_19, %dma_wait3A_1494] : memref<50x16384x64xf32, #tpu.memory_space<hbm>> -> memref<1x16x64xf32, #tpu.memory_space<hbm>>
      %dma_wait3A_1496 = tpu.memref_squeeze %dma_wait3A_1495 : memref<1x16x64xf32, #tpu.memory_space<hbm>> -> memref<16x64xf32, #tpu.memory_space<hbm>>
      %dma_wait3A_1497 = arith.constant 0 : i32
      %dma_wait3A_1498 = tpu.memref_slice %arg4[%dma_wait3A_1490, %add3A_19, %dma_wait3A_1497] : memref<50x16384x64xf32, #tpu.memory_space<hbm>> -> memref<1x16x64xf32, #tpu.memory_space<hbm>>
      %dma_wait3A_1499 = tpu.memref_squeeze %dma_wait3A_1498 : memref<1x16x64xf32, #tpu.memory_space<hbm>> -> memref<16x64xf32, #tpu.memory_space<hbm>>
      %dma_wait3A_1500 = arith.constant 784 : i32
      %dma_wait3A_1501 = arith.constant 0 : i32
      %dma_wait3A_1502 = tpu.memref_slice %arg9[%dma_wait3A_1500, %dma_wait3A_1501] : memref<800x64xf32, #tpu.memory_space<vmem>> -> memref<16x64xf32, #tpu.memory_space<vmem>>
      tpu.wait_dma2 semaphore(%arg11 : memref<!tpu.dma_semaphore, #tpu.memory_space<semaphore_mem>>) src(%dma_wait3A_1502 : memref<16x64xf32, #tpu.memory_space<vmem>>) dst(%dma_wait3A_1499 : memref<16x64xf32, #tpu.memory_space<hbm>>)
      scf.yield %mul3A_83 : i32
    }
    %scan3A_14 = arith.constant 32 : i32
    return
  }
}

</mosaic_0001>

<sc_bundles>
// kernel: kernel.3.cloned.1.call-start
scs
__scs_entry_jumppad:
0x0: {  	(pc) =	sbr.rel $0x88, $3  }
0x1: {  	(tag) =	ssettag $0x0;
	lr =	simm.s32 $0x1  }
0x2: {  	[smem:$0x3F9F] =	sst lr;
	_ =	strace $0xD0000000  }
0x3: {  	_ = 	snop  }
0x4: {  	_ = 	snop  }
0x5: {  	_ = 	snop  }
0x6: {  	_ = 	snop  }
0x7: {  	_ = 	snop  }
__scs_overlays_trampoline_lowered:
0x8: {  	[smem:$0x3FAE] =	sst s0  }
0x9: {  	[smem:$0x3FAF] =	sst s1  }
0xa: {  	[smem:$0x3FB0] =	sst s2  }
0xb: {  	[smem:$0x3FB1] =	sst s3  }
0xc: {  	[smem:$0x3FB2] =	sst s4  }
0xd: {  	[smem:$0x3FB3] =	sst s5  }
0xe: {  	[smem:$0x3FB4] =	sst s6  }
0xf: {  	[smem:$0x3FB5] =	sst s7  }
0x10: {  	[smem:$0x3FB6] =	sst s8  }
0x11: {  	[smem:$0x3FB7] =	sst s9;
	s0 =	simm.s32 @!p0 $0x0  }
0x12: {  	s1 =	sld [smem:$0x3F9D];
	s0 =	simm.s32 @p0 $0x1  }
0x13: {  	[smem:$0x3FB8] =	sst s0;
	s0 =	simm.s32 @!p1 $0x0  }
0x14: {  	s2 =	sld [smem:$0x3F9C];
	s0 =	simm.s32 @p1 $0x1  }
0x15: {  	[smem:$0x3FB9] =	sst s0;
	s0 =	simm.s32 @!p2 $0x0  }
0x16: {  	s3 =	sld [smem:$0x3FDB];
	s0 =	simm.s32 @p2 $0x1  }
0x17: {  	s4 =	simm.s32 $0x1BF5;
	[smem:$0x3FBB] =	sst s0  }
0x18: {  	s0 =	sld [smem:$0x3F9E];
	_ =	swait.ge [sflag:s4], $0x0  }
0x19: {  	s7 =	sld [smem:$0x3F9F]  }
0x1a: {  	s8 =	sadd.s32 $0xFFFFE003, lr  }
0x1b: {  	s9 =	sadd.s32 $0xFFFFFEF7, lr;
	s5 =	simm.s32 $0xFFFFFFFF;
	p2 =	slt.u32 s8, $0xFFFFF086  }
0x1c: {  	p1 =	slt.u32 s9, $0xF7A;
	s5 =	simm.s32 @!p2 $0x0  }
0x1d: {  	s5 =	simm.s32 @p1 $0x1;
	p0 =	seq.s32 s7, s2  }
0x1e: {  	s7 =	smul.u32 @!p0 $0xF7A, s2;
	p2 =	seq.s32 @!p0 s5, $0x0  }
0x1f: {  	s9 =	smul.u32 $0xF7A, s1;
	s8 =	simm.s32 @!p0 $0x1BF5;
	p2 =	por !p2, p0  }
0x20: {  	[sflag:s8] =	ssyncset.s32 @!p0 $0xFFFFF086;
	s6 =	sadd.s32 @!p0 s3, s7;
	s7 =	simm.s32 @!p0 $0x108  }
0x21: {  	s3 =	sadd.s32 s3, s9;
	s6 =	sadd.s32 @!p0 $0x88, s6;
	s7 =	simm.s32 @p2 $0x1082  }
0x22: {  	[simem:s7], [sflag:s8] =	dma.local @!p0 [hbm:s6], $0xF7A  }
0x23: {  	s9 =	sor.u32 $0xD0000000, s2;
	s6 =	simm.s32 $0x108;
	_ =	swait.ge @!p0 [sflag:s8], $0x0  }
0x24: {  	s3 =	sadd.s32 $0x88, s3;
	s6 =	simm.s32 @!p1 $0x1082;
	[sflag:s4] =	ssyncset.s32 $0xFFFFF086  }
0x25: {  	[simem:s6], [sflag:s4] =	dma.local [hbm:s3], $0xF7A  }
0x26: {  	[smem:$0x3F9F] =	sst s1;
	(tag) =	ssettag s2;
	_ =	strace s9  }
0x27: {  	s1 =	sld [smem:$0x3FAF]  }
0x28: {  	s2 =	sld [smem:$0x3FB0]  }
0x29: {  	s4 =	sld [smem:$0x3FB2]  }
0x2a: {  	p0 =	seq.s32 s5, $0x0;
	s5 =	sld [smem:$0x3FB3]  }
0x2b: {  	s6 =	sld [smem:$0x3FB4]  }
0x2c: {  	s7 =	sld [smem:$0x3FB5]  }
0x2d: {  	s3 =	simm.s32 $0x108;
	s8 =	sld [smem:$0x3FB6]  }
0x2e: {  	s3 =	simm.s32 @!p0 $0x1082;
	s9 =	sld [smem:$0x3FB7]  }
0x2f: {  	lr =	sadd.s32 s0, s3;
	s0 =	sld [smem:$0x3FAE]  }
0x30: {  	s3 =	sld [smem:$0x3FB1]  }
0x31: {  	[smem:$0x3FBA] =	sst s10  }
0x32: {  	s10 =	sld [smem:$0x3FB8];
	_ =	sdelay $0x3  }
0x33: {  	p0 =	seq.s32 s10, $0x1;
	s10 =	sld [smem:$0x3FBA];
	_ =	sdelay $0x3  }
0x34: {  	[smem:$0x3FBA] =	sst s10  }
0x35: {  	s10 =	sld [smem:$0x3FB9];
	_ =	sdelay $0x3  }
0x36: {  	p1 =	seq.s32 s10, $0x1;
	s10 =	sld [smem:$0x3FBA];
	_ =	sdelay $0x3  }
0x37: {  	[smem:$0x3FBA] =	sst s10  }
0x38: {  	s10 =	sld [smem:$0x3FBB]  }
0x39: {  	_ = 	snop;
	(pc) =	sbr.ind lr, $3  }
0x3a: {  	_ = 	snop  }
0x3b: {  	_ = 	snop  }
0x3c: {  	p2 =	seq.s32 s10, $0x1;
	s10 =	sld [smem:$0x3FBA]  }
0x3d: {  	_ =	shalt  }
0x3e: {  	_ =	shalt  }
0x3f: {  	_ =	shalt  }
0x40: {  	_ =	shalt  }
0x41: {  	_ =	shalt  }
0x42: {  	_ =	shalt  }
0x43: {  	_ =	shalt  }
0x44: {  	_ =	shalt  }
0x45: {  	_ =	shalt  }
0x46: {  	_ =	shalt  }
0x47: {  	_ =	shalt  }
0x48: {  	_ =	shalt  }
0x49: {  	_ =	shalt  }
0x4a: {  	_ =	shalt  }
0x4b: {  	_ =	shalt  }
0x4c: {  	_ =	shalt  }
0x4d: {  	_ =	shalt  }
0x4e: {  	_ =	shalt  }
0x4f: {  	_ =	shalt  }
0x50: {  	_ =	shalt  }
0x51: {  	_ =	shalt  }
0x52: {  	_ =	shalt  }
0x53: {  	_ =	shalt  }
0x54: {  	_ =	shalt  }
0x55: {  	_ =	shalt  }
0x56: {  	_ =	shalt  }
0x57: {  	_ =	shalt  }
0x58: {  	_ =	shalt  }
0x59: {  	_ =	shalt  }
0x5a: {  	_ =	shalt  }
0x5b: {  	_ =	shalt  }
0x5c: {  	_ =	shalt  }
0x5d: {  	_ =	shalt  }
0x5e: {  	_ =	shalt  }
0x5f: {  	_ =	shalt  }
0x60: {  	_ =	shalt  }
0x61: {  	_ =	shalt  }
0x62: {  	_ =	shalt  }
0x63: {  	_ =	shalt  }
0x64: {  	_ =	shalt  }
0x65: {  	_ =	shalt  }
0x66: {  	_ =	shalt  }
0x67: {  	_ =	shalt  }
0x68: {  	_ =	shalt  }
0x69: {  	_ =	shalt  }
0x6a: {  	_ =	shalt  }
0x6b: {  	_ =	shalt  }
0x6c: {  	_ =	shalt  }
0x6d: {  	_ =	shalt  }
0x6e: {  	_ =	shalt  }
0x6f: {  	_ =	shalt  }
0x70: {  	_ =	shalt  }
0x71: {  	_ =	shalt  }
0x72: {  	_ =	shalt  }
0x73: {  	_ =	shalt  }
0x74: {  	_ =	shalt  }
0x75: {  	_ =	shalt  }
0x76: {  	_ =	shalt  }
0x77: {  	_ =	shalt  }
0x78: {  	_ =	shalt  }
0x79: {  	_ =	shalt  }
0x7a: {  	_ =	shalt  }
0x7b: {  	_ =	shalt  }
0x7c: {  	_ =	shalt  }
0x7d: {  	_ =	shalt  }
0x7e: {  	_ =	shalt  }
0x7f: {  	_ =	shalt  }
0x80: {  	_ =	shalt  }
0x81: {  	_ =	shalt  }
0x82: {  	_ =	shalt  }
0x83: {  	_ =	shalt  }
0x84: {  	_ =	shalt  }
0x85: {  	_ =	shalt  }
0x86: {  	_ =	shalt  }
0x87: {  	_ =	shalt  }
.Lfunc_end0:
.L_simem_size_0:
called_computation.1_lowered:
.L_overlay_start_0:
0x88: {  	s2 =	sld [smem:$0x3FD9]  }
0x89: {  	s3 =	sld [smem:$0x3FFE];
	_ =	sdelay $0x1  }
0x8a: {  	s1 =	srdreg.scid  }
0x8b: {  	s0 =	sand.u32 $0x1, s1  }
0x8c: {  	s17 =	sshll.u32 s0, $0xA;
	s2 =	sadd.s32 s3, s2  }
0x8d: {  	s2 =	sadd.s32 s2, s17  }
0x8e: {  	[smem:$0x3FC6] =	sst s2  }
0x8f: {  	_ = 	snop  }
0x90: {  	s2 =	sld [smem:$0x3FD0];
	(tm) =	ssettm $0x1  }
0x91: {  	s18 =	sld [smem:$0x3FFB];
	_ =	sdelay $0x3  }
0x92: {  	_ =	strace s18  }
0x93: {  	s3 =	sld [smem:$0x3FFC];
	_ =	sdelay $0x3  }
0x94: {  	_ =	strace s3  }
0x95: {  	s3 =	sld [smem:$0x3FFD];
	_ =	sdelay $0x3  }
0x96: {  	_ =	strace s3  }
0x97: {  	_ =	strace $0x8FFFFFFF  }
0x98: {  	s19 =	sld [smem:$0x3FDB];
	_ =	sdelay $0x1  }
0x99: {  	s4 =	simm.s32 $_scs_section_size  }
0x9a: {  	s5 =	simm.s32 $_size__tile_overlayer_lowered;
	s6 =	simm.s32 $_tile_overlayer_lowered  }
0x9b: {  	s22 =	simm.s32 $0x1BFF;
	s21 =	sshll.u32 s6, $0x1;
	s3 =	sadd.s32 s4, s19  }
0x9c: {  	s7 =	simm.s32 $0x0;
	s20 =	sshll.u32 s5, $0x1;
	s5 =	sadd.s32 s21, s3  }
0x9d: {  	[timem:s7], [sflag:s22] =	dma.local [hbm:s5], s20  }
0x9e: {  	_ =	swait.ge [sflag:s22], s20  }
0x9f: {  	s4 =	ssub.s32 $0x0, s20;
	[sflag:s22] =	ssyncset.done $0x0  }
0xa0: {  	[sflag:s22] =	ssyncadd.s32 s4;
	_ =	sdelay $0x1  }
0xa1: {  	s23 =	simm.s32 $0x1B8B  }
0xa2: {  	_ =	swait.ge [sflag:s23], $0x1  }
0xa3: {  	[sflag:s23] =	ssyncset.done $0x0  }
0xa4: {  	s25 =	simm.s32 $0x1B8E;
	s24 =	sld [smem:$0x3FFE];
	[sflag:s23] =	ssyncadd.s32 $0xFFFFFFFF  }
0xa5: {  	s26 =	simm.s32 $execute0_lowered;
	[smem:$0x3FD2] =	sst s25  }
0xa6: {  	s5 =	sshll.u32 s26, $0x1;
	_ =	strace $0x80000046;
	[dreg:$0x1] =	wrdreg $0xFFFFFFFF  }
0xa7: {  	s28 =	simm.s32 $_size_execute0_lowered;
	s3 =	sadd.s32 s3, s5;
	[dreg:$0x0] =	wrdreg $0x0  }
0xa8: {  	s5 =	sshll.u32 s28, $0x1;
	[dreg:$0x2] =	wrdreg s3  }
0xa9: {  	[dreg:$0x3] =	wrdreg s5  }
0xaa: {  	[dreg:$0x4] =	wrdreg $0xC0  }
0xab: {  	_ =	task [dreg:s7], $0x5FFFF  }
0xac: {  	[dreg:$0x1] =	wrdreg $0xFFFFFFFF  }
0xad: {  	[dreg:$0x0] =	wrdreg $0x60  }
0xae: {  	[dreg:$0x2] =	wrdreg s24  }
0xaf: {  	[dreg:$0x3] =	wrdreg s2  }
0xb0: {  	[dreg:$0x4] =	wrdreg $0x9  }
0xb1: {  	_ =	task.clear_ibuf [dreg:s7], $0x5FFFF;
	_ =	strace $0x90000046  }
0xb2: {  	s29 =	simm.s32 $0x9;
	_ =	strace $0x80000048  }
0xb3: {  	_ =	swait.ge [sflag:s29], $0x1  }
0xb4: {  	[sflag:s29] =	ssyncadd.s32 $0xFFFFFFFF  }
0xb5: {  	_ =	strace $0x90000048  }
0xb6: {  	_ =	sfence  }
0xb7: {  	s30 =	sld [smem:$0x0];
	_ =	sdelay $0x2  }
0xb8: {  	s31 =	sshll.u32 s1, $0xD;
	s1 =	sshrl.u32 s1, $0x2  }
0xb9: {  	s3 =	sand.u32 $0x4000, s31;
	s1 =	sadd.s32 s1, s30  }
0xba: {  	s0 =	sor.u32 s3, s0;
	s1 =	sshll.u32 s1, $0x11  }
0xbb: {  	s0 =	sor.u32 s1, s0  }
0xbc: {  	s0 =	sadd.s32 $0x8F2B, s0  }
0xbd: {  	[sflag:s0] =	ssyncadd.remote.s32 $0x1  }
0xbe: {  	_ =	sfence.sel $0xFFFF  }
0xbf: {  	[dreg:$0x0] =	wrdreg $0xFFFFFFFF;
	(pc) =	sbr.abs _section_cstart, $3  }
0xc0: {  	[dreg:$0x1] =	wrdreg $0xFFFFFFFF  }
0xc1: {  	_ =	task.clear_ibuf [dreg:s7], $0x2FFFF;
	_ =	strace $0x9FFFFFFF  }
0xc2: {  	(tm) =	ssettm $0x7FFFFFFF  }
0xc3: {  	_ =	shalt  }
tec
execute0_lowered:
.L_overlay_start_1:
0x0: {  	(tag) =	ssettag $0x1  }
0x1: {  	s0 =	rddreg [dreg:$0x0]  }
0x2: {  	s7 =	rddreg [dreg:$0x1];
	s2 =	simm.s32 $0x0  }
0x3: {  	[smem:$0x7FF] =	sst s2;
	s3 =	sadd.s32 $0x800, s0  }
0x4: {  	s18 =	sadd.s32 $0x20000, s7;
	_ =	strace $0x80000047;
	[dreg:$0x3] =	wrdreg s3  }
0x5: {  	s19 =	sadd.s32 $0x40000, s7;
	[dreg:$0x5] =	wrdreg s18  }
0x6: {  	s20 =	sadd.s32 $0x60000, s7;
	[dreg:$0x6] =	wrdreg s19  }
0x7: {  	s21 =	sadd.s32 $0x80000, s7;
	[dreg:$0x7] =	wrdreg s20  }
0x8: {  	s22 =	sadd.s32 $0xA0000, s7;
	[dreg:$0x8] =	wrdreg s21  }
0x9: {  	s23 =	sadd.s32 $0xC0000, s7;
	[dreg:$0x9] =	wrdreg s22  }
0xa: {  	s1 =	srdreg.scid;
	s24 =	sadd.s32 $0xE0000, s7;
	[dreg:$0xa] =	wrdreg s23  }
0xb: {  	s5 =	stileid.u32;
	s25 =	sadd.s32 $0x100000, s7;
	[dreg:$0xb] =	wrdreg s24  }
0xc: {  	s29 =	simm.s32 $0x3;
	s26 =	sadd.s32 $0x120000, s7;
	[dreg:$0xc] =	wrdreg s25  }
0xd: {  	s30 =	simm.s32 $0x1;
	s8 =	sadd.s32 $0x1A0000, s7;
	[dreg:$0xd] =	wrdreg s26  }
0xe: {  	s31 =	simm.s32 $0x2;
	s9 =	sadd.s32 $0x1C0000, s7;
	[dreg:$0x11] =	wrdreg s8  }
0xf: {  	s1 =	sand.u32 $0x1, s1;
	s10 =	sadd.s32 $0x1E0000, s7;
	[dreg:$0x12] =	wrdreg s9  }
0x10: {  	s6 =	sshll.u32 s5, $0xA;
	s11 =	sadd.s32 $0x200000, s7;
	[dreg:$0x13] =	wrdreg s10  }
0x11: {  	s5 =	sadd.s32 $0x19800, s0;
	s12 =	sadd.s32 $0x220000, s7;
	[dreg:$0x14] =	wrdreg s11  }
0x12: {  	s13 =	sadd.s32 $0x240000, s7;
	s14 =	sadd.s32 $0x260000, s7;
	[dreg:$0x15] =	wrdreg s12  }
0x13: {  	s15 =	sadd.s32 $0x280000, s7;
	s28 =	sadd.s32 $0x620000, s7;
	[dreg:$0x16] =	wrdreg s13  }
0x14: {  	s16 =	ssub.s32 $0x2, s1;
	s1 =	sshll.u32 s1, $0x9;
	[dreg:$0x18] =	wrdreg s14  }
0x15: {  	s3 =	sadd.s32 $0x140000, s7;
	[dreg:$0x19] =	wrdreg s15;
	s18 =	sadd.s32 $0x2E0000, s7  }
0x16: {  	s19 =	sadd.s32 $0x300000, s7;
	s20 =	sadd.s32 $0x320000, s7;
	[dreg:$0xe] =	wrdreg s3  }
0x17: {  	s21 =	sadd.s32 $0x340000, s7;
	s22 =	sadd.s32 $0x360000, s7;
	[dreg:$0x1c] =	wrdreg s18  }
0x18: {  	s23 =	sadd.s32 $0x380000, s7;
	s24 =	sadd.s32 $0x3A0000, s7;
	[dreg:$0x1d] =	wrdreg s19  }
0x19: {  	s25 =	sadd.s32 $0x3C0000, s7;
	s26 =	sadd.s32 $0x3E0000, s7;
	[dreg:$0x1e] =	wrdreg s20  }
0x1a: {  	s9 =	sadd.s32 $0x400000, s7;
	s10 =	sadd.s32 $0x420000, s7;
	[dreg:$0x1f] =	wrdreg s21  }
0x1b: {  	s11 =	sadd.s32 $0x440000, s7;
	s12 =	sadd.s32 $0x460000, s7;
	[smem:$0x7F9] =	sst s22  }
0x1c: {  	s13 =	sadd.s32 $0x480000, s7;
	s14 =	sadd.s32 $0x4A0000, s7;
	[smem:$0x7FA] =	sst s23  }
0x1d: {  	s15 =	sadd.s32 $0x4C0000, s7;
	s4 =	sshrl.u32 s16, $0x1;
	[smem:$0x7FB] =	sst s24  }
0x1e: {  	s1 =	sor.u32 s1, s6;
	s6 =	sadd.s32 $0x180000, s7;
	[smem:$0x7FC] =	sst s25  }
0x1f: {  	[smem:$0x7FD] =	sst s26;
	s18 =	sadd.s32 $0x520000, s7;
	s19 =	sadd.s32 $0x540000, s7  }
0x20: {  	s20 =	sadd.s32 $0x560000, s7;
	s21 =	sadd.s32 $0x580000, s7;
	s22 =	sadd.s32 $0x5A0000, s7  }
0x21: {  	s23 =	sadd.s32 $0x5C0000, s7;
	s17 =	ssub.s32 s16, s4;
	[dreg:$0x4] =	wrdreg s1  }
.Ltmp0:
0x22: {  	s4 =	sadd.s32 $0x160000, s7;
	[dreg:$0x10] =	wrdreg s6;
	(pc) =	sbr.rel .LBB2_1-.Ltmp0, $4  }
0x23: {  	s24 =	sadd.s32 $0x5E0000, s7;
	s16 =	sadd.s32 $0x2A0000, s7;
	[dreg:$0xf] =	wrdreg s4  }
0x24: {  	s26 =	sadd.s32 $0x600000, s7;
	s0 =	smax.u32 s17, $0x1;
	[dreg:$0x1a] =	wrdreg s16  }
0x25: {  	v0 =	vlaneseq.u32;
	s1 =	simm.s32 $0x0;
	s17 =	sadd.s32 $0x2C0000, s7;
	[dreg:$0x17] =	wrdreg s0  }
0x26: {  	v1 =	vimm.f32 $0.0e+00;
	v3 =	vimm.s32 $0x0;
	v2 =	vmul.u32 $0xFFFFFFFF, v0;
	s16 =	sadd.s32 $0x4E0000, s7;
	[dreg:$0x1b] =	wrdreg s17;
	s17 =	sadd.s32 $0x500000, s7  }
.LBB2_29:
0x27: {  	s1 =	sld [smem:$0x7F8];
	_ =	sdelay $0x2  }
0x28: {  	s0 =	rddreg [dreg:$0x17];
	s1 =	sadd.s32 $0x1, s1  }
0x29: {  	p0 =	sne.s32 s1, s0  }
.Ltmp1:
0x2a: {  	_ = 	snop;
	(pc) =	sbr.rel @!p0 .LBB2_30-.Ltmp1, $1  }
0x2b: {  	_ =	sdelay $0x3  }
.LBB2_1:
0x2c: {  	[smem:$0x7F8] =	sst s1;
	s0 =	simm.s32 $0x0;
	s1 =	simm.s32 $0x400  }
.LBB2_2:
0x2d: {  	p0 =	sne.s32 s1, $0x31C00;
	[tilespmem:s0+$0xEB30] =	vst v1  }
0x2e: {  	[tilespmem:s0+$0xEA40] =	vst v1  }
0x2f: {  	[tilespmem:s0+$0xEA50] =	vst v1  }
0x30: {  	[tilespmem:s0+$0xEA60] =	vst v1  }
0x31: {  	[tilespmem:s0+$0xEA70] =	vst v1  }
0x32: {  	[tilespmem:s0+$0xEA80] =	vst v1  }
0x33: {  	[tilespmem:s0+$0xEA90] =	vst v1  }
0x34: {  	[tilespmem:s0+$0xEAA0] =	vst v1  }
0x35: {  	[tilespmem:s0+$0xEAB0] =	vst v1  }
0x36: {  	[tilespmem:s0+$0xEAC0] =	vst v1  }
0x37: {  	[tilespmem:s0+$0xEAD0] =	vst v1  }
.Ltmp2:
0x38: {  	[tilespmem:s0+$0xEAE0] =	vst v1;
	(pc) =	sbr.rel @p0 .LBB2_2-.Ltmp2, $4  }
0x39: {  	[tilespmem:s0+$0xEAF0] =	vst v1  }
0x3a: {  	[tilespmem:s0+$0xEB00] =	vst v1  }
0x3b: {  	[tilespmem:s0+$0xEB10] =	vst v1  }
0x3c: {  	[tilespmem:s0+$0xEB20] =	vst v1;
	s0 =	sshra.s32 s1, $0x2;
	s1 =	sadd.s32 $0x400, s1  }
0x3d: {  	[tilespmem:s0+$0xEB30] =	vst v1  }
0x3e: {  	[tilespmem:s0+$0xEA40] =	vst v1  }
0x3f: {  	[tilespmem:s0+$0xEA50] =	vst v1  }
0x40: {  	[tilespmem:s0+$0xEA60] =	vst v1  }
0x41: {  	[tilespmem:s0+$0xEA70] =	vst v1  }
0x42: {  	[tilespmem:s0+$0xEA80] =	vst v1  }
0x43: {  	[tilespmem:s0+$0xEA90] =	vst v1  }
0x44: {  	[tilespmem:s0+$0xEAA0] =	vst v1  }
0x45: {  	[tilespmem:s0+$0xEAB0] =	vst v1  }
0x46: {  	[tilespmem:s0+$0xEAC0] =	vst v1  }
0x47: {  	[tilespmem:s0+$0xEAD0] =	vst v1  }
.Ltmp3:
0x48: {  	[tilespmem:s0+$0xEAE0] =	vst v1;
	(pc) =	sbr.rel .LBB2_4-.Ltmp3, $4  }
0x49: {  	[tilespmem:s0+$0xEAF0] =	vst v1  }
0x4a: {  	[tilespmem:s0+$0xEB00] =	vst v1  }
0x4b: {  	[tilespmem:s0+$0xEB10] =	vst v1  }
0x4c: {  	[tilespmem:s0+$0xEB20] =	vst v1;
	s3 =	simm.s32 $0x0;
	s0 =	simm.s32 $0x0  }
.LBB2_28:
0x4d: {  	s1 =	sshll.u32 s25, $0x3;
	s4 =	rddreg [dreg:$0x1]  }
0x4e: {  	s6 =	simm.s32 $0xEA40;
	s8 =	rddreg [dreg:$0x5];
	s4 =	sadd.s32 s4, s1  }
0x4f: {  	[hbm4b:s4+s2] =	stream.linear.scatter [tilespmem:s6], [sflag:$0x2], $0x400, $0x38;
	[tilespmem:$0x1B240] =	vst v63  }
0x50: {  	s6 =	rddreg [dreg:$0x6]  }
0x51: {  	s25 =	simm.s32 $0xEE40;
	s4 =	sadd.s32 s1, s8;
	s8 =	rddreg [dreg:$0x7]  }
0x52: {  	[hbm4b:s4+s2] =	stream.linear.scatter [tilespmem:s25], [sflag:$0x2], $0x400, $0x38;
	[tilespmem:$0x1B240] =	vst v63  }
0x53: {  	s7 =	simm.s32 $0xF240;
	s4 =	sadd.s32 s1, s6;
	s6 =	rddreg [dreg:$0x8]  }
0x54: {  	[hbm4b:s4+s2] =	stream.linear.scatter [tilespmem:s7], [sflag:$0x2], $0x400, $0x38;
	[tilespmem:$0x1B240] =	vst v63  }
0x55: {  	s25 =	simm.s32 $0xF640;
	s4 =	sadd.s32 s1, s8;
	s8 =	rddreg [dreg:$0x9]  }
0x56: {  	[hbm4b:s4+s2] =	stream.linear.scatter [tilespmem:s25], [sflag:$0x2], $0x400, $0x38;
	[tilespmem:$0x1B240] =	vst v63  }
0x57: {  	s7 =	simm.s32 $0xFA40;
	s4 =	sadd.s32 s1, s6;
	s6 =	rddreg [dreg:$0xa]  }
0x58: {  	[hbm4b:s4+s2] =	stream.linear.scatter [tilespmem:s7], [sflag:$0x2], $0x400, $0x38;
	[tilespmem:$0x1B240] =	vst v63  }
0x59: {  	s25 =	simm.s32 $0xFE40;
	s4 =	sadd.s32 s1, s8;
	s8 =	rddreg [dreg:$0xb]  }
0x5a: {  	[hbm4b:s4+s2] =	stream.linear.scatter [tilespmem:s25], [sflag:$0x2], $0x400, $0x38;
	[tilespmem:$0x1B240] =	vst v63  }
0x5b: {  	s7 =	simm.s32 $0x10240;
	s4 =	sadd.s32 s1, s6;
	s6 =	rddreg [dreg:$0xc]  }
0x5c: {  	[hbm4b:s4+s2] =	stream.linear.scatter [tilespmem:s7], [sflag:$0x2], $0x400, $0x38;
	[tilespmem:$0x1B240] =	vst v63  }
0x5d: {  	s25 =	simm.s32 $0x10640;
	s4 =	sadd.s32 s1, s8;
	s8 =	rddreg [dreg:$0xd]  }
0x5e: {  	[hbm4b:s4+s2] =	stream.linear.scatter [tilespmem:s25], [sflag:$0x2], $0x400, $0x38;
	[tilespmem:$0x1B240] =	vst v63  }
0x5f: {  	s7 =	simm.s32 $0x10A40;
	s4 =	sadd.s32 s1, s6;
	s6 =	rddreg [dreg:$0xe]  }
0x60: {  	[hbm4b:s4+s2] =	stream.linear.scatter [tilespmem:s7], [sflag:$0x2], $0x400, $0x38;
	[tilespmem:$0x1B240] =	vst v63  }
0x61: {  	s25 =	simm.s32 $0x10E40;
	s4 =	sadd.s32 s1, s8;
	s8 =	rddreg [dreg:$0xf]  }
0x62: {  	[hbm4b:s4+s2] =	stream.linear.scatter [tilespmem:s25], [sflag:$0x2], $0x400, $0x38;
	[tilespmem:$0x1B240] =	vst v63  }
0x63: {  	s7 =	simm.s32 $0x11240;
	s4 =	sadd.s32 s1, s6;
	s6 =	rddreg [dreg:$0x10]  }
0x64: {  	[hbm4b:s4+s2] =	stream.linear.scatter [tilespmem:s7], [sflag:$0x2], $0x400, $0x38;
	[tilespmem:$0x1B240] =	vst v63  }
0x65: {  	s25 =	simm.s32 $0x11640;
	s4 =	sadd.s32 s1, s8;
	s8 =	rddreg [dreg:$0x11]  }
0x66: {  	[hbm4b:s4+s2] =	stream.linear.scatter [tilespmem:s25], [sflag:$0x2], $0x400, $0x38;
	[tilespmem:$0x1B240] =	vst v63  }
0x67: {  	s7 =	simm.s32 $0x11A40;
	s4 =	sadd.s32 s1, s6;
	s6 =	rddreg [dreg:$0x12]  }
0x68: {  	[hbm4b:s4+s2] =	stream.linear.scatter [tilespmem:s7], [sflag:$0x2], $0x400, $0x38;
	[tilespmem:$0x1B240] =	vst v63  }
0x69: {  	s25 =	simm.s32 $0x11E40;
	s4 =	sadd.s32 s1, s8;
	s8 =	rddreg [dreg:$0x13]  }
0x6a: {  	[hbm4b:s4+s2] =	stream.linear.scatter [tilespmem:s25], [sflag:$0x2], $0x400, $0x38;
	[tilespmem:$0x1B240] =	vst v63  }
0x6b: {  	s7 =	simm.s32 $0x12240;
	s4 =	sadd.s32 s1, s6;
	s6 =	rddreg [dreg:$0x14]  }
0x6c: {  	[hbm4b:s4+s2] =	stream.linear.scatter [tilespmem:s7], [sflag:$0x2], $0x400, $0x38;
	[tilespmem:$0x1B240] =	vst v63  }
0x6d: {  	s25 =	simm.s32 $0x12640;
	s4 =	sadd.s32 s1, s8;
	s8 =	rddreg [dreg:$0x15]  }
0x6e: {  	[hbm4b:s4+s2] =	stream.linear.scatter [tilespmem:s25], [sflag:$0x2], $0x400, $0x38;
	[tilespmem:$0x1B240] =	vst v63  }
0x6f: {  	s7 =	simm.s32 $0x12A40;
	s4 =	sadd.s32 s1, s6;
	s6 =	rddreg [dreg:$0x16]  }
0x70: {  	[hbm4b:s4+s2] =	stream.linear.scatter [tilespmem:s7], [sflag:$0x2], $0x400, $0x38;
	[tilespmem:$0x1B240] =	vst v63  }
0x71: {  	s25 =	simm.s32 $0x12E40;
	s4 =	sadd.s32 s1, s8;
	s8 =	rddreg [dreg:$0x18]  }
0x72: {  	[hbm4b:s4+s2] =	stream.linear.scatter [tilespmem:s25], [sflag:$0x2], $0x400, $0x38;
	[tilespmem:$0x1B240] =	vst v63  }
0x73: {  	s7 =	simm.s32 $0x13240;
	s4 =	sadd.s32 s1, s6;
	s6 =	rddreg [dreg:$0x19]  }
0x74: {  	[hbm4b:s4+s2] =	stream.linear.scatter [tilespmem:s7], [sflag:$0x2], $0x400, $0x38;
	[tilespmem:$0x1B240] =	vst v63  }
0x75: {  	s25 =	simm.s32 $0x13640;
	s4 =	sadd.s32 s1, s8;
	s8 =	rddreg [dreg:$0x1a]  }
0x76: {  	[hbm4b:s4+s2] =	stream.linear.scatter [tilespmem:s25], [sflag:$0x2], $0x400, $0x38;
	[tilespmem:$0x1B240] =	vst v63  }
0x77: {  	s7 =	simm.s32 $0x13A40;
	s4 =	sadd.s32 s1, s6;
	s6 =	rddreg [dreg:$0x1b]  }
0x78: {  	[hbm4b:s4+s2] =	stream.linear.scatter [tilespmem:s7], [sflag:$0x2], $0x400, $0x38;
	[tilespmem:$0x1B240] =	vst v63  }
0x79: {  	s25 =	simm.s32 $0x13E40;
	s4 =	sadd.s32 s1, s8;
	s8 =	rddreg [dreg:$0x1c]  }
0x7a: {  	[hbm4b:s4+s2] =	stream.linear.scatter [tilespmem:s25], [sflag:$0x2], $0x400, $0x38;
	[tilespmem:$0x1B240] =	vst v63  }
0x7b: {  	s7 =	simm.s32 $0x14240;
	s4 =	sadd.s32 s1, s6;
	s6 =	rddreg [dreg:$0x1d]  }
0x7c: {  	[hbm4b:s4+s2] =	stream.linear.scatter [tilespmem:s7], [sflag:$0x2], $0x400, $0x38;
	[tilespmem:$0x1B240] =	vst v63  }
0x7d: {  	s25 =	simm.s32 $0x14640;
	s4 =	sadd.s32 s1, s8;
	s8 =	rddreg [dreg:$0x1e]  }
0x7e: {  	[hbm4b:s4+s2] =	stream.linear.scatter [tilespmem:s25], [sflag:$0x2], $0x400, $0x38;
	[tilespmem:$0x1B240] =	vst v63  }
0x7f: {  	s7 =	simm.s32 $0x14A40;
	s4 =	sadd.s32 s1, s6;
	s6 =	rddreg [dreg:$0x1f]  }
0x80: {  	[hbm4b:s4+s2] =	stream.linear.scatter [tilespmem:s7], [sflag:$0x2], $0x400, $0x38;
	[tilespmem:$0x1B240] =	vst v63  }
0x81: {  	s25 =	simm.s32 $0x14E40;
	s4 =	sadd.s32 s1, s8;
	s8 =	sld [smem:$0x7F9]  }
0x82: {  	[hbm4b:s4+s2] =	stream.linear.scatter [tilespmem:s25], [sflag:$0x2], $0x400, $0x38;
	[tilespmem:$0x1B240] =	vst v63  }
0x83: {  	s7 =	simm.s32 $0x15240;
	s4 =	sadd.s32 s1, s6;
	s6 =	sld [smem:$0x7FA]  }
0x84: {  	[hbm4b:s4+s2] =	stream.linear.scatter [tilespmem:s7], [sflag:$0x2], $0x400, $0x38;
	[tilespmem:$0x1B240] =	vst v63  }
0x85: {  	s25 =	simm.s32 $0x15640;
	s4 =	sadd.s32 s1, s8;
	s8 =	sld [smem:$0x7FB]  }
0x86: {  	[hbm4b:s4+s2] =	stream.linear.scatter [tilespmem:s25], [sflag:$0x2], $0x400, $0x38;
	[tilespmem:$0x1B240] =	vst v63  }
0x87: {  	s7 =	simm.s32 $0x15A40;
	s4 =	sadd.s32 s1, s6;
	s6 =	sld [smem:$0x7FC]  }
0x88: {  	[hbm4b:s4+s2] =	stream.linear.scatter [tilespmem:s7], [sflag:$0x2], $0x400, $0x38;
	[tilespmem:$0x1B240] =	vst v63  }
0x89: {  	s25 =	simm.s32 $0x15E40;
	s4 =	sadd.s32 s1, s8;
	s8 =	sld [smem:$0x7FD]  }
0x8a: {  	[hbm4b:s4+s2] =	stream.linear.scatter [tilespmem:s25], [sflag:$0x2], $0x400, $0x38;
	[tilespmem:$0x1B240] =	vst v63  }
0x8b: {  	s7 =	simm.s32 $0x16240;
	s4 =	sadd.s32 s1, s6  }
0x8c: {  	[hbm4b:s4+s2] =	stream.linear.scatter [tilespmem:s7], [sflag:$0x2], $0x400, $0x38;
	[tilespmem:$0x1B240] =	vst v63  }
0x8d: {  	s25 =	simm.s32 $0x16640;
	s4 =	sadd.s32 s1, s8  }
0x8e: {  	[hbm4b:s4+s2] =	stream.linear.scatter [tilespmem:s25], [sflag:$0x2], $0x400, $0x38;
	[tilespmem:$0x1B240] =	vst v63  }
0x8f: {  	s6 =	sadd.s32 s1, s9;
	s7 =	simm.s32 $0x16A40  }
0x90: {  	[hbm4b:s6+s2] =	stream.linear.scatter [tilespmem:s7], [sflag:$0x2], $0x400, $0x38;
	[tilespmem:$0x1B240] =	vst v63  }
0x91: {  	s8 =	sadd.s32 s1, s10;
	s25 =	simm.s32 $0x16E40  }
0x92: {  	[hbm4b:s8+s2] =	stream.linear.scatter [tilespmem:s25], [sflag:$0x2], $0x400, $0x38;
	[tilespmem:$0x1B240] =	vst v63  }
0x93: {  	s6 =	sadd.s32 s1, s11;
	s7 =	simm.s32 $0x17240  }
0x94: {  	[hbm4b:s6+s2] =	stream.linear.scatter [tilespmem:s7], [sflag:$0x2], $0x400, $0x38;
	[tilespmem:$0x1B240] =	vst v63  }
0x95: {  	s8 =	sadd.s32 s1, s12;
	s25 =	simm.s32 $0x17640  }
0x96: {  	[hbm4b:s8+s2] =	stream.linear.scatter [tilespmem:s25], [sflag:$0x2], $0x400, $0x38;
	[tilespmem:$0x1B240] =	vst v63  }
0x97: {  	s6 =	sadd.s32 s1, s13;
	s7 =	simm.s32 $0x17A40  }
0x98: {  	[hbm4b:s6+s2] =	stream.linear.scatter [tilespmem:s7], [sflag:$0x2], $0x400, $0x38;
	[tilespmem:$0x1B240] =	vst v63  }
0x99: {  	s8 =	sadd.s32 s1, s14;
	s25 =	simm.s32 $0x17E40  }
0x9a: {  	[hbm4b:s8+s2] =	stream.linear.scatter [tilespmem:s25], [sflag:$0x2], $0x400, $0x38;
	[tilespmem:$0x1B240] =	vst v63  }
0x9b: {  	s6 =	sadd.s32 s1, s15;
	s7 =	simm.s32 $0x18240  }
0x9c: {  	[hbm4b:s6+s2] =	stream.linear.scatter [tilespmem:s7], [sflag:$0x2], $0x400, $0x38;
	[tilespmem:$0x1B240] =	vst v63  }
0x9d: {  	s8 =	sadd.s32 s1, s16;
	s25 =	simm.s32 $0x18640  }
0x9e: {  	[hbm4b:s8+s2] =	stream.linear.scatter [tilespmem:s25], [sflag:$0x2], $0x400, $0x38;
	[tilespmem:$0x1B240] =	vst v63  }
0x9f: {  	s6 =	sadd.s32 s1, s17;
	s7 =	simm.s32 $0x18A40  }
0xa0: {  	[hbm4b:s6+s2] =	stream.linear.scatter [tilespmem:s7], [sflag:$0x2], $0x400, $0x38;
	[tilespmem:$0x1B240] =	vst v63  }
0xa1: {  	s8 =	sadd.s32 s1, s18;
	s25 =	simm.s32 $0x18E40  }
0xa2: {  	[hbm4b:s8+s2] =	stream.linear.scatter [tilespmem:s25], [sflag:$0x2], $0x400, $0x38;
	[tilespmem:$0x1B240] =	vst v63  }
0xa3: {  	s6 =	sadd.s32 s1, s19;
	s7 =	simm.s32 $0x19240  }
0xa4: {  	[hbm4b:s6+s2] =	stream.linear.scatter [tilespmem:s7], [sflag:$0x2], $0x400, $0x38;
	[tilespmem:$0x1B240] =	vst v63  }
0xa5: {  	s8 =	sadd.s32 s1, s20;
	s25 =	simm.s32 $0x19640  }
0xa6: {  	[hbm4b:s8+s2] =	stream.linear.scatter [tilespmem:s25], [sflag:$0x2], $0x400, $0x38;
	[tilespmem:$0x1B240] =	vst v63  }
0xa7: {  	s6 =	sadd.s32 s1, s21;
	s7 =	simm.s32 $0x19A40  }
0xa8: {  	[hbm4b:s6+s2] =	stream.linear.scatter [tilespmem:s7], [sflag:$0x2], $0x400, $0x38;
	[tilespmem:$0x1B240] =	vst v63  }
0xa9: {  	s8 =	sadd.s32 s1, s22;
	s25 =	simm.s32 $0x19E40  }
0xaa: {  	[hbm4b:s8+s2] =	stream.linear.scatter [tilespmem:s25], [sflag:$0x2], $0x400, $0x38;
	[tilespmem:$0x1B240] =	vst v63  }
0xab: {  	s6 =	sadd.s32 s1, s23;
	s7 =	simm.s32 $0x1A240  }
0xac: {  	[hbm4b:s6+s2] =	stream.linear.scatter [tilespmem:s7], [sflag:$0x2], $0x400, $0x38;
	[tilespmem:$0x1B240] =	vst v63  }
0xad: {  	s8 =	sadd.s32 s1, s24;
	s25 =	simm.s32 $0x1A640  }
0xae: {  	[hbm4b:s8+s2] =	stream.linear.scatter [tilespmem:s25], [sflag:$0x2], $0x400, $0x38;
	[tilespmem:$0x1B240] =	vst v63  }
0xaf: {  	s7 =	sadd.s32 s1, s26;
	s8 =	simm.s32 $0x1AA40  }
0xb0: {  	[hbm4b:s7+s2] =	stream.linear.scatter [tilespmem:s8], [sflag:$0x2], $0x400, $0x38;
	[tilespmem:$0x1B240] =	vst v63  }
0xb1: {  	s1 =	sadd.s32 s1, s28;
	s25 =	simm.s32 $0x1AE40  }
0xb2: {  	[hbm4b:s1+s2] =	stream.linear.scatter [tilespmem:s25], [sflag:$0x2], $0x400, $0x38;
	[tilespmem:$0x1B240] =	vst v63  }
0xb3: {  	_ =	swait.ge [sflag:s31], $0x400  }
0xb4: {  	[sflag:s31] =	ssyncset.done $0x0  }
0xb5: {  	[sflag:s31] =	ssyncadd.s32 $0xFFFFFC00  }
0xb6: {  	_ =	swait.ge [sflag:s31], $0x400  }
0xb7: {  	[sflag:s31] =	ssyncset.done $0x0  }
0xb8: {  	[sflag:s31] =	ssyncadd.s32 $0xFFFFFC00  }
0xb9: {  	_ =	swait.ge [sflag:s31], $0x400  }
0xba: {  	[sflag:s31] =	ssyncset.done $0x0  }
0xbb: {  	[sflag:s31] =	ssyncadd.s32 $0xFFFFFC00  }
0xbc: {  	_ =	swait.ge [sflag:s31], $0x400  }
0xbd: {  	[sflag:s31] =	ssyncset.done $0x0  }
0xbe: {  	[sflag:s31] =	ssyncadd.s32 $0xFFFFFC00  }
0xbf: {  	_ =	swait.ge [sflag:s31], $0x400  }
0xc0: {  	[sflag:s31] =	ssyncset.done $0x0  }
0xc1: {  	[sflag:s31] =	ssyncadd.s32 $0xFFFFFC00  }
0xc2: {  	_ =	swait.ge [sflag:s31], $0x400  }
0xc3: {  	[sflag:s31] =	ssyncset.done $0x0  }
0xc4: {  	[sflag:s31] =	ssyncadd.s32 $0xFFFFFC00  }
0xc5: {  	_ =	swait.ge [sflag:s31], $0x400  }
0xc6: {  	[sflag:s31] =	ssyncset.done $0x0  }
0xc7: {  	[sflag:s31] =	ssyncadd.s32 $0xFFFFFC00  }
0xc8: {  	_ =	swait.ge [sflag:s31], $0x400  }
0xc9: {  	[sflag:s31] =	ssyncset.done $0x0  }
0xca: {  	[sflag:s31] =	ssyncadd.s32 $0xFFFFFC00  }
0xcb: {  	_ =	swait.ge [sflag:s31], $0x400  }
0xcc: {  	[sflag:s31] =	ssyncset.done $0x0  }
0xcd: {  	[sflag:s31] =	ssyncadd.s32 $0xFFFFFC00  }
0xce: {  	_ =	swait.ge [sflag:s31], $0x400  }
0xcf: {  	[sflag:s31] =	ssyncset.done $0x0  }
0xd0: {  	[sflag:s31] =	ssyncadd.s32 $0xFFFFFC00  }
0xd1: {  	_ =	swait.ge [sflag:s31], $0x400  }
0xd2: {  	[sflag:s31] =	ssyncset.done $0x0  }
0xd3: {  	[sflag:s31] =	ssyncadd.s32 $0xFFFFFC00  }
0xd4: {  	_ =	swait.ge [sflag:s31], $0x400  }
0xd5: {  	[sflag:s31] =	ssyncset.done $0x0  }
0xd6: {  	[sflag:s31] =	ssyncadd.s32 $0xFFFFFC00  }
0xd7: {  	_ =	swait.ge [sflag:s31], $0x400  }
0xd8: {  	[sflag:s31] =	ssyncset.done $0x0  }
0xd9: {  	[sflag:s31] =	ssyncadd.s32 $0xFFFFFC00  }
0xda: {  	_ =	swait.ge [sflag:s31], $0x400  }
0xdb: {  	[sflag:s31] =	ssyncset.done $0x0  }
0xdc: {  	[sflag:s31] =	ssyncadd.s32 $0xFFFFFC00  }
0xdd: {  	_ =	swait.ge [sflag:s31], $0x400  }
0xde: {  	[sflag:s31] =	ssyncset.done $0x0  }
0xdf: {  	[sflag:s31] =	ssyncadd.s32 $0xFFFFFC00  }
0xe0: {  	_ =	swait.ge [sflag:s31], $0x400  }
0xe1: {  	[sflag:s31] =	ssyncset.done $0x0  }
0xe2: {  	[sflag:s31] =	ssyncadd.s32 $0xFFFFFC00  }
0xe3: {  	_ =	swait.ge [sflag:s31], $0x400  }
0xe4: {  	[sflag:s31] =	ssyncset.done $0x0  }
0xe5: {  	[sflag:s31] =	ssyncadd.s32 $0xFFFFFC00  }
0xe6: {  	_ =	swait.ge [sflag:s31], $0x400  }
0xe7: {  	[sflag:s31] =	ssyncset.done $0x0  }
0xe8: {  	[sflag:s31] =	ssyncadd.s32 $0xFFFFFC00  }
0xe9: {  	_ =	swait.ge [sflag:s31], $0x400  }
0xea: {  	[sflag:s31] =	ssyncset.done $0x0  }
0xeb: {  	[sflag:s31] =	ssyncadd.s32 $0xFFFFFC00  }
0xec: {  	_ =	swait.ge [sflag:s31], $0x400  }
0xed: {  	[sflag:s31] =	ssyncset.done $0x0  }
0xee: {  	[sflag:s31] =	ssyncadd.s32 $0xFFFFFC00  }
0xef: {  	_ =	swait.ge [sflag:s31], $0x400  }
0xf0: {  	[sflag:s31] =	ssyncset.done $0x0  }
0xf1: {  	[sflag:s31] =	ssyncadd.s32 $0xFFFFFC00  }
0xf2: {  	_ =	swait.ge [sflag:s31], $0x400  }
0xf3: {  	[sflag:s31] =	ssyncset.done $0x0  }
0xf4: {  	[sflag:s31] =	ssyncadd.s32 $0xFFFFFC00  }
0xf5: {  	_ =	swait.ge [sflag:s31], $0x400  }
0xf6: {  	[sflag:s31] =	ssyncset.done $0x0  }
0xf7: {  	[sflag:s31] =	ssyncadd.s32 $0xFFFFFC00  }
0xf8: {  	_ =	swait.ge [sflag:s31], $0x400  }
0xf9: {  	[sflag:s31] =	ssyncset.done $0x0  }
0xfa: {  	[sflag:s31] =	ssyncadd.s32 $0xFFFFFC00  }
0xfb: {  	_ =	swait.ge [sflag:s31], $0x400  }
0xfc: {  	[sflag:s31] =	ssyncset.done $0x0  }
0xfd: {  	[sflag:s31] =	ssyncadd.s32 $0xFFFFFC00  }
0xfe: {  	_ =	swait.ge [sflag:s31], $0x400  }
0xff: {  	[sflag:s31] =	ssyncset.done $0x0  }
0x100: {  	[sflag:s31] =	ssyncadd.s32 $0xFFFFFC00  }
0x101: {  	_ =	swait.ge [sflag:s31], $0x400  }
0x102: {  	[sflag:s31] =	ssyncset.done $0x0  }
0x103: {  	[sflag:s31] =	ssyncadd.s32 $0xFFFFFC00  }
0x104: {  	_ =	swait.ge [sflag:s31], $0x400  }
0x105: {  	[sflag:s31] =	ssyncset.done $0x0  }
0x106: {  	[sflag:s31] =	ssyncadd.s32 $0xFFFFFC00  }
0x107: {  	_ =	swait.ge [sflag:s31], $0x400  }
0x108: {  	[sflag:s31] =	ssyncset.done $0x0  }
0x109: {  	[sflag:s31] =	ssyncadd.s32 $0xFFFFFC00  }
0x10a: {  	_ =	swait.ge [sflag:s31], $0x400  }
0x10b: {  	[sflag:s31] =	ssyncset.done $0x0  }
0x10c: {  	[sflag:s31] =	ssyncadd.s32 $0xFFFFFC00  }
0x10d: {  	_ =	swait.ge [sflag:s31], $0x400  }
0x10e: {  	[sflag:s31] =	ssyncset.done $0x0  }
0x10f: {  	[sflag:s31] =	ssyncadd.s32 $0xFFFFFC00  }
0x110: {  	_ =	swait.ge [sflag:s31], $0x400  }
0x111: {  	[sflag:s31] =	ssyncset.done $0x0  }
0x112: {  	[sflag:s31] =	ssyncadd.s32 $0xFFFFFC00  }
0x113: {  	_ =	swait.ge [sflag:s31], $0x400  }
0x114: {  	[sflag:s31] =	ssyncset.done $0x0  }
0x115: {  	[sflag:s31] =	ssyncadd.s32 $0xFFFFFC00  }
0x116: {  	_ =	swait.ge [sflag:s31], $0x400  }
0x117: {  	[sflag:s31] =	ssyncset.done $0x0  }
0x118: {  	[sflag:s31] =	ssyncadd.s32 $0xFFFFFC00  }
0x119: {  	_ =	swait.ge [sflag:s31], $0x400  }
0x11a: {  	[sflag:s31] =	ssyncset.done $0x0  }
0x11b: {  	[sflag:s31] =	ssyncadd.s32 $0xFFFFFC00  }
0x11c: {  	_ =	swait.ge [sflag:s31], $0x400  }
0x11d: {  	[sflag:s31] =	ssyncset.done $0x0  }
0x11e: {  	[sflag:s31] =	ssyncadd.s32 $0xFFFFFC00  }
0x11f: {  	_ =	swait.ge [sflag:s31], $0x400  }
0x120: {  	[sflag:s31] =	ssyncset.done $0x0  }
0x121: {  	[sflag:s31] =	ssyncadd.s32 $0xFFFFFC00  }
0x122: {  	_ =	swait.ge [sflag:s31], $0x400  }
0x123: {  	[sflag:s31] =	ssyncset.done $0x0  }
0x124: {  	[sflag:s31] =	ssyncadd.s32 $0xFFFFFC00  }
0x125: {  	_ =	swait.ge [sflag:s31], $0x400  }
0x126: {  	[sflag:s31] =	ssyncset.done $0x0  }
0x127: {  	[sflag:s31] =	ssyncadd.s32 $0xFFFFFC00  }
0x128: {  	_ =	swait.ge [sflag:s31], $0x400  }
0x129: {  	[sflag:s31] =	ssyncset.done $0x0  }
0x12a: {  	[sflag:s31] =	ssyncadd.s32 $0xFFFFFC00  }
0x12b: {  	_ =	swait.ge [sflag:s31], $0x400  }
0x12c: {  	[sflag:s31] =	ssyncset.done $0x0  }
0x12d: {  	[sflag:s31] =	ssyncadd.s32 $0xFFFFFC00  }
0x12e: {  	_ =	swait.ge [sflag:s31], $0x400  }
0x12f: {  	[sflag:s31] =	ssyncset.done $0x0  }
0x130: {  	[sflag:s31] =	ssyncadd.s32 $0xFFFFFC00  }
0x131: {  	_ =	swait.ge [sflag:s31], $0x400  }
0x132: {  	[sflag:s31] =	ssyncset.done $0x0  }
0x133: {  	[sflag:s31] =	ssyncadd.s32 $0xFFFFFC00  }
0x134: {  	_ =	swait.ge [sflag:s31], $0x400  }
0x135: {  	[sflag:s31] =	ssyncset.done $0x0  }
0x136: {  	[sflag:s31] =	ssyncadd.s32 $0xFFFFFC00  }
0x137: {  	_ =	swait.ge [sflag:s31], $0x400  }
0x138: {  	[sflag:s31] =	ssyncset.done $0x0  }
0x139: {  	[sflag:s31] =	ssyncadd.s32 $0xFFFFFC00  }
0x13a: {  	_ =	swait.ge [sflag:s31], $0x400  }
0x13b: {  	[sflag:s31] =	ssyncset.done $0x0  }
0x13c: {  	[sflag:s31] =	ssyncadd.s32 $0xFFFFFC00  }
0x13d: {  	_ =	swait.ge [sflag:s31], $0x400  }
0x13e: {  	[sflag:s31] =	ssyncset.done $0x0  }
0x13f: {  	[sflag:s31] =	ssyncadd.s32 $0xFFFFFC00  }
0x140: {  	_ =	swait.ge [sflag:s31], $0x400  }
0x141: {  	[sflag:s31] =	ssyncset.done $0x0  }
0x142: {  	s0 =	sadd.s32 $0x1, s0;
	[sflag:s31] =	ssyncadd.s32 $0xFFFFFC00  }
0x143: {  	p0 =	sne.s32 s0, $0x20;
	_ =	swait.ge [sflag:s31], $0x400  }
.Ltmp4:
0x144: {  	[sflag:s31] =	ssyncset.done $0x0;
	(pc) =	sbr.rel @!p0 .LBB2_29-.Ltmp4, $4  }
0x145: {  	[sflag:s31] =	ssyncadd.s32 $0xFFFFFC00  }
0x146: {  	_ =	swait.ge [sflag:s31], $0x400  }
0x147: {  	[sflag:s31] =	ssyncset.done $0x0  }
0x148: {  	[sflag:s31] =	ssyncadd.s32 $0xFFFFFC00  }
.LBB2_4:
0x149: {  	s1 =	sshra.s32 s3, $0x4  }
0x14a: {  	p0 =	slt.s32 s1, $0x1  }
.Ltmp5:
0x14b: {  	_ = 	snop;
	(pc) =	sbr.rel @p0 .LBB2_8-.Ltmp5, $2  }
0x14c: {  	_ =	sdelay $0x2  }
0x14d: {  	s3 =	simm.s32 $0x6B0  }
0x14e: {  	v4 =	vld [tilespmem:s3+$0x0];
	_ =	sdelay $0x4  }
0x14f: {  	v4 =	vshll.u32 v4, $0x8  }
0x150: {  	v4 =	vshra.s32 v4, $0x2  }
0x151: {  	(v2sf) =	vpush v4, $0x0;
	_ =	sdelay $0x3  }
0x152: {  	(v2sf) =	vpush v4, $0x1;
	_ =	sdelay $0x1  }
0x153: {  	(v2sf) =	vpush v4, $0x2;
	_ =	sdelay $0x5  }
0x154: {  	(v2sf) =	vpush v4, $0x3;
	_ =	sdelay $0x2  }
0x155: {  	s4 =	spop (v2sf)  }
0x156: {  	[tilespmem:s4+$0xEA70] =	vst v1  }
0x157: {  	(v2sf) =	vpush v4, $0x4;
	[tilespmem:s4+$0xEA60] =	vst v1  }
0x158: {  	[tilespmem:s4+$0xEA40] =	vst v1  }
0x159: {  	[tilespmem:s4+$0xEA50] =	vst v1;
	s8 =	spop (v2sf)  }
0x15a: {  	[tilespmem:s8+$0xEA70] =	vst v1  }
0x15b: {  	[tilespmem:s8+$0xEA50] =	vst v1;
	s25 =	spop (v2sf);
	(v2sf) =	vpush v4, $0x5  }
0x15c: {  	[tilespmem:s8+$0xEA40] =	vst v1  }
0x15d: {  	[tilespmem:s8+$0xEA60] =	vst v1  }
0x15e: {  	[tilespmem:s25+$0xEA50] =	vst v1  }
0x15f: {  	p0 =	sne.s32 s1, $0x1;
	[tilespmem:s25+$0xEA70] =	vst v1;
	(v2sf) =	vpush v4, $0x6  }
.Ltmp6:
0x160: {  	[tilespmem:s25+$0xEA40] =	vst v1;
	(pc) =	sbr.rel @!p0 .LBB2_7-.Ltmp6, $4  }
0x161: {  	[tilespmem:s25+$0xEA60] =	vst v1;
	s4 =	spop (v2sf)  }
0x162: {  	[tilespmem:s4+$0xEA40] =	vst v1  }
0x163: {  	[tilespmem:s4+$0xEA50] =	vst v1;
	(v2sf) =	vpush v4, $0x7  }
0x164: {  	s25 =	sadd.s32 $0xFFFFFFFF, s1;
	[tilespmem:s4+$0xEA60] =	vst v1  }
.LBB2_6:
0x165: {  	p0 =	sne.s32 s25, $0x1;
	s25 =	sadd.s32 $0xFFFFFFFF, s25;
	[tilespmem:s4+$0xEA70] =	vst v1;
	s3 =	sadd.s32 $0x10, s3  }
0x166: {  	s1 =	spop (v2sf)  }
0x167: {  	[tilespmem:s1+$0xEA70] =	vst v1;
	(v2sf) =	vpush v4, $0x8  }
0x168: {  	[tilespmem:s1+$0xEA60] =	vst v1  }
0x169: {  	[tilespmem:s1+$0xEA50] =	vst v1  }
0x16a: {  	[tilespmem:s1+$0xEA40] =	vst v1;
	s1 =	spop (v2sf)  }
0x16b: {  	[tilespmem:s1+$0xEA70] =	vst v1;
	(v2sf) =	vpush v4, $0x9  }
0x16c: {  	[tilespmem:s1+$0xEA60] =	vst v1  }
0x16d: {  	[tilespmem:s1+$0xEA40] =	vst v1  }
0x16e: {  	[tilespmem:s1+$0xEA50] =	vst v1;
	s1 =	spop (v2sf)  }
0x16f: {  	[tilespmem:s1+$0xEA60] =	vst v1;
	(v2sf) =	vpush v4, $0xA  }
0x170: {  	[tilespmem:s1+$0xEA50] =	vst v1  }
0x171: {  	[tilespmem:s1+$0xEA40] =	vst v1  }
0x172: {  	[tilespmem:s1+$0xEA70] =	vst v1;
	s1 =	spop (v2sf)  }
0x173: {  	[tilespmem:s1+$0xEA70] =	vst v1;
	(v2sf) =	vpush v4, $0xB  }
0x174: {  	[tilespmem:s1+$0xEA50] =	vst v1  }
0x175: {  	[tilespmem:s1+$0xEA40] =	vst v1  }
0x176: {  	[tilespmem:s1+$0xEA60] =	vst v1;
	s1 =	spop (v2sf)  }
0x177: {  	[tilespmem:s1+$0xEA50] =	vst v1;
	(v2sf) =	vpush v4, $0xC  }
0x178: {  	[tilespmem:s1+$0xEA70] =	vst v1  }
0x179: {  	[tilespmem:s1+$0xEA40] =	vst v1  }
0x17a: {  	[tilespmem:s1+$0xEA60] =	vst v1;
	s1 =	spop (v2sf)  }
0x17b: {  	[tilespmem:s1+$0xEA70] =	vst v1;
	(v2sf) =	vpush v4, $0xD  }
0x17c: {  	[tilespmem:s1+$0xEA40] =	vst v1  }
0x17d: {  	[tilespmem:s1+$0xEA50] =	vst v1  }
0x17e: {  	[tilespmem:s1+$0xEA60] =	vst v1;
	s1 =	spop (v2sf)  }
0x17f: {  	[tilespmem:s1+$0xEA50] =	vst v1;
	(v2sf) =	vpush v4, $0xE  }
0x180: {  	[tilespmem:s1+$0xEA70] =	vst v1  }
0x181: {  	[tilespmem:s1+$0xEA60] =	vst v1  }
0x182: {  	[tilespmem:s1+$0xEA40] =	vst v1;
	s1 =	spop (v2sf)  }
0x183: {  	[tilespmem:s1+$0xEA70] =	vst v1;
	(v2sf) =	vpush v4, $0xF  }
0x184: {  	[tilespmem:s1+$0xEA40] =	vst v1  }
0x185: {  	[tilespmem:s1+$0xEA50] =	vst v1  }
0x186: {  	[tilespmem:s1+$0xEA60] =	vst v1;
	s1 =	spop (v2sf)  }
0x187: {  	[tilespmem:s1+$0xEA50] =	vst v1  }
0x188: {  	[tilespmem:s1+$0xEA70] =	vst v1  }
0x189: {  	[tilespmem:s1+$0xEA40] =	vst v1  }
0x18a: {  	[tilespmem:s1+$0xEA60] =	vst v1;
	s1 =	spop (v2sf)  }
0x18b: {  	[tilespmem:s1+$0xEA50] =	vst v1  }
0x18c: {  	[tilespmem:s1+$0xEA70] =	vst v1  }
0x18d: {  	[tilespmem:s1+$0xEA40] =	vst v1  }
0x18e: {  	[tilespmem:s1+$0xEA60] =	vst v1;
	s1 =	spop (v2sf)  }
0x18f: {  	[tilespmem:s1+$0xEA50] =	vst v1  }
0x190: {  	[tilespmem:s1+$0xEA60] =	vst v1  }
0x191: {  	[tilespmem:s1+$0xEA40] =	vst v1  }
0x192: {  	[tilespmem:s1+$0xEA70] =	vst v1;
	s1 =	spop (v2sf)  }
0x193: {  	[tilespmem:s1+$0xEA40] =	vst v1  }
0x194: {  	[tilespmem:s1+$0xEA70] =	vst v1  }
0x195: {  	[tilespmem:s1+$0xEA60] =	vst v1  }
0x196: {  	[tilespmem:s1+$0xEA50] =	vst v1  }
0x197: {  	v4 =	vld [tilespmem:s3+$0x0];
	_ =	sdelay $0x4  }
0x198: {  	v4 =	vshll.u32 v4, $0x8  }
0x199: {  	v4 =	vshra.s32 v4, $0x2  }
0x19a: {  	(v2sf) =	vpush v4, $0x0;
	_ =	sdelay $0x3  }
0x19b: {  	(v2sf) =	vpush v4, $0x1;
	_ =	sdelay $0x3  }
0x19c: {  	(v2sf) =	vpush v4, $0x2;
	_ =	sdelay $0x3  }
0x19d: {  	(v2sf) =	vpush v4, $0x3;
	_ =	sdelay $0x2  }
0x19e: {  	s1 =	spop (v2sf)  }
0x19f: {  	[tilespmem:s1+$0xEA70] =	vst v1  }
0x1a0: {  	[tilespmem:s1+$0xEA60] =	vst v1;
	(v2sf) =	vpush v4, $0x4  }
0x1a1: {  	[tilespmem:s1+$0xEA40] =	vst v1  }
0x1a2: {  	[tilespmem:s1+$0xEA50] =	vst v1;
	s1 =	spop (v2sf)  }
0x1a3: {  	[tilespmem:s1+$0xEA70] =	vst v1  }
0x1a4: {  	[tilespmem:s1+$0xEA50] =	vst v1;
	(v2sf) =	vpush v4, $0x5  }
0x1a5: {  	[tilespmem:s1+$0xEA40] =	vst v1  }
0x1a6: {  	[tilespmem:s1+$0xEA60] =	vst v1;
	s1 =	spop (v2sf)  }
0x1a7: {  	[tilespmem:s1+$0xEA50] =	vst v1  }
0x1a8: {  	[tilespmem:s1+$0xEA70] =	vst v1;
	(v2sf) =	vpush v4, $0x6  }
.Ltmp7:
0x1a9: {  	[tilespmem:s1+$0xEA40] =	vst v1;
	(pc) =	sbr.rel @p0 .LBB2_6-.Ltmp7, $4  }
0x1aa: {  	[tilespmem:s1+$0xEA60] =	vst v1;
	s4 =	spop (v2sf)  }
0x1ab: {  	[tilespmem:s4+$0xEA40] =	vst v1  }
0x1ac: {  	[tilespmem:s4+$0xEA50] =	vst v1;
	(v2sf) =	vpush v4, $0x7  }
0x1ad: {  	[tilespmem:s4+$0xEA60] =	vst v1  }
.LBB2_7:
0x1ae: {  	_ = 	snop  }
0x1af: {  	[tilespmem:s4+$0xEA70] =	vst v1;
	s1 =	spop (v2sf)  }
0x1b0: {  	(v2sf) =	vpush v4, $0x8;
	[tilespmem:s1+$0xEA70] =	vst v1  }
0x1b1: {  	[tilespmem:s1+$0xEA60] =	vst v1  }
0x1b2: {  	[tilespmem:s1+$0xEA50] =	vst v1  }
0x1b3: {  	[tilespmem:s1+$0xEA40] =	vst v1;
	s4 =	spop (v2sf)  }
0x1b4: {  	(v2sf) =	vpush v4, $0x9;
	[tilespmem:s4+$0xEA70] =	vst v1  }
0x1b5: {  	[tilespmem:s4+$0xEA60] =	vst v1  }
0x1b6: {  	[tilespmem:s4+$0xEA40] =	vst v1  }
0x1b7: {  	[tilespmem:s4+$0xEA50] =	vst v1;
	s6 =	spop (v2sf)  }
0x1b8: {  	(v2sf) =	vpush v4, $0xA;
	[tilespmem:s6+$0xEA60] =	vst v1  }
0x1b9: {  	[tilespmem:s6+$0xEA50] =	vst v1  }
0x1ba: {  	[tilespmem:s6+$0xEA40] =	vst v1  }
0x1bb: {  	[tilespmem:s6+$0xEA70] =	vst v1;
	s7 =	spop (v2sf)  }
0x1bc: {  	(v2sf) =	vpush v4, $0xB;
	[tilespmem:s7+$0xEA70] =	vst v1  }
0x1bd: {  	[tilespmem:s7+$0xEA50] =	vst v1  }
0x1be: {  	[tilespmem:s7+$0xEA40] =	vst v1  }
0x1bf: {  	[tilespmem:s7+$0xEA60] =	vst v1;
	s8 =	spop (v2sf)  }
0x1c0: {  	(v2sf) =	vpush v4, $0xC;
	[tilespmem:s8+$0xEA50] =	vst v1  }
0x1c1: {  	[tilespmem:s8+$0xEA70] =	vst v1  }
0x1c2: {  	[tilespmem:s8+$0xEA40] =	vst v1  }
0x1c3: {  	[tilespmem:s8+$0xEA60] =	vst v1;
	s25 =	spop (v2sf)  }
0x1c4: {  	(v2sf) =	vpush v4, $0xD;
	[tilespmem:s25+$0xEA70] =	vst v1  }
0x1c5: {  	[tilespmem:s25+$0xEA40] =	vst v1  }
0x1c6: {  	[tilespmem:s25+$0xEA50] =	vst v1  }
0x1c7: {  	[tilespmem:s25+$0xEA60] =	vst v1;
	s3 =	spop (v2sf)  }
0x1c8: {  	(v2sf) =	vpush v4, $0xE;
	[tilespmem:s3+$0xEA50] =	vst v1  }
0x1c9: {  	[tilespmem:s3+$0xEA70] =	vst v1  }
0x1ca: {  	[tilespmem:s3+$0xEA60] =	vst v1  }
0x1cb: {  	[tilespmem:s3+$0xEA40] =	vst v1;
	s4 =	spop (v2sf)  }
0x1cc: {  	(v2sf) =	vpush v4, $0xF;
	[tilespmem:s4+$0xEA70] =	vst v1  }
0x1cd: {  	[tilespmem:s4+$0xEA40] =	vst v1  }
0x1ce: {  	[tilespmem:s4+$0xEA50] =	vst v1  }
0x1cf: {  	[tilespmem:s4+$0xEA60] =	vst v1;
	s6 =	spop (v2sf)  }
0x1d0: {  	[tilespmem:s6+$0xEA50] =	vst v1  }
0x1d1: {  	[tilespmem:s6+$0xEA70] =	vst v1  }
0x1d2: {  	[tilespmem:s6+$0xEA40] =	vst v1  }
0x1d3: {  	[tilespmem:s6+$0xEA60] =	vst v1;
	s7 =	spop (v2sf)  }
0x1d4: {  	[tilespmem:s7+$0xEA50] =	vst v1  }
0x1d5: {  	[tilespmem:s7+$0xEA70] =	vst v1  }
0x1d6: {  	[tilespmem:s7+$0xEA40] =	vst v1  }
0x1d7: {  	[tilespmem:s7+$0xEA60] =	vst v1;
	s8 =	spop (v2sf)  }
0x1d8: {  	[tilespmem:s8+$0xEA50] =	vst v1  }
0x1d9: {  	[tilespmem:s8+$0xEA60] =	vst v1  }
0x1da: {  	[tilespmem:s8+$0xEA40] =	vst v1  }
0x1db: {  	[tilespmem:s8+$0xEA70] =	vst v1;
	s25 =	spop (v2sf)  }
0x1dc: {  	[tilespmem:s25+$0xEA40] =	vst v1  }
0x1dd: {  	[tilespmem:s25+$0xEA70] =	vst v1  }
0x1de: {  	[tilespmem:s25+$0xEA60] =	vst v1  }
0x1df: {  	[tilespmem:s25+$0xEA50] =	vst v1  }
.LBB2_8:
0x1e0: {  	s1 =	sshll.u32 s0, $0x4;
	s3 =	rddreg [dreg:$0x4]  }
0x1e1: {  	s25 =	sadd.s32 s3, s1  }
0x1e2: {  	s1 =	smul.u32 $0x32, s25;
	_ =	sdelay $0x1  }
0x1e3: {  	s7 =	rddreg [dreg:$0x3];
	s1 =	sshrl.u32 s1, $0x3  }
0x1e4: {  	s3 =	sadd.s32 s7, s1;
	s1 =	simm.s32 $0x0  }
0x1e5: {  	[tilespmem:s1], [sflag:$0x3] =	stream.linear.gather [hbm4b:s3+s1], $0x320, $0x38;
	[tilespmem:$0x1B240] =	vst v63  }
0x1e6: {  	_ =	swait.ge [sflag:s29], $0x320  }
0x1e7: {  	[sflag:s29] =	ssyncset.done $0x0  }
0x1e8: {  	[sflag:s29] =	ssyncadd.s32 $0xFFFFFCE0  }
0x1e9: {  	v4 =	vld [tilespmem:s1+$0x0];
	_ =	sdelay $0x1  }
0x1ea: {  	v5 =	vor.u32 s1, v0  }
0x1eb: {  	v6 =	vmulhi.u32 $0x51EB851F, v5;
	_ =	sdelay $0x1  }
0x1ec: {  	v6 =	vshrl.u32 v6, $0x4;
	vm0 =	vlt.u32 v4, $0x3D090  }
0x1ed: {  	v7 =	vmov s1;
	v8 =	vmul.u32 $0xFFFFFFCE, v6;
	v10 =	vmpcnt.ones.xlane vm0  }
0x1ee: {  	v9 =	vsub.s32 v2, v7  }
0x1ef: {  	vm1 =	veq.s32 v7, v0;
	vm2 =	vne.s32 v8, v9;
	v7 =	vxor.u32 $0x80000000, v10  }
0x1f0: {  	vm1 =	vmand vm1, vm2;
	(xrf0) =	vmax.scan.msk.u32 $0xffff, v7  }
0x1f1: {  	v63 =	vsel vm1, $0xFFFFFFFF, v3  }
0x1f2: {  	v6 =	vadd.s32 v63, v6  }
0x1f3: {  	v7 =	vmul.u32 $0xFFFFFCE, v6;
	_ =	sdelay $0x1  }
0x1f4: {  	v5 =	vadd.s32 v5, v7  }
0x1f5: {  	[tilespmem:s1+$0x320] =	vst.msk vm0, v4;
	v5 =	vshll.u32 v5, $0x4;
	v4, _, _ =	vpop (xrf0)  }
0x1f6: {  	v5 =	vadd.s32 v6, v5;
	(v2sf) =	vpush v4, $0xF  }
0x1f7: {  	s3 =	simm.s32 $0x10;
	[tilespmem:s1+$0x6B0] =	vst.msk vm0, v5  }
0x1f8: {  	s8 =	simm.s32 $0x80;
	s4 =	simm.s32 $0x20;
	s6 =	simm.s32 $0x10;
	v4 =	vld [tilespmem:s3+$0x0]  }
.LBB2_9:
0x1f9: {  	p0 =	sne.s32 s4, $0x310  }
0x1fa: {  	v5 =	vor.u32 s3, v0  }
0x1fb: {  	v6 =	vmulhi.u32 $0x51EB851F, v5;
	_ =	sdelay $0x1  }
0x1fc: {  	v6 =	vshrl.u32 v6, $0x4;
	vm0 =	vlt.u32 v4, $0x3D090  }
0x1fd: {  	v7 =	vmov s3;
	s3 =	smov.u32 s4;
	v8 =	vmul.u32 $0xFFFFFFCE, v6;
	v9 =	vmpcnt.ones.xlane vm0  }
0x1fe: {  	v10 =	vsub.s32 v2, v7  }
0x1ff: {  	vm1 =	veq.s32 v7, v0;
	vm2 =	vne.s32 v8, v10;
	v7 =	vxor.u32 $0x80000000, v9  }
0x200: {  	vm1 =	vmand vm1, vm2;
	(xrf0) =	vmax.scan.msk.u32 $0xffff, v7  }
0x201: {  	v7 =	vsel vm1, $0xFFFFFFFF, v3  }
0x202: {  	v6 =	vadd.s32 v7, v6  }
0x203: {  	v8 =	vmul.u32 $0xFFFFFCE, v6  }
0x204: {  	s7 =	spop (v2sf)  }
.Ltmp8:
0x205: {  	v5 =	vadd.s32 v5, v8;
	s1 =	sadd.s32 s7, s1;
	(pc) =	sbr.rel @p0 .LBB2_9-.Ltmp8, $4  }
0x206: {  	v5 =	vshll.u32 v5, $0x4;
	v7, _, _ =	vpop (xrf0);
	s1 =	sadd.s32 $0x80000000, s1  }
0x207: {  	v5 =	vadd.s32 v6, v5;
	[tilespmem:s1+$0x320] =	vst.msk vm0, v4;
	(v2sf) =	vpush v7, $0xF  }
0x208: {  	s6 =	sadd.s32 $0x10, s6;
	[tilespmem:s1+$0x6B0] =	vst.msk vm0, v5  }
0x209: {  	s4 =	sadd.s32 $0x10, s4;
	v4 =	vld [tilespmem:s6+$0x0]  }
0x20a: {  	_ =	sdelay $0x3  }
0x20b: {  	vm0 =	vlt.u32 v4, $0x3D090  }
0x20c: {  	v5 =	vmpcnt.ones.xlane vm0;
	_ =	sdelay $0x1  }
0x20d: {  	v5 =	vxor.u32 $0x80000000, v5  }
0x20e: {  	(xrf0) =	vmax.scan.msk.u32 $0xffff, v5;
	_ =	sdelay $0x5  }
0x20f: {  	v5, _, _ =	vpop (xrf0)  }
0x210: {  	(v2sf) =	vpush v5, $0xF;
	_ =	sdelay $0x3  }
0x211: {  	v5 =	vor.u32 s3, v0  }
0x212: {  	v6 =	vmulhi.u32 $0x51EB851F, v5;
	_ =	sdelay $0x1  }
0x213: {  	v6 =	vshrl.u32 v6, $0x4  }
0x214: {  	v7 =	vmov s3;
	v8 =	vmul.u32 $0xFFFFFFCE, v6  }
0x215: {  	v9 =	vsub.s32 v2, v7  }
0x216: {  	vm1 =	veq.s32 v7, v0;
	vm2 =	vne.s32 v8, v9  }
0x217: {  	vm1 =	vmand vm1, vm2  }
0x218: {  	v63 =	vsel vm1, $0xFFFFFFFF, v3  }
0x219: {  	s4 =	spop (v2sf);
	v6 =	vadd.s32 v63, v6  }
0x21a: {  	s1 =	sadd.s32 s4, s1;
	v7 =	vmul.u32 $0xFFFFFCE, v6  }
0x21b: {  	s3 =	sadd.s32 $0x80000000, s1;
	s6 =	spop (v2sf)  }
0x21c: {  	v5 =	vadd.s32 v5, v7;
	s1 =	sadd.s32 s6, s3  }
0x21d: {  	v5 =	vshll.u32 v5, $0x4;
	s1 =	sadd.s32 $0x80000000, s1  }
0x21e: {  	[tilespmem:s3+$0x320] =	vst.msk vm0, v4;
	v5 =	vadd.s32 v6, v5;
	s4 =	sadd.s32 $0x7F, s1  }
0x21f: {  	[tilespmem:s3+$0x6B0] =	vst.msk vm0, v5;
	s7 =	sand.u32 $0x7F, s4  }
0x220: {  	v4 =	vld [tilespmem:$0x320];
	s6 =	sshra.s32 s4, $0x1F;
	p0 =	slt.s32 s4, $0x1;
	p1 =	sne.s32 s7, $0x0  }
0x221: {  	v5 =	vld [tilespmem:$0x6B0];
	s7 =	sshrl.u32 s6, $0x19;
	p0 =	por !p0, !p1  }
0x222: {  	s3 =	sadd.s32 s7, s4;
	s4 =	simm.s32 $0x1;
	p0 =	por !p0, !p0  }
0x223: {  	s3 =	sshrl.u32 s3, $0x7;
	s4 =	simm.s32 @!p0 $0x0  }
0x224: {  	s3 =	ssub.s32 s3, s4  }
0x225: {  	v4 =	vperm.xlane v4, v3;
	s3 =	sshll.u32 s3, $0x7  }
0x226: {  	v5 =	vperm.xlane v5, v3;
	p0 =	sge.s32 s1, s3  }
0x227: {  	s4 =	sadd.s32 $0x10, s1;
	[tilespmem:s1+$0x320] =	vst @!p0 v4  }
0x228: {  	[tilespmem:s1+$0x6B0] =	vst @!p0 v5;
	p0 =	sge.s32 s4, s3  }
0x229: {  	s6 =	sadd.s32 $0x20, s1;
	[tilespmem:s4+$0x320] =	vst @!p0 v4  }
0x22a: {  	[tilespmem:s4+$0x6B0] =	vst @!p0 v5;
	p0 =	sge.s32 s6, s3  }
0x22b: {  	s4 =	sadd.s32 $0x30, s1;
	[tilespmem:s6+$0x320] =	vst @!p0 v4  }
0x22c: {  	[tilespmem:s6+$0x6B0] =	vst @!p0 v5;
	p0 =	sge.s32 s4, s3  }
0x22d: {  	s6 =	sadd.s32 $0x40, s1;
	[tilespmem:s4+$0x320] =	vst @!p0 v4  }
0x22e: {  	[tilespmem:s4+$0x6B0] =	vst @!p0 v5;
	p0 =	sge.s32 s6, s3  }
0x22f: {  	s4 =	sadd.s32 $0x50, s1;
	[tilespmem:s6+$0x320] =	vst @!p0 v4  }
0x230: {  	[tilespmem:s6+$0x6B0] =	vst @!p0 v5;
	p0 =	sge.s32 s4, s3  }
0x231: {  	p1 =	slt.s32 s1, $0x1;
	s6 =	sadd.s32 $0x60, s1;
	[tilespmem:s4+$0x320] =	vst @!p0 v4  }
.Ltmp9:
0x232: {  	[tilespmem:s4+$0x6B0] =	vst @!p0 v5;
	p0 =	sge.s32 s6, s3;
	(pc) =	sbr.rel @p1 .LBB2_25-.Ltmp9, $4  }
0x233: {  	s4 =	sadd.s32 $0x70, s1;
	[tilespmem:s6+$0x320] =	vst @!p0 v4  }
0x234: {  	[tilespmem:s6+$0x6B0] =	vst @!p0 v5;
	p0 =	sge.s32 s4, s3  }
0x235: {  	[tilespmem:s4+$0x320] =	vst @!p0 v4  }
0x236: {  	[tilespmem:s4+$0x6B0] =	vst @!p0 v5  }
0x237: {  	p0 =	slt.u32 s1, $0x81  }
.Ltmp10:
0x238: {  	_ = 	snop;
	(pc) =	sbr.rel @p0 .LBB2_24-.Ltmp10, $3  }
0x239: {  	_ =	sdelay $0x1  }
0x23a: {  	s4 =	simm.s32 $0x320;
	s6 =	simm.s32 $0xA40  }
0x23b: {  	[tilespmem:s6], [sflag:$0x1] =	stream.indirect.gather [hbm4b:s5+s8], $0x40, s4, s8, $0xb8;
	[tilespmem:$0x1B240] =	vst v63  }
0x23c: {  	p0 =	slt.u32 s1, $0x101  }
0x23d: {  	p1 =	slt.u32 @!p0 s1, $0x181  }
0x23e: {  	p1 =	por p0, p1  }
.Ltmp11:
0x23f: {  	_ = 	snop;
	(pc) =	sbr.rel @p1 .LBB2_13-.Ltmp11, $4  }
0x240: {  	s8 =	simm.s32 $0x80;
	s4 =	simm.s32 $0x3A0;
	s6 =	simm.s32 $0x2A40  }
0x241: {  	[tilespmem:s6], [sflag:$0x1] =	stream.indirect.gather [hbm4b:s5+s8], $0x40, s4, s8, $0xb8;
	[tilespmem:$0x1B240] =	vst v63  }
0x242: {  	s4 =	simm.s32 @!p0 $0x80;
	s6 =	simm.s32 @!p0 $0x420;
	s7 =	simm.s32 @!p0 $0x4A40  }
0x243: {  	[tilespmem:s7], [sflag:$0x1] =	stream.indirect.gather @!p0 [hbm4b:s5+s4], $0x40, s6, s4, $0xb8;
	[tilespmem:$0x1B240] =	vst v63  }
0x244: {  	s4 =	simm.s32 $0x4A0;
	s6 =	simm.s32 $0x6A40;
	p3 =	slt.u32 s1, $0x201  }
0x245: {  	[tilespmem:s6], [sflag:$0x1] =	stream.indirect.gather [hbm4b:s5+s8], $0x40, s4, s8, $0xb8;
	[tilespmem:$0x1B240] =	vst v63  }
0x246: {  	s4 =	simm.s32 @!p3 $0x80;
	p4 =	slt.u32 @!p3 s1, $0x281  }
0x247: {  	s6 =	simm.s32 @!p3 $0x520;
	s7 =	simm.s32 @!p3 $0x8A40;
	p2 =	por p4, p3  }
0x248: {  	[tilespmem:s7], [sflag:$0x1] =	stream.indirect.gather @!p3 [hbm4b:s5+s4], $0x40, s6, s4, $0xb8;
	[tilespmem:$0x1B240] =	vst v63  }
0x249: {  	s4 =	simm.s32 @!p2 $0x80;
	p1 =	slt.u32 @!p2 s1, $0x301  }
0x24a: {  	s6 =	simm.s32 @!p2 $0x5A0;
	s7 =	simm.s32 @!p2 $0xAA40;
	p5 =	por @!p3 p1, p4  }
0x24b: {  	[tilespmem:s7], [sflag:$0x1] =	stream.indirect.gather @!p2 [hbm4b:s5+s4], $0x40, s6, s4, $0xb8;
	[tilespmem:$0x1B240] =	vst v63  }
0x24c: {  	p5 =	por p5, p3  }
0x24d: {  	s1 =	simm.s32 @!p5 $0x80;
	s4 =	simm.s32 @!p5 $0x620;
	s6 =	simm.s32 @!p5 $0xCA40  }
0x24e: {  	[tilespmem:s6], [sflag:$0x1] =	stream.indirect.gather @!p5 [hbm4b:s5+s1], $0x40, s4, s1, $0xb8;
	[tilespmem:$0x1B240] =	vst v63  }
0x24f: {  	p5 =	por @!p5 $0x1, $0x1  }
0x250: {  	s1 =	simm.s32 @!p5 $0x0  }
0x251: {  	s1 =	simm.s32 @p5 $0x1  }
0x252: {  	[smem:$0x7F7] =	sst s1  }
0x253: {  	s1 =	sld [smem:$0x7F7];
	_ =	sdelay $0x1  }
0x254: {  	p6 =	por @!p2 $0x1, $0x1;
	p1 =	por @!p3 !p1, p4  }
0x255: {  	p5 =	por !p1, p3;
	p1 =	por @!p2 $0x0, $0x0;
	p2 =	seq.s32 s1, $0x1  }
0x256: {  	p4 =	por !p4, p3;
	p6 =	por @!p5 p2, p2  }
0x257: {  	p1 =	por @!p5 p2, p2;
	p2 =	por @!p3 $0x0, $0x0;
	p5 =	por p6, p6  }
0x258: {  	p5 =	por @!p4 p2, p2;
	p2 =	por @!p3 $0x1, $0x1  }
.Ltmp12:
0x259: {  	p6 =	por @!p4 p2, p2;
	p2 =	por @!p3 $0x0, $0x0;
	(pc) =	sbr.rel .LBB2_15-.Ltmp12, $4  }
0x25a: {  	p1 =	por @!p4 p2, p2;
	p2 =	por $0x0, $0x0  }
0x25b: {  	p4 =	por $0x0, $0x0;
	p2 =	por @!p3 p5, p5;
	p5 =	por $0x1, $0x1  }
0x25c: {  	p4 =	por @!p3 p6, p6;
	p5 =	por @!p3 p6, p6;
	p6 =	por $0x0, $0x0  }
0x25d: {  	p6 =	por @!p3 p1, p1;
	p3 =	por p2, p2  }
.LBB2_13:
0x25e: {  	p1 =	por @!p0 $0x0, $0x0;
	p3 =	por $0x0, $0x0;
	p5 =	por $0x0, $0x0  }
0x25f: {  	p4 =	por $0x0, $0x0;
	p6 =	por $0x0, $0x0;
	p3 =	por @!p0 p1, p1  }
0x260: {  	p5 =	por @!p0 p1, p1;
	p4 =	por @!p0 p1, p1;
	p6 =	por @!p0 p1, p1  }
.LBB2_15:
0x261: {  	_ =	swait.ge [sflag:s30], $0x2000  }
.Ltmp13:
0x262: {  	[sflag:s30] =	ssyncset.done $0x0;
	(pc) =	sbr.rel @p0 .LBB2_20-.Ltmp13, $4  }
0x263: {  	[sflag:s30] =	ssyncadd.s32 $0xFFFFE000  }
0x264: {  	_ =	swait.ge [sflag:s30], $0x2000  }
0x265: {  	[sflag:s30] =	ssyncset.done $0x0  }
0x266: {  	[sflag:s30] =	ssyncadd.s32 $0xFFFFE000  }
.Ltmp14:
0x267: {  	(pc) =	sbr.rel @p5 .LBB2_21-.Ltmp14, $4  }
0x268: {  	_ = 	snop  }
0x269: {  	_ =	swait.ge [sflag:s30], $0x2000  }
0x26a: {  	[sflag:s30] =	ssyncset.done $0x0  }
0x26b: {  	[sflag:s30] =	ssyncadd.s32 $0xFFFFE000  }
.LBB2_17:
.Ltmp15:
0x26c: {  	(pc) =	sbr.rel @!p4 .LBB2_18-.Ltmp15, $1  }
0x26d: {  	_ =	sdelay $0x3  }
.LBB2_22:
.Ltmp16:
0x26e: {  	(pc) =	sbr.rel @p3 .LBB2_23-.Ltmp16, $4  }
0x26f: {  	_ = 	snop  }
0x270: {  	_ =	swait.ge [sflag:s30], $0x2000  }
0x271: {  	[sflag:s30] =	ssyncset.done $0x0  }
0x272: {  	[sflag:s30] =	ssyncadd.s32 $0xFFFFE000  }
.LBB2_19:
.Ltmp17:
0x273: {  	(pc) =	sbr.rel @!p6 .LBB2_25-.Ltmp17, $1  }
0x274: {  	_ =	sdelay $0x3  }
.LBB2_24:
0x275: {  	_ =	swait.ge [sflag:s30], $0x2000  }
0x276: {  	[sflag:s30] =	ssyncset.done $0x0  }
0x277: {  	[sflag:s30] =	ssyncadd.s32 $0xFFFFE000  }
.LBB2_25:
0x278: {  	s1 =	sshra.s32 s3, $0x4  }
0x279: {  	p0 =	slt.s32 s1, $0x1  }
.Ltmp18:
0x27a: {  	_ = 	snop;
	(pc) =	sbr.rel @p0 .LBB2_28-.Ltmp18, $1  }
0x27b: {  	_ =	sdelay $0x3  }
0x27c: {  	s4 =	simm.s32 $0x6B0;
	s6 =	simm.s32 $0xC40  }
.LBB2_27:
0x27d: {  	v4 =	vld [tilespmem:s4+$0x0];
	_ =	sdelay $0x4  }
0x27e: {  	v4 =	vshll.u32 v4, $0x8  }
0x27f: {  	v4 =	vshra.s32 v4, $0x2  }
0x280: {  	(v2sf) =	vpush v4, $0x0;
	_ =	sdelay $0xa  }
0x281: {  	v5 =	vld [tilespmem:s6+$0xFFFFFE00];
	_ =	sdelay $0x3  }
0x282: {  	s7 =	spop (v2sf)  }
0x283: {  	[tilespmem:s7+$0xEA40] =	vst v5  }
0x284: {  	v5 =	vld [tilespmem:s6+$0xFFFFFE10];
	_ =	sdelay $0x4  }
0x285: {  	[tilespmem:s7+$0xEA50] =	vst v5  }
0x286: {  	v5 =	vld [tilespmem:s6+$0xFFFFFE20]  }
0x287: {  	(v2sf) =	vpush v4, $0x1;
	_ =	sdelay $0x3  }
0x288: {  	[tilespmem:s7+$0xEA60] =	vst v5  }
0x289: {  	v5 =	vld [tilespmem:s6+$0xFFFFFE30];
	_ =	sdelay $0x4  }
0x28a: {  	[tilespmem:s7+$0xEA70] =	vst v5  }
0x28b: {  	v5 =	vld [tilespmem:s6+$0xFFFFFE40];
	_ =	sdelay $0x3  }
0x28c: {  	s8 =	spop (v2sf)  }
0x28d: {  	[tilespmem:s8+$0xEA40] =	vst v5  }
0x28e: {  	v5 =	vld [tilespmem:s6+$0xFFFFFE50];
	_ =	sdelay $0x4  }
0x28f: {  	[tilespmem:s8+$0xEA50] =	vst v5  }
0x290: {  	v5 =	vld [tilespmem:s6+$0xFFFFFE60]  }
0x291: {  	(v2sf) =	vpush v4, $0x2;
	_ =	sdelay $0x3  }
0x292: {  	[tilespmem:s8+$0xEA60] =	vst v5  }
0x293: {  	v5 =	vld [tilespmem:s6+$0xFFFFFE70];
	_ =	sdelay $0x4  }
0x294: {  	[tilespmem:s8+$0xEA70] =	vst v5  }
0x295: {  	v5 =	vld [tilespmem:s6+$0xFFFFFE80];
	_ =	sdelay $0x3  }
0x296: {  	s8 =	spop (v2sf)  }
0x297: {  	[tilespmem:s8+$0xEA40] =	vst v5  }
0x298: {  	v5 =	vld [tilespmem:s6+$0xFFFFFE90];
	_ =	sdelay $0x4  }
0x299: {  	[tilespmem:s8+$0xEA50] =	vst v5  }
0x29a: {  	v5 =	vld [tilespmem:s6+$0xFFFFFEA0]  }
0x29b: {  	(v2sf) =	vpush v4, $0x3;
	_ =	sdelay $0x3  }
0x29c: {  	[tilespmem:s8+$0xEA60] =	vst v5  }
0x29d: {  	v5 =	vld [tilespmem:s6+$0xFFFFFEB0];
	_ =	sdelay $0x4  }
0x29e: {  	[tilespmem:s8+$0xEA70] =	vst v5  }
0x29f: {  	v5 =	vld [tilespmem:s6+$0xFFFFFEC0];
	_ =	sdelay $0x3  }
0x2a0: {  	s8 =	spop (v2sf)  }
0x2a1: {  	[tilespmem:s8+$0xEA40] =	vst v5  }
0x2a2: {  	v5 =	vld [tilespmem:s6+$0xFFFFFED0];
	_ =	sdelay $0x4  }
0x2a3: {  	[tilespmem:s8+$0xEA50] =	vst v5  }
0x2a4: {  	v5 =	vld [tilespmem:s6+$0xFFFFFEE0]  }
0x2a5: {  	(v2sf) =	vpush v4, $0x4;
	_ =	sdelay $0x3  }
0x2a6: {  	[tilespmem:s8+$0xEA60] =	vst v5  }
0x2a7: {  	v5 =	vld [tilespmem:s6+$0xFFFFFEF0];
	_ =	sdelay $0x4  }
0x2a8: {  	[tilespmem:s8+$0xEA70] =	vst v5  }
0x2a9: {  	v5 =	vld [tilespmem:s6+$0xFFFFFF00];
	_ =	sdelay $0x3  }
0x2aa: {  	s8 =	spop (v2sf)  }
0x2ab: {  	[tilespmem:s8+$0xEA40] =	vst v5  }
0x2ac: {  	v5 =	vld [tilespmem:s6+$0xFFFFFF10];
	_ =	sdelay $0x4  }
0x2ad: {  	[tilespmem:s8+$0xEA50] =	vst v5  }
0x2ae: {  	v5 =	vld [tilespmem:s6+$0xFFFFFF20]  }
0x2af: {  	(v2sf) =	vpush v4, $0x5;
	_ =	sdelay $0x3  }
0x2b0: {  	[tilespmem:s8+$0xEA60] =	vst v5  }
0x2b1: {  	v5 =	vld [tilespmem:s6+$0xFFFFFF30];
	_ =	sdelay $0x4  }
0x2b2: {  	[tilespmem:s8+$0xEA70] =	vst v5  }
0x2b3: {  	v5 =	vld [tilespmem:s6+$0xFFFFFF40];
	_ =	sdelay $0x3  }
0x2b4: {  	s8 =	spop (v2sf)  }
0x2b5: {  	[tilespmem:s8+$0xEA40] =	vst v5  }
0x2b6: {  	v5 =	vld [tilespmem:s6+$0xFFFFFF50];
	_ =	sdelay $0x4  }
0x2b7: {  	[tilespmem:s8+$0xEA50] =	vst v5  }
0x2b8: {  	v5 =	vld [tilespmem:s6+$0xFFFFFF60]  }
0x2b9: {  	(v2sf) =	vpush v4, $0x6;
	_ =	sdelay $0x3  }
0x2ba: {  	[tilespmem:s8+$0xEA60] =	vst v5  }
0x2bb: {  	v5 =	vld [tilespmem:s6+$0xFFFFFF70];
	_ =	sdelay $0x4  }
0x2bc: {  	[tilespmem:s8+$0xEA70] =	vst v5  }
0x2bd: {  	v5 =	vld [tilespmem:s6+$0xFFFFFF80];
	_ =	sdelay $0x3  }
0x2be: {  	s8 =	spop (v2sf)  }
0x2bf: {  	[tilespmem:s8+$0xEA40] =	vst v5  }
0x2c0: {  	v5 =	vld [tilespmem:s6+$0xFFFFFF90];
	_ =	sdelay $0x4  }
0x2c1: {  	[tilespmem:s8+$0xEA50] =	vst v5  }
0x2c2: {  	v5 =	vld [tilespmem:s6+$0xFFFFFFA0]  }
0x2c3: {  	(v2sf) =	vpush v4, $0x7;
	_ =	sdelay $0x3  }
0x2c4: {  	[tilespmem:s8+$0xEA60] =	vst v5  }
0x2c5: {  	v5 =	vld [tilespmem:s6+$0xFFFFFFB0];
	_ =	sdelay $0x4  }
0x2c6: {  	[tilespmem:s8+$0xEA70] =	vst v5  }
0x2c7: {  	v5 =	vld [tilespmem:s6+$0xFFFFFFC0];
	_ =	sdelay $0x3  }
0x2c8: {  	s8 =	spop (v2sf)  }
0x2c9: {  	[tilespmem:s8+$0xEA40] =	vst v5  }
0x2ca: {  	v5 =	vld [tilespmem:s6+$0xFFFFFFD0];
	_ =	sdelay $0x4  }
0x2cb: {  	[tilespmem:s8+$0xEA50] =	vst v5  }
0x2cc: {  	v5 =	vld [tilespmem:s6+$0xFFFFFFE0]  }
0x2cd: {  	(v2sf) =	vpush v4, $0x8;
	_ =	sdelay $0x3  }
0x2ce: {  	[tilespmem:s8+$0xEA60] =	vst v5  }
0x2cf: {  	v5 =	vld [tilespmem:s6+$0xFFFFFFF0];
	_ =	sdelay $0x4  }
0x2d0: {  	[tilespmem:s8+$0xEA70] =	vst v5  }
0x2d1: {  	v5 =	vld [tilespmem:s6+$0x0];
	_ =	sdelay $0x3  }
0x2d2: {  	s8 =	spop (v2sf)  }
0x2d3: {  	[tilespmem:s8+$0xEA40] =	vst v5  }
0x2d4: {  	v5 =	vld [tilespmem:s6+$0x10];
	_ =	sdelay $0x4  }
0x2d5: {  	[tilespmem:s8+$0xEA50] =	vst v5  }
0x2d6: {  	v5 =	vld [tilespmem:s6+$0x20]  }
0x2d7: {  	(v2sf) =	vpush v4, $0x9;
	_ =	sdelay $0x3  }
0x2d8: {  	[tilespmem:s8+$0xEA60] =	vst v5  }
0x2d9: {  	v5 =	vld [tilespmem:s6+$0x30];
	_ =	sdelay $0x4  }
0x2da: {  	[tilespmem:s8+$0xEA70] =	vst v5  }
0x2db: {  	v5 =	vld [tilespmem:s6+$0x40];
	_ =	sdelay $0x3  }
0x2dc: {  	s8 =	spop (v2sf)  }
0x2dd: {  	[tilespmem:s8+$0xEA40] =	vst v5  }
0x2de: {  	v5 =	vld [tilespmem:s6+$0x50];
	_ =	sdelay $0x4  }
0x2df: {  	[tilespmem:s8+$0xEA50] =	vst v5  }
0x2e0: {  	v5 =	vld [tilespmem:s6+$0x60]  }
0x2e1: {  	(v2sf) =	vpush v4, $0xA;
	_ =	sdelay $0x3  }
0x2e2: {  	[tilespmem:s8+$0xEA60] =	vst v5  }
0x2e3: {  	v5 =	vld [tilespmem:s6+$0x70];
	_ =	sdelay $0x4  }
0x2e4: {  	[tilespmem:s8+$0xEA70] =	vst v5  }
0x2e5: {  	v5 =	vld [tilespmem:s6+$0x80];
	_ =	sdelay $0x3  }
0x2e6: {  	s8 =	spop (v2sf)  }
0x2e7: {  	[tilespmem:s8+$0xEA40] =	vst v5  }
0x2e8: {  	v5 =	vld [tilespmem:s6+$0x90];
	_ =	sdelay $0x4  }
0x2e9: {  	[tilespmem:s8+$0xEA50] =	vst v5  }
0x2ea: {  	v5 =	vld [tilespmem:s6+$0xA0]  }
0x2eb: {  	(v2sf) =	vpush v4, $0xB;
	_ =	sdelay $0x3  }
0x2ec: {  	[tilespmem:s8+$0xEA60] =	vst v5  }
0x2ed: {  	v5 =	vld [tilespmem:s6+$0xB0];
	_ =	sdelay $0x4  }
0x2ee: {  	[tilespmem:s8+$0xEA70] =	vst v5  }
0x2ef: {  	v5 =	vld [tilespmem:s6+$0xC0];
	_ =	sdelay $0x3  }
0x2f0: {  	s8 =	spop (v2sf)  }
0x2f1: {  	[tilespmem:s8+$0xEA40] =	vst v5  }
0x2f2: {  	v5 =	vld [tilespmem:s6+$0xD0];
	_ =	sdelay $0x4  }
0x2f3: {  	[tilespmem:s8+$0xEA50] =	vst v5  }
0x2f4: {  	v5 =	vld [tilespmem:s6+$0xE0]  }
0x2f5: {  	(v2sf) =	vpush v4, $0xC;
	_ =	sdelay $0x3  }
0x2f6: {  	[tilespmem:s8+$0xEA60] =	vst v5  }
0x2f7: {  	v5 =	vld [tilespmem:s6+$0xF0];
	_ =	sdelay $0x4  }
0x2f8: {  	[tilespmem:s8+$0xEA70] =	vst v5  }
0x2f9: {  	v5 =	vld [tilespmem:s6+$0x100];
	_ =	sdelay $0x3  }
0x2fa: {  	s8 =	spop (v2sf)  }
0x2fb: {  	[tilespmem:s8+$0xEA40] =	vst v5  }
0x2fc: {  	v5 =	vld [tilespmem:s6+$0x110];
	_ =	sdelay $0x4  }
0x2fd: {  	[tilespmem:s8+$0xEA50] =	vst v5  }
0x2fe: {  	v5 =	vld [tilespmem:s6+$0x120]  }
0x2ff: {  	(v2sf) =	vpush v4, $0xD;
	_ =	sdelay $0x3  }
0x300: {  	[tilespmem:s8+$0xEA60] =	vst v5  }
0x301: {  	v5 =	vld [tilespmem:s6+$0x130];
	_ =	sdelay $0x4  }
0x302: {  	[tilespmem:s8+$0xEA70] =	vst v5  }
0x303: {  	v5 =	vld [tilespmem:s6+$0x140];
	_ =	sdelay $0x3  }
0x304: {  	s8 =	spop (v2sf)  }
0x305: {  	[tilespmem:s8+$0xEA40] =	vst v5  }
0x306: {  	v5 =	vld [tilespmem:s6+$0x150];
	_ =	sdelay $0x4  }
0x307: {  	[tilespmem:s8+$0xEA50] =	vst v5  }
0x308: {  	v5 =	vld [tilespmem:s6+$0x160]  }
0x309: {  	(v2sf) =	vpush v4, $0xE;
	_ =	sdelay $0x3  }
0x30a: {  	[tilespmem:s8+$0xEA60] =	vst v5  }
0x30b: {  	v5 =	vld [tilespmem:s6+$0x170];
	_ =	sdelay $0x4  }
0x30c: {  	[tilespmem:s8+$0xEA70] =	vst v5  }
0x30d: {  	v5 =	vld [tilespmem:s6+$0x180];
	_ =	sdelay $0x3  }
0x30e: {  	s8 =	spop (v2sf)  }
0x30f: {  	[tilespmem:s8+$0xEA40] =	vst v5  }
0x310: {  	v5 =	vld [tilespmem:s6+$0x190];
	_ =	sdelay $0x4  }
0x311: {  	[tilespmem:s8+$0xEA50] =	vst v5  }
0x312: {  	v5 =	vld [tilespmem:s6+$0x1A0]  }
0x313: {  	(v2sf) =	vpush v4, $0xF;
	_ =	sdelay $0x3  }
0x314: {  	[tilespmem:s8+$0xEA60] =	vst v5  }
0x315: {  	v4 =	vld [tilespmem:s6+$0x1B0];
	_ =	sdelay $0x4  }
0x316: {  	[tilespmem:s8+$0xEA70] =	vst v4  }
0x317: {  	v4 =	vld [tilespmem:s6+$0x1C0];
	_ =	sdelay $0x3  }
0x318: {  	s8 =	spop (v2sf)  }
0x319: {  	[tilespmem:s8+$0xEA40] =	vst v4  }
0x31a: {  	v4 =	vld [tilespmem:s6+$0x1D0];
	_ =	sdelay $0x4  }
0x31b: {  	[tilespmem:s8+$0xEA50] =	vst v4  }
0x31c: {  	v4 =	vld [tilespmem:s6+$0x1E0];
	_ =	sdelay $0x4  }
0x31d: {  	[tilespmem:s8+$0xEA60] =	vst v4  }
0x31e: {  	p0 =	sne.s32 s1, $0x1;
	v4 =	vld [tilespmem:s6+$0x1F0]  }
.Ltmp19:
0x31f: {  	_ = 	snop;
	(pc) =	sbr.rel @p0 .LBB2_27-.Ltmp19, $2  }
0x320: {  	_ =	sdelay $0x2  }
0x321: {  	s4 =	sadd.s32 $0x10, s4;
	s1 =	sadd.s32 $0xFFFFFFFF, s1;
	s6 =	sadd.s32 $0x400, s6;
	[tilespmem:s8+$0xEA70] =	vst v4  }
.Ltmp20:
0x322: {  	_ = 	snop;
	(pc) =	sbr.rel .LBB2_28-.Ltmp20, $1  }
0x323: {  	_ =	sdelay $0x3  }
.LBB2_20:
.Ltmp21:
0x324: {  	(pc) =	sbr.rel @!p5 .LBB2_17-.Ltmp21, $1  }
0x325: {  	_ =	sdelay $0x3  }
.LBB2_21:
.Ltmp22:
0x326: {  	(pc) =	sbr.rel @p4 .LBB2_22-.Ltmp22, $4  }
0x327: {  	_ = 	snop  }
0x328: {  	_ =	swait.ge [sflag:s30], $0x2000  }
0x329: {  	[sflag:s30] =	ssyncset.done $0x0  }
0x32a: {  	[sflag:s30] =	ssyncadd.s32 $0xFFFFE000  }
.LBB2_18:
.Ltmp23:
0x32b: {  	(pc) =	sbr.rel @!p3 .LBB2_19-.Ltmp23, $1  }
0x32c: {  	_ =	sdelay $0x3  }
.LBB2_23:
.Ltmp24:
0x32d: {  	(pc) =	sbr.rel @!p6 .LBB2_25-.Ltmp24, $4  }
.Ltmp25:
0x32e: {  	(pc) =	sbr.rel @p6 .LBB2_24-.Ltmp25, $4  }
0x32f: {  	_ =	swait.ge [sflag:s30], $0x2000  }
0x330: {  	[sflag:s30] =	ssyncset.done $0x0  }
0x331: {  	[sflag:s30] =	ssyncadd.s32 $0xFFFFE000  }
0x332: {  	_ = 	snop  }
.LBB2_30:
0x333: {  	_ =	sfence.sel $0x180000  }
0x334: {  	[bflag:$0x0] =	sbarrier.arrive $0xFFFF  }
0x335: {  	_ =	strace $0x90000047  }
0x336: {  	s0 =	stileid.u32;
	[bflag:$0x2] =	sbarrier.arrive $0xFFFF  }
0x337: {  	p0 =	sne.s32 s0, $0x0;
	s0 =	rddreg [dreg:$0x2]  }
0x338: {  	s0 =	sadd.s32 @!p0 $0x100000, s0  }
0x339: {  	[sflag:s0] =	ssyncadd.tile.s32 @!p0 $0x1;
	_ =	shalt  }
.Lfunc_end2:
_tile_overlayer_lowered:
.L_overlay_start_2:
0x33a: {  	(tag) =	ssettag $0x2  }
0x33b: {  	s0 =	rddreg [dreg:$0x0];
	s2 =	stileid.u32  }
0x33c: {  	s1 =	rddreg [dreg:$0x1];
	p0 =	sne.s32 s2, $0x0  }
0x33d: {  	s3 =	rddreg [dreg:$0x2];
	[bflag:$0x3] =	sbarrier.arrive $0xFFFF;
	s2 =	simm.s32 @!p0 $0x1C03  }
0x33e: {  	[timem:s3], [sflag:s2] =	dma.local @!p0 [hbm:s0], s1  }
0x33f: {  	s0 =	simm.s32 @!p0 $0x3  }
0x340: {  	_ =	swait.ge @!p0 [sflag:s0], s1  }
0x341: {  	s1 =	ssub.s32 @!p0 $0x0, s1;
	[sflag:s0] =	ssyncset.done @!p0 $0x0  }
0x342: {  	[sflag:s0] =	ssyncadd.s32 @!p0 s1  }
0x343: {  	[bflag:$0x3] =	sbarrier.arrive $0xFFFF  }
0x344: {  	_ =	shalt  }

// kernel: sparse-core-data-format-call.cloned.1.call-start
scs
called_computation_lowered:
.L_overlay_start_0:
0x0: {  	s2 =	sld [smem:$0x3FD9]  }
0x1: {  	s3 =	sld [smem:$0x3FFE];
	_ =	sdelay $0x1  }
0x2: {  	s1 =	srdreg.scid  }
0x3: {  	s0 =	sand.u32 $0x1, s1  }
0x4: {  	s18 =	sshll.u32 s0, $0xA;
	s2 =	sadd.s32 s3, s2  }
0x5: {  	s2 =	sadd.s32 s2, s18  }
0x6: {  	[smem:$0x3FC6] =	sst s2  }
0x7: {  	_ = 	snop  }
0x8: {  	s2 =	sld [smem:$0x3FD0];
	(tm) =	ssettm $0x1  }
0x9: {  	s19 =	sld [smem:$0x3FFB];
	_ =	sdelay $0x3  }
0xa: {  	_ =	strace s19  }
0xb: {  	s3 =	sld [smem:$0x3FFC];
	_ =	sdelay $0x3  }
0xc: {  	_ =	strace s3  }
0xd: {  	s3 =	sld [smem:$0x3FFD];
	_ =	sdelay $0x3  }
0xe: {  	_ =	strace s3  }
0xf: {  	_ =	strace $0x8FFFFFFF  }
0x10: {  	s20 =	sld [smem:$0x3FDB];
	_ =	sdelay $0x1  }
0x11: {  	s4 =	simm.s32 $_scs_section_size  }
0x12: {  	s5 =	simm.s32 $_size__tile_overlayer_lowered;
	s6 =	simm.s32 $_tile_overlayer_lowered  }
0x13: {  	s23 =	simm.s32 $0x1BFF;
	s22 =	sshll.u32 s6, $0x1;
	s3 =	sadd.s32 s4, s20  }
0x14: {  	s7 =	simm.s32 $0x0;
	s21 =	sshll.u32 s5, $0x1;
	s5 =	sadd.s32 s22, s3  }
0x15: {  	[timem:s7], [sflag:s23] =	dma.local [hbm:s5], s21  }
0x16: {  	_ =	swait.ge [sflag:s23], s21  }
0x17: {  	s4 =	ssub.s32 $0x0, s21;
	[sflag:s23] =	ssyncset.done $0x0  }
0x18: {  	[sflag:s23] =	ssyncadd.s32 s4;
	_ =	sdelay $0x1  }
0x19: {  	s24 =	simm.s32 $0x1B8B  }
0x1a: {  	_ =	swait.ge [sflag:s24], $0x1  }
0x1b: {  	[sflag:s24] =	ssyncset.done $0x0  }
0x1c: {  	s26 =	simm.s32 $0x1B8E;
	s25 =	sld [smem:$0x3FFE];
	[sflag:s24] =	ssyncadd.s32 $0xFFFFFFFF  }
0x1d: {  	s27 =	simm.s32 $execute0_lowered;
	[smem:$0x3FD2] =	sst s26  }
0x1e: {  	s5 =	sshll.u32 s27, $0x1;
	_ =	strace $0x80000049;
	[dreg:$0x1] =	wrdreg $0xFFFFFFFF  }
0x1f: {  	s28 =	simm.s32 $_size_execute0_lowered;
	s3 =	sadd.s32 s3, s5;
	[dreg:$0x0] =	wrdreg $0x0  }
0x20: {  	s5 =	sshll.u32 s28, $0x1;
	[dreg:$0x2] =	wrdreg s3  }
0x21: {  	[dreg:$0x3] =	wrdreg s5  }
0x22: {  	[dreg:$0x4] =	wrdreg $0xC0  }
0x23: {  	_ =	task [dreg:s7], $0x5FFFF  }
0x24: {  	[dreg:$0x1] =	wrdreg $0xFFFFFFFF  }
0x25: {  	[dreg:$0x0] =	wrdreg $0x60  }
0x26: {  	[dreg:$0x2] =	wrdreg s25  }
0x27: {  	[dreg:$0x3] =	wrdreg s2  }
0x28: {  	[dreg:$0x4] =	wrdreg $0x9  }
0x29: {  	_ =	task.clear_ibuf [dreg:s7], $0x5FFFF;
	_ =	strace $0x90000049  }
0x2a: {  	s29 =	simm.s32 $0x9;
	_ =	strace $0x8000004B  }
0x2b: {  	_ =	swait.ge [sflag:s29], $0x1  }
0x2c: {  	[sflag:s29] =	ssyncadd.s32 $0xFFFFFFFF  }
0x2d: {  	_ =	strace $0x9000004B  }
0x2e: {  	_ =	sfence  }
0x2f: {  	s30 =	sld [smem:$0x0];
	_ =	sdelay $0x2  }
0x30: {  	s31 =	sshll.u32 s1, $0xD;
	s1 =	sshrl.u32 s1, $0x2  }
0x31: {  	s3 =	sand.u32 $0x4000, s31;
	s1 =	sadd.s32 s1, s30  }
0x32: {  	s0 =	sor.u32 s3, s0;
	s1 =	sshll.u32 s1, $0x11  }
0x33: {  	s0 =	sor.u32 s1, s0  }
0x34: {  	s0 =	sadd.s32 $0x8F2B, s0  }
0x35: {  	[sflag:s0] =	ssyncadd.remote.s32 $0x1  }
0x36: {  	_ =	sfence.sel $0xFFFF  }
0x37: {  	[dreg:$0x0] =	wrdreg $0xFFFFFFFF;
	(pc) =	sbr.abs _section_cstart, $3  }
0x38: {  	[dreg:$0x1] =	wrdreg $0xFFFFFFFF  }
0x39: {  	_ =	task.clear_ibuf [dreg:s7], $0x2FFFF;
	_ =	strace $0x9FFFFFFF  }
0x3a: {  	(tm) =	ssettm $0x7FFFFFFF  }
0x3b: {  	_ =	shalt  }
tec
execute0_lowered:
.L_overlay_start_1:
0x0: {  	(tag) =	ssettag $0x1  }
0x1: {  	s0 =	srdreg.scid  }
0x2: {  	s1 =	sshll.u32 s0, $0x4  }
0x3: {  	s0 =	stileid.u32;
	s1 =	sand.u32 $0x10, s1  }
0x4: {  	s7 =	rddreg [dreg:$0x0];
	s1 =	sor.u32 s0, s1  }
0x5: {  	s4 =	simm.s32 $0x1;
	s8 =	simm.s32 $0x2;
	s2 =	sshll.u32 s1, $0x7  }
0x6: {  	s13 =	simm.s32 $0x0;
	s9 =	simm.s32 $0x20000;
	s1 =	ssub.s32 $0x4000, s2  }
0x7: {  	s14 =	simm.s32 $0x0;
	s11 =	simm.s32 $0x0;
	s3 =	sand.u32 $0xF80, s1  }
0x8: {  	s12 =	simm.s32 $0x0;
	s5 =	sshrl.u32 s1, $0xC;
	p0 =	sne.s32 s3, $0x0  }
.Ltmp0:
0x9: {  	s1 =	rddreg [dreg:$0x2];
	s4 =	simm.s32 @!p0 $0x0;
	(pc) =	sbr.rel .LBB1_1-.Ltmp0, $4  }
0xa: {  	s6 =	sadd.s32 $0x800, s7;
	s3 =	rddreg [dreg:$0x1];
	s5 =	sadd.s32 s4, s5  }
0xb: {  	_ =	strace $0x8000004A;
	s4 =	simm.s32 $0x1;
	s5 =	smul.u32 $0x19, s5  }
0xc: {  	s7 =	sadd.s32 $0x40800, s7;
	s10 =	smov.u32 s2;
	[sflag:s4] =	ssyncpa.u1 $0x0  }
0xd: {  	p0 =	por $0x0, $0x0;
	[sflag:s8] =	ssyncpa.u1 $0x0;
	s8 =	sadd.s32 $0x1, s5  }
.LBB1_7:
0xe: {  	s15 =	sadd.s32 $0x1000, s10  }
0xf: {  	s13 =	sadd.s32 $0x2, s11;
	s17 =	smov.u32 s11;
	p2 =	sgt.s32 s15, $0x3FFF  }
0x10: {  	s17 =	smov.u32 @p2 s13  }
0x11: {  	s15 =	smov.u32 @p2 s2;
	p2 =	sgt.s32 s17, $0x31  }
0x12: {  	s17 =	simm.s32 @p2 $0x0;
	p2 =	sne.s32 s12, s8  }
.Ltmp1:
0x13: {  	p1 =	slt.u32 s12, $0x2;
	(pc) =	sbr.rel @!p2 .LBB1_8-.Ltmp1, $4  }
0x14: {  	s16 =	simm.s32 @!p1 $0x2  }
0x15: {  	s14 =	smov.u32 s11;
	p0 =	por !p0, !p0;
	_ =	swait.ge @!p1 [sflag:s16], $0x4000  }
0x16: {  	s13 =	smov.u32 s10;
	[sflag:s16] =	ssyncset.done @!p1 $0x0;
	s10 =	smov.u32 s15  }
0x17: {  	s12 =	sadd.s32 $0x1, s12;
	[sflag:s16] =	ssyncadd.s32 @!p1 $0xFFFFC000;
	s11 =	smov.u32 s17  }
.LBB1_1:
0x18: {  	p1 =	sge.u32 s12, s5  }
0x19: {  	s15 =	sxor.u32 @!p1 $0xFFFFFFFF, s12;
	s16 =	sshll.u32 @!p1 s11, $0x12  }
0x1a: {  	s17 =	sshll.u32 @!p1 s10, $0x4;
	s19 =	simm.s32 @!p1 $0x40;
	s20 =	simm.s32 @!p1 $0x80  }
0x1b: {  	s15 =	sshll.u32 @!p1 s15, $0xE;
	s17 =	sand.u32 @!p1 $0x3FFF0, s17;
	s18 =	sadd.s32 @!p1 s6, s16  }
0x1c: {  	s16 =	sadd.s32 @!p1 s16, s7;
	s15 =	sand.u32 @!p1 $0x4000, s15;
	s18 =	sadd.s32 @!p1 s17, s18  }
0x1d: {  	[tilespmem:s15], [sflag:$0x1] =	stream.strided.gather @!p1 [hbm4b:s18+s19], $0x2000, s20, s19, $0x38;
	[tilespmem:$0x10100] =	vst v63  }
0x1e: {  	s31 =	sadd.s32 $0xFFFFFFFF, s12;
	s16 =	sadd.s32 @!p1 s17, s16;
	s15 =	sor.u32 @!p1 $0x2000, s15  }
0x1f: {  	[tilespmem:s15], [sflag:$0x1] =	stream.strided.gather @!p1 [hbm4b:s16+s19], $0x2000, s20, s19, $0x38;
	[tilespmem:$0x10100] =	vst v63  }
0x20: {  	p1 =	sge.u32 s31, s5  }
.Ltmp2:
0x21: {  	_ = 	snop;
	(pc) =	sbr.rel @p1 .LBB1_7-.Ltmp2, $1  }
0x22: {  	_ =	sdelay $0x3  }
0x23: {  	s15 =	simm.s32 $0x1;
	s17 =	sand.u32 $0x1, s12  }
0x24: {  	_ =	swait.ge [sflag:s4], $0x4000;
	s15 =	simm.s32 @!p0 $0x0;
	s17 =	smul.u32 $0x10200, s17  }
0x25: {  	p2 =	por $0x1, $0x1;
	[sflag:s4] =	ssyncset.done $0x0;
	s16 =	smul.u32 $0x10200, s15  }
0x26: {  	s18 =	sshll.u32 s15, $0x10;
	[sflag:s4] =	ssyncadd.s32 $0xFFFFC000;
	s30 =	sshrl.u32 s17, $0x2  }
0x27: {  	s31 =	sshrl.u32 s18, $0x2;
	s18 =	simm.s32 $0x0;
	s16 =	sshrl.u32 s16, $0x2  }
0x28: {  	s15 =	sor.u32 $0x8000, s30;
	s17 =	sadd.s32 $0x20, s31;
	s16 =	sor.u32 $0x8000, s16  }
.LBB1_3:
0x29: {  	s19 =	sshll.u32 s18, $0xD  }
0x2a: {  	s19 =	sand.u32 $0x3FFFE000, s19  }
0x2b: {  	s21 =	sadd.s32 s19, s17  }
0x2c: {  	s31 =	smul.u32 $0x8100, s18;
	v3 =	vld [tilespmem:s21+$0x10]  }
0x2d: {  	v1 =	vld [tilespmem:s21+$0xFFFFFFF0]  }
0x2e: {  	s18 =	sshra.s32 s31, $0x2;
	v0 =	vld [tilespmem:s21+$0x0]  }
0x2f: {  	s18 =	sadd.s32 s18, s16;
	v2 =	vld [tilespmem:s21+$0xFFFFFFE0]  }
0x30: {  	s19 =	sadd.s32 $0x0, s18  }
0x31: {  	p1 =	por p2, p2;
	s20 =	simm.s32 $0x4;
	s21 =	sadd.s32 $0x40, s21;
	[tilespmem:s19+$0x1830 ss:$0x81] =	vst.msk $0xffff, v3  }
.LBB1_4:
0x32: {  	v3 =	vld [tilespmem:s21+$0x10];
	p2 =	sne.s32 s20, $0x1FC;
	[tilespmem:s19+$0x810 ss:$0x81] =	vst.msk $0xffff, v1;
	s22 =	smov.u32 s20;
	s20 =	sadd.s32 $0x4, s20  }
.Ltmp3:
0x33: {  	v1 =	vld [tilespmem:s21+$0xFFFFFFF0];
	[tilespmem:s19+$0x1020 ss:$0x81] =	vst.msk $0xffff, v0;
	(pc) =	sbr.rel @p2 .LBB1_4-.Ltmp3, $4  }
0x34: {  	v0 =	vld [tilespmem:s21+$0x0];
	[tilespmem:s19+$0x0 ss:$0x81] =	vst.msk $0xffff, v2  }
0x35: {  	s19 =	sshra.s32 s22, $0x2;
	v2 =	vld [tilespmem:s21+$0xFFFFFFE0]  }
0x36: {  	s19 =	sadd.s32 s19, s18  }
0x37: {  	s21 =	sadd.s32 $0x40, s21;
	[tilespmem:s19+$0x1830 ss:$0x81] =	vst.msk $0xffff, v3  }
.Ltmp4:
0x38: {  	(pc) =	sbr.rel @p1 .LBB1_3-.Ltmp4, $4  }
0x39: {  	_ = 	snop  }
0x3a: {  	[tilespmem:s19+$0x810 ss:$0x81] =	vst.msk $0xffff, v1  }
0x3b: {  	[tilespmem:s19+$0x1020 ss:$0x81] =	vst.msk $0xffff, v0  }
0x3c: {  	s18 =	simm.s32 $0x1;
	p2 =	por $0x0, $0x0;
	[tilespmem:s19+$0x0 ss:$0x81] =	vst.msk $0xffff, v2  }
0x3d: {  	s16 =	sshll.u32 s13, $0x3;
	s17 =	sand.u32 $0x78, s13;
	s14 =	sshll.u32 s14, $0x11  }
.Ltmp5:
0x3e: {  	s30 =	sand.u32 $0x1F800, s13;
	s16 =	sand.u32 $0x3C00, s16;
	(pc) =	sbr.rel .LBB1_7-.Ltmp5, $4  }
0x3f: {  	s31 =	sand.u32 $0x7, s13;
	s14 =	sadd.s32 s3, s14;
	s16 =	sor.u32 s17, s16  }
0x40: {  	s13 =	sshll.u32 s31, $0x12;
	s14 =	sadd.s32 s30, s14;
	s16 =	sshrl.u32 s16, $0x3  }
0x41: {  	s13 =	sor.u32 $0x400, s13;
	s14 =	sadd.s32 s16, s14  }
0x42: {  	[hbm4b:s14+s13] =	stream.strided.scatter [tilespmem:s15], [sflag:$0x2], $0x4000, s9, s13, $0x20;
	[tilespmem:$0x10100] =	vst v63  }
.LBB1_8:
0x43: {  	_ =	sfence.sel $0x180000  }
0x44: {  	s2 =	simm.s32 $0x1;
	[bflag:$0x0] =	sbarrier.arrive $0xFFFF  }
0x45: {  	s31 =	simm.s32 $0x2;
	[sflag:s2] =	ssyncpa.u1 $0x1  }
0x46: {  	[sflag:s31] =	ssyncpa.u1 $0x1  }
0x47: {  	p0 =	sne.s32 s0, $0x0;
	_ =	strace $0x9000004A  }
0x48: {  	s0 =	sadd.s32 @!p0 $0x100000, s1;
	[bflag:$0x2] =	sbarrier.arrive $0xFFFF  }
0x49: {  	[sflag:s0] =	ssyncadd.tile.s32 @!p0 $0x1;
	_ =	shalt  }
.Lfunc_end1:
_tile_overlayer_lowered:
.L_overlay_start_2:
0x4a: {  	(tag) =	ssettag $0x2  }
0x4b: {  	s0 =	rddreg [dreg:$0x0];
	s2 =	stileid.u32  }
0x4c: {  	s1 =	rddreg [dreg:$0x1];
	p0 =	sne.s32 s2, $0x0  }
0x4d: {  	s3 =	rddreg [dreg:$0x2];
	[bflag:$0x3] =	sbarrier.arrive $0xFFFF;
	s2 =	simm.s32 @!p0 $0x1C01  }
0x4e: {  	[timem:s3], [sflag:s2] =	dma.local @!p0 [hbm:s0], s1  }
0x4f: {  	s0 =	simm.s32 @!p0 $0x1  }
0x50: {  	_ =	swait.ge @!p0 [sflag:s0], s1  }
0x51: {  	s1 =	ssub.s32 @!p0 $0x0, s1;
	[sflag:s0] =	ssyncset.done @!p0 $0x0  }
0x52: {  	[sflag:s0] =	ssyncadd.s32 @!p0 s1  }
0x53: {  	[bflag:$0x3] =	sbarrier.arrive $0xFFFF  }
0x54: {  	_ =	shalt  }

</sc_bundles>
